<compile_context>
chip_gen: v7x
topology: tpu7x:2x2x1
jax: 0.10.2.dev20260603
libtpu: 0.0.44.dev20260713+nightly
codegen_flags: <defaults>
</compile_context>

<pallas_src>
import functools

import jax
import jax.numpy as jnp
from jax import lax
from jax.experimental import pallas as pl
from jax.experimental.pallas import tpu as pltpu
from jax.experimental.pallas import tpu_sc as plsc

N = 10000
E = 320000
D = 128

NC = 2
NS = 16
NW = NC * NS
C = 64
K0 = 160
K1 = 160
KM = max(K0, K1)
NBUF = 4
NI = 8
EPAD = NS * (K0 + K1) * C
NPAD = 10240
RPT = NPAD // NS
DUMMY = N

ROWB = 1024
GRID = NPAD // ROWB



_MESH = plsc.VectorSubcoreMesh(core_axis_name="c", subcore_axis_name="s")


@functools.partial(
    pl.kernel,
    out_type=jax.ShapeDtypeStruct((NC, NPAD, D), jnp.float32),
    mesh=_MESH,
    scratch_types=(
        [pltpu.VMEM((C,), jnp.int32) for _ in range(NI)]
        + [pltpu.VMEM((C,), jnp.int32) for _ in range(NI)]
        + [pltpu.VMEM((C, D), jnp.float32) for _ in range(NBUF)]
        + [pltpu.VMEM_SHARED((NPAD, D), jnp.float32)]
        + [pltpu.SemaphoreType.DMA for _ in range(NI)]
        + [pltpu.SemaphoreType.DMA for _ in range(NBUF)]
        + [pltpu.SemaphoreType.DMA for _ in range(NBUF)]
    ),
)
def _sc_message(src_hbm, dst_hbm, g_hbm, zeros_hbm, out_hbm, *refs):
    src_v = refs[:NI]
    dst_v = refs[NI:2 * NI]
    bufs = refs[2 * NI:2 * NI + NBUF]
    acc = refs[2 * NI + NBUF]
    o = 2 * NI + NBUF + 1
    isems = refs[o:o + NI]
    gsems = refs[o + NI:o + NI + NBUF]
    ssems = refs[o + NI + NBUF:]
    c = lax.axis_index("c")
    s = lax.axis_index("s")
    wid = c * NS + s
    kc = K0

    def idx_start(i, sl):
        pltpu.make_async_copy(src_hbm.at[wid, i], src_v[sl], isems[sl]).start()
        pltpu.make_async_copy(dst_hbm.at[wid, i], dst_v[sl], isems[sl]).start()

    def idx_wait(i, sl):
        pltpu.make_async_copy(src_hbm.at[wid, i], src_v[sl], isems[sl]).wait()
        pltpu.make_async_copy(dst_hbm.at[wid, i], dst_v[sl], isems[sl]).wait()

    def gather(sl8, sl4):
        return pltpu.make_async_copy(g_hbm.at[src_v[sl8]], bufs[sl4],
                                     gsems[sl4])

    def scatter(sl8, sl4):
        return pltpu.make_async_copy(bufs[sl4], acc.at[dst_v[sl8]],
                                     ssems[sl4])

    pltpu.sync_copy(zeros_hbm, acc.at[pl.ds(s * RPT, RPT)])
    for f in range(NI - 2):
        idx_start(f, f)
    idx_wait(0, 0)
    gather(0, 0).start()
    idx_wait(1, 1)
    gather(1, 1).start()
    plsc.subcore_barrier()

    def step(jj, carry):
        for t in range(NI):
            j = NI * jj + t

            @pl.when(j >= 2)
            def _():
                scatter((t + 6) % NI, (t + 2) % NBUF).wait()

            @pl.when(j + 6 < kc)
            def _():
                idx_start(j + 6, (t + 6) % NI)

            @pl.when(j + 2 < kc)
            def _():
                idx_wait(j + 2, (t + 2) % NI)
                gather((t + 2) % NI, (t + 2) % NBUF).start()

            gather(t % NI, t % NBUF).wait()
            scatter(t % NI, t % NBUF).start(add=True)

        return carry

    lax.fori_loop(0, kc // NI, step, 0)
    scatter(NI - 2, NBUF - 2).wait()
    scatter(NI - 1, NBUF - 1).wait()
    plsc.subcore_barrier()
    pltpu.sync_copy(acc.at[pl.ds(s * RPT, RPT)],
                    out_hbm.at[c, pl.ds(s * RPT, RPT)])



def _row_mask(i):
    rows = lax.broadcasted_iota(jnp.int32, (ROWB, 1), 0) + i * ROWB
    return rows < N


def _dinv(degp_ref):
    dp = degp_ref[0] + degp_ref[1]
    deg = dp[:, 0:1] + 1.0
    return lax.rsqrt(deg)


def _tc1_body(x_ref, w_ref, degp_ref, g_ref):
    i = pl.program_id(0)
    h = jnp.dot(x_ref[...], w_ref[...], preferred_element_type=jnp.float32)
    g = h * _dinv(degp_ref)
    g_ref[...] = jnp.where(_row_mask(i), g, 0.0)


def _tc2_body(mp_ref, g1_ref, degp_ref, b_ref, w_ref, g2_ref):
    i = pl.program_id(0)
    dinv = _dinv(degp_ref)
    ssum = mp_ref[0] + mp_ref[1]
    pre = dinv * (ssum + g1_ref[...]) + b_ref[...]
    h = jnp.maximum(pre, 0.0)
    h2 = jnp.dot(h, w_ref[...], preferred_element_type=jnp.float32)
    g2_ref[...] = jnp.where(_row_mask(i), h2 * dinv, 0.0)


def _tc3_body(mp_ref, g2_ref, degp_ref, b_ref, out_ref):
    dinv = _dinv(degp_ref)
    ssum = mp_ref[0] + mp_ref[1]
    out_ref[...] = dinv * (ssum + g2_ref[...]) + b_ref[...]


_ROWS = pl.BlockSpec((ROWB, D), lambda i: (i, 0))
_FULLW = pl.BlockSpec((D, D), lambda i: (0, 0))
_MSGP = pl.BlockSpec((NC, ROWB, D), lambda i: (0, i, 0))
_BIAS = pl.BlockSpec((1, D), lambda i: (0, 0))

_tc1 = pl.pallas_call(
    _tc1_body,
    grid=(GRID,),
    in_specs=[_ROWS, _FULLW, _MSGP],
    out_specs=_ROWS,
    out_shape=jax.ShapeDtypeStruct((NPAD, D), jnp.float32),
)

_tc2 = pl.pallas_call(
    _tc2_body,
    grid=(GRID,),
    in_specs=[_MSGP, _ROWS, _MSGP, _BIAS, _FULLW],
    out_specs=_ROWS,
    out_shape=jax.ShapeDtypeStruct((NPAD, D), jnp.float32),
)

_tc3 = pl.pallas_call(
    _tc3_body,
    grid=(GRID,),
    in_specs=[_MSGP, _ROWS, _MSGP, _BIAS],
    out_specs=_ROWS,
    out_shape=jax.ShapeDtypeStruct((NPAD, D), jnp.float32),
)



def kernel(x, edge_index, W1, b1, W2, b2):
    def split(idx):
        idx = jnp.concatenate(
            [idx[:min(E, EPAD)],
             jnp.full((max(0, EPAD - E),), DUMMY, dtype=jnp.int32)])
        a = idx[:NS * K0 * C].reshape(NS, K0, C)
        b = idx[NS * K0 * C:].reshape(NS, K1, C)
        a = jnp.pad(a, ((0, 0), (0, KM - K0), (0, 0)))
        b = jnp.pad(b, ((0, 0), (0, KM - K1), (0, 0)))
        return jnp.concatenate([a, b], axis=0)

    src_t = split(edge_index[0].astype(jnp.int32))
    dst_t = split(edge_index[1].astype(jnp.int32))

    x_pad = jnp.pad(x, ((0, NPAD - N), (0, 0)))
    ones_table = jnp.ones((NPAD, D), jnp.float32)
    zerosD = jnp.zeros((RPT, D), jnp.float32)
    b1r = b1.reshape(1, D)
    b2r = b2.reshape(1, D)

    degp = _sc_message(src_t, dst_t, ones_table, zerosD)
    g1 = _tc1(x_pad, W1, degp)
    mp1 = _sc_message(src_t, dst_t, g1, zerosD)
    g2 = _tc2(mp1, g1, degp, b1r, W2)
    mp2 = _sc_message(src_t, dst_t, g2, zerosD)
    out = _tc3(mp2, g2, degp, b2r)
    return out[:N]

# --- scband reference (transcript-rebuilt; emitter-appended) ---
"""Pipeline reference for scband-gcnencoder-31748398252835 (READ-ONLY COPY).

The authoritative reference and input builder live on the scoring server;
editing this copy changes nothing except your own understanding.
"""

import jax, jax.numpy as jnp
import numpy as np

N_NODES = 10000
N_EDGES = 320000
D = 128

def setup_inputs(seed: int = 0) -> dict:
    key = jax.random.key(seed)
    k1, k2, k3, k4, k5, k6, k7 = jax.random.split(key, 7)
    x = jax.random.normal(k1, (N_NODES, D), dtype=jnp.float32)
    edge_index = jax.random.randint(k2, (2, N_EDGES), 0, N_NODES, dtype=jnp.int64)
    # GCNConv params: glorot-style weight + zero bias (materialized as small random for generality)
    W1 = jax.random.normal(k3, (D, D), dtype=jnp.float32) * (1.0 / np.sqrt(D))
    b1 = jnp.zeros((D,), dtype=jnp.float32)
    W2 = jax.random.normal(k4, (D, D), dtype=jnp.float32) * (1.0 / np.sqrt(D))
    b2 = jnp.zeros((D,), dtype=jnp.float32)
    return {"x": x, "edge_index": edge_index, "W1": W1, "b1": b1, "W2": W2, "b2": b2}


def gcn_conv(x, edge_index, W, b, num_nodes):
    # Faithful PyG GCNConv: x' = D^{-1/2} (A + I) D^{-1/2} X W + b
    x = x @ W
    src = edge_index[0]
    dst = edge_index[1]
    loop = jnp.arange(num_nodes, dtype=src.dtype)
    src = jnp.concatenate([src, loop])
    dst = jnp.concatenate([dst, loop])
    ones = jnp.ones(src.shape[0], dtype=x.dtype)
    deg = jnp.zeros((num_nodes,), dtype=x.dtype).at[dst].add(ones)
    deg_inv_sqrt = jnp.where(deg > 0, 1.0 / jnp.sqrt(deg), 0.0)
    norm = deg_inv_sqrt[src] * deg_inv_sqrt[dst]
    msg = x[src] * norm[:, None]
    out = jax.ops.segment_sum(msg, dst, num_segments=num_nodes)
    return out + b


def reference(x, edge_index, W1, b1, W2, b2):
    num_nodes = x.shape[0]
    h = gcn_conv(x, edge_index, W1, b1, num_nodes)
    h = jax.nn.relu(h)
    out = gcn_conv(h, edge_index, W2, b2, num_nodes)
    return out

if __name__ == "__main__":
    import jax
    _d = setup_inputs()
    print(jax.jit(kernel)(*tuple(_d.values())))

</pallas_src>

<mosaic_0001>
#map = affine_map<(d0, d1) -> (0, 0, 0)>
#map1 = affine_map<(d0, d1) -> (0, 0)>
module attributes {stable_mosaic.version = 14 : i64} {
  func.func @_sc_message(%arg0: i32, %arg1: i32, %arg2: memref<32x160x64xi32, #tpu.memory_space<hbm>>, %arg3: memref<32x160x64xi32, #tpu.memory_space<hbm>>, %arg4: memref<10240x128xf32, #tpu.memory_space<hbm>>, %arg5: memref<640x128xf32, #tpu.memory_space<hbm>>, %arg6: memref<2x10240x128xf32, #tpu.memory_space<hbm>>, %arg7: memref<64xi32, #tpu.memory_space<vmem>>, %arg8: memref<64xi32, #tpu.memory_space<vmem>>, %arg9: memref<64xi32, #tpu.memory_space<vmem>>, %arg10: memref<64xi32, #tpu.memory_space<vmem>>, %arg11: memref<64xi32, #tpu.memory_space<vmem>>, %arg12: memref<64xi32, #tpu.memory_space<vmem>>, %arg13: memref<64xi32, #tpu.memory_space<vmem>>, %arg14: memref<64xi32, #tpu.memory_space<vmem>>, %arg15: memref<64xi32, #tpu.memory_space<vmem>>, %arg16: memref<64xi32, #tpu.memory_space<vmem>>, %arg17: memref<64xi32, #tpu.memory_space<vmem>>, %arg18: memref<64xi32, #tpu.memory_space<vmem>>, %arg19: memref<64xi32, #tpu.memory_space<vmem>>, %arg20: memref<64xi32, #tpu.memory_space<vmem>>, %arg21: memref<64xi32, #tpu.memory_space<vmem>>, %arg22: memref<64xi32, #tpu.memory_space<vmem>>, %arg23: memref<64x128xf32, #tpu.memory_space<vmem>>, %arg24: memref<64x128xf32, #tpu.memory_space<vmem>>, %arg25: memref<64x128xf32, #tpu.memory_space<vmem>>, %arg26: memref<64x128xf32, #tpu.memory_space<vmem>>, %arg27: memref<10240x128xf32, #tpu.memory_space<vmem_shared>>, %arg28: memref<!tpu.dma_semaphore, #tpu.memory_space<semaphore_mem>>, %arg29: memref<!tpu.dma_semaphore, #tpu.memory_space<semaphore_mem>>, %arg30: memref<!tpu.dma_semaphore, #tpu.memory_space<semaphore_mem>>, %arg31: memref<!tpu.dma_semaphore, #tpu.memory_space<semaphore_mem>>, %arg32: memref<!tpu.dma_semaphore, #tpu.memory_space<semaphore_mem>>, %arg33: memref<!tpu.dma_semaphore, #tpu.memory_space<semaphore_mem>>, %arg34: memref<!tpu.dma_semaphore, #tpu.memory_space<semaphore_mem>>, %arg35: memref<!tpu.dma_semaphore, #tpu.memory_space<semaphore_mem>>, %arg36: memref<!tpu.dma_semaphore, #tpu.memory_space<semaphore_mem>>, %arg37: memref<!tpu.dma_semaphore, #tpu.memory_space<semaphore_mem>>, %arg38: memref<!tpu.dma_semaphore, #tpu.memory_space<semaphore_mem>>, %arg39: memref<!tpu.dma_semaphore, #tpu.memory_space<semaphore_mem>>, %arg40: memref<!tpu.dma_semaphore, #tpu.memory_space<semaphore_mem>>, %arg41: memref<!tpu.dma_semaphore, #tpu.memory_space<semaphore_mem>>, %arg42: memref<!tpu.dma_semaphore, #tpu.memory_space<semaphore_mem>>, %arg43: memref<!tpu.dma_semaphore, #tpu.memory_space<semaphore_mem>>) attributes {dimension_semantics = [#tpu.dimension_semantics<core_parallel>, #tpu.dimension_semantics<subcore_parallel>], iteration_bounds = array<i64: 2, 16>, scalar_prefetch = 0 : i64, scratch_operands = 37 : i64, tpu.core_type = #tpu.core_type<sc_vector_subcore>, window_params = [{transform_indices = #map}, {transform_indices = #map}, {transform_indices = #map1}, {transform_indices = #map1}, {transform_indices = #map}]} {
    %mul3A = arith.constant 16 : i32
    %mul3A_0 = arith.muli %arg0, %mul3A : i32
    %add3A = arith.addi %mul3A_0, %arg1 : i32
    %mul3A_1 = arith.constant 640 : i32
    %mul3A_2 = arith.muli %arg1, %mul3A_1 : i32
    "tpu.region"() ({
      %run_scoped3A = tpu.sem_alloc : memref<!tpu.dma_semaphore, #tpu.memory_space<semaphore_mem>>
      %dma_start3A_135 = arith.constant 0 : i32
      %dma_start3A_136 = tpu.memref_slice %arg27[%mul3A_2, %dma_start3A_135] : memref<10240x128xf32, #tpu.memory_space<vmem_shared>> -> memref<640x128xf32, #tpu.memory_space<vmem_shared>>
      tpu.enqueue_dma source(%arg5 : memref<640x128xf32, #tpu.memory_space<hbm>>) target(%dma_start3A_136 : memref<640x128xf32, #tpu.memory_space<vmem_shared>>) target_semaphore(%run_scoped3A : memref<!tpu.dma_semaphore, #tpu.memory_space<semaphore_mem>>)
      %dma_wait3A_137 = arith.constant 0 : i32
      %dma_wait3A_138 = tpu.memref_slice %arg27[%mul3A_2, %dma_wait3A_137] : memref<10240x128xf32, #tpu.memory_space<vmem_shared>> -> memref<640x128xf32, #tpu.memory_space<vmem_shared>>
      tpu.wait_dma2 semaphore(%run_scoped3A : memref<!tpu.dma_semaphore, #tpu.memory_space<semaphore_mem>>) src(%arg5 : memref<640x128xf32, #tpu.memory_space<hbm>>) dst(%dma_wait3A_138 : memref<640x128xf32, #tpu.memory_space<vmem_shared>>)
      tpu.yield
    }) : () -> ()
    %dma_start3A = arith.constant 0 : i32
    %dma_start3A_3 = arith.constant 0 : i32
    %dma_start3A_4 = tpu.memref_slice %arg2[%add3A, %dma_start3A, %dma_start3A_3] : memref<32x160x64xi32, #tpu.memory_space<hbm>> -> memref<1x1x64xi32, #tpu.memory_space<hbm>>
    %dma_start3A_5 = tpu.memref_squeeze %dma_start3A_4 : memref<1x1x64xi32, #tpu.memory_space<hbm>> -> memref<64xi32, #tpu.memory_space<hbm>>
    %dma_start3A_6 = arith.constant 0 : i32
    %dma_start3A_7 = tpu.memref_slice %arg2[%add3A, %dma_start3A, %dma_start3A_6] : memref<32x160x64xi32, #tpu.memory_space<hbm>> -> memref<1x1x64xi32, #tpu.memory_space<hbm>>
    %dma_start3A_8 = tpu.memref_squeeze %dma_start3A_7 : memref<1x1x64xi32, #tpu.memory_space<hbm>> -> memref<64xi32, #tpu.memory_space<hbm>>
    tpu.enqueue_dma source(%dma_start3A_8 : memref<64xi32, #tpu.memory_space<hbm>>) target(%arg7 : memref<64xi32, #tpu.memory_space<vmem>>) target_semaphore(%arg28 : memref<!tpu.dma_semaphore, #tpu.memory_space<semaphore_mem>>)
    %dma_start3A_9 = arith.constant 0 : i32
    %dma_start3A_10 = arith.constant 0 : i32
    %dma_start3A_11 = tpu.memref_slice %arg3[%add3A, %dma_start3A_9, %dma_start3A_10] : memref<32x160x64xi32, #tpu.memory_space<hbm>> -> memref<1x1x64xi32, #tpu.memory_space<hbm>>
    %dma_start3A_12 = tpu.memref_squeeze %dma_start3A_11 : memref<1x1x64xi32, #tpu.memory_space<hbm>> -> memref<64xi32, #tpu.memory_space<hbm>>
    %dma_start3A_13 = arith.constant 0 : i32
    %dma_start3A_14 = tpu.memref_slice %arg3[%add3A, %dma_start3A_9, %dma_start3A_13] : memref<32x160x64xi32, #tpu.memory_space<hbm>> -> memref<1x1x64xi32, #tpu.memory_space<hbm>>
    %dma_start3A_15 = tpu.memref_squeeze %dma_start3A_14 : memref<1x1x64xi32, #tpu.memory_space<hbm>> -> memref<64xi32, #tpu.memory_space<hbm>>
    tpu.enqueue_dma source(%dma_start3A_15 : memref<64xi32, #tpu.memory_space<hbm>>) target(%arg15 : memref<64xi32, #tpu.memory_space<vmem>>) target_semaphore(%arg28 : memref<!tpu.dma_semaphore, #tpu.memory_space<semaphore_mem>>)
    %dma_start3A_16 = arith.constant 1 : i32
    %dma_start3A_17 = arith.constant 0 : i32
    %dma_start3A_18 = tpu.memref_slice %arg2[%add3A, %dma_start3A_16, %dma_start3A_17] : memref<32x160x64xi32, #tpu.memory_space<hbm>> -> memref<1x1x64xi32, #tpu.memory_space<hbm>>
    %dma_start3A_19 = tpu.memref_squeeze %dma_start3A_18 : memref<1x1x64xi32, #tpu.memory_space<hbm>> -> memref<64xi32, #tpu.memory_space<hbm>>
    %dma_start3A_20 = arith.constant 0 : i32
    %dma_start3A_21 = tpu.memref_slice %arg2[%add3A, %dma_start3A_16, %dma_start3A_20] : memref<32x160x64xi32, #tpu.memory_space<hbm>> -> memref<1x1x64xi32, #tpu.memory_space<hbm>>
    %dma_start3A_22 = tpu.memref_squeeze %dma_start3A_21 : memref<1x1x64xi32, #tpu.memory_space<hbm>> -> memref<64xi32, #tpu.memory_space<hbm>>
    tpu.enqueue_dma source(%dma_start3A_22 : memref<64xi32, #tpu.memory_space<hbm>>) target(%arg8 : memref<64xi32, #tpu.memory_space<vmem>>) target_semaphore(%arg29 : memref<!tpu.dma_semaphore, #tpu.memory_space<semaphore_mem>>)
    %dma_start3A_23 = arith.constant 1 : i32
    %dma_start3A_24 = arith.constant 0 : i32
    %dma_start3A_25 = tpu.memref_slice %arg3[%add3A, %dma_start3A_23, %dma_start3A_24] : memref<32x160x64xi32, #tpu.memory_space<hbm>> -> memref<1x1x64xi32, #tpu.memory_space<hbm>>
    %dma_start3A_26 = tpu.memref_squeeze %dma_start3A_25 : memref<1x1x64xi32, #tpu.memory_space<hbm>> -> memref<64xi32, #tpu.memory_space<hbm>>
    %dma_start3A_27 = arith.constant 0 : i32
    %dma_start3A_28 = tpu.memref_slice %arg3[%add3A, %dma_start3A_23, %dma_start3A_27] : memref<32x160x64xi32, #tpu.memory_space<hbm>> -> memref<1x1x64xi32, #tpu.memory_space<hbm>>
    %dma_start3A_29 = tpu.memref_squeeze %dma_start3A_28 : memref<1x1x64xi32, #tpu.memory_space<hbm>> -> memref<64xi32, #tpu.memory_space<hbm>>
    tpu.enqueue_dma source(%dma_start3A_29 : memref<64xi32, #tpu.memory_space<hbm>>) target(%arg16 : memref<64xi32, #tpu.memory_space<vmem>>) target_semaphore(%arg29 : memref<!tpu.dma_semaphore, #tpu.memory_space<semaphore_mem>>)
    %dma_start3A_30 = arith.constant 2 : i32
    %dma_start3A_31 = arith.constant 0 : i32
    %dma_start3A_32 = tpu.memref_slice %arg2[%add3A, %dma_start3A_30, %dma_start3A_31] : memref<32x160x64xi32, #tpu.memory_space<hbm>> -> memref<1x1x64xi32, #tpu.memory_space<hbm>>
    %dma_start3A_33 = tpu.memref_squeeze %dma_start3A_32 : memref<1x1x64xi32, #tpu.memory_space<hbm>> -> memref<64xi32, #tpu.memory_space<hbm>>
    %dma_start3A_34 = arith.constant 0 : i32
    %dma_start3A_35 = tpu.memref_slice %arg2[%add3A, %dma_start3A_30, %dma_start3A_34] : memref<32x160x64xi32, #tpu.memory_space<hbm>> -> memref<1x1x64xi32, #tpu.memory_space<hbm>>
    %dma_start3A_36 = tpu.memref_squeeze %dma_start3A_35 : memref<1x1x64xi32, #tpu.memory_space<hbm>> -> memref<64xi32, #tpu.memory_space<hbm>>
    tpu.enqueue_dma source(%dma_start3A_36 : memref<64xi32, #tpu.memory_space<hbm>>) target(%arg9 : memref<64xi32, #tpu.memory_space<vmem>>) target_semaphore(%arg30 : memref<!tpu.dma_semaphore, #tpu.memory_space<semaphore_mem>>)
    %dma_start3A_37 = arith.constant 2 : i32
    %dma_start3A_38 = arith.constant 0 : i32
    %dma_start3A_39 = tpu.memref_slice %arg3[%add3A, %dma_start3A_37, %dma_start3A_38] : memref<32x160x64xi32, #tpu.memory_space<hbm>> -> memref<1x1x64xi32, #tpu.memory_space<hbm>>
    %dma_start3A_40 = tpu.memref_squeeze %dma_start3A_39 : memref<1x1x64xi32, #tpu.memory_space<hbm>> -> memref<64xi32, #tpu.memory_space<hbm>>
    %dma_start3A_41 = arith.constant 0 : i32
    %dma_start3A_42 = tpu.memref_slice %arg3[%add3A, %dma_start3A_37, %dma_start3A_41] : memref<32x160x64xi32, #tpu.memory_space<hbm>> -> memref<1x1x64xi32, #tpu.memory_space<hbm>>
    %dma_start3A_43 = tpu.memref_squeeze %dma_start3A_42 : memref<1x1x64xi32, #tpu.memory_space<hbm>> -> memref<64xi32, #tpu.memory_space<hbm>>
    tpu.enqueue_dma source(%dma_start3A_43 : memref<64xi32, #tpu.memory_space<hbm>>) target(%arg17 : memref<64xi32, #tpu.memory_space<vmem>>) target_semaphore(%arg30 : memref<!tpu.dma_semaphore, #tpu.memory_space<semaphore_mem>>)
    %dma_start3A_44 = arith.constant 3 : i32
    %dma_start3A_45 = arith.constant 0 : i32
    %dma_start3A_46 = tpu.memref_slice %arg2[%add3A, %dma_start3A_44, %dma_start3A_45] : memref<32x160x64xi32, #tpu.memory_space<hbm>> -> memref<1x1x64xi32, #tpu.memory_space<hbm>>
    %dma_start3A_47 = tpu.memref_squeeze %dma_start3A_46 : memref<1x1x64xi32, #tpu.memory_space<hbm>> -> memref<64xi32, #tpu.memory_space<hbm>>
    %dma_start3A_48 = arith.constant 0 : i32
    %dma_start3A_49 = tpu.memref_slice %arg2[%add3A, %dma_start3A_44, %dma_start3A_48] : memref<32x160x64xi32, #tpu.memory_space<hbm>> -> memref<1x1x64xi32, #tpu.memory_space<hbm>>
    %dma_start3A_50 = tpu.memref_squeeze %dma_start3A_49 : memref<1x1x64xi32, #tpu.memory_space<hbm>> -> memref<64xi32, #tpu.memory_space<hbm>>
    tpu.enqueue_dma source(%dma_start3A_50 : memref<64xi32, #tpu.memory_space<hbm>>) target(%arg10 : memref<64xi32, #tpu.memory_space<vmem>>) target_semaphore(%arg31 : memref<!tpu.dma_semaphore, #tpu.memory_space<semaphore_mem>>)
    %dma_start3A_51 = arith.constant 3 : i32
    %dma_start3A_52 = arith.constant 0 : i32
    %dma_start3A_53 = tpu.memref_slice %arg3[%add3A, %dma_start3A_51, %dma_start3A_52] : memref<32x160x64xi32, #tpu.memory_space<hbm>> -> memref<1x1x64xi32, #tpu.memory_space<hbm>>
    %dma_start3A_54 = tpu.memref_squeeze %dma_start3A_53 : memref<1x1x64xi32, #tpu.memory_space<hbm>> -> memref<64xi32, #tpu.memory_space<hbm>>
    %dma_start3A_55 = arith.constant 0 : i32
    %dma_start3A_56 = tpu.memref_slice %arg3[%add3A, %dma_start3A_51, %dma_start3A_55] : memref<32x160x64xi32, #tpu.memory_space<hbm>> -> memref<1x1x64xi32, #tpu.memory_space<hbm>>
    %dma_start3A_57 = tpu.memref_squeeze %dma_start3A_56 : memref<1x1x64xi32, #tpu.memory_space<hbm>> -> memref<64xi32, #tpu.memory_space<hbm>>
    tpu.enqueue_dma source(%dma_start3A_57 : memref<64xi32, #tpu.memory_space<hbm>>) target(%arg18 : memref<64xi32, #tpu.memory_space<vmem>>) target_semaphore(%arg31 : memref<!tpu.dma_semaphore, #tpu.memory_space<semaphore_mem>>)
    %dma_start3A_58 = arith.constant 4 : i32
    %dma_start3A_59 = arith.constant 0 : i32
    %dma_start3A_60 = tpu.memref_slice %arg2[%add3A, %dma_start3A_58, %dma_start3A_59] : memref<32x160x64xi32, #tpu.memory_space<hbm>> -> memref<1x1x64xi32, #tpu.memory_space<hbm>>
    %dma_start3A_61 = tpu.memref_squeeze %dma_start3A_60 : memref<1x1x64xi32, #tpu.memory_space<hbm>> -> memref<64xi32, #tpu.memory_space<hbm>>
    %dma_start3A_62 = arith.constant 0 : i32
    %dma_start3A_63 = tpu.memref_slice %arg2[%add3A, %dma_start3A_58, %dma_start3A_62] : memref<32x160x64xi32, #tpu.memory_space<hbm>> -> memref<1x1x64xi32, #tpu.memory_space<hbm>>
    %dma_start3A_64 = tpu.memref_squeeze %dma_start3A_63 : memref<1x1x64xi32, #tpu.memory_space<hbm>> -> memref<64xi32, #tpu.memory_space<hbm>>
    tpu.enqueue_dma source(%dma_start3A_64 : memref<64xi32, #tpu.memory_space<hbm>>) target(%arg11 : memref<64xi32, #tpu.memory_space<vmem>>) target_semaphore(%arg32 : memref<!tpu.dma_semaphore, #tpu.memory_space<semaphore_mem>>)
    %dma_start3A_65 = arith.constant 4 : i32
    %dma_start3A_66 = arith.constant 0 : i32
    %dma_start3A_67 = tpu.memref_slice %arg3[%add3A, %dma_start3A_65, %dma_start3A_66] : memref<32x160x64xi32, #tpu.memory_space<hbm>> -> memref<1x1x64xi32, #tpu.memory_space<hbm>>
    %dma_start3A_68 = tpu.memref_squeeze %dma_start3A_67 : memref<1x1x64xi32, #tpu.memory_space<hbm>> -> memref<64xi32, #tpu.memory_space<hbm>>
    %dma_start3A_69 = arith.constant 0 : i32
    %dma_start3A_70 = tpu.memref_slice %arg3[%add3A, %dma_start3A_65, %dma_start3A_69] : memref<32x160x64xi32, #tpu.memory_space<hbm>> -> memref<1x1x64xi32, #tpu.memory_space<hbm>>
    %dma_start3A_71 = tpu.memref_squeeze %dma_start3A_70 : memref<1x1x64xi32, #tpu.memory_space<hbm>> -> memref<64xi32, #tpu.memory_space<hbm>>
    tpu.enqueue_dma source(%dma_start3A_71 : memref<64xi32, #tpu.memory_space<hbm>>) target(%arg19 : memref<64xi32, #tpu.memory_space<vmem>>) target_semaphore(%arg32 : memref<!tpu.dma_semaphore, #tpu.memory_space<semaphore_mem>>)
    %dma_start3A_72 = arith.constant 5 : i32
    %dma_start3A_73 = arith.constant 0 : i32
    %dma_start3A_74 = tpu.memref_slice %arg2[%add3A, %dma_start3A_72, %dma_start3A_73] : memref<32x160x64xi32, #tpu.memory_space<hbm>> -> memref<1x1x64xi32, #tpu.memory_space<hbm>>
    %dma_start3A_75 = tpu.memref_squeeze %dma_start3A_74 : memref<1x1x64xi32, #tpu.memory_space<hbm>> -> memref<64xi32, #tpu.memory_space<hbm>>
    %dma_start3A_76 = arith.constant 0 : i32
    %dma_start3A_77 = tpu.memref_slice %arg2[%add3A, %dma_start3A_72, %dma_start3A_76] : memref<32x160x64xi32, #tpu.memory_space<hbm>> -> memref<1x1x64xi32, #tpu.memory_space<hbm>>
    %dma_start3A_78 = tpu.memref_squeeze %dma_start3A_77 : memref<1x1x64xi32, #tpu.memory_space<hbm>> -> memref<64xi32, #tpu.memory_space<hbm>>
    tpu.enqueue_dma source(%dma_start3A_78 : memref<64xi32, #tpu.memory_space<hbm>>) target(%arg12 : memref<64xi32, #tpu.memory_space<vmem>>) target_semaphore(%arg33 : memref<!tpu.dma_semaphore, #tpu.memory_space<semaphore_mem>>)
    %dma_start3A_79 = arith.constant 5 : i32
    %dma_start3A_80 = arith.constant 0 : i32
    %dma_start3A_81 = tpu.memref_slice %arg3[%add3A, %dma_start3A_79, %dma_start3A_80] : memref<32x160x64xi32, #tpu.memory_space<hbm>> -> memref<1x1x64xi32, #tpu.memory_space<hbm>>
    %dma_start3A_82 = tpu.memref_squeeze %dma_start3A_81 : memref<1x1x64xi32, #tpu.memory_space<hbm>> -> memref<64xi32, #tpu.memory_space<hbm>>
    %dma_start3A_83 = arith.constant 0 : i32
    %dma_start3A_84 = tpu.memref_slice %arg3[%add3A, %dma_start3A_79, %dma_start3A_83] : memref<32x160x64xi32, #tpu.memory_space<hbm>> -> memref<1x1x64xi32, #tpu.memory_space<hbm>>
    %dma_start3A_85 = tpu.memref_squeeze %dma_start3A_84 : memref<1x1x64xi32, #tpu.memory_space<hbm>> -> memref<64xi32, #tpu.memory_space<hbm>>
    tpu.enqueue_dma source(%dma_start3A_85 : memref<64xi32, #tpu.memory_space<hbm>>) target(%arg20 : memref<64xi32, #tpu.memory_space<vmem>>) target_semaphore(%arg33 : memref<!tpu.dma_semaphore, #tpu.memory_space<semaphore_mem>>)
    %dma_wait3A = arith.constant 0 : i32
    %dma_wait3A_86 = arith.constant 0 : i32
    %dma_wait3A_87 = tpu.memref_slice %arg2[%add3A, %dma_wait3A, %dma_wait3A_86] : memref<32x160x64xi32, #tpu.memory_space<hbm>> -> memref<1x1x64xi32, #tpu.memory_space<hbm>>
    %dma_wait3A_88 = tpu.memref_squeeze %dma_wait3A_87 : memref<1x1x64xi32, #tpu.memory_space<hbm>> -> memref<64xi32, #tpu.memory_space<hbm>>
    %dma_wait3A_89 = arith.constant 0 : i32
    %dma_wait3A_90 = tpu.memref_slice %arg2[%add3A, %dma_wait3A, %dma_wait3A_89] : memref<32x160x64xi32, #tpu.memory_space<hbm>> -> memref<1x1x64xi32, #tpu.memory_space<hbm>>
    %dma_wait3A_91 = tpu.memref_squeeze %dma_wait3A_90 : memref<1x1x64xi32, #tpu.memory_space<hbm>> -> memref<64xi32, #tpu.memory_space<hbm>>
    tpu.wait_dma2 semaphore(%arg28 : memref<!tpu.dma_semaphore, #tpu.memory_space<semaphore_mem>>) src(%dma_wait3A_91 : memref<64xi32, #tpu.memory_space<hbm>>) dst(%arg7 : memref<64xi32, #tpu.memory_space<vmem>>)
    %dma_wait3A_92 = arith.constant 0 : i32
    %dma_wait3A_93 = arith.constant 0 : i32
    %dma_wait3A_94 = tpu.memref_slice %arg3[%add3A, %dma_wait3A_92, %dma_wait3A_93] : memref<32x160x64xi32, #tpu.memory_space<hbm>> -> memref<1x1x64xi32, #tpu.memory_space<hbm>>
    %dma_wait3A_95 = tpu.memref_squeeze %dma_wait3A_94 : memref<1x1x64xi32, #tpu.memory_space<hbm>> -> memref<64xi32, #tpu.memory_space<hbm>>
    %dma_wait3A_96 = arith.constant 0 : i32
    %dma_wait3A_97 = tpu.memref_slice %arg3[%add3A, %dma_wait3A_92, %dma_wait3A_96] : memref<32x160x64xi32, #tpu.memory_space<hbm>> -> memref<1x1x64xi32, #tpu.memory_space<hbm>>
    %dma_wait3A_98 = tpu.memref_squeeze %dma_wait3A_97 : memref<1x1x64xi32, #tpu.memory_space<hbm>> -> memref<64xi32, #tpu.memory_space<hbm>>
    tpu.wait_dma2 semaphore(%arg28 : memref<!tpu.dma_semaphore, #tpu.memory_space<semaphore_mem>>) src(%dma_wait3A_98 : memref<64xi32, #tpu.memory_space<hbm>>) dst(%arg15 : memref<64xi32, #tpu.memory_space<vmem>>)
    %dma_start3A_99 = arith.constant 0 : i32
    %dma_start3A_100 = arith.constant 0 : i32
    %dma_start3A_101 = tpu.memref_slice %arg4[%dma_start3A_99, %dma_start3A_100] : memref<10240x128xf32, #tpu.memory_space<hbm>> -> memref<10240x128xf32, #tpu.memory_space<hbm>>
    tpu.enqueue_indirect_dma source(%dma_start3A_101 : memref<10240x128xf32, #tpu.memory_space<hbm>>) target(%arg23 : memref<64x128xf32, #tpu.memory_space<vmem>>) offsets(%arg7 : memref<64xi32, #tpu.memory_space<vmem>>) semaphore(%arg36 : memref<!tpu.dma_semaphore, #tpu.memory_space<semaphore_mem>>)
    %dma_wait3A_102 = arith.constant 1 : i32
    %dma_wait3A_103 = arith.constant 0 : i32
    %dma_wait3A_104 = tpu.memref_slice %arg2[%add3A, %dma_wait3A_102, %dma_wait3A_103] : memref<32x160x64xi32, #tpu.memory_space<hbm>> -> memref<1x1x64xi32, #tpu.memory_space<hbm>>
    %dma_wait3A_105 = tpu.memref_squeeze %dma_wait3A_104 : memref<1x1x64xi32, #tpu.memory_space<hbm>> -> memref<64xi32, #tpu.memory_space<hbm>>
    %dma_wait3A_106 = arith.constant 0 : i32
    %dma_wait3A_107 = tpu.memref_slice %arg2[%add3A, %dma_wait3A_102, %dma_wait3A_106] : memref<32x160x64xi32, #tpu.memory_space<hbm>> -> memref<1x1x64xi32, #tpu.memory_space<hbm>>
    %dma_wait3A_108 = tpu.memref_squeeze %dma_wait3A_107 : memref<1x1x64xi32, #tpu.memory_space<hbm>> -> memref<64xi32, #tpu.memory_space<hbm>>
    tpu.wait_dma2 semaphore(%arg29 : memref<!tpu.dma_semaphore, #tpu.memory_space<semaphore_mem>>) src(%dma_wait3A_108 : memref<64xi32, #tpu.memory_space<hbm>>) dst(%arg8 : memref<64xi32, #tpu.memory_space<vmem>>)
    %dma_wait3A_109 = arith.constant 1 : i32
    %dma_wait3A_110 = arith.constant 0 : i32
    %dma_wait3A_111 = tpu.memref_slice %arg3[%add3A, %dma_wait3A_109, %dma_wait3A_110] : memref<32x160x64xi32, #tpu.memory_space<hbm>> -> memref<1x1x64xi32, #tpu.memory_space<hbm>>
    %dma_wait3A_112 = tpu.memref_squeeze %dma_wait3A_111 : memref<1x1x64xi32, #tpu.memory_space<hbm>> -> memref<64xi32, #tpu.memory_space<hbm>>
    %dma_wait3A_113 = arith.constant 0 : i32
    %dma_wait3A_114 = tpu.memref_slice %arg3[%add3A, %dma_wait3A_109, %dma_wait3A_113] : memref<32x160x64xi32, #tpu.memory_space<hbm>> -> memref<1x1x64xi32, #tpu.memory_space<hbm>>
    %dma_wait3A_115 = tpu.memref_squeeze %dma_wait3A_114 : memref<1x1x64xi32, #tpu.memory_space<hbm>> -> memref<64xi32, #tpu.memory_space<hbm>>
    tpu.wait_dma2 semaphore(%arg29 : memref<!tpu.dma_semaphore, #tpu.memory_space<semaphore_mem>>) src(%dma_wait3A_115 : memref<64xi32, #tpu.memory_space<hbm>>) dst(%arg16 : memref<64xi32, #tpu.memory_space<vmem>>)
    %dma_start3A_116 = arith.constant 0 : i32
    %dma_start3A_117 = arith.constant 0 : i32
    %dma_start3A_118 = tpu.memref_slice %arg4[%dma_start3A_116, %dma_start3A_117] : memref<10240x128xf32, #tpu.memory_space<hbm>> -> memref<10240x128xf32, #tpu.memory_space<hbm>>
    tpu.enqueue_indirect_dma source(%dma_start3A_118 : memref<10240x128xf32, #tpu.memory_space<hbm>>) target(%arg24 : memref<64x128xf32, #tpu.memory_space<vmem>>) offsets(%arg8 : memref<64xi32, #tpu.memory_space<vmem>>) semaphore(%arg37 : memref<!tpu.dma_semaphore, #tpu.memory_space<semaphore_mem>>)
    %barrier3A = arith.constant 0 : index
    tpu.barrier barrier_id(%barrier3A)
    %scan3A = arith.constant 0 : i32
    %scan3A_119 = arith.constant 0 : i32
    %scan3A_120 = arith.constant 20 : i32
    %scan3A_121 = arith.addi %scan3A_119, %scan3A_120 : i32
    %scan3A_122 = arith.constant 1 : i32
    scf.for %scan3A_135 = %scan3A_119 to %scan3A_121 step %scan3A_122  : i32 {
      %mul3A_136 = arith.constant 8 : i32
      %mul3A_137 = arith.muli %mul3A_136, %scan3A_135 : i32
      %add3A_138 = arith.constant 0 : i32
      %add3A_139 = arith.addi %mul3A_137, %add3A_138 : i32
      %ge3A = arith.constant 2 : i32
      %ge3A_140 = arith.cmpi sge, %add3A_139, %ge3A : i32
      %convert_element_type3A = arith.extui %ge3A_140 : i1 to i32
      %cond3A = arith.constant 0 : i32
      %cond3A_141 = arith.cmpi ne, %convert_element_type3A, %cond3A : i32
      scf.if %cond3A_141 {
        %dma_wait3A_364 = arith.constant 0 : i32
        %dma_wait3A_365 = arith.constant 0 : i32
        %dma_wait3A_366 = tpu.memref_slice %arg27[%dma_wait3A_364, %dma_wait3A_365] : memref<10240x128xf32, #tpu.memory_space<vmem_shared>> -> memref<10240x128xf32, #tpu.memory_space<vmem_shared>>
        tpu.wait_indirect_dma semaphore(%arg42 : memref<!tpu.dma_semaphore, #tpu.memory_space<semaphore_mem>>) src(%arg25 : memref<64x128xf32, #tpu.memory_space<vmem>>) dst(%dma_wait3A_366 : memref<10240x128xf32, #tpu.memory_space<vmem_shared>>)
      } else {
      }
      %add3A_142 = arith.constant 6 : i32
      %add3A_143 = arith.addi %add3A_139, %add3A_142 : i32
      %lt3A = arith.constant 160 : i32
      %lt3A_144 = arith.cmpi slt, %add3A_143, %lt3A : i32
      %convert_element_type3A_145 = arith.extui %lt3A_144 : i1 to i32
      %cond3A_146 = arith.constant 0 : i32
      %cond3A_147 = arith.cmpi ne, %convert_element_type3A_145, %cond3A_146 : i32
      scf.if %cond3A_147 {
        %add3A_364 = arith.constant 6 : i32
        %add3A_365 = arith.addi %add3A_139, %add3A_364 : i32
        %dma_start3A_366 = arith.constant 0 : i32
        %dma_start3A_367 = tpu.memref_slice %arg2[%add3A, %add3A_365, %dma_start3A_366] : memref<32x160x64xi32, #tpu.memory_space<hbm>> -> memref<1x1x64xi32, #tpu.memory_space<hbm>>
        %dma_start3A_368 = tpu.memref_squeeze %dma_start3A_367 : memref<1x1x64xi32, #tpu.memory_space<hbm>> -> memref<64xi32, #tpu.memory_space<hbm>>
        %dma_start3A_369 = arith.constant 0 : i32
        %dma_start3A_370 = tpu.memref_slice %arg2[%add3A, %add3A_365, %dma_start3A_369] : memref<32x160x64xi32, #tpu.memory_space<hbm>> -> memref<1x1x64xi32, #tpu.memory_space<hbm>>
        %dma_start3A_371 = tpu.memref_squeeze %dma_start3A_370 : memref<1x1x64xi32, #tpu.memory_space<hbm>> -> memref<64xi32, #tpu.memory_space<hbm>>
        tpu.enqueue_dma source(%dma_start3A_371 : memref<64xi32, #tpu.memory_space<hbm>>) target(%arg13 : memref<64xi32, #tpu.memory_space<vmem>>) target_semaphore(%arg34 : memref<!tpu.dma_semaphore, #tpu.memory_space<semaphore_mem>>)
        %dma_start3A_372 = arith.constant 0 : i32
        %dma_start3A_373 = tpu.memref_slice %arg3[%add3A, %add3A_365, %dma_start3A_372] : memref<32x160x64xi32, #tpu.memory_space<hbm>> -> memref<1x1x64xi32, #tpu.memory_space<hbm>>
        %dma_start3A_374 = tpu.memref_squeeze %dma_start3A_373 : memref<1x1x64xi32, #tpu.memory_space<hbm>> -> memref<64xi32, #tpu.memory_space<hbm>>
        %dma_start3A_375 = arith.constant 0 : i32
        %dma_start3A_376 = tpu.memref_slice %arg3[%add3A, %add3A_365, %dma_start3A_375] : memref<32x160x64xi32, #tpu.memory_space<hbm>> -> memref<1x1x64xi32, #tpu.memory_space<hbm>>
        %dma_start3A_377 = tpu.memref_squeeze %dma_start3A_376 : memref<1x1x64xi32, #tpu.memory_space<hbm>> -> memref<64xi32, #tpu.memory_space<hbm>>
        tpu.enqueue_dma source(%dma_start3A_377 : memref<64xi32, #tpu.memory_space<hbm>>) target(%arg21 : memref<64xi32, #tpu.memory_space<vmem>>) target_semaphore(%arg34 : memref<!tpu.dma_semaphore, #tpu.memory_space<semaphore_mem>>)
      } else {
      }
      %add3A_148 = arith.constant 2 : i32
      %add3A_149 = arith.addi %add3A_139, %add3A_148 : i32
      %lt3A_150 = arith.constant 160 : i32
      %lt3A_151 = arith.cmpi slt, %add3A_149, %lt3A_150 : i32
      %convert_element_type3A_152 = arith.extui %lt3A_151 : i1 to i32
      %cond3A_153 = arith.constant 0 : i32
      %cond3A_154 = arith.cmpi ne, %convert_element_type3A_152, %cond3A_153 : i32
      scf.if %cond3A_154 {
        %add3A_364 = arith.constant 2 : i32
        %add3A_365 = arith.addi %add3A_139, %add3A_364 : i32
        %dma_wait3A_366 = arith.constant 0 : i32
        %dma_wait3A_367 = tpu.memref_slice %arg2[%add3A, %add3A_365, %dma_wait3A_366] : memref<32x160x64xi32, #tpu.memory_space<hbm>> -> memref<1x1x64xi32, #tpu.memory_space<hbm>>
        %dma_wait3A_368 = tpu.memref_squeeze %dma_wait3A_367 : memref<1x1x64xi32, #tpu.memory_space<hbm>> -> memref<64xi32, #tpu.memory_space<hbm>>
        %dma_wait3A_369 = arith.constant 0 : i32
        %dma_wait3A_370 = tpu.memref_slice %arg2[%add3A, %add3A_365, %dma_wait3A_369] : memref<32x160x64xi32, #tpu.memory_space<hbm>> -> memref<1x1x64xi32, #tpu.memory_space<hbm>>
        %dma_wait3A_371 = tpu.memref_squeeze %dma_wait3A_370 : memref<1x1x64xi32, #tpu.memory_space<hbm>> -> memref<64xi32, #tpu.memory_space<hbm>>
        tpu.wait_dma2 semaphore(%arg30 : memref<!tpu.dma_semaphore, #tpu.memory_space<semaphore_mem>>) src(%dma_wait3A_371 : memref<64xi32, #tpu.memory_space<hbm>>) dst(%arg9 : memref<64xi32, #tpu.memory_space<vmem>>)
        %dma_wait3A_372 = arith.constant 0 : i32
        %dma_wait3A_373 = tpu.memref_slice %arg3[%add3A, %add3A_365, %dma_wait3A_372] : memref<32x160x64xi32, #tpu.memory_space<hbm>> -> memref<1x1x64xi32, #tpu.memory_space<hbm>>
        %dma_wait3A_374 = tpu.memref_squeeze %dma_wait3A_373 : memref<1x1x64xi32, #tpu.memory_space<hbm>> -> memref<64xi32, #tpu.memory_space<hbm>>
        %dma_wait3A_375 = arith.constant 0 : i32
        %dma_wait3A_376 = tpu.memref_slice %arg3[%add3A, %add3A_365, %dma_wait3A_375] : memref<32x160x64xi32, #tpu.memory_space<hbm>> -> memref<1x1x64xi32, #tpu.memory_space<hbm>>
        %dma_wait3A_377 = tpu.memref_squeeze %dma_wait3A_376 : memref<1x1x64xi32, #tpu.memory_space<hbm>> -> memref<64xi32, #tpu.memory_space<hbm>>
        tpu.wait_dma2 semaphore(%arg30 : memref<!tpu.dma_semaphore, #tpu.memory_space<semaphore_mem>>) src(%dma_wait3A_377 : memref<64xi32, #tpu.memory_space<hbm>>) dst(%arg17 : memref<64xi32, #tpu.memory_space<vmem>>)
        %dma_start3A_378 = arith.constant 0 : i32
        %dma_start3A_379 = arith.constant 0 : i32
        %dma_start3A_380 = tpu.memref_slice %arg4[%dma_start3A_378, %dma_start3A_379] : memref<10240x128xf32, #tpu.memory_space<hbm>> -> memref<10240x128xf32, #tpu.memory_space<hbm>>
        tpu.enqueue_indirect_dma source(%dma_start3A_380 : memref<10240x128xf32, #tpu.memory_space<hbm>>) target(%arg25 : memref<64x128xf32, #tpu.memory_space<vmem>>) offsets(%arg9 : memref<64xi32, #tpu.memory_space<vmem>>) semaphore(%arg38 : memref<!tpu.dma_semaphore, #tpu.memory_space<semaphore_mem>>)
      } else {
      }
      %dma_wait3A_155 = arith.constant 0 : i32
      %dma_wait3A_156 = arith.constant 0 : i32
      %dma_wait3A_157 = tpu.memref_slice %arg4[%dma_wait3A_155, %dma_wait3A_156] : memref<10240x128xf32, #tpu.memory_space<hbm>> -> memref<10240x128xf32, #tpu.memory_space<hbm>>
      tpu.wait_indirect_dma semaphore(%arg36 : memref<!tpu.dma_semaphore, #tpu.memory_space<semaphore_mem>>) src(%dma_wait3A_157 : memref<10240x128xf32, #tpu.memory_space<hbm>>) dst(%arg23 : memref<64x128xf32, #tpu.memory_space<vmem>>)
      %dma_start3A_158 = arith.constant 0 : i32
      %dma_start3A_159 = arith.constant 0 : i32
      %dma_start3A_160 = tpu.memref_slice %arg27[%dma_start3A_158, %dma_start3A_159] : memref<10240x128xf32, #tpu.memory_space<vmem_shared>> -> memref<10240x128xf32, #tpu.memory_space<vmem_shared>>
      tpu.enqueue_indirect_dma source(%arg23 : memref<64x128xf32, #tpu.memory_space<vmem>>) target(%dma_start3A_160 : memref<10240x128xf32, #tpu.memory_space<vmem_shared>>) offsets(%arg15 : memref<64xi32, #tpu.memory_space<vmem>>) semaphore(%arg40 : memref<!tpu.dma_semaphore, #tpu.memory_space<semaphore_mem>>) {add = true}
      %mul3A_161 = arith.constant 8 : i32
      %mul3A_162 = arith.muli %mul3A_161, %scan3A_135 : i32
      %add3A_163 = arith.constant 1 : i32
      %add3A_164 = arith.addi %mul3A_162, %add3A_163 : i32
      %ge3A_165 = arith.constant 2 : i32
      %ge3A_166 = arith.cmpi sge, %add3A_164, %ge3A_165 : i32
      %convert_element_type3A_167 = arith.extui %ge3A_166 : i1 to i32
      %cond3A_168 = arith.constant 0 : i32
      %cond3A_169 = arith.cmpi ne, %convert_element_type3A_167, %cond3A_168 : i32
      scf.if %cond3A_169 {
        %dma_wait3A_364 = arith.constant 0 : i32
        %dma_wait3A_365 = arith.constant 0 : i32
        %dma_wait3A_366 = tpu.memref_slice %arg27[%dma_wait3A_364, %dma_wait3A_365] : memref<10240x128xf32, #tpu.memory_space<vmem_shared>> -> memref<10240x128xf32, #tpu.memory_space<vmem_shared>>
        tpu.wait_indirect_dma semaphore(%arg43 : memref<!tpu.dma_semaphore, #tpu.memory_space<semaphore_mem>>) src(%arg26 : memref<64x128xf32, #tpu.memory_space<vmem>>) dst(%dma_wait3A_366 : memref<10240x128xf32, #tpu.memory_space<vmem_shared>>)
      } else {
      }
      %add3A_170 = arith.constant 6 : i32
      %add3A_171 = arith.addi %add3A_164, %add3A_170 : i32
      %lt3A_172 = arith.constant 160 : i32
      %lt3A_173 = arith.cmpi slt, %add3A_171, %lt3A_172 : i32
      %convert_element_type3A_174 = arith.extui %lt3A_173 : i1 to i32
      %cond3A_175 = arith.constant 0 : i32
      %cond3A_176 = arith.cmpi ne, %convert_element_type3A_174, %cond3A_175 : i32
      scf.if %cond3A_176 {
        %add3A_364 = arith.constant 6 : i32
        %add3A_365 = arith.addi %add3A_164, %add3A_364 : i32
        %dma_start3A_366 = arith.constant 0 : i32
        %dma_start3A_367 = tpu.memref_slice %arg2[%add3A, %add3A_365, %dma_start3A_366] : memref<32x160x64xi32, #tpu.memory_space<hbm>> -> memref<1x1x64xi32, #tpu.memory_space<hbm>>
        %dma_start3A_368 = tpu.memref_squeeze %dma_start3A_367 : memref<1x1x64xi32, #tpu.memory_space<hbm>> -> memref<64xi32, #tpu.memory_space<hbm>>
        %dma_start3A_369 = arith.constant 0 : i32
        %dma_start3A_370 = tpu.memref_slice %arg2[%add3A, %add3A_365, %dma_start3A_369] : memref<32x160x64xi32, #tpu.memory_space<hbm>> -> memref<1x1x64xi32, #tpu.memory_space<hbm>>
        %dma_start3A_371 = tpu.memref_squeeze %dma_start3A_370 : memref<1x1x64xi32, #tpu.memory_space<hbm>> -> memref<64xi32, #tpu.memory_space<hbm>>
        tpu.enqueue_dma source(%dma_start3A_371 : memref<64xi32, #tpu.memory_space<hbm>>) target(%arg14 : memref<64xi32, #tpu.memory_space<vmem>>) target_semaphore(%arg35 : memref<!tpu.dma_semaphore, #tpu.memory_space<semaphore_mem>>)
        %dma_start3A_372 = arith.constant 0 : i32
        %dma_start3A_373 = tpu.memref_slice %arg3[%add3A, %add3A_365, %dma_start3A_372] : memref<32x160x64xi32, #tpu.memory_space<hbm>> -> memref<1x1x64xi32, #tpu.memory_space<hbm>>
        %dma_start3A_374 = tpu.memref_squeeze %dma_start3A_373 : memref<1x1x64xi32, #tpu.memory_space<hbm>> -> memref<64xi32, #tpu.memory_space<hbm>>
        %dma_start3A_375 = arith.constant 0 : i32
        %dma_start3A_376 = tpu.memref_slice %arg3[%add3A, %add3A_365, %dma_start3A_375] : memref<32x160x64xi32, #tpu.memory_space<hbm>> -> memref<1x1x64xi32, #tpu.memory_space<hbm>>
        %dma_start3A_377 = tpu.memref_squeeze %dma_start3A_376 : memref<1x1x64xi32, #tpu.memory_space<hbm>> -> memref<64xi32, #tpu.memory_space<hbm>>
        tpu.enqueue_dma source(%dma_start3A_377 : memref<64xi32, #tpu.memory_space<hbm>>) target(%arg22 : memref<64xi32, #tpu.memory_space<vmem>>) target_semaphore(%arg35 : memref<!tpu.dma_semaphore, #tpu.memory_space<semaphore_mem>>)
      } else {
      }
      %add3A_177 = arith.constant 2 : i32
      %add3A_178 = arith.addi %add3A_164, %add3A_177 : i32
      %lt3A_179 = arith.constant 160 : i32
      %lt3A_180 = arith.cmpi slt, %add3A_178, %lt3A_179 : i32
      %convert_element_type3A_181 = arith.extui %lt3A_180 : i1 to i32
      %cond3A_182 = arith.constant 0 : i32
      %cond3A_183 = arith.cmpi ne, %convert_element_type3A_181, %cond3A_182 : i32
      scf.if %cond3A_183 {
        %add3A_364 = arith.constant 2 : i32
        %add3A_365 = arith.addi %add3A_164, %add3A_364 : i32
        %dma_wait3A_366 = arith.constant 0 : i32
        %dma_wait3A_367 = tpu.memref_slice %arg2[%add3A, %add3A_365, %dma_wait3A_366] : memref<32x160x64xi32, #tpu.memory_space<hbm>> -> memref<1x1x64xi32, #tpu.memory_space<hbm>>
        %dma_wait3A_368 = tpu.memref_squeeze %dma_wait3A_367 : memref<1x1x64xi32, #tpu.memory_space<hbm>> -> memref<64xi32, #tpu.memory_space<hbm>>
        %dma_wait3A_369 = arith.constant 0 : i32
        %dma_wait3A_370 = tpu.memref_slice %arg2[%add3A, %add3A_365, %dma_wait3A_369] : memref<32x160x64xi32, #tpu.memory_space<hbm>> -> memref<1x1x64xi32, #tpu.memory_space<hbm>>
        %dma_wait3A_371 = tpu.memref_squeeze %dma_wait3A_370 : memref<1x1x64xi32, #tpu.memory_space<hbm>> -> memref<64xi32, #tpu.memory_space<hbm>>
        tpu.wait_dma2 semaphore(%arg31 : memref<!tpu.dma_semaphore, #tpu.memory_space<semaphore_mem>>) src(%dma_wait3A_371 : memref<64xi32, #tpu.memory_space<hbm>>) dst(%arg10 : memref<64xi32, #tpu.memory_space<vmem>>)
        %dma_wait3A_372 = arith.constant 0 : i32
        %dma_wait3A_373 = tpu.memref_slice %arg3[%add3A, %add3A_365, %dma_wait3A_372] : memref<32x160x64xi32, #tpu.memory_space<hbm>> -> memref<1x1x64xi32, #tpu.memory_space<hbm>>
        %dma_wait3A_374 = tpu.memref_squeeze %dma_wait3A_373 : memref<1x1x64xi32, #tpu.memory_space<hbm>> -> memref<64xi32, #tpu.memory_space<hbm>>
        %dma_wait3A_375 = arith.constant 0 : i32
        %dma_wait3A_376 = tpu.memref_slice %arg3[%add3A, %add3A_365, %dma_wait3A_375] : memref<32x160x64xi32, #tpu.memory_space<hbm>> -> memref<1x1x64xi32, #tpu.memory_space<hbm>>
        %dma_wait3A_377 = tpu.memref_squeeze %dma_wait3A_376 : memref<1x1x64xi32, #tpu.memory_space<hbm>> -> memref<64xi32, #tpu.memory_space<hbm>>
        tpu.wait_dma2 semaphore(%arg31 : memref<!tpu.dma_semaphore, #tpu.memory_space<semaphore_mem>>) src(%dma_wait3A_377 : memref<64xi32, #tpu.memory_space<hbm>>) dst(%arg18 : memref<64xi32, #tpu.memory_space<vmem>>)
        %dma_start3A_378 = arith.constant 0 : i32
        %dma_start3A_379 = arith.constant 0 : i32
        %dma_start3A_380 = tpu.memref_slice %arg4[%dma_start3A_378, %dma_start3A_379] : memref<10240x128xf32, #tpu.memory_space<hbm>> -> memref<10240x128xf32, #tpu.memory_space<hbm>>
        tpu.enqueue_indirect_dma source(%dma_start3A_380 : memref<10240x128xf32, #tpu.memory_space<hbm>>) target(%arg26 : memref<64x128xf32, #tpu.memory_space<vmem>>) offsets(%arg10 : memref<64xi32, #tpu.memory_space<vmem>>) semaphore(%arg39 : memref<!tpu.dma_semaphore, #tpu.memory_space<semaphore_mem>>)
      } else {
      }
      %dma_wait3A_184 = arith.constant 0 : i32
      %dma_wait3A_185 = arith.constant 0 : i32
      %dma_wait3A_186 = tpu.memref_slice %arg4[%dma_wait3A_184, %dma_wait3A_185] : memref<10240x128xf32, #tpu.memory_space<hbm>> -> memref<10240x128xf32, #tpu.memory_space<hbm>>
      tpu.wait_indirect_dma semaphore(%arg37 : memref<!tpu.dma_semaphore, #tpu.memory_space<semaphore_mem>>) src(%dma_wait3A_186 : memref<10240x128xf32, #tpu.memory_space<hbm>>) dst(%arg24 : memref<64x128xf32, #tpu.memory_space<vmem>>)
      %dma_start3A_187 = arith.constant 0 : i32
      %dma_start3A_188 = arith.constant 0 : i32
      %dma_start3A_189 = tpu.memref_slice %arg27[%dma_start3A_187, %dma_start3A_188] : memref<10240x128xf32, #tpu.memory_space<vmem_shared>> -> memref<10240x128xf32, #tpu.memory_space<vmem_shared>>
      tpu.enqueue_indirect_dma source(%arg24 : memref<64x128xf32, #tpu.memory_space<vmem>>) target(%dma_start3A_189 : memref<10240x128xf32, #tpu.memory_space<vmem_shared>>) offsets(%arg16 : memref<64xi32, #tpu.memory_space<vmem>>) semaphore(%arg41 : memref<!tpu.dma_semaphore, #tpu.memory_space<semaphore_mem>>) {add = true}
      %mul3A_190 = arith.constant 8 : i32
      %mul3A_191 = arith.muli %mul3A_190, %scan3A_135 : i32
      %add3A_192 = arith.constant 2 : i32
      %add3A_193 = arith.addi %mul3A_191, %add3A_192 : i32
      %ge3A_194 = arith.constant 2 : i32
      %ge3A_195 = arith.cmpi sge, %add3A_193, %ge3A_194 : i32
      %convert_element_type3A_196 = arith.extui %ge3A_195 : i1 to i32
      %cond3A_197 = arith.constant 0 : i32
      %cond3A_198 = arith.cmpi ne, %convert_element_type3A_196, %cond3A_197 : i32
      scf.if %cond3A_198 {
        %dma_wait3A_364 = arith.constant 0 : i32
        %dma_wait3A_365 = arith.constant 0 : i32
        %dma_wait3A_366 = tpu.memref_slice %arg27[%dma_wait3A_364, %dma_wait3A_365] : memref<10240x128xf32, #tpu.memory_space<vmem_shared>> -> memref<10240x128xf32, #tpu.memory_space<vmem_shared>>
        tpu.wait_indirect_dma semaphore(%arg40 : memref<!tpu.dma_semaphore, #tpu.memory_space<semaphore_mem>>) src(%arg23 : memref<64x128xf32, #tpu.memory_space<vmem>>) dst(%dma_wait3A_366 : memref<10240x128xf32, #tpu.memory_space<vmem_shared>>)
      } else {
      }
      %add3A_199 = arith.constant 6 : i32
      %add3A_200 = arith.addi %add3A_193, %add3A_199 : i32
      %lt3A_201 = arith.constant 160 : i32
      %lt3A_202 = arith.cmpi slt, %add3A_200, %lt3A_201 : i32
      %convert_element_type3A_203 = arith.extui %lt3A_202 : i1 to i32
      %cond3A_204 = arith.constant 0 : i32
      %cond3A_205 = arith.cmpi ne, %convert_element_type3A_203, %cond3A_204 : i32
      scf.if %cond3A_205 {
        %add3A_364 = arith.constant 6 : i32
        %add3A_365 = arith.addi %add3A_193, %add3A_364 : i32
        %dma_start3A_366 = arith.constant 0 : i32
        %dma_start3A_367 = tpu.memref_slice %arg2[%add3A, %add3A_365, %dma_start3A_366] : memref<32x160x64xi32, #tpu.memory_space<hbm>> -> memref<1x1x64xi32, #tpu.memory_space<hbm>>
        %dma_start3A_368 = tpu.memref_squeeze %dma_start3A_367 : memref<1x1x64xi32, #tpu.memory_space<hbm>> -> memref<64xi32, #tpu.memory_space<hbm>>
        %dma_start3A_369 = arith.constant 0 : i32
        %dma_start3A_370 = tpu.memref_slice %arg2[%add3A, %add3A_365, %dma_start3A_369] : memref<32x160x64xi32, #tpu.memory_space<hbm>> -> memref<1x1x64xi32, #tpu.memory_space<hbm>>
        %dma_start3A_371 = tpu.memref_squeeze %dma_start3A_370 : memref<1x1x64xi32, #tpu.memory_space<hbm>> -> memref<64xi32, #tpu.memory_space<hbm>>
        tpu.enqueue_dma source(%dma_start3A_371 : memref<64xi32, #tpu.memory_space<hbm>>) target(%arg7 : memref<64xi32, #tpu.memory_space<vmem>>) target_semaphore(%arg28 : memref<!tpu.dma_semaphore, #tpu.memory_space<semaphore_mem>>)
        %dma_start3A_372 = arith.constant 0 : i32
        %dma_start3A_373 = tpu.memref_slice %arg3[%add3A, %add3A_365, %dma_start3A_372] : memref<32x160x64xi32, #tpu.memory_space<hbm>> -> memref<1x1x64xi32, #tpu.memory_space<hbm>>
        %dma_start3A_374 = tpu.memref_squeeze %dma_start3A_373 : memref<1x1x64xi32, #tpu.memory_space<hbm>> -> memref<64xi32, #tpu.memory_space<hbm>>
        %dma_start3A_375 = arith.constant 0 : i32
        %dma_start3A_376 = tpu.memref_slice %arg3[%add3A, %add3A_365, %dma_start3A_375] : memref<32x160x64xi32, #tpu.memory_space<hbm>> -> memref<1x1x64xi32, #tpu.memory_space<hbm>>
        %dma_start3A_377 = tpu.memref_squeeze %dma_start3A_376 : memref<1x1x64xi32, #tpu.memory_space<hbm>> -> memref<64xi32, #tpu.memory_space<hbm>>
        tpu.enqueue_dma source(%dma_start3A_377 : memref<64xi32, #tpu.memory_space<hbm>>) target(%arg15 : memref<64xi32, #tpu.memory_space<vmem>>) target_semaphore(%arg28 : memref<!tpu.dma_semaphore, #tpu.memory_space<semaphore_mem>>)
      } else {
      }
      %add3A_206 = arith.constant 2 : i32
      %add3A_207 = arith.addi %add3A_193, %add3A_206 : i32
      %lt3A_208 = arith.constant 160 : i32
      %lt3A_209 = arith.cmpi slt, %add3A_207, %lt3A_208 : i32
      %convert_element_type3A_210 = arith.extui %lt3A_209 : i1 to i32
      %cond3A_211 = arith.constant 0 : i32
      %cond3A_212 = arith.cmpi ne, %convert_element_type3A_210, %cond3A_211 : i32
      scf.if %cond3A_212 {
        %add3A_364 = arith.constant 2 : i32
        %add3A_365 = arith.addi %add3A_193, %add3A_364 : i32
        %dma_wait3A_366 = arith.constant 0 : i32
        %dma_wait3A_367 = tpu.memref_slice %arg2[%add3A, %add3A_365, %dma_wait3A_366] : memref<32x160x64xi32, #tpu.memory_space<hbm>> -> memref<1x1x64xi32, #tpu.memory_space<hbm>>
        %dma_wait3A_368 = tpu.memref_squeeze %dma_wait3A_367 : memref<1x1x64xi32, #tpu.memory_space<hbm>> -> memref<64xi32, #tpu.memory_space<hbm>>
        %dma_wait3A_369 = arith.constant 0 : i32
        %dma_wait3A_370 = tpu.memref_slice %arg2[%add3A, %add3A_365, %dma_wait3A_369] : memref<32x160x64xi32, #tpu.memory_space<hbm>> -> memref<1x1x64xi32, #tpu.memory_space<hbm>>
        %dma_wait3A_371 = tpu.memref_squeeze %dma_wait3A_370 : memref<1x1x64xi32, #tpu.memory_space<hbm>> -> memref<64xi32, #tpu.memory_space<hbm>>
        tpu.wait_dma2 semaphore(%arg32 : memref<!tpu.dma_semaphore, #tpu.memory_space<semaphore_mem>>) src(%dma_wait3A_371 : memref<64xi32, #tpu.memory_space<hbm>>) dst(%arg11 : memref<64xi32, #tpu.memory_space<vmem>>)
        %dma_wait3A_372 = arith.constant 0 : i32
        %dma_wait3A_373 = tpu.memref_slice %arg3[%add3A, %add3A_365, %dma_wait3A_372] : memref<32x160x64xi32, #tpu.memory_space<hbm>> -> memref<1x1x64xi32, #tpu.memory_space<hbm>>
        %dma_wait3A_374 = tpu.memref_squeeze %dma_wait3A_373 : memref<1x1x64xi32, #tpu.memory_space<hbm>> -> memref<64xi32, #tpu.memory_space<hbm>>
        %dma_wait3A_375 = arith.constant 0 : i32
        %dma_wait3A_376 = tpu.memref_slice %arg3[%add3A, %add3A_365, %dma_wait3A_375] : memref<32x160x64xi32, #tpu.memory_space<hbm>> -> memref<1x1x64xi32, #tpu.memory_space<hbm>>
        %dma_wait3A_377 = tpu.memref_squeeze %dma_wait3A_376 : memref<1x1x64xi32, #tpu.memory_space<hbm>> -> memref<64xi32, #tpu.memory_space<hbm>>
        tpu.wait_dma2 semaphore(%arg32 : memref<!tpu.dma_semaphore, #tpu.memory_space<semaphore_mem>>) src(%dma_wait3A_377 : memref<64xi32, #tpu.memory_space<hbm>>) dst(%arg19 : memref<64xi32, #tpu.memory_space<vmem>>)
        %dma_start3A_378 = arith.constant 0 : i32
        %dma_start3A_379 = arith.constant 0 : i32
        %dma_start3A_380 = tpu.memref_slice %arg4[%dma_start3A_378, %dma_start3A_379] : memref<10240x128xf32, #tpu.memory_space<hbm>> -> memref<10240x128xf32, #tpu.memory_space<hbm>>
        tpu.enqueue_indirect_dma source(%dma_start3A_380 : memref<10240x128xf32, #tpu.memory_space<hbm>>) target(%arg23 : memref<64x128xf32, #tpu.memory_space<vmem>>) offsets(%arg11 : memref<64xi32, #tpu.memory_space<vmem>>) semaphore(%arg36 : memref<!tpu.dma_semaphore, #tpu.memory_space<semaphore_mem>>)
      } else {
      }
      %dma_wait3A_213 = arith.constant 0 : i32
      %dma_wait3A_214 = arith.constant 0 : i32
      %dma_wait3A_215 = tpu.memref_slice %arg4[%dma_wait3A_213, %dma_wait3A_214] : memref<10240x128xf32, #tpu.memory_space<hbm>> -> memref<10240x128xf32, #tpu.memory_space<hbm>>
      tpu.wait_indirect_dma semaphore(%arg38 : memref<!tpu.dma_semaphore, #tpu.memory_space<semaphore_mem>>) src(%dma_wait3A_215 : memref<10240x128xf32, #tpu.memory_space<hbm>>) dst(%arg25 : memref<64x128xf32, #tpu.memory_space<vmem>>)
      %dma_start3A_216 = arith.constant 0 : i32
      %dma_start3A_217 = arith.constant 0 : i32
      %dma_start3A_218 = tpu.memref_slice %arg27[%dma_start3A_216, %dma_start3A_217] : memref<10240x128xf32, #tpu.memory_space<vmem_shared>> -> memref<10240x128xf32, #tpu.memory_space<vmem_shared>>
      tpu.enqueue_indirect_dma source(%arg25 : memref<64x128xf32, #tpu.memory_space<vmem>>) target(%dma_start3A_218 : memref<10240x128xf32, #tpu.memory_space<vmem_shared>>) offsets(%arg17 : memref<64xi32, #tpu.memory_space<vmem>>) semaphore(%arg42 : memref<!tpu.dma_semaphore, #tpu.memory_space<semaphore_mem>>) {add = true}
      %mul3A_219 = arith.constant 8 : i32
      %mul3A_220 = arith.muli %mul3A_219, %scan3A_135 : i32
      %add3A_221 = arith.constant 3 : i32
      %add3A_222 = arith.addi %mul3A_220, %add3A_221 : i32
      %ge3A_223 = arith.constant 2 : i32
      %ge3A_224 = arith.cmpi sge, %add3A_222, %ge3A_223 : i32
      %convert_element_type3A_225 = arith.extui %ge3A_224 : i1 to i32
      %cond3A_226 = arith.constant 0 : i32
      %cond3A_227 = arith.cmpi ne, %convert_element_type3A_225, %cond3A_226 : i32
      scf.if %cond3A_227 {
        %dma_wait3A_364 = arith.constant 0 : i32
        %dma_wait3A_365 = arith.constant 0 : i32
        %dma_wait3A_366 = tpu.memref_slice %arg27[%dma_wait3A_364, %dma_wait3A_365] : memref<10240x128xf32, #tpu.memory_space<vmem_shared>> -> memref<10240x128xf32, #tpu.memory_space<vmem_shared>>
        tpu.wait_indirect_dma semaphore(%arg41 : memref<!tpu.dma_semaphore, #tpu.memory_space<semaphore_mem>>) src(%arg24 : memref<64x128xf32, #tpu.memory_space<vmem>>) dst(%dma_wait3A_366 : memref<10240x128xf32, #tpu.memory_space<vmem_shared>>)
      } else {
      }
      %add3A_228 = arith.constant 6 : i32
      %add3A_229 = arith.addi %add3A_222, %add3A_228 : i32
      %lt3A_230 = arith.constant 160 : i32
      %lt3A_231 = arith.cmpi slt, %add3A_229, %lt3A_230 : i32
      %convert_element_type3A_232 = arith.extui %lt3A_231 : i1 to i32
      %cond3A_233 = arith.constant 0 : i32
      %cond3A_234 = arith.cmpi ne, %convert_element_type3A_232, %cond3A_233 : i32
      scf.if %cond3A_234 {
        %add3A_364 = arith.constant 6 : i32
        %add3A_365 = arith.addi %add3A_222, %add3A_364 : i32
        %dma_start3A_366 = arith.constant 0 : i32
        %dma_start3A_367 = tpu.memref_slice %arg2[%add3A, %add3A_365, %dma_start3A_366] : memref<32x160x64xi32, #tpu.memory_space<hbm>> -> memref<1x1x64xi32, #tpu.memory_space<hbm>>
        %dma_start3A_368 = tpu.memref_squeeze %dma_start3A_367 : memref<1x1x64xi32, #tpu.memory_space<hbm>> -> memref<64xi32, #tpu.memory_space<hbm>>
        %dma_start3A_369 = arith.constant 0 : i32
        %dma_start3A_370 = tpu.memref_slice %arg2[%add3A, %add3A_365, %dma_start3A_369] : memref<32x160x64xi32, #tpu.memory_space<hbm>> -> memref<1x1x64xi32, #tpu.memory_space<hbm>>
        %dma_start3A_371 = tpu.memref_squeeze %dma_start3A_370 : memref<1x1x64xi32, #tpu.memory_space<hbm>> -> memref<64xi32, #tpu.memory_space<hbm>>
        tpu.enqueue_dma source(%dma_start3A_371 : memref<64xi32, #tpu.memory_space<hbm>>) target(%arg8 : memref<64xi32, #tpu.memory_space<vmem>>) target_semaphore(%arg29 : memref<!tpu.dma_semaphore, #tpu.memory_space<semaphore_mem>>)
        %dma_start3A_372 = arith.constant 0 : i32
        %dma_start3A_373 = tpu.memref_slice %arg3[%add3A, %add3A_365, %dma_start3A_372] : memref<32x160x64xi32, #tpu.memory_space<hbm>> -> memref<1x1x64xi32, #tpu.memory_space<hbm>>
        %dma_start3A_374 = tpu.memref_squeeze %dma_start3A_373 : memref<1x1x64xi32, #tpu.memory_space<hbm>> -> memref<64xi32, #tpu.memory_space<hbm>>
        %dma_start3A_375 = arith.constant 0 : i32
        %dma_start3A_376 = tpu.memref_slice %arg3[%add3A, %add3A_365, %dma_start3A_375] : memref<32x160x64xi32, #tpu.memory_space<hbm>> -> memref<1x1x64xi32, #tpu.memory_space<hbm>>
        %dma_start3A_377 = tpu.memref_squeeze %dma_start3A_376 : memref<1x1x64xi32, #tpu.memory_space<hbm>> -> memref<64xi32, #tpu.memory_space<hbm>>
        tpu.enqueue_dma source(%dma_start3A_377 : memref<64xi32, #tpu.memory_space<hbm>>) target(%arg16 : memref<64xi32, #tpu.memory_space<vmem>>) target_semaphore(%arg29 : memref<!tpu.dma_semaphore, #tpu.memory_space<semaphore_mem>>)
      } else {
      }
      %add3A_235 = arith.constant 2 : i32
      %add3A_236 = arith.addi %add3A_222, %add3A_235 : i32
      %lt3A_237 = arith.constant 160 : i32
      %lt3A_238 = arith.cmpi slt, %add3A_236, %lt3A_237 : i32
      %convert_element_type3A_239 = arith.extui %lt3A_238 : i1 to i32
      %cond3A_240 = arith.constant 0 : i32
      %cond3A_241 = arith.cmpi ne, %convert_element_type3A_239, %cond3A_240 : i32
      scf.if %cond3A_241 {
        %add3A_364 = arith.constant 2 : i32
        %add3A_365 = arith.addi %add3A_222, %add3A_364 : i32
        %dma_wait3A_366 = arith.constant 0 : i32
        %dma_wait3A_367 = tpu.memref_slice %arg2[%add3A, %add3A_365, %dma_wait3A_366] : memref<32x160x64xi32, #tpu.memory_space<hbm>> -> memref<1x1x64xi32, #tpu.memory_space<hbm>>
        %dma_wait3A_368 = tpu.memref_squeeze %dma_wait3A_367 : memref<1x1x64xi32, #tpu.memory_space<hbm>> -> memref<64xi32, #tpu.memory_space<hbm>>
        %dma_wait3A_369 = arith.constant 0 : i32
        %dma_wait3A_370 = tpu.memref_slice %arg2[%add3A, %add3A_365, %dma_wait3A_369] : memref<32x160x64xi32, #tpu.memory_space<hbm>> -> memref<1x1x64xi32, #tpu.memory_space<hbm>>
        %dma_wait3A_371 = tpu.memref_squeeze %dma_wait3A_370 : memref<1x1x64xi32, #tpu.memory_space<hbm>> -> memref<64xi32, #tpu.memory_space<hbm>>
        tpu.wait_dma2 semaphore(%arg33 : memref<!tpu.dma_semaphore, #tpu.memory_space<semaphore_mem>>) src(%dma_wait3A_371 : memref<64xi32, #tpu.memory_space<hbm>>) dst(%arg12 : memref<64xi32, #tpu.memory_space<vmem>>)
        %dma_wait3A_372 = arith.constant 0 : i32
        %dma_wait3A_373 = tpu.memref_slice %arg3[%add3A, %add3A_365, %dma_wait3A_372] : memref<32x160x64xi32, #tpu.memory_space<hbm>> -> memref<1x1x64xi32, #tpu.memory_space<hbm>>
        %dma_wait3A_374 = tpu.memref_squeeze %dma_wait3A_373 : memref<1x1x64xi32, #tpu.memory_space<hbm>> -> memref<64xi32, #tpu.memory_space<hbm>>
        %dma_wait3A_375 = arith.constant 0 : i32
        %dma_wait3A_376 = tpu.memref_slice %arg3[%add3A, %add3A_365, %dma_wait3A_375] : memref<32x160x64xi32, #tpu.memory_space<hbm>> -> memref<1x1x64xi32, #tpu.memory_space<hbm>>
        %dma_wait3A_377 = tpu.memref_squeeze %dma_wait3A_376 : memref<1x1x64xi32, #tpu.memory_space<hbm>> -> memref<64xi32, #tpu.memory_space<hbm>>
        tpu.wait_dma2 semaphore(%arg33 : memref<!tpu.dma_semaphore, #tpu.memory_space<semaphore_mem>>) src(%dma_wait3A_377 : memref<64xi32, #tpu.memory_space<hbm>>) dst(%arg20 : memref<64xi32, #tpu.memory_space<vmem>>)
        %dma_start3A_378 = arith.constant 0 : i32
        %dma_start3A_379 = arith.constant 0 : i32
        %dma_start3A_380 = tpu.memref_slice %arg4[%dma_start3A_378, %dma_start3A_379] : memref<10240x128xf32, #tpu.memory_space<hbm>> -> memref<10240x128xf32, #tpu.memory_space<hbm>>
        tpu.enqueue_indirect_dma source(%dma_start3A_380 : memref<10240x128xf32, #tpu.memory_space<hbm>>) target(%arg24 : memref<64x128xf32, #tpu.memory_space<vmem>>) offsets(%arg12 : memref<64xi32, #tpu.memory_space<vmem>>) semaphore(%arg37 : memref<!tpu.dma_semaphore, #tpu.memory_space<semaphore_mem>>)
      } else {
      }
      %dma_wait3A_242 = arith.constant 0 : i32
      %dma_wait3A_243 = arith.constant 0 : i32
      %dma_wait3A_244 = tpu.memref_slice %arg4[%dma_wait3A_242, %dma_wait3A_243] : memref<10240x128xf32, #tpu.memory_space<hbm>> -> memref<10240x128xf32, #tpu.memory_space<hbm>>
      tpu.wait_indirect_dma semaphore(%arg39 : memref<!tpu.dma_semaphore, #tpu.memory_space<semaphore_mem>>) src(%dma_wait3A_244 : memref<10240x128xf32, #tpu.memory_space<hbm>>) dst(%arg26 : memref<64x128xf32, #tpu.memory_space<vmem>>)
      %dma_start3A_245 = arith.constant 0 : i32
      %dma_start3A_246 = arith.constant 0 : i32
      %dma_start3A_247 = tpu.memref_slice %arg27[%dma_start3A_245, %dma_start3A_246] : memref<10240x128xf32, #tpu.memory_space<vmem_shared>> -> memref<10240x128xf32, #tpu.memory_space<vmem_shared>>
      tpu.enqueue_indirect_dma source(%arg26 : memref<64x128xf32, #tpu.memory_space<vmem>>) target(%dma_start3A_247 : memref<10240x128xf32, #tpu.memory_space<vmem_shared>>) offsets(%arg18 : memref<64xi32, #tpu.memory_space<vmem>>) semaphore(%arg43 : memref<!tpu.dma_semaphore, #tpu.memory_space<semaphore_mem>>) {add = true}
      %mul3A_248 = arith.constant 8 : i32
      %mul3A_249 = arith.muli %mul3A_248, %scan3A_135 : i32
      %add3A_250 = arith.constant 4 : i32
      %add3A_251 = arith.addi %mul3A_249, %add3A_250 : i32
      %ge3A_252 = arith.constant 2 : i32
      %ge3A_253 = arith.cmpi sge, %add3A_251, %ge3A_252 : i32
      %convert_element_type3A_254 = arith.extui %ge3A_253 : i1 to i32
      %cond3A_255 = arith.constant 0 : i32
      %cond3A_256 = arith.cmpi ne, %convert_element_type3A_254, %cond3A_255 : i32
      scf.if %cond3A_256 {
        %dma_wait3A_364 = arith.constant 0 : i32
        %dma_wait3A_365 = arith.constant 0 : i32
        %dma_wait3A_366 = tpu.memref_slice %arg27[%dma_wait3A_364, %dma_wait3A_365] : memref<10240x128xf32, #tpu.memory_space<vmem_shared>> -> memref<10240x128xf32, #tpu.memory_space<vmem_shared>>
        tpu.wait_indirect_dma semaphore(%arg42 : memref<!tpu.dma_semaphore, #tpu.memory_space<semaphore_mem>>) src(%arg25 : memref<64x128xf32, #tpu.memory_space<vmem>>) dst(%dma_wait3A_366 : memref<10240x128xf32, #tpu.memory_space<vmem_shared>>)
      } else {
      }
      %add3A_257 = arith.constant 6 : i32
      %add3A_258 = arith.addi %add3A_251, %add3A_257 : i32
      %lt3A_259 = arith.constant 160 : i32
      %lt3A_260 = arith.cmpi slt, %add3A_258, %lt3A_259 : i32
      %convert_element_type3A_261 = arith.extui %lt3A_260 : i1 to i32
      %cond3A_262 = arith.constant 0 : i32
      %cond3A_263 = arith.cmpi ne, %convert_element_type3A_261, %cond3A_262 : i32
      scf.if %cond3A_263 {
        %add3A_364 = arith.constant 6 : i32
        %add3A_365 = arith.addi %add3A_251, %add3A_364 : i32
        %dma_start3A_366 = arith.constant 0 : i32
        %dma_start3A_367 = tpu.memref_slice %arg2[%add3A, %add3A_365, %dma_start3A_366] : memref<32x160x64xi32, #tpu.memory_space<hbm>> -> memref<1x1x64xi32, #tpu.memory_space<hbm>>
        %dma_start3A_368 = tpu.memref_squeeze %dma_start3A_367 : memref<1x1x64xi32, #tpu.memory_space<hbm>> -> memref<64xi32, #tpu.memory_space<hbm>>
        %dma_start3A_369 = arith.constant 0 : i32
        %dma_start3A_370 = tpu.memref_slice %arg2[%add3A, %add3A_365, %dma_start3A_369] : memref<32x160x64xi32, #tpu.memory_space<hbm>> -> memref<1x1x64xi32, #tpu.memory_space<hbm>>
        %dma_start3A_371 = tpu.memref_squeeze %dma_start3A_370 : memref<1x1x64xi32, #tpu.memory_space<hbm>> -> memref<64xi32, #tpu.memory_space<hbm>>
        tpu.enqueue_dma source(%dma_start3A_371 : memref<64xi32, #tpu.memory_space<hbm>>) target(%arg9 : memref<64xi32, #tpu.memory_space<vmem>>) target_semaphore(%arg30 : memref<!tpu.dma_semaphore, #tpu.memory_space<semaphore_mem>>)
        %dma_start3A_372 = arith.constant 0 : i32
        %dma_start3A_373 = tpu.memref_slice %arg3[%add3A, %add3A_365, %dma_start3A_372] : memref<32x160x64xi32, #tpu.memory_space<hbm>> -> memref<1x1x64xi32, #tpu.memory_space<hbm>>
        %dma_start3A_374 = tpu.memref_squeeze %dma_start3A_373 : memref<1x1x64xi32, #tpu.memory_space<hbm>> -> memref<64xi32, #tpu.memory_space<hbm>>
        %dma_start3A_375 = arith.constant 0 : i32
        %dma_start3A_376 = tpu.memref_slice %arg3[%add3A, %add3A_365, %dma_start3A_375] : memref<32x160x64xi32, #tpu.memory_space<hbm>> -> memref<1x1x64xi32, #tpu.memory_space<hbm>>
        %dma_start3A_377 = tpu.memref_squeeze %dma_start3A_376 : memref<1x1x64xi32, #tpu.memory_space<hbm>> -> memref<64xi32, #tpu.memory_space<hbm>>
        tpu.enqueue_dma source(%dma_start3A_377 : memref<64xi32, #tpu.memory_space<hbm>>) target(%arg17 : memref<64xi32, #tpu.memory_space<vmem>>) target_semaphore(%arg30 : memref<!tpu.dma_semaphore, #tpu.memory_space<semaphore_mem>>)
      } else {
      }
      %add3A_264 = arith.constant 2 : i32
      %add3A_265 = arith.addi %add3A_251, %add3A_264 : i32
      %lt3A_266 = arith.constant 160 : i32
      %lt3A_267 = arith.cmpi slt, %add3A_265, %lt3A_266 : i32
      %convert_element_type3A_268 = arith.extui %lt3A_267 : i1 to i32
      %cond3A_269 = arith.constant 0 : i32
      %cond3A_270 = arith.cmpi ne, %convert_element_type3A_268, %cond3A_269 : i32
      scf.if %cond3A_270 {
        %add3A_364 = arith.constant 2 : i32
        %add3A_365 = arith.addi %add3A_251, %add3A_364 : i32
        %dma_wait3A_366 = arith.constant 0 : i32
        %dma_wait3A_367 = tpu.memref_slice %arg2[%add3A, %add3A_365, %dma_wait3A_366] : memref<32x160x64xi32, #tpu.memory_space<hbm>> -> memref<1x1x64xi32, #tpu.memory_space<hbm>>
        %dma_wait3A_368 = tpu.memref_squeeze %dma_wait3A_367 : memref<1x1x64xi32, #tpu.memory_space<hbm>> -> memref<64xi32, #tpu.memory_space<hbm>>
        %dma_wait3A_369 = arith.constant 0 : i32
        %dma_wait3A_370 = tpu.memref_slice %arg2[%add3A, %add3A_365, %dma_wait3A_369] : memref<32x160x64xi32, #tpu.memory_space<hbm>> -> memref<1x1x64xi32, #tpu.memory_space<hbm>>
        %dma_wait3A_371 = tpu.memref_squeeze %dma_wait3A_370 : memref<1x1x64xi32, #tpu.memory_space<hbm>> -> memref<64xi32, #tpu.memory_space<hbm>>
        tpu.wait_dma2 semaphore(%arg34 : memref<!tpu.dma_semaphore, #tpu.memory_space<semaphore_mem>>) src(%dma_wait3A_371 : memref<64xi32, #tpu.memory_space<hbm>>) dst(%arg13 : memref<64xi32, #tpu.memory_space<vmem>>)
        %dma_wait3A_372 = arith.constant 0 : i32
        %dma_wait3A_373 = tpu.memref_slice %arg3[%add3A, %add3A_365, %dma_wait3A_372] : memref<32x160x64xi32, #tpu.memory_space<hbm>> -> memref<1x1x64xi32, #tpu.memory_space<hbm>>
        %dma_wait3A_374 = tpu.memref_squeeze %dma_wait3A_373 : memref<1x1x64xi32, #tpu.memory_space<hbm>> -> memref<64xi32, #tpu.memory_space<hbm>>
        %dma_wait3A_375 = arith.constant 0 : i32
        %dma_wait3A_376 = tpu.memref_slice %arg3[%add3A, %add3A_365, %dma_wait3A_375] : memref<32x160x64xi32, #tpu.memory_space<hbm>> -> memref<1x1x64xi32, #tpu.memory_space<hbm>>
        %dma_wait3A_377 = tpu.memref_squeeze %dma_wait3A_376 : memref<1x1x64xi32, #tpu.memory_space<hbm>> -> memref<64xi32, #tpu.memory_space<hbm>>
        tpu.wait_dma2 semaphore(%arg34 : memref<!tpu.dma_semaphore, #tpu.memory_space<semaphore_mem>>) src(%dma_wait3A_377 : memref<64xi32, #tpu.memory_space<hbm>>) dst(%arg21 : memref<64xi32, #tpu.memory_space<vmem>>)
        %dma_start3A_378 = arith.constant 0 : i32
        %dma_start3A_379 = arith.constant 0 : i32
        %dma_start3A_380 = tpu.memref_slice %arg4[%dma_start3A_378, %dma_start3A_379] : memref<10240x128xf32, #tpu.memory_space<hbm>> -> memref<10240x128xf32, #tpu.memory_space<hbm>>
        tpu.enqueue_indirect_dma source(%dma_start3A_380 : memref<10240x128xf32, #tpu.memory_space<hbm>>) target(%arg25 : memref<64x128xf32, #tpu.memory_space<vmem>>) offsets(%arg13 : memref<64xi32, #tpu.memory_space<vmem>>) semaphore(%arg38 : memref<!tpu.dma_semaphore, #tpu.memory_space<semaphore_mem>>)
      } else {
      }
      %dma_wait3A_271 = arith.constant 0 : i32
      %dma_wait3A_272 = arith.constant 0 : i32
      %dma_wait3A_273 = tpu.memref_slice %arg4[%dma_wait3A_271, %dma_wait3A_272] : memref<10240x128xf32, #tpu.memory_space<hbm>> -> memref<10240x128xf32, #tpu.memory_space<hbm>>
      tpu.wait_indirect_dma semaphore(%arg36 : memref<!tpu.dma_semaphore, #tpu.memory_space<semaphore_mem>>) src(%dma_wait3A_273 : memref<10240x128xf32, #tpu.memory_space<hbm>>) dst(%arg23 : memref<64x128xf32, #tpu.memory_space<vmem>>)
      %dma_start3A_274 = arith.constant 0 : i32
      %dma_start3A_275 = arith.constant 0 : i32
      %dma_start3A_276 = tpu.memref_slice %arg27[%dma_start3A_274, %dma_start3A_275] : memref<10240x128xf32, #tpu.memory_space<vmem_shared>> -> memref<10240x128xf32, #tpu.memory_space<vmem_shared>>
      tpu.enqueue_indirect_dma source(%arg23 : memref<64x128xf32, #tpu.memory_space<vmem>>) target(%dma_start3A_276 : memref<10240x128xf32, #tpu.memory_space<vmem_shared>>) offsets(%arg19 : memref<64xi32, #tpu.memory_space<vmem>>) semaphore(%arg40 : memref<!tpu.dma_semaphore, #tpu.memory_space<semaphore_mem>>) {add = true}
      %mul3A_277 = arith.constant 8 : i32
      %mul3A_278 = arith.muli %mul3A_277, %scan3A_135 : i32
      %add3A_279 = arith.constant 5 : i32
      %add3A_280 = arith.addi %mul3A_278, %add3A_279 : i32
      %ge3A_281 = arith.constant 2 : i32
      %ge3A_282 = arith.cmpi sge, %add3A_280, %ge3A_281 : i32
      %convert_element_type3A_283 = arith.extui %ge3A_282 : i1 to i32
      %cond3A_284 = arith.constant 0 : i32
      %cond3A_285 = arith.cmpi ne, %convert_element_type3A_283, %cond3A_284 : i32
      scf.if %cond3A_285 {
        %dma_wait3A_364 = arith.constant 0 : i32
        %dma_wait3A_365 = arith.constant 0 : i32
        %dma_wait3A_366 = tpu.memref_slice %arg27[%dma_wait3A_364, %dma_wait3A_365] : memref<10240x128xf32, #tpu.memory_space<vmem_shared>> -> memref<10240x128xf32, #tpu.memory_space<vmem_shared>>
        tpu.wait_indirect_dma semaphore(%arg43 : memref<!tpu.dma_semaphore, #tpu.memory_space<semaphore_mem>>) src(%arg26 : memref<64x128xf32, #tpu.memory_space<vmem>>) dst(%dma_wait3A_366 : memref<10240x128xf32, #tpu.memory_space<vmem_shared>>)
      } else {
      }
      %add3A_286 = arith.constant 6 : i32
      %add3A_287 = arith.addi %add3A_280, %add3A_286 : i32
      %lt3A_288 = arith.constant 160 : i32
      %lt3A_289 = arith.cmpi slt, %add3A_287, %lt3A_288 : i32
      %convert_element_type3A_290 = arith.extui %lt3A_289 : i1 to i32
      %cond3A_291 = arith.constant 0 : i32
      %cond3A_292 = arith.cmpi ne, %convert_element_type3A_290, %cond3A_291 : i32
      scf.if %cond3A_292 {
        %add3A_364 = arith.constant 6 : i32
        %add3A_365 = arith.addi %add3A_280, %add3A_364 : i32
        %dma_start3A_366 = arith.constant 0 : i32
        %dma_start3A_367 = tpu.memref_slice %arg2[%add3A, %add3A_365, %dma_start3A_366] : memref<32x160x64xi32, #tpu.memory_space<hbm>> -> memref<1x1x64xi32, #tpu.memory_space<hbm>>
        %dma_start3A_368 = tpu.memref_squeeze %dma_start3A_367 : memref<1x1x64xi32, #tpu.memory_space<hbm>> -> memref<64xi32, #tpu.memory_space<hbm>>
        %dma_start3A_369 = arith.constant 0 : i32
        %dma_start3A_370 = tpu.memref_slice %arg2[%add3A, %add3A_365, %dma_start3A_369] : memref<32x160x64xi32, #tpu.memory_space<hbm>> -> memref<1x1x64xi32, #tpu.memory_space<hbm>>
        %dma_start3A_371 = tpu.memref_squeeze %dma_start3A_370 : memref<1x1x64xi32, #tpu.memory_space<hbm>> -> memref<64xi32, #tpu.memory_space<hbm>>
        tpu.enqueue_dma source(%dma_start3A_371 : memref<64xi32, #tpu.memory_space<hbm>>) target(%arg10 : memref<64xi32, #tpu.memory_space<vmem>>) target_semaphore(%arg31 : memref<!tpu.dma_semaphore, #tpu.memory_space<semaphore_mem>>)
        %dma_start3A_372 = arith.constant 0 : i32
        %dma_start3A_373 = tpu.memref_slice %arg3[%add3A, %add3A_365, %dma_start3A_372] : memref<32x160x64xi32, #tpu.memory_space<hbm>> -> memref<1x1x64xi32, #tpu.memory_space<hbm>>
        %dma_start3A_374 = tpu.memref_squeeze %dma_start3A_373 : memref<1x1x64xi32, #tpu.memory_space<hbm>> -> memref<64xi32, #tpu.memory_space<hbm>>
        %dma_start3A_375 = arith.constant 0 : i32
        %dma_start3A_376 = tpu.memref_slice %arg3[%add3A, %add3A_365, %dma_start3A_375] : memref<32x160x64xi32, #tpu.memory_space<hbm>> -> memref<1x1x64xi32, #tpu.memory_space<hbm>>
        %dma_start3A_377 = tpu.memref_squeeze %dma_start3A_376 : memref<1x1x64xi32, #tpu.memory_space<hbm>> -> memref<64xi32, #tpu.memory_space<hbm>>
        tpu.enqueue_dma source(%dma_start3A_377 : memref<64xi32, #tpu.memory_space<hbm>>) target(%arg18 : memref<64xi32, #tpu.memory_space<vmem>>) target_semaphore(%arg31 : memref<!tpu.dma_semaphore, #tpu.memory_space<semaphore_mem>>)
      } else {
      }
      %add3A_293 = arith.constant 2 : i32
      %add3A_294 = arith.addi %add3A_280, %add3A_293 : i32
      %lt3A_295 = arith.constant 160 : i32
      %lt3A_296 = arith.cmpi slt, %add3A_294, %lt3A_295 : i32
      %convert_element_type3A_297 = arith.extui %lt3A_296 : i1 to i32
      %cond3A_298 = arith.constant 0 : i32
      %cond3A_299 = arith.cmpi ne, %convert_element_type3A_297, %cond3A_298 : i32
      scf.if %cond3A_299 {
        %add3A_364 = arith.constant 2 : i32
        %add3A_365 = arith.addi %add3A_280, %add3A_364 : i32
        %dma_wait3A_366 = arith.constant 0 : i32
        %dma_wait3A_367 = tpu.memref_slice %arg2[%add3A, %add3A_365, %dma_wait3A_366] : memref<32x160x64xi32, #tpu.memory_space<hbm>> -> memref<1x1x64xi32, #tpu.memory_space<hbm>>
        %dma_wait3A_368 = tpu.memref_squeeze %dma_wait3A_367 : memref<1x1x64xi32, #tpu.memory_space<hbm>> -> memref<64xi32, #tpu.memory_space<hbm>>
        %dma_wait3A_369 = arith.constant 0 : i32
        %dma_wait3A_370 = tpu.memref_slice %arg2[%add3A, %add3A_365, %dma_wait3A_369] : memref<32x160x64xi32, #tpu.memory_space<hbm>> -> memref<1x1x64xi32, #tpu.memory_space<hbm>>
        %dma_wait3A_371 = tpu.memref_squeeze %dma_wait3A_370 : memref<1x1x64xi32, #tpu.memory_space<hbm>> -> memref<64xi32, #tpu.memory_space<hbm>>
        tpu.wait_dma2 semaphore(%arg35 : memref<!tpu.dma_semaphore, #tpu.memory_space<semaphore_mem>>) src(%dma_wait3A_371 : memref<64xi32, #tpu.memory_space<hbm>>) dst(%arg14 : memref<64xi32, #tpu.memory_space<vmem>>)
        %dma_wait3A_372 = arith.constant 0 : i32
        %dma_wait3A_373 = tpu.memref_slice %arg3[%add3A, %add3A_365, %dma_wait3A_372] : memref<32x160x64xi32, #tpu.memory_space<hbm>> -> memref<1x1x64xi32, #tpu.memory_space<hbm>>
        %dma_wait3A_374 = tpu.memref_squeeze %dma_wait3A_373 : memref<1x1x64xi32, #tpu.memory_space<hbm>> -> memref<64xi32, #tpu.memory_space<hbm>>
        %dma_wait3A_375 = arith.constant 0 : i32
        %dma_wait3A_376 = tpu.memref_slice %arg3[%add3A, %add3A_365, %dma_wait3A_375] : memref<32x160x64xi32, #tpu.memory_space<hbm>> -> memref<1x1x64xi32, #tpu.memory_space<hbm>>
        %dma_wait3A_377 = tpu.memref_squeeze %dma_wait3A_376 : memref<1x1x64xi32, #tpu.memory_space<hbm>> -> memref<64xi32, #tpu.memory_space<hbm>>
        tpu.wait_dma2 semaphore(%arg35 : memref<!tpu.dma_semaphore, #tpu.memory_space<semaphore_mem>>) src(%dma_wait3A_377 : memref<64xi32, #tpu.memory_space<hbm>>) dst(%arg22 : memref<64xi32, #tpu.memory_space<vmem>>)
        %dma_start3A_378 = arith.constant 0 : i32
        %dma_start3A_379 = arith.constant 0 : i32
        %dma_start3A_380 = tpu.memref_slice %arg4[%dma_start3A_378, %dma_start3A_379] : memref<10240x128xf32, #tpu.memory_space<hbm>> -> memref<10240x128xf32, #tpu.memory_space<hbm>>
        tpu.enqueue_indirect_dma source(%dma_start3A_380 : memref<10240x128xf32, #tpu.memory_space<hbm>>) target(%arg26 : memref<64x128xf32, #tpu.memory_space<vmem>>) offsets(%arg14 : memref<64xi32, #tpu.memory_space<vmem>>) semaphore(%arg39 : memref<!tpu.dma_semaphore, #tpu.memory_space<semaphore_mem>>)
      } else {
      }
      %dma_wait3A_300 = arith.constant 0 : i32
      %dma_wait3A_301 = arith.constant 0 : i32
      %dma_wait3A_302 = tpu.memref_slice %arg4[%dma_wait3A_300, %dma_wait3A_301] : memref<10240x128xf32, #tpu.memory_space<hbm>> -> memref<10240x128xf32, #tpu.memory_space<hbm>>
      tpu.wait_indirect_dma semaphore(%arg37 : memref<!tpu.dma_semaphore, #tpu.memory_space<semaphore_mem>>) src(%dma_wait3A_302 : memref<10240x128xf32, #tpu.memory_space<hbm>>) dst(%arg24 : memref<64x128xf32, #tpu.memory_space<vmem>>)
      %dma_start3A_303 = arith.constant 0 : i32
      %dma_start3A_304 = arith.constant 0 : i32
      %dma_start3A_305 = tpu.memref_slice %arg27[%dma_start3A_303, %dma_start3A_304] : memref<10240x128xf32, #tpu.memory_space<vmem_shared>> -> memref<10240x128xf32, #tpu.memory_space<vmem_shared>>
      tpu.enqueue_indirect_dma source(%arg24 : memref<64x128xf32, #tpu.memory_space<vmem>>) target(%dma_start3A_305 : memref<10240x128xf32, #tpu.memory_space<vmem_shared>>) offsets(%arg20 : memref<64xi32, #tpu.memory_space<vmem>>) semaphore(%arg41 : memref<!tpu.dma_semaphore, #tpu.memory_space<semaphore_mem>>) {add = true}
      %mul3A_306 = arith.constant 8 : i32
      %mul3A_307 = arith.muli %mul3A_306, %scan3A_135 : i32
      %add3A_308 = arith.constant 6 : i32
      %add3A_309 = arith.addi %mul3A_307, %add3A_308 : i32
      %ge3A_310 = arith.constant 2 : i32
      %ge3A_311 = arith.cmpi sge, %add3A_309, %ge3A_310 : i32
      %convert_element_type3A_312 = arith.extui %ge3A_311 : i1 to i32
      %cond3A_313 = arith.constant 0 : i32
      %cond3A_314 = arith.cmpi ne, %convert_element_type3A_312, %cond3A_313 : i32
      scf.if %cond3A_314 {
        %dma_wait3A_364 = arith.constant 0 : i32
        %dma_wait3A_365 = arith.constant 0 : i32
        %dma_wait3A_366 = tpu.memref_slice %arg27[%dma_wait3A_364, %dma_wait3A_365] : memref<10240x128xf32, #tpu.memory_space<vmem_shared>> -> memref<10240x128xf32, #tpu.memory_space<vmem_shared>>
        tpu.wait_indirect_dma semaphore(%arg40 : memref<!tpu.dma_semaphore, #tpu.memory_space<semaphore_mem>>) src(%arg23 : memref<64x128xf32, #tpu.memory_space<vmem>>) dst(%dma_wait3A_366 : memref<10240x128xf32, #tpu.memory_space<vmem_shared>>)
      } else {
      }
      %add3A_315 = arith.constant 6 : i32
      %add3A_316 = arith.addi %add3A_309, %add3A_315 : i32
      %lt3A_317 = arith.constant 160 : i32
      %lt3A_318 = arith.cmpi slt, %add3A_316, %lt3A_317 : i32
      %convert_element_type3A_319 = arith.extui %lt3A_318 : i1 to i32
      %cond3A_320 = arith.constant 0 : i32
      %cond3A_321 = arith.cmpi ne, %convert_element_type3A_319, %cond3A_320 : i32
      scf.if %cond3A_321 {
        %add3A_364 = arith.constant 6 : i32
        %add3A_365 = arith.addi %add3A_309, %add3A_364 : i32
        %dma_start3A_366 = arith.constant 0 : i32
        %dma_start3A_367 = tpu.memref_slice %arg2[%add3A, %add3A_365, %dma_start3A_366] : memref<32x160x64xi32, #tpu.memory_space<hbm>> -> memref<1x1x64xi32, #tpu.memory_space<hbm>>
        %dma_start3A_368 = tpu.memref_squeeze %dma_start3A_367 : memref<1x1x64xi32, #tpu.memory_space<hbm>> -> memref<64xi32, #tpu.memory_space<hbm>>
        %dma_start3A_369 = arith.constant 0 : i32
        %dma_start3A_370 = tpu.memref_slice %arg2[%add3A, %add3A_365, %dma_start3A_369] : memref<32x160x64xi32, #tpu.memory_space<hbm>> -> memref<1x1x64xi32, #tpu.memory_space<hbm>>
        %dma_start3A_371 = tpu.memref_squeeze %dma_start3A_370 : memref<1x1x64xi32, #tpu.memory_space<hbm>> -> memref<64xi32, #tpu.memory_space<hbm>>
        tpu.enqueue_dma source(%dma_start3A_371 : memref<64xi32, #tpu.memory_space<hbm>>) target(%arg11 : memref<64xi32, #tpu.memory_space<vmem>>) target_semaphore(%arg32 : memref<!tpu.dma_semaphore, #tpu.memory_space<semaphore_mem>>)
        %dma_start3A_372 = arith.constant 0 : i32
        %dma_start3A_373 = tpu.memref_slice %arg3[%add3A, %add3A_365, %dma_start3A_372] : memref<32x160x64xi32, #tpu.memory_space<hbm>> -> memref<1x1x64xi32, #tpu.memory_space<hbm>>
        %dma_start3A_374 = tpu.memref_squeeze %dma_start3A_373 : memref<1x1x64xi32, #tpu.memory_space<hbm>> -> memref<64xi32, #tpu.memory_space<hbm>>
        %dma_start3A_375 = arith.constant 0 : i32
        %dma_start3A_376 = tpu.memref_slice %arg3[%add3A, %add3A_365, %dma_start3A_375] : memref<32x160x64xi32, #tpu.memory_space<hbm>> -> memref<1x1x64xi32, #tpu.memory_space<hbm>>
        %dma_start3A_377 = tpu.memref_squeeze %dma_start3A_376 : memref<1x1x64xi32, #tpu.memory_space<hbm>> -> memref<64xi32, #tpu.memory_space<hbm>>
        tpu.enqueue_dma source(%dma_start3A_377 : memref<64xi32, #tpu.memory_space<hbm>>) target(%arg19 : memref<64xi32, #tpu.memory_space<vmem>>) target_semaphore(%arg32 : memref<!tpu.dma_semaphore, #tpu.memory_space<semaphore_mem>>)
      } else {
      }
      %add3A_322 = arith.constant 2 : i32
      %add3A_323 = arith.addi %add3A_309, %add3A_322 : i32
      %lt3A_324 = arith.constant 160 : i32
      %lt3A_325 = arith.cmpi slt, %add3A_323, %lt3A_324 : i32
      %convert_element_type3A_326 = arith.extui %lt3A_325 : i1 to i32
      %cond3A_327 = arith.constant 0 : i32
      %cond3A_328 = arith.cmpi ne, %convert_element_type3A_326, %cond3A_327 : i32
      scf.if %cond3A_328 {
        %add3A_364 = arith.constant 2 : i32
        %add3A_365 = arith.addi %add3A_309, %add3A_364 : i32
        %dma_wait3A_366 = arith.constant 0 : i32
        %dma_wait3A_367 = tpu.memref_slice %arg2[%add3A, %add3A_365, %dma_wait3A_366] : memref<32x160x64xi32, #tpu.memory_space<hbm>> -> memref<1x1x64xi32, #tpu.memory_space<hbm>>
        %dma_wait3A_368 = tpu.memref_squeeze %dma_wait3A_367 : memref<1x1x64xi32, #tpu.memory_space<hbm>> -> memref<64xi32, #tpu.memory_space<hbm>>
        %dma_wait3A_369 = arith.constant 0 : i32
        %dma_wait3A_370 = tpu.memref_slice %arg2[%add3A, %add3A_365, %dma_wait3A_369] : memref<32x160x64xi32, #tpu.memory_space<hbm>> -> memref<1x1x64xi32, #tpu.memory_space<hbm>>
        %dma_wait3A_371 = tpu.memref_squeeze %dma_wait3A_370 : memref<1x1x64xi32, #tpu.memory_space<hbm>> -> memref<64xi32, #tpu.memory_space<hbm>>
        tpu.wait_dma2 semaphore(%arg28 : memref<!tpu.dma_semaphore, #tpu.memory_space<semaphore_mem>>) src(%dma_wait3A_371 : memref<64xi32, #tpu.memory_space<hbm>>) dst(%arg7 : memref<64xi32, #tpu.memory_space<vmem>>)
        %dma_wait3A_372 = arith.constant 0 : i32
        %dma_wait3A_373 = tpu.memref_slice %arg3[%add3A, %add3A_365, %dma_wait3A_372] : memref<32x160x64xi32, #tpu.memory_space<hbm>> -> memref<1x1x64xi32, #tpu.memory_space<hbm>>
        %dma_wait3A_374 = tpu.memref_squeeze %dma_wait3A_373 : memref<1x1x64xi32, #tpu.memory_space<hbm>> -> memref<64xi32, #tpu.memory_space<hbm>>
        %dma_wait3A_375 = arith.constant 0 : i32
        %dma_wait3A_376 = tpu.memref_slice %arg3[%add3A, %add3A_365, %dma_wait3A_375] : memref<32x160x64xi32, #tpu.memory_space<hbm>> -> memref<1x1x64xi32, #tpu.memory_space<hbm>>
        %dma_wait3A_377 = tpu.memref_squeeze %dma_wait3A_376 : memref<1x1x64xi32, #tpu.memory_space<hbm>> -> memref<64xi32, #tpu.memory_space<hbm>>
        tpu.wait_dma2 semaphore(%arg28 : memref<!tpu.dma_semaphore, #tpu.memory_space<semaphore_mem>>) src(%dma_wait3A_377 : memref<64xi32, #tpu.memory_space<hbm>>) dst(%arg15 : memref<64xi32, #tpu.memory_space<vmem>>)
        %dma_start3A_378 = arith.constant 0 : i32
        %dma_start3A_379 = arith.constant 0 : i32
        %dma_start3A_380 = tpu.memref_slice %arg4[%dma_start3A_378, %dma_start3A_379] : memref<10240x128xf32, #tpu.memory_space<hbm>> -> memref<10240x128xf32, #tpu.memory_space<hbm>>
        tpu.enqueue_indirect_dma source(%dma_start3A_380 : memref<10240x128xf32, #tpu.memory_space<hbm>>) target(%arg23 : memref<64x128xf32, #tpu.memory_space<vmem>>) offsets(%arg7 : memref<64xi32, #tpu.memory_space<vmem>>) semaphore(%arg36 : memref<!tpu.dma_semaphore, #tpu.memory_space<semaphore_mem>>)
      } else {
      }
      %dma_wait3A_329 = arith.constant 0 : i32
      %dma_wait3A_330 = arith.constant 0 : i32
      %dma_wait3A_331 = tpu.memref_slice %arg4[%dma_wait3A_329, %dma_wait3A_330] : memref<10240x128xf32, #tpu.memory_space<hbm>> -> memref<10240x128xf32, #tpu.memory_space<hbm>>
      tpu.wait_indirect_dma semaphore(%arg38 : memref<!tpu.dma_semaphore, #tpu.memory_space<semaphore_mem>>) src(%dma_wait3A_331 : memref<10240x128xf32, #tpu.memory_space<hbm>>) dst(%arg25 : memref<64x128xf32, #tpu.memory_space<vmem>>)
      %dma_start3A_332 = arith.constant 0 : i32
      %dma_start3A_333 = arith.constant 0 : i32
      %dma_start3A_334 = tpu.memref_slice %arg27[%dma_start3A_332, %dma_start3A_333] : memref<10240x128xf32, #tpu.memory_space<vmem_shared>> -> memref<10240x128xf32, #tpu.memory_space<vmem_shared>>
      tpu.enqueue_indirect_dma source(%arg25 : memref<64x128xf32, #tpu.memory_space<vmem>>) target(%dma_start3A_334 : memref<10240x128xf32, #tpu.memory_space<vmem_shared>>) offsets(%arg21 : memref<64xi32, #tpu.memory_space<vmem>>) semaphore(%arg42 : memref<!tpu.dma_semaphore, #tpu.memory_space<semaphore_mem>>) {add = true}
      %mul3A_335 = arith.constant 8 : i32
      %mul3A_336 = arith.muli %mul3A_335, %scan3A_135 : i32
      %add3A_337 = arith.constant 7 : i32
      %add3A_338 = arith.addi %mul3A_336, %add3A_337 : i32
      %ge3A_339 = arith.constant 2 : i32
      %ge3A_340 = arith.cmpi sge, %add3A_338, %ge3A_339 : i32
      %convert_element_type3A_341 = arith.extui %ge3A_340 : i1 to i32
      %cond3A_342 = arith.constant 0 : i32
      %cond3A_343 = arith.cmpi ne, %convert_element_type3A_341, %cond3A_342 : i32
      scf.if %cond3A_343 {
        %dma_wait3A_364 = arith.constant 0 : i32
        %dma_wait3A_365 = arith.constant 0 : i32
        %dma_wait3A_366 = tpu.memref_slice %arg27[%dma_wait3A_364, %dma_wait3A_365] : memref<10240x128xf32, #tpu.memory_space<vmem_shared>> -> memref<10240x128xf32, #tpu.memory_space<vmem_shared>>
        tpu.wait_indirect_dma semaphore(%arg41 : memref<!tpu.dma_semaphore, #tpu.memory_space<semaphore_mem>>) src(%arg24 : memref<64x128xf32, #tpu.memory_space<vmem>>) dst(%dma_wait3A_366 : memref<10240x128xf32, #tpu.memory_space<vmem_shared>>)
      } else {
      }
      %add3A_344 = arith.constant 6 : i32
      %add3A_345 = arith.addi %add3A_338, %add3A_344 : i32
      %lt3A_346 = arith.constant 160 : i32
      %lt3A_347 = arith.cmpi slt, %add3A_345, %lt3A_346 : i32
      %convert_element_type3A_348 = arith.extui %lt3A_347 : i1 to i32
      %cond3A_349 = arith.constant 0 : i32
      %cond3A_350 = arith.cmpi ne, %convert_element_type3A_348, %cond3A_349 : i32
      scf.if %cond3A_350 {
        %add3A_364 = arith.constant 6 : i32
        %add3A_365 = arith.addi %add3A_338, %add3A_364 : i32
        %dma_start3A_366 = arith.constant 0 : i32
        %dma_start3A_367 = tpu.memref_slice %arg2[%add3A, %add3A_365, %dma_start3A_366] : memref<32x160x64xi32, #tpu.memory_space<hbm>> -> memref<1x1x64xi32, #tpu.memory_space<hbm>>
        %dma_start3A_368 = tpu.memref_squeeze %dma_start3A_367 : memref<1x1x64xi32, #tpu.memory_space<hbm>> -> memref<64xi32, #tpu.memory_space<hbm>>
        %dma_start3A_369 = arith.constant 0 : i32
        %dma_start3A_370 = tpu.memref_slice %arg2[%add3A, %add3A_365, %dma_start3A_369] : memref<32x160x64xi32, #tpu.memory_space<hbm>> -> memref<1x1x64xi32, #tpu.memory_space<hbm>>
        %dma_start3A_371 = tpu.memref_squeeze %dma_start3A_370 : memref<1x1x64xi32, #tpu.memory_space<hbm>> -> memref<64xi32, #tpu.memory_space<hbm>>
        tpu.enqueue_dma source(%dma_start3A_371 : memref<64xi32, #tpu.memory_space<hbm>>) target(%arg12 : memref<64xi32, #tpu.memory_space<vmem>>) target_semaphore(%arg33 : memref<!tpu.dma_semaphore, #tpu.memory_space<semaphore_mem>>)
        %dma_start3A_372 = arith.constant 0 : i32
        %dma_start3A_373 = tpu.memref_slice %arg3[%add3A, %add3A_365, %dma_start3A_372] : memref<32x160x64xi32, #tpu.memory_space<hbm>> -> memref<1x1x64xi32, #tpu.memory_space<hbm>>
        %dma_start3A_374 = tpu.memref_squeeze %dma_start3A_373 : memref<1x1x64xi32, #tpu.memory_space<hbm>> -> memref<64xi32, #tpu.memory_space<hbm>>
        %dma_start3A_375 = arith.constant 0 : i32
        %dma_start3A_376 = tpu.memref_slice %arg3[%add3A, %add3A_365, %dma_start3A_375] : memref<32x160x64xi32, #tpu.memory_space<hbm>> -> memref<1x1x64xi32, #tpu.memory_space<hbm>>
        %dma_start3A_377 = tpu.memref_squeeze %dma_start3A_376 : memref<1x1x64xi32, #tpu.memory_space<hbm>> -> memref<64xi32, #tpu.memory_space<hbm>>
        tpu.enqueue_dma source(%dma_start3A_377 : memref<64xi32, #tpu.memory_space<hbm>>) target(%arg20 : memref<64xi32, #tpu.memory_space<vmem>>) target_semaphore(%arg33 : memref<!tpu.dma_semaphore, #tpu.memory_space<semaphore_mem>>)
      } else {
      }
      %add3A_351 = arith.constant 2 : i32
      %add3A_352 = arith.addi %add3A_338, %add3A_351 : i32
      %lt3A_353 = arith.constant 160 : i32
      %lt3A_354 = arith.cmpi slt, %add3A_352, %lt3A_353 : i32
      %convert_element_type3A_355 = arith.extui %lt3A_354 : i1 to i32
      %cond3A_356 = arith.constant 0 : i32
      %cond3A_357 = arith.cmpi ne, %convert_element_type3A_355, %cond3A_356 : i32
      scf.if %cond3A_357 {
        %add3A_364 = arith.constant 2 : i32
        %add3A_365 = arith.addi %add3A_338, %add3A_364 : i32
        %dma_wait3A_366 = arith.constant 0 : i32
        %dma_wait3A_367 = tpu.memref_slice %arg2[%add3A, %add3A_365, %dma_wait3A_366] : memref<32x160x64xi32, #tpu.memory_space<hbm>> -> memref<1x1x64xi32, #tpu.memory_space<hbm>>
        %dma_wait3A_368 = tpu.memref_squeeze %dma_wait3A_367 : memref<1x1x64xi32, #tpu.memory_space<hbm>> -> memref<64xi32, #tpu.memory_space<hbm>>
        %dma_wait3A_369 = arith.constant 0 : i32
        %dma_wait3A_370 = tpu.memref_slice %arg2[%add3A, %add3A_365, %dma_wait3A_369] : memref<32x160x64xi32, #tpu.memory_space<hbm>> -> memref<1x1x64xi32, #tpu.memory_space<hbm>>
        %dma_wait3A_371 = tpu.memref_squeeze %dma_wait3A_370 : memref<1x1x64xi32, #tpu.memory_space<hbm>> -> memref<64xi32, #tpu.memory_space<hbm>>
        tpu.wait_dma2 semaphore(%arg29 : memref<!tpu.dma_semaphore, #tpu.memory_space<semaphore_mem>>) src(%dma_wait3A_371 : memref<64xi32, #tpu.memory_space<hbm>>) dst(%arg8 : memref<64xi32, #tpu.memory_space<vmem>>)
        %dma_wait3A_372 = arith.constant 0 : i32
        %dma_wait3A_373 = tpu.memref_slice %arg3[%add3A, %add3A_365, %dma_wait3A_372] : memref<32x160x64xi32, #tpu.memory_space<hbm>> -> memref<1x1x64xi32, #tpu.memory_space<hbm>>
        %dma_wait3A_374 = tpu.memref_squeeze %dma_wait3A_373 : memref<1x1x64xi32, #tpu.memory_space<hbm>> -> memref<64xi32, #tpu.memory_space<hbm>>
        %dma_wait3A_375 = arith.constant 0 : i32
        %dma_wait3A_376 = tpu.memref_slice %arg3[%add3A, %add3A_365, %dma_wait3A_375] : memref<32x160x64xi32, #tpu.memory_space<hbm>> -> memref<1x1x64xi32, #tpu.memory_space<hbm>>
        %dma_wait3A_377 = tpu.memref_squeeze %dma_wait3A_376 : memref<1x1x64xi32, #tpu.memory_space<hbm>> -> memref<64xi32, #tpu.memory_space<hbm>>
        tpu.wait_dma2 semaphore(%arg29 : memref<!tpu.dma_semaphore, #tpu.memory_space<semaphore_mem>>) src(%dma_wait3A_377 : memref<64xi32, #tpu.memory_space<hbm>>) dst(%arg16 : memref<64xi32, #tpu.memory_space<vmem>>)
        %dma_start3A_378 = arith.constant 0 : i32
        %dma_start3A_379 = arith.constant 0 : i32
        %dma_start3A_380 = tpu.memref_slice %arg4[%dma_start3A_378, %dma_start3A_379] : memref<10240x128xf32, #tpu.memory_space<hbm>> -> memref<10240x128xf32, #tpu.memory_space<hbm>>
        tpu.enqueue_indirect_dma source(%dma_start3A_380 : memref<10240x128xf32, #tpu.memory_space<hbm>>) target(%arg24 : memref<64x128xf32, #tpu.memory_space<vmem>>) offsets(%arg8 : memref<64xi32, #tpu.memory_space<vmem>>) semaphore(%arg37 : memref<!tpu.dma_semaphore, #tpu.memory_space<semaphore_mem>>)
      } else {
      }
      %dma_wait3A_358 = arith.constant 0 : i32
      %dma_wait3A_359 = arith.constant 0 : i32
      %dma_wait3A_360 = tpu.memref_slice %arg4[%dma_wait3A_358, %dma_wait3A_359] : memref<10240x128xf32, #tpu.memory_space<hbm>> -> memref<10240x128xf32, #tpu.memory_space<hbm>>
      tpu.wait_indirect_dma semaphore(%arg39 : memref<!tpu.dma_semaphore, #tpu.memory_space<semaphore_mem>>) src(%dma_wait3A_360 : memref<10240x128xf32, #tpu.memory_space<hbm>>) dst(%arg26 : memref<64x128xf32, #tpu.memory_space<vmem>>)
      %dma_start3A_361 = arith.constant 0 : i32
      %dma_start3A_362 = arith.constant 0 : i32
      %dma_start3A_363 = tpu.memref_slice %arg27[%dma_start3A_361, %dma_start3A_362] : memref<10240x128xf32, #tpu.memory_space<vmem_shared>> -> memref<10240x128xf32, #tpu.memory_space<vmem_shared>>
      tpu.enqueue_indirect_dma source(%arg26 : memref<64x128xf32, #tpu.memory_space<vmem>>) target(%dma_start3A_363 : memref<10240x128xf32, #tpu.memory_space<vmem_shared>>) offsets(%arg22 : memref<64xi32, #tpu.memory_space<vmem>>) semaphore(%arg43 : memref<!tpu.dma_semaphore, #tpu.memory_space<semaphore_mem>>) {add = true}
    }
    %scan3A_123 = arith.constant 20 : i32
    %dma_wait3A_124 = arith.constant 0 : i32
    %dma_wait3A_125 = arith.constant 0 : i32
    %dma_wait3A_126 = tpu.memref_slice %arg27[%dma_wait3A_124, %dma_wait3A_125] : memref<10240x128xf32, #tpu.memory_space<vmem_shared>> -> memref<10240x128xf32, #tpu.memory_space<vmem_shared>>
    tpu.wait_indirect_dma semaphore(%arg42 : memref<!tpu.dma_semaphore, #tpu.memory_space<semaphore_mem>>) src(%arg25 : memref<64x128xf32, #tpu.memory_space<vmem>>) dst(%dma_wait3A_126 : memref<10240x128xf32, #tpu.memory_space<vmem_shared>>)
    %dma_wait3A_127 = arith.constant 0 : i32
    %dma_wait3A_128 = arith.constant 0 : i32
    %dma_wait3A_129 = tpu.memref_slice %arg27[%dma_wait3A_127, %dma_wait3A_128] : memref<10240x128xf32, #tpu.memory_space<vmem_shared>> -> memref<10240x128xf32, #tpu.memory_space<vmem_shared>>
    tpu.wait_indirect_dma semaphore(%arg43 : memref<!tpu.dma_semaphore, #tpu.memory_space<semaphore_mem>>) src(%arg26 : memref<64x128xf32, #tpu.memory_space<vmem>>) dst(%dma_wait3A_129 : memref<10240x128xf32, #tpu.memory_space<vmem_shared>>)
    %barrier3A_130 = arith.constant 0 : index
    tpu.barrier barrier_id(%barrier3A_130)
    %mul3A_131 = arith.constant 640 : i32
    %mul3A_132 = arith.muli %arg1, %mul3A_131 : i32
    %mul3A_133 = arith.constant 640 : i32
    %mul3A_134 = arith.muli %arg1, %mul3A_133 : i32
    "tpu.region"() ({
      %run_scoped3A = tpu.sem_alloc : memref<!tpu.dma_semaphore, #tpu.memory_space<semaphore_mem>>
      %dma_start3A_135 = arith.constant 0 : i32
      %dma_start3A_136 = tpu.memref_slice %arg6[%arg0, %mul3A_134, %dma_start3A_135] : memref<2x10240x128xf32, #tpu.memory_space<hbm>> -> memref<1x640x128xf32, #tpu.memory_space<hbm>>
      %dma_start3A_137 = tpu.memref_squeeze %dma_start3A_136 : memref<1x640x128xf32, #tpu.memory_space<hbm>> -> memref<640x128xf32, #tpu.memory_space<hbm>>
      %dma_start3A_138 = arith.constant 0 : i32
      %dma_start3A_139 = tpu.memref_slice %arg27[%mul3A_132, %dma_start3A_138] : memref<10240x128xf32, #tpu.memory_space<vmem_shared>> -> memref<640x128xf32, #tpu.memory_space<vmem_shared>>
      tpu.enqueue_dma source(%dma_start3A_139 : memref<640x128xf32, #tpu.memory_space<vmem_shared>>) target(%dma_start3A_137 : memref<640x128xf32, #tpu.memory_space<hbm>>) target_semaphore(%run_scoped3A : memref<!tpu.dma_semaphore, #tpu.memory_space<semaphore_mem>>)
      %dma_wait3A_140 = arith.constant 0 : i32
      %dma_wait3A_141 = tpu.memref_slice %arg6[%arg0, %mul3A_134, %dma_wait3A_140] : memref<2x10240x128xf32, #tpu.memory_space<hbm>> -> memref<1x640x128xf32, #tpu.memory_space<hbm>>
      %dma_wait3A_142 = tpu.memref_squeeze %dma_wait3A_141 : memref<1x640x128xf32, #tpu.memory_space<hbm>> -> memref<640x128xf32, #tpu.memory_space<hbm>>
      %dma_wait3A_143 = arith.constant 0 : i32
      %dma_wait3A_144 = tpu.memref_slice %arg27[%mul3A_132, %dma_wait3A_143] : memref<10240x128xf32, #tpu.memory_space<vmem_shared>> -> memref<640x128xf32, #tpu.memory_space<vmem_shared>>
      tpu.wait_dma2 semaphore(%run_scoped3A : memref<!tpu.dma_semaphore, #tpu.memory_space<semaphore_mem>>) src(%dma_wait3A_144 : memref<640x128xf32, #tpu.memory_space<vmem_shared>>) dst(%dma_wait3A_142 : memref<640x128xf32, #tpu.memory_space<hbm>>)
      tpu.yield
    }) : () -> ()
    return
  }
}

#map = affine_map<(d0, d1) -> (0, 0, 0)>
#map1 = affine_map<(d0, d1) -> (0, 0)>
module attributes {stable_mosaic.version = 14 : i64} {
  func.func @_sc_message(%arg0: i32, %arg1: i32, %arg2: memref<32x160x64xi32, #tpu.memory_space<hbm>>, %arg3: memref<32x160x64xi32, #tpu.memory_space<hbm>>, %arg4: memref<10240x128xf32, #tpu.memory_space<hbm>>, %arg5: memref<640x128xf32, #tpu.memory_space<hbm>>, %arg6: memref<2x10240x128xf32, #tpu.memory_space<hbm>>, %arg7: memref<64xi32, #tpu.memory_space<vmem>>, %arg8: memref<64xi32, #tpu.memory_space<vmem>>, %arg9: memref<64xi32, #tpu.memory_space<vmem>>, %arg10: memref<64xi32, #tpu.memory_space<vmem>>, %arg11: memref<64xi32, #tpu.memory_space<vmem>>, %arg12: memref<64xi32, #tpu.memory_space<vmem>>, %arg13: memref<64xi32, #tpu.memory_space<vmem>>, %arg14: memref<64xi32, #tpu.memory_space<vmem>>, %arg15: memref<64xi32, #tpu.memory_space<vmem>>, %arg16: memref<64xi32, #tpu.memory_space<vmem>>, %arg17: memref<64xi32, #tpu.memory_space<vmem>>, %arg18: memref<64xi32, #tpu.memory_space<vmem>>, %arg19: memref<64xi32, #tpu.memory_space<vmem>>, %arg20: memref<64xi32, #tpu.memory_space<vmem>>, %arg21: memref<64xi32, #tpu.memory_space<vmem>>, %arg22: memref<64xi32, #tpu.memory_space<vmem>>, %arg23: memref<64x128xf32, #tpu.memory_space<vmem>>, %arg24: memref<64x128xf32, #tpu.memory_space<vmem>>, %arg25: memref<64x128xf32, #tpu.memory_space<vmem>>, %arg26: memref<64x128xf32, #tpu.memory_space<vmem>>, %arg27: memref<10240x128xf32, #tpu.memory_space<vmem_shared>>, %arg28: memref<!tpu.dma_semaphore, #tpu.memory_space<semaphore_mem>>, %arg29: memref<!tpu.dma_semaphore, #tpu.memory_space<semaphore_mem>>, %arg30: memref<!tpu.dma_semaphore, #tpu.memory_space<semaphore_mem>>, %arg31: memref<!tpu.dma_semaphore, #tpu.memory_space<semaphore_mem>>, %arg32: memref<!tpu.dma_semaphore, #tpu.memory_space<semaphore_mem>>, %arg33: memref<!tpu.dma_semaphore, #tpu.memory_space<semaphore_mem>>, %arg34: memref<!tpu.dma_semaphore, #tpu.memory_space<semaphore_mem>>, %arg35: memref<!tpu.dma_semaphore, #tpu.memory_space<semaphore_mem>>, %arg36: memref<!tpu.dma_semaphore, #tpu.memory_space<semaphore_mem>>, %arg37: memref<!tpu.dma_semaphore, #tpu.memory_space<semaphore_mem>>, %arg38: memref<!tpu.dma_semaphore, #tpu.memory_space<semaphore_mem>>, %arg39: memref<!tpu.dma_semaphore, #tpu.memory_space<semaphore_mem>>, %arg40: memref<!tpu.dma_semaphore, #tpu.memory_space<semaphore_mem>>, %arg41: memref<!tpu.dma_semaphore, #tpu.memory_space<semaphore_mem>>, %arg42: memref<!tpu.dma_semaphore, #tpu.memory_space<semaphore_mem>>, %arg43: memref<!tpu.dma_semaphore, #tpu.memory_space<semaphore_mem>>) attributes {dimension_semantics = [#tpu.dimension_semantics<core_parallel>, #tpu.dimension_semantics<subcore_parallel>], iteration_bounds = array<i64: 2, 16>, scalar_prefetch = 0 : i64, scratch_operands = 37 : i64, tpu.core_type = #tpu.core_type<sc_vector_subcore>, window_params = [{transform_indices = #map}, {transform_indices = #map}, {transform_indices = #map1}, {transform_indices = #map1}, {transform_indices = #map}]} {
    %mul3A = arith.constant 16 : i32
    %mul3A_0 = arith.muli %arg0, %mul3A : i32
    %add3A = arith.addi %mul3A_0, %arg1 : i32
    %mul3A_1 = arith.constant 640 : i32
    %mul3A_2 = arith.muli %arg1, %mul3A_1 : i32
    "tpu.region"() ({
      %run_scoped3A = tpu.sem_alloc : memref<!tpu.dma_semaphore, #tpu.memory_space<semaphore_mem>>
      %dma_start3A_135 = arith.constant 0 : i32
      %dma_start3A_136 = tpu.memref_slice %arg27[%mul3A_2, %dma_start3A_135] : memref<10240x128xf32, #tpu.memory_space<vmem_shared>> -> memref<640x128xf32, #tpu.memory_space<vmem_shared>>
      tpu.enqueue_dma source(%arg5 : memref<640x128xf32, #tpu.memory_space<hbm>>) target(%dma_start3A_136 : memref<640x128xf32, #tpu.memory_space<vmem_shared>>) target_semaphore(%run_scoped3A : memref<!tpu.dma_semaphore, #tpu.memory_space<semaphore_mem>>)
      %dma_wait3A_137 = arith.constant 0 : i32
      %dma_wait3A_138 = tpu.memref_slice %arg27[%mul3A_2, %dma_wait3A_137] : memref<10240x128xf32, #tpu.memory_space<vmem_shared>> -> memref<640x128xf32, #tpu.memory_space<vmem_shared>>
      tpu.wait_dma2 semaphore(%run_scoped3A : memref<!tpu.dma_semaphore, #tpu.memory_space<semaphore_mem>>) src(%arg5 : memref<640x128xf32, #tpu.memory_space<hbm>>) dst(%dma_wait3A_138 : memref<640x128xf32, #tpu.memory_space<vmem_shared>>)
      tpu.yield
    }) : () -> ()
    %dma_start3A = arith.constant 0 : i32
    %dma_start3A_3 = arith.constant 0 : i32
    %dma_start3A_4 = tpu.memref_slice %arg2[%add3A, %dma_start3A, %dma_start3A_3] : memref<32x160x64xi32, #tpu.memory_space<hbm>> -> memref<1x1x64xi32, #tpu.memory_space<hbm>>
    %dma_start3A_5 = tpu.memref_squeeze %dma_start3A_4 : memref<1x1x64xi32, #tpu.memory_space<hbm>> -> memref<64xi32, #tpu.memory_space<hbm>>
    %dma_start3A_6 = arith.constant 0 : i32
    %dma_start3A_7 = tpu.memref_slice %arg2[%add3A, %dma_start3A, %dma_start3A_6] : memref<32x160x64xi32, #tpu.memory_space<hbm>> -> memref<1x1x64xi32, #tpu.memory_space<hbm>>
    %dma_start3A_8 = tpu.memref_squeeze %dma_start3A_7 : memref<1x1x64xi32, #tpu.memory_space<hbm>> -> memref<64xi32, #tpu.memory_space<hbm>>
    tpu.enqueue_dma source(%dma_start3A_8 : memref<64xi32, #tpu.memory_space<hbm>>) target(%arg7 : memref<64xi32, #tpu.memory_space<vmem>>) target_semaphore(%arg28 : memref<!tpu.dma_semaphore, #tpu.memory_space<semaphore_mem>>)
    %dma_start3A_9 = arith.constant 0 : i32
    %dma_start3A_10 = arith.constant 0 : i32
    %dma_start3A_11 = tpu.memref_slice %arg3[%add3A, %dma_start3A_9, %dma_start3A_10] : memref<32x160x64xi32, #tpu.memory_space<hbm>> -> memref<1x1x64xi32, #tpu.memory_space<hbm>>
    %dma_start3A_12 = tpu.memref_squeeze %dma_start3A_11 : memref<1x1x64xi32, #tpu.memory_space<hbm>> -> memref<64xi32, #tpu.memory_space<hbm>>
    %dma_start3A_13 = arith.constant 0 : i32
    %dma_start3A_14 = tpu.memref_slice %arg3[%add3A, %dma_start3A_9, %dma_start3A_13] : memref<32x160x64xi32, #tpu.memory_space<hbm>> -> memref<1x1x64xi32, #tpu.memory_space<hbm>>
    %dma_start3A_15 = tpu.memref_squeeze %dma_start3A_14 : memref<1x1x64xi32, #tpu.memory_space<hbm>> -> memref<64xi32, #tpu.memory_space<hbm>>
    tpu.enqueue_dma source(%dma_start3A_15 : memref<64xi32, #tpu.memory_space<hbm>>) target(%arg15 : memref<64xi32, #tpu.memory_space<vmem>>) target_semaphore(%arg28 : memref<!tpu.dma_semaphore, #tpu.memory_space<semaphore_mem>>)
    %dma_start3A_16 = arith.constant 1 : i32
    %dma_start3A_17 = arith.constant 0 : i32
    %dma_start3A_18 = tpu.memref_slice %arg2[%add3A, %dma_start3A_16, %dma_start3A_17] : memref<32x160x64xi32, #tpu.memory_space<hbm>> -> memref<1x1x64xi32, #tpu.memory_space<hbm>>
    %dma_start3A_19 = tpu.memref_squeeze %dma_start3A_18 : memref<1x1x64xi32, #tpu.memory_space<hbm>> -> memref<64xi32, #tpu.memory_space<hbm>>
    %dma_start3A_20 = arith.constant 0 : i32
    %dma_start3A_21 = tpu.memref_slice %arg2[%add3A, %dma_start3A_16, %dma_start3A_20] : memref<32x160x64xi32, #tpu.memory_space<hbm>> -> memref<1x1x64xi32, #tpu.memory_space<hbm>>
    %dma_start3A_22 = tpu.memref_squeeze %dma_start3A_21 : memref<1x1x64xi32, #tpu.memory_space<hbm>> -> memref<64xi32, #tpu.memory_space<hbm>>
    tpu.enqueue_dma source(%dma_start3A_22 : memref<64xi32, #tpu.memory_space<hbm>>) target(%arg8 : memref<64xi32, #tpu.memory_space<vmem>>) target_semaphore(%arg29 : memref<!tpu.dma_semaphore, #tpu.memory_space<semaphore_mem>>)
    %dma_start3A_23 = arith.constant 1 : i32
    %dma_start3A_24 = arith.constant 0 : i32
    %dma_start3A_25 = tpu.memref_slice %arg3[%add3A, %dma_start3A_23, %dma_start3A_24] : memref<32x160x64xi32, #tpu.memory_space<hbm>> -> memref<1x1x64xi32, #tpu.memory_space<hbm>>
    %dma_start3A_26 = tpu.memref_squeeze %dma_start3A_25 : memref<1x1x64xi32, #tpu.memory_space<hbm>> -> memref<64xi32, #tpu.memory_space<hbm>>
    %dma_start3A_27 = arith.constant 0 : i32
    %dma_start3A_28 = tpu.memref_slice %arg3[%add3A, %dma_start3A_23, %dma_start3A_27] : memref<32x160x64xi32, #tpu.memory_space<hbm>> -> memref<1x1x64xi32, #tpu.memory_space<hbm>>
    %dma_start3A_29 = tpu.memref_squeeze %dma_start3A_28 : memref<1x1x64xi32, #tpu.memory_space<hbm>> -> memref<64xi32, #tpu.memory_space<hbm>>
    tpu.enqueue_dma source(%dma_start3A_29 : memref<64xi32, #tpu.memory_space<hbm>>) target(%arg16 : memref<64xi32, #tpu.memory_space<vmem>>) target_semaphore(%arg29 : memref<!tpu.dma_semaphore, #tpu.memory_space<semaphore_mem>>)
    %dma_start3A_30 = arith.constant 2 : i32
    %dma_start3A_31 = arith.constant 0 : i32
    %dma_start3A_32 = tpu.memref_slice %arg2[%add3A, %dma_start3A_30, %dma_start3A_31] : memref<32x160x64xi32, #tpu.memory_space<hbm>> -> memref<1x1x64xi32, #tpu.memory_space<hbm>>
    %dma_start3A_33 = tpu.memref_squeeze %dma_start3A_32 : memref<1x1x64xi32, #tpu.memory_space<hbm>> -> memref<64xi32, #tpu.memory_space<hbm>>
    %dma_start3A_34 = arith.constant 0 : i32
    %dma_start3A_35 = tpu.memref_slice %arg2[%add3A, %dma_start3A_30, %dma_start3A_34] : memref<32x160x64xi32, #tpu.memory_space<hbm>> -> memref<1x1x64xi32, #tpu.memory_space<hbm>>
    %dma_start3A_36 = tpu.memref_squeeze %dma_start3A_35 : memref<1x1x64xi32, #tpu.memory_space<hbm>> -> memref<64xi32, #tpu.memory_space<hbm>>
    tpu.enqueue_dma source(%dma_start3A_36 : memref<64xi32, #tpu.memory_space<hbm>>) target(%arg9 : memref<64xi32, #tpu.memory_space<vmem>>) target_semaphore(%arg30 : memref<!tpu.dma_semaphore, #tpu.memory_space<semaphore_mem>>)
    %dma_start3A_37 = arith.constant 2 : i32
    %dma_start3A_38 = arith.constant 0 : i32
    %dma_start3A_39 = tpu.memref_slice %arg3[%add3A, %dma_start3A_37, %dma_start3A_38] : memref<32x160x64xi32, #tpu.memory_space<hbm>> -> memref<1x1x64xi32, #tpu.memory_space<hbm>>
    %dma_start3A_40 = tpu.memref_squeeze %dma_start3A_39 : memref<1x1x64xi32, #tpu.memory_space<hbm>> -> memref<64xi32, #tpu.memory_space<hbm>>
    %dma_start3A_41 = arith.constant 0 : i32
    %dma_start3A_42 = tpu.memref_slice %arg3[%add3A, %dma_start3A_37, %dma_start3A_41] : memref<32x160x64xi32, #tpu.memory_space<hbm>> -> memref<1x1x64xi32, #tpu.memory_space<hbm>>
    %dma_start3A_43 = tpu.memref_squeeze %dma_start3A_42 : memref<1x1x64xi32, #tpu.memory_space<hbm>> -> memref<64xi32, #tpu.memory_space<hbm>>
    tpu.enqueue_dma source(%dma_start3A_43 : memref<64xi32, #tpu.memory_space<hbm>>) target(%arg17 : memref<64xi32, #tpu.memory_space<vmem>>) target_semaphore(%arg30 : memref<!tpu.dma_semaphore, #tpu.memory_space<semaphore_mem>>)
    %dma_start3A_44 = arith.constant 3 : i32
    %dma_start3A_45 = arith.constant 0 : i32
    %dma_start3A_46 = tpu.memref_slice %arg2[%add3A, %dma_start3A_44, %dma_start3A_45] : memref<32x160x64xi32, #tpu.memory_space<hbm>> -> memref<1x1x64xi32, #tpu.memory_space<hbm>>
    %dma_start3A_47 = tpu.memref_squeeze %dma_start3A_46 : memref<1x1x64xi32, #tpu.memory_space<hbm>> -> memref<64xi32, #tpu.memory_space<hbm>>
    %dma_start3A_48 = arith.constant 0 : i32
    %dma_start3A_49 = tpu.memref_slice %arg2[%add3A, %dma_start3A_44, %dma_start3A_48] : memref<32x160x64xi32, #tpu.memory_space<hbm>> -> memref<1x1x64xi32, #tpu.memory_space<hbm>>
    %dma_start3A_50 = tpu.memref_squeeze %dma_start3A_49 : memref<1x1x64xi32, #tpu.memory_space<hbm>> -> memref<64xi32, #tpu.memory_space<hbm>>
    tpu.enqueue_dma source(%dma_start3A_50 : memref<64xi32, #tpu.memory_space<hbm>>) target(%arg10 : memref<64xi32, #tpu.memory_space<vmem>>) target_semaphore(%arg31 : memref<!tpu.dma_semaphore, #tpu.memory_space<semaphore_mem>>)
    %dma_start3A_51 = arith.constant 3 : i32
    %dma_start3A_52 = arith.constant 0 : i32
    %dma_start3A_53 = tpu.memref_slice %arg3[%add3A, %dma_start3A_51, %dma_start3A_52] : memref<32x160x64xi32, #tpu.memory_space<hbm>> -> memref<1x1x64xi32, #tpu.memory_space<hbm>>
    %dma_start3A_54 = tpu.memref_squeeze %dma_start3A_53 : memref<1x1x64xi32, #tpu.memory_space<hbm>> -> memref<64xi32, #tpu.memory_space<hbm>>
    %dma_start3A_55 = arith.constant 0 : i32
    %dma_start3A_56 = tpu.memref_slice %arg3[%add3A, %dma_start3A_51, %dma_start3A_55] : memref<32x160x64xi32, #tpu.memory_space<hbm>> -> memref<1x1x64xi32, #tpu.memory_space<hbm>>
    %dma_start3A_57 = tpu.memref_squeeze %dma_start3A_56 : memref<1x1x64xi32, #tpu.memory_space<hbm>> -> memref<64xi32, #tpu.memory_space<hbm>>
    tpu.enqueue_dma source(%dma_start3A_57 : memref<64xi32, #tpu.memory_space<hbm>>) target(%arg18 : memref<64xi32, #tpu.memory_space<vmem>>) target_semaphore(%arg31 : memref<!tpu.dma_semaphore, #tpu.memory_space<semaphore_mem>>)
    %dma_start3A_58 = arith.constant 4 : i32
    %dma_start3A_59 = arith.constant 0 : i32
    %dma_start3A_60 = tpu.memref_slice %arg2[%add3A, %dma_start3A_58, %dma_start3A_59] : memref<32x160x64xi32, #tpu.memory_space<hbm>> -> memref<1x1x64xi32, #tpu.memory_space<hbm>>
    %dma_start3A_61 = tpu.memref_squeeze %dma_start3A_60 : memref<1x1x64xi32, #tpu.memory_space<hbm>> -> memref<64xi32, #tpu.memory_space<hbm>>
    %dma_start3A_62 = arith.constant 0 : i32
    %dma_start3A_63 = tpu.memref_slice %arg2[%add3A, %dma_start3A_58, %dma_start3A_62] : memref<32x160x64xi32, #tpu.memory_space<hbm>> -> memref<1x1x64xi32, #tpu.memory_space<hbm>>
    %dma_start3A_64 = tpu.memref_squeeze %dma_start3A_63 : memref<1x1x64xi32, #tpu.memory_space<hbm>> -> memref<64xi32, #tpu.memory_space<hbm>>
    tpu.enqueue_dma source(%dma_start3A_64 : memref<64xi32, #tpu.memory_space<hbm>>) target(%arg11 : memref<64xi32, #tpu.memory_space<vmem>>) target_semaphore(%arg32 : memref<!tpu.dma_semaphore, #tpu.memory_space<semaphore_mem>>)
    %dma_start3A_65 = arith.constant 4 : i32
    %dma_start3A_66 = arith.constant 0 : i32
    %dma_start3A_67 = tpu.memref_slice %arg3[%add3A, %dma_start3A_65, %dma_start3A_66] : memref<32x160x64xi32, #tpu.memory_space<hbm>> -> memref<1x1x64xi32, #tpu.memory_space<hbm>>
    %dma_start3A_68 = tpu.memref_squeeze %dma_start3A_67 : memref<1x1x64xi32, #tpu.memory_space<hbm>> -> memref<64xi32, #tpu.memory_space<hbm>>
    %dma_start3A_69 = arith.constant 0 : i32
    %dma_start3A_70 = tpu.memref_slice %arg3[%add3A, %dma_start3A_65, %dma_start3A_69] : memref<32x160x64xi32, #tpu.memory_space<hbm>> -> memref<1x1x64xi32, #tpu.memory_space<hbm>>
    %dma_start3A_71 = tpu.memref_squeeze %dma_start3A_70 : memref<1x1x64xi32, #tpu.memory_space<hbm>> -> memref<64xi32, #tpu.memory_space<hbm>>
    tpu.enqueue_dma source(%dma_start3A_71 : memref<64xi32, #tpu.memory_space<hbm>>) target(%arg19 : memref<64xi32, #tpu.memory_space<vmem>>) target_semaphore(%arg32 : memref<!tpu.dma_semaphore, #tpu.memory_space<semaphore_mem>>)
    %dma_start3A_72 = arith.constant 5 : i32
    %dma_start3A_73 = arith.constant 0 : i32
    %dma_start3A_74 = tpu.memref_slice %arg2[%add3A, %dma_start3A_72, %dma_start3A_73] : memref<32x160x64xi32, #tpu.memory_space<hbm>> -> memref<1x1x64xi32, #tpu.memory_space<hbm>>
    %dma_start3A_75 = tpu.memref_squeeze %dma_start3A_74 : memref<1x1x64xi32, #tpu.memory_space<hbm>> -> memref<64xi32, #tpu.memory_space<hbm>>
    %dma_start3A_76 = arith.constant 0 : i32
    %dma_start3A_77 = tpu.memref_slice %arg2[%add3A, %dma_start3A_72, %dma_start3A_76] : memref<32x160x64xi32, #tpu.memory_space<hbm>> -> memref<1x1x64xi32, #tpu.memory_space<hbm>>
    %dma_start3A_78 = tpu.memref_squeeze %dma_start3A_77 : memref<1x1x64xi32, #tpu.memory_space<hbm>> -> memref<64xi32, #tpu.memory_space<hbm>>
    tpu.enqueue_dma source(%dma_start3A_78 : memref<64xi32, #tpu.memory_space<hbm>>) target(%arg12 : memref<64xi32, #tpu.memory_space<vmem>>) target_semaphore(%arg33 : memref<!tpu.dma_semaphore, #tpu.memory_space<semaphore_mem>>)
    %dma_start3A_79 = arith.constant 5 : i32
    %dma_start3A_80 = arith.constant 0 : i32
    %dma_start3A_81 = tpu.memref_slice %arg3[%add3A, %dma_start3A_79, %dma_start3A_80] : memref<32x160x64xi32, #tpu.memory_space<hbm>> -> memref<1x1x64xi32, #tpu.memory_space<hbm>>
    %dma_start3A_82 = tpu.memref_squeeze %dma_start3A_81 : memref<1x1x64xi32, #tpu.memory_space<hbm>> -> memref<64xi32, #tpu.memory_space<hbm>>
    %dma_start3A_83 = arith.constant 0 : i32
    %dma_start3A_84 = tpu.memref_slice %arg3[%add3A, %dma_start3A_79, %dma_start3A_83] : memref<32x160x64xi32, #tpu.memory_space<hbm>> -> memref<1x1x64xi32, #tpu.memory_space<hbm>>
    %dma_start3A_85 = tpu.memref_squeeze %dma_start3A_84 : memref<1x1x64xi32, #tpu.memory_space<hbm>> -> memref<64xi32, #tpu.memory_space<hbm>>
    tpu.enqueue_dma source(%dma_start3A_85 : memref<64xi32, #tpu.memory_space<hbm>>) target(%arg20 : memref<64xi32, #tpu.memory_space<vmem>>) target_semaphore(%arg33 : memref<!tpu.dma_semaphore, #tpu.memory_space<semaphore_mem>>)
    %dma_wait3A = arith.constant 0 : i32
    %dma_wait3A_86 = arith.constant 0 : i32
    %dma_wait3A_87 = tpu.memref_slice %arg2[%add3A, %dma_wait3A, %dma_wait3A_86] : memref<32x160x64xi32, #tpu.memory_space<hbm>> -> memref<1x1x64xi32, #tpu.memory_space<hbm>>
    %dma_wait3A_88 = tpu.memref_squeeze %dma_wait3A_87 : memref<1x1x64xi32, #tpu.memory_space<hbm>> -> memref<64xi32, #tpu.memory_space<hbm>>
    %dma_wait3A_89 = arith.constant 0 : i32
    %dma_wait3A_90 = tpu.memref_slice %arg2[%add3A, %dma_wait3A, %dma_wait3A_89] : memref<32x160x64xi32, #tpu.memory_space<hbm>> -> memref<1x1x64xi32, #tpu.memory_space<hbm>>
    %dma_wait3A_91 = tpu.memref_squeeze %dma_wait3A_90 : memref<1x1x64xi32, #tpu.memory_space<hbm>> -> memref<64xi32, #tpu.memory_space<hbm>>
    tpu.wait_dma2 semaphore(%arg28 : memref<!tpu.dma_semaphore, #tpu.memory_space<semaphore_mem>>) src(%dma_wait3A_91 : memref<64xi32, #tpu.memory_space<hbm>>) dst(%arg7 : memref<64xi32, #tpu.memory_space<vmem>>)
    %dma_wait3A_92 = arith.constant 0 : i32
    %dma_wait3A_93 = arith.constant 0 : i32
    %dma_wait3A_94 = tpu.memref_slice %arg3[%add3A, %dma_wait3A_92, %dma_wait3A_93] : memref<32x160x64xi32, #tpu.memory_space<hbm>> -> memref<1x1x64xi32, #tpu.memory_space<hbm>>
    %dma_wait3A_95 = tpu.memref_squeeze %dma_wait3A_94 : memref<1x1x64xi32, #tpu.memory_space<hbm>> -> memref<64xi32, #tpu.memory_space<hbm>>
    %dma_wait3A_96 = arith.constant 0 : i32
    %dma_wait3A_97 = tpu.memref_slice %arg3[%add3A, %dma_wait3A_92, %dma_wait3A_96] : memref<32x160x64xi32, #tpu.memory_space<hbm>> -> memref<1x1x64xi32, #tpu.memory_space<hbm>>
    %dma_wait3A_98 = tpu.memref_squeeze %dma_wait3A_97 : memref<1x1x64xi32, #tpu.memory_space<hbm>> -> memref<64xi32, #tpu.memory_space<hbm>>
    tpu.wait_dma2 semaphore(%arg28 : memref<!tpu.dma_semaphore, #tpu.memory_space<semaphore_mem>>) src(%dma_wait3A_98 : memref<64xi32, #tpu.memory_space<hbm>>) dst(%arg15 : memref<64xi32, #tpu.memory_space<vmem>>)
    %dma_start3A_99 = arith.constant 0 : i32
    %dma_start3A_100 = arith.constant 0 : i32
    %dma_start3A_101 = tpu.memref_slice %arg4[%dma_start3A_99, %dma_start3A_100] : memref<10240x128xf32, #tpu.memory_space<hbm>> -> memref<10240x128xf32, #tpu.memory_space<hbm>>
    tpu.enqueue_indirect_dma source(%dma_start3A_101 : memref<10240x128xf32, #tpu.memory_space<hbm>>) target(%arg23 : memref<64x128xf32, #tpu.memory_space<vmem>>) offsets(%arg7 : memref<64xi32, #tpu.memory_space<vmem>>) semaphore(%arg36 : memref<!tpu.dma_semaphore, #tpu.memory_space<semaphore_mem>>)
    %dma_wait3A_102 = arith.constant 1 : i32
    %dma_wait3A_103 = arith.constant 0 : i32
    %dma_wait3A_104 = tpu.memref_slice %arg2[%add3A, %dma_wait3A_102, %dma_wait3A_103] : memref<32x160x64xi32, #tpu.memory_space<hbm>> -> memref<1x1x64xi32, #tpu.memory_space<hbm>>
    %dma_wait3A_105 = tpu.memref_squeeze %dma_wait3A_104 : memref<1x1x64xi32, #tpu.memory_space<hbm>> -> memref<64xi32, #tpu.memory_space<hbm>>
    %dma_wait3A_106 = arith.constant 0 : i32
    %dma_wait3A_107 = tpu.memref_slice %arg2[%add3A, %dma_wait3A_102, %dma_wait3A_106] : memref<32x160x64xi32, #tpu.memory_space<hbm>> -> memref<1x1x64xi32, #tpu.memory_space<hbm>>
    %dma_wait3A_108 = tpu.memref_squeeze %dma_wait3A_107 : memref<1x1x64xi32, #tpu.memory_space<hbm>> -> memref<64xi32, #tpu.memory_space<hbm>>
    tpu.wait_dma2 semaphore(%arg29 : memref<!tpu.dma_semaphore, #tpu.memory_space<semaphore_mem>>) src(%dma_wait3A_108 : memref<64xi32, #tpu.memory_space<hbm>>) dst(%arg8 : memref<64xi32, #tpu.memory_space<vmem>>)
    %dma_wait3A_109 = arith.constant 1 : i32
    %dma_wait3A_110 = arith.constant 0 : i32
    %dma_wait3A_111 = tpu.memref_slice %arg3[%add3A, %dma_wait3A_109, %dma_wait3A_110] : memref<32x160x64xi32, #tpu.memory_space<hbm>> -> memref<1x1x64xi32, #tpu.memory_space<hbm>>
    %dma_wait3A_112 = tpu.memref_squeeze %dma_wait3A_111 : memref<1x1x64xi32, #tpu.memory_space<hbm>> -> memref<64xi32, #tpu.memory_space<hbm>>
    %dma_wait3A_113 = arith.constant 0 : i32
    %dma_wait3A_114 = tpu.memref_slice %arg3[%add3A, %dma_wait3A_109, %dma_wait3A_113] : memref<32x160x64xi32, #tpu.memory_space<hbm>> -> memref<1x1x64xi32, #tpu.memory_space<hbm>>
    %dma_wait3A_115 = tpu.memref_squeeze %dma_wait3A_114 : memref<1x1x64xi32, #tpu.memory_space<hbm>> -> memref<64xi32, #tpu.memory_space<hbm>>
    tpu.wait_dma2 semaphore(%arg29 : memref<!tpu.dma_semaphore, #tpu.memory_space<semaphore_mem>>) src(%dma_wait3A_115 : memref<64xi32, #tpu.memory_space<hbm>>) dst(%arg16 : memref<64xi32, #tpu.memory_space<vmem>>)
    %dma_start3A_116 = arith.constant 0 : i32
    %dma_start3A_117 = arith.constant 0 : i32
    %dma_start3A_118 = tpu.memref_slice %arg4[%dma_start3A_116, %dma_start3A_117] : memref<10240x128xf32, #tpu.memory_space<hbm>> -> memref<10240x128xf32, #tpu.memory_space<hbm>>
    tpu.enqueue_indirect_dma source(%dma_start3A_118 : memref<10240x128xf32, #tpu.memory_space<hbm>>) target(%arg24 : memref<64x128xf32, #tpu.memory_space<vmem>>) offsets(%arg8 : memref<64xi32, #tpu.memory_space<vmem>>) semaphore(%arg37 : memref<!tpu.dma_semaphore, #tpu.memory_space<semaphore_mem>>)
    %barrier3A = arith.constant 0 : index
    tpu.barrier barrier_id(%barrier3A)
    %scan3A = arith.constant 0 : i32
    %scan3A_119 = arith.constant 0 : i32
    %scan3A_120 = arith.constant 20 : i32
    %scan3A_121 = arith.addi %scan3A_119, %scan3A_120 : i32
    %scan3A_122 = arith.constant 1 : i32
    scf.for %scan3A_135 = %scan3A_119 to %scan3A_121 step %scan3A_122  : i32 {
      %mul3A_136 = arith.constant 8 : i32
      %mul3A_137 = arith.muli %mul3A_136, %scan3A_135 : i32
      %add3A_138 = arith.constant 0 : i32
      %add3A_139 = arith.addi %mul3A_137, %add3A_138 : i32
      %ge3A = arith.constant 2 : i32
      %ge3A_140 = arith.cmpi sge, %add3A_139, %ge3A : i32
      %convert_element_type3A = arith.extui %ge3A_140 : i1 to i32
      %cond3A = arith.constant 0 : i32
      %cond3A_141 = arith.cmpi ne, %convert_element_type3A, %cond3A : i32
      scf.if %cond3A_141 {
        %dma_wait3A_364 = arith.constant 0 : i32
        %dma_wait3A_365 = arith.constant 0 : i32
        %dma_wait3A_366 = tpu.memref_slice %arg27[%dma_wait3A_364, %dma_wait3A_365] : memref<10240x128xf32, #tpu.memory_space<vmem_shared>> -> memref<10240x128xf32, #tpu.memory_space<vmem_shared>>
        tpu.wait_indirect_dma semaphore(%arg42 : memref<!tpu.dma_semaphore, #tpu.memory_space<semaphore_mem>>) src(%arg25 : memref<64x128xf32, #tpu.memory_space<vmem>>) dst(%dma_wait3A_366 : memref<10240x128xf32, #tpu.memory_space<vmem_shared>>)
      } else {
      }
      %add3A_142 = arith.constant 6 : i32
      %add3A_143 = arith.addi %add3A_139, %add3A_142 : i32
      %lt3A = arith.constant 160 : i32
      %lt3A_144 = arith.cmpi slt, %add3A_143, %lt3A : i32
      %convert_element_type3A_145 = arith.extui %lt3A_144 : i1 to i32
      %cond3A_146 = arith.constant 0 : i32
      %cond3A_147 = arith.cmpi ne, %convert_element_type3A_145, %cond3A_146 : i32
      scf.if %cond3A_147 {
        %add3A_364 = arith.constant 6 : i32
        %add3A_365 = arith.addi %add3A_139, %add3A_364 : i32
        %dma_start3A_366 = arith.constant 0 : i32
        %dma_start3A_367 = tpu.memref_slice %arg2[%add3A, %add3A_365, %dma_start3A_366] : memref<32x160x64xi32, #tpu.memory_space<hbm>> -> memref<1x1x64xi32, #tpu.memory_space<hbm>>
        %dma_start3A_368 = tpu.memref_squeeze %dma_start3A_367 : memref<1x1x64xi32, #tpu.memory_space<hbm>> -> memref<64xi32, #tpu.memory_space<hbm>>
        %dma_start3A_369 = arith.constant 0 : i32
        %dma_start3A_370 = tpu.memref_slice %arg2[%add3A, %add3A_365, %dma_start3A_369] : memref<32x160x64xi32, #tpu.memory_space<hbm>> -> memref<1x1x64xi32, #tpu.memory_space<hbm>>
        %dma_start3A_371 = tpu.memref_squeeze %dma_start3A_370 : memref<1x1x64xi32, #tpu.memory_space<hbm>> -> memref<64xi32, #tpu.memory_space<hbm>>
        tpu.enqueue_dma source(%dma_start3A_371 : memref<64xi32, #tpu.memory_space<hbm>>) target(%arg13 : memref<64xi32, #tpu.memory_space<vmem>>) target_semaphore(%arg34 : memref<!tpu.dma_semaphore, #tpu.memory_space<semaphore_mem>>)
        %dma_start3A_372 = arith.constant 0 : i32
        %dma_start3A_373 = tpu.memref_slice %arg3[%add3A, %add3A_365, %dma_start3A_372] : memref<32x160x64xi32, #tpu.memory_space<hbm>> -> memref<1x1x64xi32, #tpu.memory_space<hbm>>
        %dma_start3A_374 = tpu.memref_squeeze %dma_start3A_373 : memref<1x1x64xi32, #tpu.memory_space<hbm>> -> memref<64xi32, #tpu.memory_space<hbm>>
        %dma_start3A_375 = arith.constant 0 : i32
        %dma_start3A_376 = tpu.memref_slice %arg3[%add3A, %add3A_365, %dma_start3A_375] : memref<32x160x64xi32, #tpu.memory_space<hbm>> -> memref<1x1x64xi32, #tpu.memory_space<hbm>>
        %dma_start3A_377 = tpu.memref_squeeze %dma_start3A_376 : memref<1x1x64xi32, #tpu.memory_space<hbm>> -> memref<64xi32, #tpu.memory_space<hbm>>
        tpu.enqueue_dma source(%dma_start3A_377 : memref<64xi32, #tpu.memory_space<hbm>>) target(%arg21 : memref<64xi32, #tpu.memory_space<vmem>>) target_semaphore(%arg34 : memref<!tpu.dma_semaphore, #tpu.memory_space<semaphore_mem>>)
      } else {
      }
      %add3A_148 = arith.constant 2 : i32
      %add3A_149 = arith.addi %add3A_139, %add3A_148 : i32
      %lt3A_150 = arith.constant 160 : i32
      %lt3A_151 = arith.cmpi slt, %add3A_149, %lt3A_150 : i32
      %convert_element_type3A_152 = arith.extui %lt3A_151 : i1 to i32
      %cond3A_153 = arith.constant 0 : i32
      %cond3A_154 = arith.cmpi ne, %convert_element_type3A_152, %cond3A_153 : i32
      scf.if %cond3A_154 {
        %add3A_364 = arith.constant 2 : i32
        %add3A_365 = arith.addi %add3A_139, %add3A_364 : i32
        %dma_wait3A_366 = arith.constant 0 : i32
        %dma_wait3A_367 = tpu.memref_slice %arg2[%add3A, %add3A_365, %dma_wait3A_366] : memref<32x160x64xi32, #tpu.memory_space<hbm>> -> memref<1x1x64xi32, #tpu.memory_space<hbm>>
        %dma_wait3A_368 = tpu.memref_squeeze %dma_wait3A_367 : memref<1x1x64xi32, #tpu.memory_space<hbm>> -> memref<64xi32, #tpu.memory_space<hbm>>
        %dma_wait3A_369 = arith.constant 0 : i32
        %dma_wait3A_370 = tpu.memref_slice %arg2[%add3A, %add3A_365, %dma_wait3A_369] : memref<32x160x64xi32, #tpu.memory_space<hbm>> -> memref<1x1x64xi32, #tpu.memory_space<hbm>>
        %dma_wait3A_371 = tpu.memref_squeeze %dma_wait3A_370 : memref<1x1x64xi32, #tpu.memory_space<hbm>> -> memref<64xi32, #tpu.memory_space<hbm>>
        tpu.wait_dma2 semaphore(%arg30 : memref<!tpu.dma_semaphore, #tpu.memory_space<semaphore_mem>>) src(%dma_wait3A_371 : memref<64xi32, #tpu.memory_space<hbm>>) dst(%arg9 : memref<64xi32, #tpu.memory_space<vmem>>)
        %dma_wait3A_372 = arith.constant 0 : i32
        %dma_wait3A_373 = tpu.memref_slice %arg3[%add3A, %add3A_365, %dma_wait3A_372] : memref<32x160x64xi32, #tpu.memory_space<hbm>> -> memref<1x1x64xi32, #tpu.memory_space<hbm>>
        %dma_wait3A_374 = tpu.memref_squeeze %dma_wait3A_373 : memref<1x1x64xi32, #tpu.memory_space<hbm>> -> memref<64xi32, #tpu.memory_space<hbm>>
        %dma_wait3A_375 = arith.constant 0 : i32
        %dma_wait3A_376 = tpu.memref_slice %arg3[%add3A, %add3A_365, %dma_wait3A_375] : memref<32x160x64xi32, #tpu.memory_space<hbm>> -> memref<1x1x64xi32, #tpu.memory_space<hbm>>
        %dma_wait3A_377 = tpu.memref_squeeze %dma_wait3A_376 : memref<1x1x64xi32, #tpu.memory_space<hbm>> -> memref<64xi32, #tpu.memory_space<hbm>>
        tpu.wait_dma2 semaphore(%arg30 : memref<!tpu.dma_semaphore, #tpu.memory_space<semaphore_mem>>) src(%dma_wait3A_377 : memref<64xi32, #tpu.memory_space<hbm>>) dst(%arg17 : memref<64xi32, #tpu.memory_space<vmem>>)
        %dma_start3A_378 = arith.constant 0 : i32
        %dma_start3A_379 = arith.constant 0 : i32
        %dma_start3A_380 = tpu.memref_slice %arg4[%dma_start3A_378, %dma_start3A_379] : memref<10240x128xf32, #tpu.memory_space<hbm>> -> memref<10240x128xf32, #tpu.memory_space<hbm>>
        tpu.enqueue_indirect_dma source(%dma_start3A_380 : memref<10240x128xf32, #tpu.memory_space<hbm>>) target(%arg25 : memref<64x128xf32, #tpu.memory_space<vmem>>) offsets(%arg9 : memref<64xi32, #tpu.memory_space<vmem>>) semaphore(%arg38 : memref<!tpu.dma_semaphore, #tpu.memory_space<semaphore_mem>>)
      } else {
      }
      %dma_wait3A_155 = arith.constant 0 : i32
      %dma_wait3A_156 = arith.constant 0 : i32
      %dma_wait3A_157 = tpu.memref_slice %arg4[%dma_wait3A_155, %dma_wait3A_156] : memref<10240x128xf32, #tpu.memory_space<hbm>> -> memref<10240x128xf32, #tpu.memory_space<hbm>>
      tpu.wait_indirect_dma semaphore(%arg36 : memref<!tpu.dma_semaphore, #tpu.memory_space<semaphore_mem>>) src(%dma_wait3A_157 : memref<10240x128xf32, #tpu.memory_space<hbm>>) dst(%arg23 : memref<64x128xf32, #tpu.memory_space<vmem>>)
      %dma_start3A_158 = arith.constant 0 : i32
      %dma_start3A_159 = arith.constant 0 : i32
      %dma_start3A_160 = tpu.memref_slice %arg27[%dma_start3A_158, %dma_start3A_159] : memref<10240x128xf32, #tpu.memory_space<vmem_shared>> -> memref<10240x128xf32, #tpu.memory_space<vmem_shared>>
      tpu.enqueue_indirect_dma source(%arg23 : memref<64x128xf32, #tpu.memory_space<vmem>>) target(%dma_start3A_160 : memref<10240x128xf32, #tpu.memory_space<vmem_shared>>) offsets(%arg15 : memref<64xi32, #tpu.memory_space<vmem>>) semaphore(%arg40 : memref<!tpu.dma_semaphore, #tpu.memory_space<semaphore_mem>>) {add = true}
      %mul3A_161 = arith.constant 8 : i32
      %mul3A_162 = arith.muli %mul3A_161, %scan3A_135 : i32
      %add3A_163 = arith.constant 1 : i32
      %add3A_164 = arith.addi %mul3A_162, %add3A_163 : i32
      %ge3A_165 = arith.constant 2 : i32
      %ge3A_166 = arith.cmpi sge, %add3A_164, %ge3A_165 : i32
      %convert_element_type3A_167 = arith.extui %ge3A_166 : i1 to i32
      %cond3A_168 = arith.constant 0 : i32
      %cond3A_169 = arith.cmpi ne, %convert_element_type3A_167, %cond3A_168 : i32
      scf.if %cond3A_169 {
        %dma_wait3A_364 = arith.constant 0 : i32
        %dma_wait3A_365 = arith.constant 0 : i32
        %dma_wait3A_366 = tpu.memref_slice %arg27[%dma_wait3A_364, %dma_wait3A_365] : memref<10240x128xf32, #tpu.memory_space<vmem_shared>> -> memref<10240x128xf32, #tpu.memory_space<vmem_shared>>
        tpu.wait_indirect_dma semaphore(%arg43 : memref<!tpu.dma_semaphore, #tpu.memory_space<semaphore_mem>>) src(%arg26 : memref<64x128xf32, #tpu.memory_space<vmem>>) dst(%dma_wait3A_366 : memref<10240x128xf32, #tpu.memory_space<vmem_shared>>)
      } else {
      }
      %add3A_170 = arith.constant 6 : i32
      %add3A_171 = arith.addi %add3A_164, %add3A_170 : i32
      %lt3A_172 = arith.constant 160 : i32
      %lt3A_173 = arith.cmpi slt, %add3A_171, %lt3A_172 : i32
      %convert_element_type3A_174 = arith.extui %lt3A_173 : i1 to i32
      %cond3A_175 = arith.constant 0 : i32
      %cond3A_176 = arith.cmpi ne, %convert_element_type3A_174, %cond3A_175 : i32
      scf.if %cond3A_176 {
        %add3A_364 = arith.constant 6 : i32
        %add3A_365 = arith.addi %add3A_164, %add3A_364 : i32
        %dma_start3A_366 = arith.constant 0 : i32
        %dma_start3A_367 = tpu.memref_slice %arg2[%add3A, %add3A_365, %dma_start3A_366] : memref<32x160x64xi32, #tpu.memory_space<hbm>> -> memref<1x1x64xi32, #tpu.memory_space<hbm>>
        %dma_start3A_368 = tpu.memref_squeeze %dma_start3A_367 : memref<1x1x64xi32, #tpu.memory_space<hbm>> -> memref<64xi32, #tpu.memory_space<hbm>>
        %dma_start3A_369 = arith.constant 0 : i32
        %dma_start3A_370 = tpu.memref_slice %arg2[%add3A, %add3A_365, %dma_start3A_369] : memref<32x160x64xi32, #tpu.memory_space<hbm>> -> memref<1x1x64xi32, #tpu.memory_space<hbm>>
        %dma_start3A_371 = tpu.memref_squeeze %dma_start3A_370 : memref<1x1x64xi32, #tpu.memory_space<hbm>> -> memref<64xi32, #tpu.memory_space<hbm>>
        tpu.enqueue_dma source(%dma_start3A_371 : memref<64xi32, #tpu.memory_space<hbm>>) target(%arg14 : memref<64xi32, #tpu.memory_space<vmem>>) target_semaphore(%arg35 : memref<!tpu.dma_semaphore, #tpu.memory_space<semaphore_mem>>)
        %dma_start3A_372 = arith.constant 0 : i32
        %dma_start3A_373 = tpu.memref_slice %arg3[%add3A, %add3A_365, %dma_start3A_372] : memref<32x160x64xi32, #tpu.memory_space<hbm>> -> memref<1x1x64xi32, #tpu.memory_space<hbm>>
        %dma_start3A_374 = tpu.memref_squeeze %dma_start3A_373 : memref<1x1x64xi32, #tpu.memory_space<hbm>> -> memref<64xi32, #tpu.memory_space<hbm>>
        %dma_start3A_375 = arith.constant 0 : i32
        %dma_start3A_376 = tpu.memref_slice %arg3[%add3A, %add3A_365, %dma_start3A_375] : memref<32x160x64xi32, #tpu.memory_space<hbm>> -> memref<1x1x64xi32, #tpu.memory_space<hbm>>
        %dma_start3A_377 = tpu.memref_squeeze %dma_start3A_376 : memref<1x1x64xi32, #tpu.memory_space<hbm>> -> memref<64xi32, #tpu.memory_space<hbm>>
        tpu.enqueue_dma source(%dma_start3A_377 : memref<64xi32, #tpu.memory_space<hbm>>) target(%arg22 : memref<64xi32, #tpu.memory_space<vmem>>) target_semaphore(%arg35 : memref<!tpu.dma_semaphore, #tpu.memory_space<semaphore_mem>>)
      } else {
      }
      %add3A_177 = arith.constant 2 : i32
      %add3A_178 = arith.addi %add3A_164, %add3A_177 : i32
      %lt3A_179 = arith.constant 160 : i32
      %lt3A_180 = arith.cmpi slt, %add3A_178, %lt3A_179 : i32
      %convert_element_type3A_181 = arith.extui %lt3A_180 : i1 to i32
      %cond3A_182 = arith.constant 0 : i32
      %cond3A_183 = arith.cmpi ne, %convert_element_type3A_181, %cond3A_182 : i32
      scf.if %cond3A_183 {
        %add3A_364 = arith.constant 2 : i32
        %add3A_365 = arith.addi %add3A_164, %add3A_364 : i32
        %dma_wait3A_366 = arith.constant 0 : i32
        %dma_wait3A_367 = tpu.memref_slice %arg2[%add3A, %add3A_365, %dma_wait3A_366] : memref<32x160x64xi32, #tpu.memory_space<hbm>> -> memref<1x1x64xi32, #tpu.memory_space<hbm>>
        %dma_wait3A_368 = tpu.memref_squeeze %dma_wait3A_367 : memref<1x1x64xi32, #tpu.memory_space<hbm>> -> memref<64xi32, #tpu.memory_space<hbm>>
        %dma_wait3A_369 = arith.constant 0 : i32
        %dma_wait3A_370 = tpu.memref_slice %arg2[%add3A, %add3A_365, %dma_wait3A_369] : memref<32x160x64xi32, #tpu.memory_space<hbm>> -> memref<1x1x64xi32, #tpu.memory_space<hbm>>
        %dma_wait3A_371 = tpu.memref_squeeze %dma_wait3A_370 : memref<1x1x64xi32, #tpu.memory_space<hbm>> -> memref<64xi32, #tpu.memory_space<hbm>>
        tpu.wait_dma2 semaphore(%arg31 : memref<!tpu.dma_semaphore, #tpu.memory_space<semaphore_mem>>) src(%dma_wait3A_371 : memref<64xi32, #tpu.memory_space<hbm>>) dst(%arg10 : memref<64xi32, #tpu.memory_space<vmem>>)
        %dma_wait3A_372 = arith.constant 0 : i32
        %dma_wait3A_373 = tpu.memref_slice %arg3[%add3A, %add3A_365, %dma_wait3A_372] : memref<32x160x64xi32, #tpu.memory_space<hbm>> -> memref<1x1x64xi32, #tpu.memory_space<hbm>>
        %dma_wait3A_374 = tpu.memref_squeeze %dma_wait3A_373 : memref<1x1x64xi32, #tpu.memory_space<hbm>> -> memref<64xi32, #tpu.memory_space<hbm>>
        %dma_wait3A_375 = arith.constant 0 : i32
        %dma_wait3A_376 = tpu.memref_slice %arg3[%add3A, %add3A_365, %dma_wait3A_375] : memref<32x160x64xi32, #tpu.memory_space<hbm>> -> memref<1x1x64xi32, #tpu.memory_space<hbm>>
        %dma_wait3A_377 = tpu.memref_squeeze %dma_wait3A_376 : memref<1x1x64xi32, #tpu.memory_space<hbm>> -> memref<64xi32, #tpu.memory_space<hbm>>
        tpu.wait_dma2 semaphore(%arg31 : memref<!tpu.dma_semaphore, #tpu.memory_space<semaphore_mem>>) src(%dma_wait3A_377 : memref<64xi32, #tpu.memory_space<hbm>>) dst(%arg18 : memref<64xi32, #tpu.memory_space<vmem>>)
        %dma_start3A_378 = arith.constant 0 : i32
        %dma_start3A_379 = arith.constant 0 : i32
        %dma_start3A_380 = tpu.memref_slice %arg4[%dma_start3A_378, %dma_start3A_379] : memref<10240x128xf32, #tpu.memory_space<hbm>> -> memref<10240x128xf32, #tpu.memory_space<hbm>>
        tpu.enqueue_indirect_dma source(%dma_start3A_380 : memref<10240x128xf32, #tpu.memory_space<hbm>>) target(%arg26 : memref<64x128xf32, #tpu.memory_space<vmem>>) offsets(%arg10 : memref<64xi32, #tpu.memory_space<vmem>>) semaphore(%arg39 : memref<!tpu.dma_semaphore, #tpu.memory_space<semaphore_mem>>)
      } else {
      }
      %dma_wait3A_184 = arith.constant 0 : i32
      %dma_wait3A_185 = arith.constant 0 : i32
      %dma_wait3A_186 = tpu.memref_slice %arg4[%dma_wait3A_184, %dma_wait3A_185] : memref<10240x128xf32, #tpu.memory_space<hbm>> -> memref<10240x128xf32, #tpu.memory_space<hbm>>
      tpu.wait_indirect_dma semaphore(%arg37 : memref<!tpu.dma_semaphore, #tpu.memory_space<semaphore_mem>>) src(%dma_wait3A_186 : memref<10240x128xf32, #tpu.memory_space<hbm>>) dst(%arg24 : memref<64x128xf32, #tpu.memory_space<vmem>>)
      %dma_start3A_187 = arith.constant 0 : i32
      %dma_start3A_188 = arith.constant 0 : i32
      %dma_start3A_189 = tpu.memref_slice %arg27[%dma_start3A_187, %dma_start3A_188] : memref<10240x128xf32, #tpu.memory_space<vmem_shared>> -> memref<10240x128xf32, #tpu.memory_space<vmem_shared>>
      tpu.enqueue_indirect_dma source(%arg24 : memref<64x128xf32, #tpu.memory_space<vmem>>) target(%dma_start3A_189 : memref<10240x128xf32, #tpu.memory_space<vmem_shared>>) offsets(%arg16 : memref<64xi32, #tpu.memory_space<vmem>>) semaphore(%arg41 : memref<!tpu.dma_semaphore, #tpu.memory_space<semaphore_mem>>) {add = true}
      %mul3A_190 = arith.constant 8 : i32
      %mul3A_191 = arith.muli %mul3A_190, %scan3A_135 : i32
      %add3A_192 = arith.constant 2 : i32
      %add3A_193 = arith.addi %mul3A_191, %add3A_192 : i32
      %ge3A_194 = arith.constant 2 : i32
      %ge3A_195 = arith.cmpi sge, %add3A_193, %ge3A_194 : i32
      %convert_element_type3A_196 = arith.extui %ge3A_195 : i1 to i32
      %cond3A_197 = arith.constant 0 : i32
      %cond3A_198 = arith.cmpi ne, %convert_element_type3A_196, %cond3A_197 : i32
      scf.if %cond3A_198 {
        %dma_wait3A_364 = arith.constant 0 : i32
        %dma_wait3A_365 = arith.constant 0 : i32
        %dma_wait3A_366 = tpu.memref_slice %arg27[%dma_wait3A_364, %dma_wait3A_365] : memref<10240x128xf32, #tpu.memory_space<vmem_shared>> -> memref<10240x128xf32, #tpu.memory_space<vmem_shared>>
        tpu.wait_indirect_dma semaphore(%arg40 : memref<!tpu.dma_semaphore, #tpu.memory_space<semaphore_mem>>) src(%arg23 : memref<64x128xf32, #tpu.memory_space<vmem>>) dst(%dma_wait3A_366 : memref<10240x128xf32, #tpu.memory_space<vmem_shared>>)
      } else {
      }
      %add3A_199 = arith.constant 6 : i32
      %add3A_200 = arith.addi %add3A_193, %add3A_199 : i32
      %lt3A_201 = arith.constant 160 : i32
      %lt3A_202 = arith.cmpi slt, %add3A_200, %lt3A_201 : i32
      %convert_element_type3A_203 = arith.extui %lt3A_202 : i1 to i32
      %cond3A_204 = arith.constant 0 : i32
      %cond3A_205 = arith.cmpi ne, %convert_element_type3A_203, %cond3A_204 : i32
      scf.if %cond3A_205 {
        %add3A_364 = arith.constant 6 : i32
        %add3A_365 = arith.addi %add3A_193, %add3A_364 : i32
        %dma_start3A_366 = arith.constant 0 : i32
        %dma_start3A_367 = tpu.memref_slice %arg2[%add3A, %add3A_365, %dma_start3A_366] : memref<32x160x64xi32, #tpu.memory_space<hbm>> -> memref<1x1x64xi32, #tpu.memory_space<hbm>>
        %dma_start3A_368 = tpu.memref_squeeze %dma_start3A_367 : memref<1x1x64xi32, #tpu.memory_space<hbm>> -> memref<64xi32, #tpu.memory_space<hbm>>
        %dma_start3A_369 = arith.constant 0 : i32
        %dma_start3A_370 = tpu.memref_slice %arg2[%add3A, %add3A_365, %dma_start3A_369] : memref<32x160x64xi32, #tpu.memory_space<hbm>> -> memref<1x1x64xi32, #tpu.memory_space<hbm>>
        %dma_start3A_371 = tpu.memref_squeeze %dma_start3A_370 : memref<1x1x64xi32, #tpu.memory_space<hbm>> -> memref<64xi32, #tpu.memory_space<hbm>>
        tpu.enqueue_dma source(%dma_start3A_371 : memref<64xi32, #tpu.memory_space<hbm>>) target(%arg7 : memref<64xi32, #tpu.memory_space<vmem>>) target_semaphore(%arg28 : memref<!tpu.dma_semaphore, #tpu.memory_space<semaphore_mem>>)
        %dma_start3A_372 = arith.constant 0 : i32
        %dma_start3A_373 = tpu.memref_slice %arg3[%add3A, %add3A_365, %dma_start3A_372] : memref<32x160x64xi32, #tpu.memory_space<hbm>> -> memref<1x1x64xi32, #tpu.memory_space<hbm>>
        %dma_start3A_374 = tpu.memref_squeeze %dma_start3A_373 : memref<1x1x64xi32, #tpu.memory_space<hbm>> -> memref<64xi32, #tpu.memory_space<hbm>>
        %dma_start3A_375 = arith.constant 0 : i32
        %dma_start3A_376 = tpu.memref_slice %arg3[%add3A, %add3A_365, %dma_start3A_375] : memref<32x160x64xi32, #tpu.memory_space<hbm>> -> memref<1x1x64xi32, #tpu.memory_space<hbm>>
        %dma_start3A_377 = tpu.memref_squeeze %dma_start3A_376 : memref<1x1x64xi32, #tpu.memory_space<hbm>> -> memref<64xi32, #tpu.memory_space<hbm>>
        tpu.enqueue_dma source(%dma_start3A_377 : memref<64xi32, #tpu.memory_space<hbm>>) target(%arg15 : memref<64xi32, #tpu.memory_space<vmem>>) target_semaphore(%arg28 : memref<!tpu.dma_semaphore, #tpu.memory_space<semaphore_mem>>)
      } else {
      }
      %add3A_206 = arith.constant 2 : i32
      %add3A_207 = arith.addi %add3A_193, %add3A_206 : i32
      %lt3A_208 = arith.constant 160 : i32
      %lt3A_209 = arith.cmpi slt, %add3A_207, %lt3A_208 : i32
      %convert_element_type3A_210 = arith.extui %lt3A_209 : i1 to i32
      %cond3A_211 = arith.constant 0 : i32
      %cond3A_212 = arith.cmpi ne, %convert_element_type3A_210, %cond3A_211 : i32
      scf.if %cond3A_212 {
        %add3A_364 = arith.constant 2 : i32
        %add3A_365 = arith.addi %add3A_193, %add3A_364 : i32
        %dma_wait3A_366 = arith.constant 0 : i32
        %dma_wait3A_367 = tpu.memref_slice %arg2[%add3A, %add3A_365, %dma_wait3A_366] : memref<32x160x64xi32, #tpu.memory_space<hbm>> -> memref<1x1x64xi32, #tpu.memory_space<hbm>>
        %dma_wait3A_368 = tpu.memref_squeeze %dma_wait3A_367 : memref<1x1x64xi32, #tpu.memory_space<hbm>> -> memref<64xi32, #tpu.memory_space<hbm>>
        %dma_wait3A_369 = arith.constant 0 : i32
        %dma_wait3A_370 = tpu.memref_slice %arg2[%add3A, %add3A_365, %dma_wait3A_369] : memref<32x160x64xi32, #tpu.memory_space<hbm>> -> memref<1x1x64xi32, #tpu.memory_space<hbm>>
        %dma_wait3A_371 = tpu.memref_squeeze %dma_wait3A_370 : memref<1x1x64xi32, #tpu.memory_space<hbm>> -> memref<64xi32, #tpu.memory_space<hbm>>
        tpu.wait_dma2 semaphore(%arg32 : memref<!tpu.dma_semaphore, #tpu.memory_space<semaphore_mem>>) src(%dma_wait3A_371 : memref<64xi32, #tpu.memory_space<hbm>>) dst(%arg11 : memref<64xi32, #tpu.memory_space<vmem>>)
        %dma_wait3A_372 = arith.constant 0 : i32
        %dma_wait3A_373 = tpu.memref_slice %arg3[%add3A, %add3A_365, %dma_wait3A_372] : memref<32x160x64xi32, #tpu.memory_space<hbm>> -> memref<1x1x64xi32, #tpu.memory_space<hbm>>
        %dma_wait3A_374 = tpu.memref_squeeze %dma_wait3A_373 : memref<1x1x64xi32, #tpu.memory_space<hbm>> -> memref<64xi32, #tpu.memory_space<hbm>>
        %dma_wait3A_375 = arith.constant 0 : i32
        %dma_wait3A_376 = tpu.memref_slice %arg3[%add3A, %add3A_365, %dma_wait3A_375] : memref<32x160x64xi32, #tpu.memory_space<hbm>> -> memref<1x1x64xi32, #tpu.memory_space<hbm>>
        %dma_wait3A_377 = tpu.memref_squeeze %dma_wait3A_376 : memref<1x1x64xi32, #tpu.memory_space<hbm>> -> memref<64xi32, #tpu.memory_space<hbm>>
        tpu.wait_dma2 semaphore(%arg32 : memref<!tpu.dma_semaphore, #tpu.memory_space<semaphore_mem>>) src(%dma_wait3A_377 : memref<64xi32, #tpu.memory_space<hbm>>) dst(%arg19 : memref<64xi32, #tpu.memory_space<vmem>>)
        %dma_start3A_378 = arith.constant 0 : i32
        %dma_start3A_379 = arith.constant 0 : i32
        %dma_start3A_380 = tpu.memref_slice %arg4[%dma_start3A_378, %dma_start3A_379] : memref<10240x128xf32, #tpu.memory_space<hbm>> -> memref<10240x128xf32, #tpu.memory_space<hbm>>
        tpu.enqueue_indirect_dma source(%dma_start3A_380 : memref<10240x128xf32, #tpu.memory_space<hbm>>) target(%arg23 : memref<64x128xf32, #tpu.memory_space<vmem>>) offsets(%arg11 : memref<64xi32, #tpu.memory_space<vmem>>) semaphore(%arg36 : memref<!tpu.dma_semaphore, #tpu.memory_space<semaphore_mem>>)
      } else {
      }
      %dma_wait3A_213 = arith.constant 0 : i32
      %dma_wait3A_214 = arith.constant 0 : i32
      %dma_wait3A_215 = tpu.memref_slice %arg4[%dma_wait3A_213, %dma_wait3A_214] : memref<10240x128xf32, #tpu.memory_space<hbm>> -> memref<10240x128xf32, #tpu.memory_space<hbm>>
      tpu.wait_indirect_dma semaphore(%arg38 : memref<!tpu.dma_semaphore, #tpu.memory_space<semaphore_mem>>) src(%dma_wait3A_215 : memref<10240x128xf32, #tpu.memory_space<hbm>>) dst(%arg25 : memref<64x128xf32, #tpu.memory_space<vmem>>)
      %dma_start3A_216 = arith.constant 0 : i32
      %dma_start3A_217 = arith.constant 0 : i32
      %dma_start3A_218 = tpu.memref_slice %arg27[%dma_start3A_216, %dma_start3A_217] : memref<10240x128xf32, #tpu.memory_space<vmem_shared>> -> memref<10240x128xf32, #tpu.memory_space<vmem_shared>>
      tpu.enqueue_indirect_dma source(%arg25 : memref<64x128xf32, #tpu.memory_space<vmem>>) target(%dma_start3A_218 : memref<10240x128xf32, #tpu.memory_space<vmem_shared>>) offsets(%arg17 : memref<64xi32, #tpu.memory_space<vmem>>) semaphore(%arg42 : memref<!tpu.dma_semaphore, #tpu.memory_space<semaphore_mem>>) {add = true}
      %mul3A_219 = arith.constant 8 : i32
      %mul3A_220 = arith.muli %mul3A_219, %scan3A_135 : i32
      %add3A_221 = arith.constant 3 : i32
      %add3A_222 = arith.addi %mul3A_220, %add3A_221 : i32
      %ge3A_223 = arith.constant 2 : i32
      %ge3A_224 = arith.cmpi sge, %add3A_222, %ge3A_223 : i32
      %convert_element_type3A_225 = arith.extui %ge3A_224 : i1 to i32
      %cond3A_226 = arith.constant 0 : i32
      %cond3A_227 = arith.cmpi ne, %convert_element_type3A_225, %cond3A_226 : i32
      scf.if %cond3A_227 {
        %dma_wait3A_364 = arith.constant 0 : i32
        %dma_wait3A_365 = arith.constant 0 : i32
        %dma_wait3A_366 = tpu.memref_slice %arg27[%dma_wait3A_364, %dma_wait3A_365] : memref<10240x128xf32, #tpu.memory_space<vmem_shared>> -> memref<10240x128xf32, #tpu.memory_space<vmem_shared>>
        tpu.wait_indirect_dma semaphore(%arg41 : memref<!tpu.dma_semaphore, #tpu.memory_space<semaphore_mem>>) src(%arg24 : memref<64x128xf32, #tpu.memory_space<vmem>>) dst(%dma_wait3A_366 : memref<10240x128xf32, #tpu.memory_space<vmem_shared>>)
      } else {
      }
      %add3A_228 = arith.constant 6 : i32
      %add3A_229 = arith.addi %add3A_222, %add3A_228 : i32
      %lt3A_230 = arith.constant 160 : i32
      %lt3A_231 = arith.cmpi slt, %add3A_229, %lt3A_230 : i32
      %convert_element_type3A_232 = arith.extui %lt3A_231 : i1 to i32
      %cond3A_233 = arith.constant 0 : i32
      %cond3A_234 = arith.cmpi ne, %convert_element_type3A_232, %cond3A_233 : i32
      scf.if %cond3A_234 {
        %add3A_364 = arith.constant 6 : i32
        %add3A_365 = arith.addi %add3A_222, %add3A_364 : i32
        %dma_start3A_366 = arith.constant 0 : i32
        %dma_start3A_367 = tpu.memref_slice %arg2[%add3A, %add3A_365, %dma_start3A_366] : memref<32x160x64xi32, #tpu.memory_space<hbm>> -> memref<1x1x64xi32, #tpu.memory_space<hbm>>
        %dma_start3A_368 = tpu.memref_squeeze %dma_start3A_367 : memref<1x1x64xi32, #tpu.memory_space<hbm>> -> memref<64xi32, #tpu.memory_space<hbm>>
        %dma_start3A_369 = arith.constant 0 : i32
        %dma_start3A_370 = tpu.memref_slice %arg2[%add3A, %add3A_365, %dma_start3A_369] : memref<32x160x64xi32, #tpu.memory_space<hbm>> -> memref<1x1x64xi32, #tpu.memory_space<hbm>>
        %dma_start3A_371 = tpu.memref_squeeze %dma_start3A_370 : memref<1x1x64xi32, #tpu.memory_space<hbm>> -> memref<64xi32, #tpu.memory_space<hbm>>
        tpu.enqueue_dma source(%dma_start3A_371 : memref<64xi32, #tpu.memory_space<hbm>>) target(%arg8 : memref<64xi32, #tpu.memory_space<vmem>>) target_semaphore(%arg29 : memref<!tpu.dma_semaphore, #tpu.memory_space<semaphore_mem>>)
        %dma_start3A_372 = arith.constant 0 : i32
        %dma_start3A_373 = tpu.memref_slice %arg3[%add3A, %add3A_365, %dma_start3A_372] : memref<32x160x64xi32, #tpu.memory_space<hbm>> -> memref<1x1x64xi32, #tpu.memory_space<hbm>>
        %dma_start3A_374 = tpu.memref_squeeze %dma_start3A_373 : memref<1x1x64xi32, #tpu.memory_space<hbm>> -> memref<64xi32, #tpu.memory_space<hbm>>
        %dma_start3A_375 = arith.constant 0 : i32
        %dma_start3A_376 = tpu.memref_slice %arg3[%add3A, %add3A_365, %dma_start3A_375] : memref<32x160x64xi32, #tpu.memory_space<hbm>> -> memref<1x1x64xi32, #tpu.memory_space<hbm>>
        %dma_start3A_377 = tpu.memref_squeeze %dma_start3A_376 : memref<1x1x64xi32, #tpu.memory_space<hbm>> -> memref<64xi32, #tpu.memory_space<hbm>>
        tpu.enqueue_dma source(%dma_start3A_377 : memref<64xi32, #tpu.memory_space<hbm>>) target(%arg16 : memref<64xi32, #tpu.memory_space<vmem>>) target_semaphore(%arg29 : memref<!tpu.dma_semaphore, #tpu.memory_space<semaphore_mem>>)
      } else {
      }
      %add3A_235 = arith.constant 2 : i32
      %add3A_236 = arith.addi %add3A_222, %add3A_235 : i32
      %lt3A_237 = arith.constant 160 : i32
      %lt3A_238 = arith.cmpi slt, %add3A_236, %lt3A_237 : i32
      %convert_element_type3A_239 = arith.extui %lt3A_238 : i1 to i32
      %cond3A_240 = arith.constant 0 : i32
      %cond3A_241 = arith.cmpi ne, %convert_element_type3A_239, %cond3A_240 : i32
      scf.if %cond3A_241 {
        %add3A_364 = arith.constant 2 : i32
        %add3A_365 = arith.addi %add3A_222, %add3A_364 : i32
        %dma_wait3A_366 = arith.constant 0 : i32
        %dma_wait3A_367 = tpu.memref_slice %arg2[%add3A, %add3A_365, %dma_wait3A_366] : memref<32x160x64xi32, #tpu.memory_space<hbm>> -> memref<1x1x64xi32, #tpu.memory_space<hbm>>
        %dma_wait3A_368 = tpu.memref_squeeze %dma_wait3A_367 : memref<1x1x64xi32, #tpu.memory_space<hbm>> -> memref<64xi32, #tpu.memory_space<hbm>>
        %dma_wait3A_369 = arith.constant 0 : i32
        %dma_wait3A_370 = tpu.memref_slice %arg2[%add3A, %add3A_365, %dma_wait3A_369] : memref<32x160x64xi32, #tpu.memory_space<hbm>> -> memref<1x1x64xi32, #tpu.memory_space<hbm>>
        %dma_wait3A_371 = tpu.memref_squeeze %dma_wait3A_370 : memref<1x1x64xi32, #tpu.memory_space<hbm>> -> memref<64xi32, #tpu.memory_space<hbm>>
        tpu.wait_dma2 semaphore(%arg33 : memref<!tpu.dma_semaphore, #tpu.memory_space<semaphore_mem>>) src(%dma_wait3A_371 : memref<64xi32, #tpu.memory_space<hbm>>) dst(%arg12 : memref<64xi32, #tpu.memory_space<vmem>>)
        %dma_wait3A_372 = arith.constant 0 : i32
        %dma_wait3A_373 = tpu.memref_slice %arg3[%add3A, %add3A_365, %dma_wait3A_372] : memref<32x160x64xi32, #tpu.memory_space<hbm>> -> memref<1x1x64xi32, #tpu.memory_space<hbm>>
        %dma_wait3A_374 = tpu.memref_squeeze %dma_wait3A_373 : memref<1x1x64xi32, #tpu.memory_space<hbm>> -> memref<64xi32, #tpu.memory_space<hbm>>
        %dma_wait3A_375 = arith.constant 0 : i32
        %dma_wait3A_376 = tpu.memref_slice %arg3[%add3A, %add3A_365, %dma_wait3A_375] : memref<32x160x64xi32, #tpu.memory_space<hbm>> -> memref<1x1x64xi32, #tpu.memory_space<hbm>>
        %dma_wait3A_377 = tpu.memref_squeeze %dma_wait3A_376 : memref<1x1x64xi32, #tpu.memory_space<hbm>> -> memref<64xi32, #tpu.memory_space<hbm>>
        tpu.wait_dma2 semaphore(%arg33 : memref<!tpu.dma_semaphore, #tpu.memory_space<semaphore_mem>>) src(%dma_wait3A_377 : memref<64xi32, #tpu.memory_space<hbm>>) dst(%arg20 : memref<64xi32, #tpu.memory_space<vmem>>)
        %dma_start3A_378 = arith.constant 0 : i32
        %dma_start3A_379 = arith.constant 0 : i32
        %dma_start3A_380 = tpu.memref_slice %arg4[%dma_start3A_378, %dma_start3A_379] : memref<10240x128xf32, #tpu.memory_space<hbm>> -> memref<10240x128xf32, #tpu.memory_space<hbm>>
        tpu.enqueue_indirect_dma source(%dma_start3A_380 : memref<10240x128xf32, #tpu.memory_space<hbm>>) target(%arg24 : memref<64x128xf32, #tpu.memory_space<vmem>>) offsets(%arg12 : memref<64xi32, #tpu.memory_space<vmem>>) semaphore(%arg37 : memref<!tpu.dma_semaphore, #tpu.memory_space<semaphore_mem>>)
      } else {
      }
      %dma_wait3A_242 = arith.constant 0 : i32
      %dma_wait3A_243 = arith.constant 0 : i32
      %dma_wait3A_244 = tpu.memref_slice %arg4[%dma_wait3A_242, %dma_wait3A_243] : memref<10240x128xf32, #tpu.memory_space<hbm>> -> memref<10240x128xf32, #tpu.memory_space<hbm>>
      tpu.wait_indirect_dma semaphore(%arg39 : memref<!tpu.dma_semaphore, #tpu.memory_space<semaphore_mem>>) src(%dma_wait3A_244 : memref<10240x128xf32, #tpu.memory_space<hbm>>) dst(%arg26 : memref<64x128xf32, #tpu.memory_space<vmem>>)
      %dma_start3A_245 = arith.constant 0 : i32
      %dma_start3A_246 = arith.constant 0 : i32
      %dma_start3A_247 = tpu.memref_slice %arg27[%dma_start3A_245, %dma_start3A_246] : memref<10240x128xf32, #tpu.memory_space<vmem_shared>> -> memref<10240x128xf32, #tpu.memory_space<vmem_shared>>
      tpu.enqueue_indirect_dma source(%arg26 : memref<64x128xf32, #tpu.memory_space<vmem>>) target(%dma_start3A_247 : memref<10240x128xf32, #tpu.memory_space<vmem_shared>>) offsets(%arg18 : memref<64xi32, #tpu.memory_space<vmem>>) semaphore(%arg43 : memref<!tpu.dma_semaphore, #tpu.memory_space<semaphore_mem>>) {add = true}
      %mul3A_248 = arith.constant 8 : i32
      %mul3A_249 = arith.muli %mul3A_248, %scan3A_135 : i32
      %add3A_250 = arith.constant 4 : i32
      %add3A_251 = arith.addi %mul3A_249, %add3A_250 : i32
      %ge3A_252 = arith.constant 2 : i32
      %ge3A_253 = arith.cmpi sge, %add3A_251, %ge3A_252 : i32
      %convert_element_type3A_254 = arith.extui %ge3A_253 : i1 to i32
      %cond3A_255 = arith.constant 0 : i32
      %cond3A_256 = arith.cmpi ne, %convert_element_type3A_254, %cond3A_255 : i32
      scf.if %cond3A_256 {
        %dma_wait3A_364 = arith.constant 0 : i32
        %dma_wait3A_365 = arith.constant 0 : i32
        %dma_wait3A_366 = tpu.memref_slice %arg27[%dma_wait3A_364, %dma_wait3A_365] : memref<10240x128xf32, #tpu.memory_space<vmem_shared>> -> memref<10240x128xf32, #tpu.memory_space<vmem_shared>>
        tpu.wait_indirect_dma semaphore(%arg42 : memref<!tpu.dma_semaphore, #tpu.memory_space<semaphore_mem>>) src(%arg25 : memref<64x128xf32, #tpu.memory_space<vmem>>) dst(%dma_wait3A_366 : memref<10240x128xf32, #tpu.memory_space<vmem_shared>>)
      } else {
      }
      %add3A_257 = arith.constant 6 : i32
      %add3A_258 = arith.addi %add3A_251, %add3A_257 : i32
      %lt3A_259 = arith.constant 160 : i32
      %lt3A_260 = arith.cmpi slt, %add3A_258, %lt3A_259 : i32
      %convert_element_type3A_261 = arith.extui %lt3A_260 : i1 to i32
      %cond3A_262 = arith.constant 0 : i32
      %cond3A_263 = arith.cmpi ne, %convert_element_type3A_261, %cond3A_262 : i32
      scf.if %cond3A_263 {
        %add3A_364 = arith.constant 6 : i32
        %add3A_365 = arith.addi %add3A_251, %add3A_364 : i32
        %dma_start3A_366 = arith.constant 0 : i32
        %dma_start3A_367 = tpu.memref_slice %arg2[%add3A, %add3A_365, %dma_start3A_366] : memref<32x160x64xi32, #tpu.memory_space<hbm>> -> memref<1x1x64xi32, #tpu.memory_space<hbm>>
        %dma_start3A_368 = tpu.memref_squeeze %dma_start3A_367 : memref<1x1x64xi32, #tpu.memory_space<hbm>> -> memref<64xi32, #tpu.memory_space<hbm>>
        %dma_start3A_369 = arith.constant 0 : i32
        %dma_start3A_370 = tpu.memref_slice %arg2[%add3A, %add3A_365, %dma_start3A_369] : memref<32x160x64xi32, #tpu.memory_space<hbm>> -> memref<1x1x64xi32, #tpu.memory_space<hbm>>
        %dma_start3A_371 = tpu.memref_squeeze %dma_start3A_370 : memref<1x1x64xi32, #tpu.memory_space<hbm>> -> memref<64xi32, #tpu.memory_space<hbm>>
        tpu.enqueue_dma source(%dma_start3A_371 : memref<64xi32, #tpu.memory_space<hbm>>) target(%arg9 : memref<64xi32, #tpu.memory_space<vmem>>) target_semaphore(%arg30 : memref<!tpu.dma_semaphore, #tpu.memory_space<semaphore_mem>>)
        %dma_start3A_372 = arith.constant 0 : i32
        %dma_start3A_373 = tpu.memref_slice %arg3[%add3A, %add3A_365, %dma_start3A_372] : memref<32x160x64xi32, #tpu.memory_space<hbm>> -> memref<1x1x64xi32, #tpu.memory_space<hbm>>
        %dma_start3A_374 = tpu.memref_squeeze %dma_start3A_373 : memref<1x1x64xi32, #tpu.memory_space<hbm>> -> memref<64xi32, #tpu.memory_space<hbm>>
        %dma_start3A_375 = arith.constant 0 : i32
        %dma_start3A_376 = tpu.memref_slice %arg3[%add3A, %add3A_365, %dma_start3A_375] : memref<32x160x64xi32, #tpu.memory_space<hbm>> -> memref<1x1x64xi32, #tpu.memory_space<hbm>>
        %dma_start3A_377 = tpu.memref_squeeze %dma_start3A_376 : memref<1x1x64xi32, #tpu.memory_space<hbm>> -> memref<64xi32, #tpu.memory_space<hbm>>
        tpu.enqueue_dma source(%dma_start3A_377 : memref<64xi32, #tpu.memory_space<hbm>>) target(%arg17 : memref<64xi32, #tpu.memory_space<vmem>>) target_semaphore(%arg30 : memref<!tpu.dma_semaphore, #tpu.memory_space<semaphore_mem>>)
      } else {
      }
      %add3A_264 = arith.constant 2 : i32
      %add3A_265 = arith.addi %add3A_251, %add3A_264 : i32
      %lt3A_266 = arith.constant 160 : i32
      %lt3A_267 = arith.cmpi slt, %add3A_265, %lt3A_266 : i32
      %convert_element_type3A_268 = arith.extui %lt3A_267 : i1 to i32
      %cond3A_269 = arith.constant 0 : i32
      %cond3A_270 = arith.cmpi ne, %convert_element_type3A_268, %cond3A_269 : i32
      scf.if %cond3A_270 {
        %add3A_364 = arith.constant 2 : i32
        %add3A_365 = arith.addi %add3A_251, %add3A_364 : i32
        %dma_wait3A_366 = arith.constant 0 : i32
        %dma_wait3A_367 = tpu.memref_slice %arg2[%add3A, %add3A_365, %dma_wait3A_366] : memref<32x160x64xi32, #tpu.memory_space<hbm>> -> memref<1x1x64xi32, #tpu.memory_space<hbm>>
        %dma_wait3A_368 = tpu.memref_squeeze %dma_wait3A_367 : memref<1x1x64xi32, #tpu.memory_space<hbm>> -> memref<64xi32, #tpu.memory_space<hbm>>
        %dma_wait3A_369 = arith.constant 0 : i32
        %dma_wait3A_370 = tpu.memref_slice %arg2[%add3A, %add3A_365, %dma_wait3A_369] : memref<32x160x64xi32, #tpu.memory_space<hbm>> -> memref<1x1x64xi32, #tpu.memory_space<hbm>>
        %dma_wait3A_371 = tpu.memref_squeeze %dma_wait3A_370 : memref<1x1x64xi32, #tpu.memory_space<hbm>> -> memref<64xi32, #tpu.memory_space<hbm>>
        tpu.wait_dma2 semaphore(%arg34 : memref<!tpu.dma_semaphore, #tpu.memory_space<semaphore_mem>>) src(%dma_wait3A_371 : memref<64xi32, #tpu.memory_space<hbm>>) dst(%arg13 : memref<64xi32, #tpu.memory_space<vmem>>)
        %dma_wait3A_372 = arith.constant 0 : i32
        %dma_wait3A_373 = tpu.memref_slice %arg3[%add3A, %add3A_365, %dma_wait3A_372] : memref<32x160x64xi32, #tpu.memory_space<hbm>> -> memref<1x1x64xi32, #tpu.memory_space<hbm>>
        %dma_wait3A_374 = tpu.memref_squeeze %dma_wait3A_373 : memref<1x1x64xi32, #tpu.memory_space<hbm>> -> memref<64xi32, #tpu.memory_space<hbm>>
        %dma_wait3A_375 = arith.constant 0 : i32
        %dma_wait3A_376 = tpu.memref_slice %arg3[%add3A, %add3A_365, %dma_wait3A_375] : memref<32x160x64xi32, #tpu.memory_space<hbm>> -> memref<1x1x64xi32, #tpu.memory_space<hbm>>
        %dma_wait3A_377 = tpu.memref_squeeze %dma_wait3A_376 : memref<1x1x64xi32, #tpu.memory_space<hbm>> -> memref<64xi32, #tpu.memory_space<hbm>>
        tpu.wait_dma2 semaphore(%arg34 : memref<!tpu.dma_semaphore, #tpu.memory_space<semaphore_mem>>) src(%dma_wait3A_377 : memref<64xi32, #tpu.memory_space<hbm>>) dst(%arg21 : memref<64xi32, #tpu.memory_space<vmem>>)
        %dma_start3A_378 = arith.constant 0 : i32
        %dma_start3A_379 = arith.constant 0 : i32
        %dma_start3A_380 = tpu.memref_slice %arg4[%dma_start3A_378, %dma_start3A_379] : memref<10240x128xf32, #tpu.memory_space<hbm>> -> memref<10240x128xf32, #tpu.memory_space<hbm>>
        tpu.enqueue_indirect_dma source(%dma_start3A_380 : memref<10240x128xf32, #tpu.memory_space<hbm>>) target(%arg25 : memref<64x128xf32, #tpu.memory_space<vmem>>) offsets(%arg13 : memref<64xi32, #tpu.memory_space<vmem>>) semaphore(%arg38 : memref<!tpu.dma_semaphore, #tpu.memory_space<semaphore_mem>>)
      } else {
      }
      %dma_wait3A_271 = arith.constant 0 : i32
      %dma_wait3A_272 = arith.constant 0 : i32
      %dma_wait3A_273 = tpu.memref_slice %arg4[%dma_wait3A_271, %dma_wait3A_272] : memref<10240x128xf32, #tpu.memory_space<hbm>> -> memref<10240x128xf32, #tpu.memory_space<hbm>>
      tpu.wait_indirect_dma semaphore(%arg36 : memref<!tpu.dma_semaphore, #tpu.memory_space<semaphore_mem>>) src(%dma_wait3A_273 : memref<10240x128xf32, #tpu.memory_space<hbm>>) dst(%arg23 : memref<64x128xf32, #tpu.memory_space<vmem>>)
      %dma_start3A_274 = arith.constant 0 : i32
      %dma_start3A_275 = arith.constant 0 : i32
      %dma_start3A_276 = tpu.memref_slice %arg27[%dma_start3A_274, %dma_start3A_275] : memref<10240x128xf32, #tpu.memory_space<vmem_shared>> -> memref<10240x128xf32, #tpu.memory_space<vmem_shared>>
      tpu.enqueue_indirect_dma source(%arg23 : memref<64x128xf32, #tpu.memory_space<vmem>>) target(%dma_start3A_276 : memref<10240x128xf32, #tpu.memory_space<vmem_shared>>) offsets(%arg19 : memref<64xi32, #tpu.memory_space<vmem>>) semaphore(%arg40 : memref<!tpu.dma_semaphore, #tpu.memory_space<semaphore_mem>>) {add = true}
      %mul3A_277 = arith.constant 8 : i32
      %mul3A_278 = arith.muli %mul3A_277, %scan3A_135 : i32
      %add3A_279 = arith.constant 5 : i32
      %add3A_280 = arith.addi %mul3A_278, %add3A_279 : i32
      %ge3A_281 = arith.constant 2 : i32
      %ge3A_282 = arith.cmpi sge, %add3A_280, %ge3A_281 : i32
      %convert_element_type3A_283 = arith.extui %ge3A_282 : i1 to i32
      %cond3A_284 = arith.constant 0 : i32
      %cond3A_285 = arith.cmpi ne, %convert_element_type3A_283, %cond3A_284 : i32
      scf.if %cond3A_285 {
        %dma_wait3A_364 = arith.constant 0 : i32
        %dma_wait3A_365 = arith.constant 0 : i32
        %dma_wait3A_366 = tpu.memref_slice %arg27[%dma_wait3A_364, %dma_wait3A_365] : memref<10240x128xf32, #tpu.memory_space<vmem_shared>> -> memref<10240x128xf32, #tpu.memory_space<vmem_shared>>
        tpu.wait_indirect_dma semaphore(%arg43 : memref<!tpu.dma_semaphore, #tpu.memory_space<semaphore_mem>>) src(%arg26 : memref<64x128xf32, #tpu.memory_space<vmem>>) dst(%dma_wait3A_366 : memref<10240x128xf32, #tpu.memory_space<vmem_shared>>)
      } else {
      }
      %add3A_286 = arith.constant 6 : i32
      %add3A_287 = arith.addi %add3A_280, %add3A_286 : i32
      %lt3A_288 = arith.constant 160 : i32
      %lt3A_289 = arith.cmpi slt, %add3A_287, %lt3A_288 : i32
      %convert_element_type3A_290 = arith.extui %lt3A_289 : i1 to i32
      %cond3A_291 = arith.constant 0 : i32
      %cond3A_292 = arith.cmpi ne, %convert_element_type3A_290, %cond3A_291 : i32
      scf.if %cond3A_292 {
        %add3A_364 = arith.constant 6 : i32
        %add3A_365 = arith.addi %add3A_280, %add3A_364 : i32
        %dma_start3A_366 = arith.constant 0 : i32
        %dma_start3A_367 = tpu.memref_slice %arg2[%add3A, %add3A_365, %dma_start3A_366] : memref<32x160x64xi32, #tpu.memory_space<hbm>> -> memref<1x1x64xi32, #tpu.memory_space<hbm>>
        %dma_start3A_368 = tpu.memref_squeeze %dma_start3A_367 : memref<1x1x64xi32, #tpu.memory_space<hbm>> -> memref<64xi32, #tpu.memory_space<hbm>>
        %dma_start3A_369 = arith.constant 0 : i32
        %dma_start3A_370 = tpu.memref_slice %arg2[%add3A, %add3A_365, %dma_start3A_369] : memref<32x160x64xi32, #tpu.memory_space<hbm>> -> memref<1x1x64xi32, #tpu.memory_space<hbm>>
        %dma_start3A_371 = tpu.memref_squeeze %dma_start3A_370 : memref<1x1x64xi32, #tpu.memory_space<hbm>> -> memref<64xi32, #tpu.memory_space<hbm>>
        tpu.enqueue_dma source(%dma_start3A_371 : memref<64xi32, #tpu.memory_space<hbm>>) target(%arg10 : memref<64xi32, #tpu.memory_space<vmem>>) target_semaphore(%arg31 : memref<!tpu.dma_semaphore, #tpu.memory_space<semaphore_mem>>)
        %dma_start3A_372 = arith.constant 0 : i32
        %dma_start3A_373 = tpu.memref_slice %arg3[%add3A, %add3A_365, %dma_start3A_372] : memref<32x160x64xi32, #tpu.memory_space<hbm>> -> memref<1x1x64xi32, #tpu.memory_space<hbm>>
        %dma_start3A_374 = tpu.memref_squeeze %dma_start3A_373 : memref<1x1x64xi32, #tpu.memory_space<hbm>> -> memref<64xi32, #tpu.memory_space<hbm>>
        %dma_start3A_375 = arith.constant 0 : i32
        %dma_start3A_376 = tpu.memref_slice %arg3[%add3A, %add3A_365, %dma_start3A_375] : memref<32x160x64xi32, #tpu.memory_space<hbm>> -> memref<1x1x64xi32, #tpu.memory_space<hbm>>
        %dma_start3A_377 = tpu.memref_squeeze %dma_start3A_376 : memref<1x1x64xi32, #tpu.memory_space<hbm>> -> memref<64xi32, #tpu.memory_space<hbm>>
        tpu.enqueue_dma source(%dma_start3A_377 : memref<64xi32, #tpu.memory_space<hbm>>) target(%arg18 : memref<64xi32, #tpu.memory_space<vmem>>) target_semaphore(%arg31 : memref<!tpu.dma_semaphore, #tpu.memory_space<semaphore_mem>>)
      } else {
      }
      %add3A_293 = arith.constant 2 : i32
      %add3A_294 = arith.addi %add3A_280, %add3A_293 : i32
      %lt3A_295 = arith.constant 160 : i32
      %lt3A_296 = arith.cmpi slt, %add3A_294, %lt3A_295 : i32
      %convert_element_type3A_297 = arith.extui %lt3A_296 : i1 to i32
      %cond3A_298 = arith.constant 0 : i32
      %cond3A_299 = arith.cmpi ne, %convert_element_type3A_297, %cond3A_298 : i32
      scf.if %cond3A_299 {
        %add3A_364 = arith.constant 2 : i32
        %add3A_365 = arith.addi %add3A_280, %add3A_364 : i32
        %dma_wait3A_366 = arith.constant 0 : i32
        %dma_wait3A_367 = tpu.memref_slice %arg2[%add3A, %add3A_365, %dma_wait3A_366] : memref<32x160x64xi32, #tpu.memory_space<hbm>> -> memref<1x1x64xi32, #tpu.memory_space<hbm>>
        %dma_wait3A_368 = tpu.memref_squeeze %dma_wait3A_367 : memref<1x1x64xi32, #tpu.memory_space<hbm>> -> memref<64xi32, #tpu.memory_space<hbm>>
        %dma_wait3A_369 = arith.constant 0 : i32
        %dma_wait3A_370 = tpu.memref_slice %arg2[%add3A, %add3A_365, %dma_wait3A_369] : memref<32x160x64xi32, #tpu.memory_space<hbm>> -> memref<1x1x64xi32, #tpu.memory_space<hbm>>
        %dma_wait3A_371 = tpu.memref_squeeze %dma_wait3A_370 : memref<1x1x64xi32, #tpu.memory_space<hbm>> -> memref<64xi32, #tpu.memory_space<hbm>>
        tpu.wait_dma2 semaphore(%arg35 : memref<!tpu.dma_semaphore, #tpu.memory_space<semaphore_mem>>) src(%dma_wait3A_371 : memref<64xi32, #tpu.memory_space<hbm>>) dst(%arg14 : memref<64xi32, #tpu.memory_space<vmem>>)
        %dma_wait3A_372 = arith.constant 0 : i32
        %dma_wait3A_373 = tpu.memref_slice %arg3[%add3A, %add3A_365, %dma_wait3A_372] : memref<32x160x64xi32, #tpu.memory_space<hbm>> -> memref<1x1x64xi32, #tpu.memory_space<hbm>>
        %dma_wait3A_374 = tpu.memref_squeeze %dma_wait3A_373 : memref<1x1x64xi32, #tpu.memory_space<hbm>> -> memref<64xi32, #tpu.memory_space<hbm>>
        %dma_wait3A_375 = arith.constant 0 : i32
        %dma_wait3A_376 = tpu.memref_slice %arg3[%add3A, %add3A_365, %dma_wait3A_375] : memref<32x160x64xi32, #tpu.memory_space<hbm>> -> memref<1x1x64xi32, #tpu.memory_space<hbm>>
        %dma_wait3A_377 = tpu.memref_squeeze %dma_wait3A_376 : memref<1x1x64xi32, #tpu.memory_space<hbm>> -> memref<64xi32, #tpu.memory_space<hbm>>
        tpu.wait_dma2 semaphore(%arg35 : memref<!tpu.dma_semaphore, #tpu.memory_space<semaphore_mem>>) src(%dma_wait3A_377 : memref<64xi32, #tpu.memory_space<hbm>>) dst(%arg22 : memref<64xi32, #tpu.memory_space<vmem>>)
        %dma_start3A_378 = arith.constant 0 : i32
        %dma_start3A_379 = arith.constant 0 : i32
        %dma_start3A_380 = tpu.memref_slice %arg4[%dma_start3A_378, %dma_start3A_379] : memref<10240x128xf32, #tpu.memory_space<hbm>> -> memref<10240x128xf32, #tpu.memory_space<hbm>>
        tpu.enqueue_indirect_dma source(%dma_start3A_380 : memref<10240x128xf32, #tpu.memory_space<hbm>>) target(%arg26 : memref<64x128xf32, #tpu.memory_space<vmem>>) offsets(%arg14 : memref<64xi32, #tpu.memory_space<vmem>>) semaphore(%arg39 : memref<!tpu.dma_semaphore, #tpu.memory_space<semaphore_mem>>)
      } else {
      }
      %dma_wait3A_300 = arith.constant 0 : i32
      %dma_wait3A_301 = arith.constant 0 : i32
      %dma_wait3A_302 = tpu.memref_slice %arg4[%dma_wait3A_300, %dma_wait3A_301] : memref<10240x128xf32, #tpu.memory_space<hbm>> -> memref<10240x128xf32, #tpu.memory_space<hbm>>
      tpu.wait_indirect_dma semaphore(%arg37 : memref<!tpu.dma_semaphore, #tpu.memory_space<semaphore_mem>>) src(%dma_wait3A_302 : memref<10240x128xf32, #tpu.memory_space<hbm>>) dst(%arg24 : memref<64x128xf32, #tpu.memory_space<vmem>>)
      %dma_start3A_303 = arith.constant 0 : i32
      %dma_start3A_304 = arith.constant 0 : i32
      %dma_start3A_305 = tpu.memref_slice %arg27[%dma_start3A_303, %dma_start3A_304] : memref<10240x128xf32, #tpu.memory_space<vmem_shared>> -> memref<10240x128xf32, #tpu.memory_space<vmem_shared>>
      tpu.enqueue_indirect_dma source(%arg24 : memref<64x128xf32, #tpu.memory_space<vmem>>) target(%dma_start3A_305 : memref<10240x128xf32, #tpu.memory_space<vmem_shared>>) offsets(%arg20 : memref<64xi32, #tpu.memory_space<vmem>>) semaphore(%arg41 : memref<!tpu.dma_semaphore, #tpu.memory_space<semaphore_mem>>) {add = true}
      %mul3A_306 = arith.constant 8 : i32
      %mul3A_307 = arith.muli %mul3A_306, %scan3A_135 : i32
      %add3A_308 = arith.constant 6 : i32
      %add3A_309 = arith.addi %mul3A_307, %add3A_308 : i32
      %ge3A_310 = arith.constant 2 : i32
      %ge3A_311 = arith.cmpi sge, %add3A_309, %ge3A_310 : i32
      %convert_element_type3A_312 = arith.extui %ge3A_311 : i1 to i32
      %cond3A_313 = arith.constant 0 : i32
      %cond3A_314 = arith.cmpi ne, %convert_element_type3A_312, %cond3A_313 : i32
      scf.if %cond3A_314 {
        %dma_wait3A_364 = arith.constant 0 : i32
        %dma_wait3A_365 = arith.constant 0 : i32
        %dma_wait3A_366 = tpu.memref_slice %arg27[%dma_wait3A_364, %dma_wait3A_365] : memref<10240x128xf32, #tpu.memory_space<vmem_shared>> -> memref<10240x128xf32, #tpu.memory_space<vmem_shared>>
        tpu.wait_indirect_dma semaphore(%arg40 : memref<!tpu.dma_semaphore, #tpu.memory_space<semaphore_mem>>) src(%arg23 : memref<64x128xf32, #tpu.memory_space<vmem>>) dst(%dma_wait3A_366 : memref<10240x128xf32, #tpu.memory_space<vmem_shared>>)
      } else {
      }
      %add3A_315 = arith.constant 6 : i32
      %add3A_316 = arith.addi %add3A_309, %add3A_315 : i32
      %lt3A_317 = arith.constant 160 : i32
      %lt3A_318 = arith.cmpi slt, %add3A_316, %lt3A_317 : i32
      %convert_element_type3A_319 = arith.extui %lt3A_318 : i1 to i32
      %cond3A_320 = arith.constant 0 : i32
      %cond3A_321 = arith.cmpi ne, %convert_element_type3A_319, %cond3A_320 : i32
      scf.if %cond3A_321 {
        %add3A_364 = arith.constant 6 : i32
        %add3A_365 = arith.addi %add3A_309, %add3A_364 : i32
        %dma_start3A_366 = arith.constant 0 : i32
        %dma_start3A_367 = tpu.memref_slice %arg2[%add3A, %add3A_365, %dma_start3A_366] : memref<32x160x64xi32, #tpu.memory_space<hbm>> -> memref<1x1x64xi32, #tpu.memory_space<hbm>>
        %dma_start3A_368 = tpu.memref_squeeze %dma_start3A_367 : memref<1x1x64xi32, #tpu.memory_space<hbm>> -> memref<64xi32, #tpu.memory_space<hbm>>
        %dma_start3A_369 = arith.constant 0 : i32
        %dma_start3A_370 = tpu.memref_slice %arg2[%add3A, %add3A_365, %dma_start3A_369] : memref<32x160x64xi32, #tpu.memory_space<hbm>> -> memref<1x1x64xi32, #tpu.memory_space<hbm>>
        %dma_start3A_371 = tpu.memref_squeeze %dma_start3A_370 : memref<1x1x64xi32, #tpu.memory_space<hbm>> -> memref<64xi32, #tpu.memory_space<hbm>>
        tpu.enqueue_dma source(%dma_start3A_371 : memref<64xi32, #tpu.memory_space<hbm>>) target(%arg11 : memref<64xi32, #tpu.memory_space<vmem>>) target_semaphore(%arg32 : memref<!tpu.dma_semaphore, #tpu.memory_space<semaphore_mem>>)
        %dma_start3A_372 = arith.constant 0 : i32
        %dma_start3A_373 = tpu.memref_slice %arg3[%add3A, %add3A_365, %dma_start3A_372] : memref<32x160x64xi32, #tpu.memory_space<hbm>> -> memref<1x1x64xi32, #tpu.memory_space<hbm>>
        %dma_start3A_374 = tpu.memref_squeeze %dma_start3A_373 : memref<1x1x64xi32, #tpu.memory_space<hbm>> -> memref<64xi32, #tpu.memory_space<hbm>>
        %dma_start3A_375 = arith.constant 0 : i32
        %dma_start3A_376 = tpu.memref_slice %arg3[%add3A, %add3A_365, %dma_start3A_375] : memref<32x160x64xi32, #tpu.memory_space<hbm>> -> memref<1x1x64xi32, #tpu.memory_space<hbm>>
        %dma_start3A_377 = tpu.memref_squeeze %dma_start3A_376 : memref<1x1x64xi32, #tpu.memory_space<hbm>> -> memref<64xi32, #tpu.memory_space<hbm>>
        tpu.enqueue_dma source(%dma_start3A_377 : memref<64xi32, #tpu.memory_space<hbm>>) target(%arg19 : memref<64xi32, #tpu.memory_space<vmem>>) target_semaphore(%arg32 : memref<!tpu.dma_semaphore, #tpu.memory_space<semaphore_mem>>)
      } else {
      }
      %add3A_322 = arith.constant 2 : i32
      %add3A_323 = arith.addi %add3A_309, %add3A_322 : i32
      %lt3A_324 = arith.constant 160 : i32
      %lt3A_325 = arith.cmpi slt, %add3A_323, %lt3A_324 : i32
      %convert_element_type3A_326 = arith.extui %lt3A_325 : i1 to i32
      %cond3A_327 = arith.constant 0 : i32
      %cond3A_328 = arith.cmpi ne, %convert_element_type3A_326, %cond3A_327 : i32
      scf.if %cond3A_328 {
        %add3A_364 = arith.constant 2 : i32
        %add3A_365 = arith.addi %add3A_309, %add3A_364 : i32
        %dma_wait3A_366 = arith.constant 0 : i32
        %dma_wait3A_367 = tpu.memref_slice %arg2[%add3A, %add3A_365, %dma_wait3A_366] : memref<32x160x64xi32, #tpu.memory_space<hbm>> -> memref<1x1x64xi32, #tpu.memory_space<hbm>>
        %dma_wait3A_368 = tpu.memref_squeeze %dma_wait3A_367 : memref<1x1x64xi32, #tpu.memory_space<hbm>> -> memref<64xi32, #tpu.memory_space<hbm>>
        %dma_wait3A_369 = arith.constant 0 : i32
        %dma_wait3A_370 = tpu.memref_slice %arg2[%add3A, %add3A_365, %dma_wait3A_369] : memref<32x160x64xi32, #tpu.memory_space<hbm>> -> memref<1x1x64xi32, #tpu.memory_space<hbm>>
        %dma_wait3A_371 = tpu.memref_squeeze %dma_wait3A_370 : memref<1x1x64xi32, #tpu.memory_space<hbm>> -> memref<64xi32, #tpu.memory_space<hbm>>
        tpu.wait_dma2 semaphore(%arg28 : memref<!tpu.dma_semaphore, #tpu.memory_space<semaphore_mem>>) src(%dma_wait3A_371 : memref<64xi32, #tpu.memory_space<hbm>>) dst(%arg7 : memref<64xi32, #tpu.memory_space<vmem>>)
        %dma_wait3A_372 = arith.constant 0 : i32
        %dma_wait3A_373 = tpu.memref_slice %arg3[%add3A, %add3A_365, %dma_wait3A_372] : memref<32x160x64xi32, #tpu.memory_space<hbm>> -> memref<1x1x64xi32, #tpu.memory_space<hbm>>
        %dma_wait3A_374 = tpu.memref_squeeze %dma_wait3A_373 : memref<1x1x64xi32, #tpu.memory_space<hbm>> -> memref<64xi32, #tpu.memory_space<hbm>>
        %dma_wait3A_375 = arith.constant 0 : i32
        %dma_wait3A_376 = tpu.memref_slice %arg3[%add3A, %add3A_365, %dma_wait3A_375] : memref<32x160x64xi32, #tpu.memory_space<hbm>> -> memref<1x1x64xi32, #tpu.memory_space<hbm>>
        %dma_wait3A_377 = tpu.memref_squeeze %dma_wait3A_376 : memref<1x1x64xi32, #tpu.memory_space<hbm>> -> memref<64xi32, #tpu.memory_space<hbm>>
        tpu.wait_dma2 semaphore(%arg28 : memref<!tpu.dma_semaphore, #tpu.memory_space<semaphore_mem>>) src(%dma_wait3A_377 : memref<64xi32, #tpu.memory_space<hbm>>) dst(%arg15 : memref<64xi32, #tpu.memory_space<vmem>>)
        %dma_start3A_378 = arith.constant 0 : i32
        %dma_start3A_379 = arith.constant 0 : i32
        %dma_start3A_380 = tpu.memref_slice %arg4[%dma_start3A_378, %dma_start3A_379] : memref<10240x128xf32, #tpu.memory_space<hbm>> -> memref<10240x128xf32, #tpu.memory_space<hbm>>
        tpu.enqueue_indirect_dma source(%dma_start3A_380 : memref<10240x128xf32, #tpu.memory_space<hbm>>) target(%arg23 : memref<64x128xf32, #tpu.memory_space<vmem>>) offsets(%arg7 : memref<64xi32, #tpu.memory_space<vmem>>) semaphore(%arg36 : memref<!tpu.dma_semaphore, #tpu.memory_space<semaphore_mem>>)
      } else {
      }
      %dma_wait3A_329 = arith.constant 0 : i32
      %dma_wait3A_330 = arith.constant 0 : i32
      %dma_wait3A_331 = tpu.memref_slice %arg4[%dma_wait3A_329, %dma_wait3A_330] : memref<10240x128xf32, #tpu.memory_space<hbm>> -> memref<10240x128xf32, #tpu.memory_space<hbm>>
      tpu.wait_indirect_dma semaphore(%arg38 : memref<!tpu.dma_semaphore, #tpu.memory_space<semaphore_mem>>) src(%dma_wait3A_331 : memref<10240x128xf32, #tpu.memory_space<hbm>>) dst(%arg25 : memref<64x128xf32, #tpu.memory_space<vmem>>)
      %dma_start3A_332 = arith.constant 0 : i32
      %dma_start3A_333 = arith.constant 0 : i32
      %dma_start3A_334 = tpu.memref_slice %arg27[%dma_start3A_332, %dma_start3A_333] : memref<10240x128xf32, #tpu.memory_space<vmem_shared>> -> memref<10240x128xf32, #tpu.memory_space<vmem_shared>>
      tpu.enqueue_indirect_dma source(%arg25 : memref<64x128xf32, #tpu.memory_space<vmem>>) target(%dma_start3A_334 : memref<10240x128xf32, #tpu.memory_space<vmem_shared>>) offsets(%arg21 : memref<64xi32, #tpu.memory_space<vmem>>) semaphore(%arg42 : memref<!tpu.dma_semaphore, #tpu.memory_space<semaphore_mem>>) {add = true}
      %mul3A_335 = arith.constant 8 : i32
      %mul3A_336 = arith.muli %mul3A_335, %scan3A_135 : i32
      %add3A_337 = arith.constant 7 : i32
      %add3A_338 = arith.addi %mul3A_336, %add3A_337 : i32
      %ge3A_339 = arith.constant 2 : i32
      %ge3A_340 = arith.cmpi sge, %add3A_338, %ge3A_339 : i32
      %convert_element_type3A_341 = arith.extui %ge3A_340 : i1 to i32
      %cond3A_342 = arith.constant 0 : i32
      %cond3A_343 = arith.cmpi ne, %convert_element_type3A_341, %cond3A_342 : i32
      scf.if %cond3A_343 {
        %dma_wait3A_364 = arith.constant 0 : i32
        %dma_wait3A_365 = arith.constant 0 : i32
        %dma_wait3A_366 = tpu.memref_slice %arg27[%dma_wait3A_364, %dma_wait3A_365] : memref<10240x128xf32, #tpu.memory_space<vmem_shared>> -> memref<10240x128xf32, #tpu.memory_space<vmem_shared>>
        tpu.wait_indirect_dma semaphore(%arg41 : memref<!tpu.dma_semaphore, #tpu.memory_space<semaphore_mem>>) src(%arg24 : memref<64x128xf32, #tpu.memory_space<vmem>>) dst(%dma_wait3A_366 : memref<10240x128xf32, #tpu.memory_space<vmem_shared>>)
      } else {
      }
      %add3A_344 = arith.constant 6 : i32
      %add3A_345 = arith.addi %add3A_338, %add3A_344 : i32
      %lt3A_346 = arith.constant 160 : i32
      %lt3A_347 = arith.cmpi slt, %add3A_345, %lt3A_346 : i32
      %convert_element_type3A_348 = arith.extui %lt3A_347 : i1 to i32
      %cond3A_349 = arith.constant 0 : i32
      %cond3A_350 = arith.cmpi ne, %convert_element_type3A_348, %cond3A_349 : i32
      scf.if %cond3A_350 {
        %add3A_364 = arith.constant 6 : i32
        %add3A_365 = arith.addi %add3A_338, %add3A_364 : i32
        %dma_start3A_366 = arith.constant 0 : i32
        %dma_start3A_367 = tpu.memref_slice %arg2[%add3A, %add3A_365, %dma_start3A_366] : memref<32x160x64xi32, #tpu.memory_space<hbm>> -> memref<1x1x64xi32, #tpu.memory_space<hbm>>
        %dma_start3A_368 = tpu.memref_squeeze %dma_start3A_367 : memref<1x1x64xi32, #tpu.memory_space<hbm>> -> memref<64xi32, #tpu.memory_space<hbm>>
        %dma_start3A_369 = arith.constant 0 : i32
        %dma_start3A_370 = tpu.memref_slice %arg2[%add3A, %add3A_365, %dma_start3A_369] : memref<32x160x64xi32, #tpu.memory_space<hbm>> -> memref<1x1x64xi32, #tpu.memory_space<hbm>>
        %dma_start3A_371 = tpu.memref_squeeze %dma_start3A_370 : memref<1x1x64xi32, #tpu.memory_space<hbm>> -> memref<64xi32, #tpu.memory_space<hbm>>
        tpu.enqueue_dma source(%dma_start3A_371 : memref<64xi32, #tpu.memory_space<hbm>>) target(%arg12 : memref<64xi32, #tpu.memory_space<vmem>>) target_semaphore(%arg33 : memref<!tpu.dma_semaphore, #tpu.memory_space<semaphore_mem>>)
        %dma_start3A_372 = arith.constant 0 : i32
        %dma_start3A_373 = tpu.memref_slice %arg3[%add3A, %add3A_365, %dma_start3A_372] : memref<32x160x64xi32, #tpu.memory_space<hbm>> -> memref<1x1x64xi32, #tpu.memory_space<hbm>>
        %dma_start3A_374 = tpu.memref_squeeze %dma_start3A_373 : memref<1x1x64xi32, #tpu.memory_space<hbm>> -> memref<64xi32, #tpu.memory_space<hbm>>
        %dma_start3A_375 = arith.constant 0 : i32
        %dma_start3A_376 = tpu.memref_slice %arg3[%add3A, %add3A_365, %dma_start3A_375] : memref<32x160x64xi32, #tpu.memory_space<hbm>> -> memref<1x1x64xi32, #tpu.memory_space<hbm>>
        %dma_start3A_377 = tpu.memref_squeeze %dma_start3A_376 : memref<1x1x64xi32, #tpu.memory_space<hbm>> -> memref<64xi32, #tpu.memory_space<hbm>>
        tpu.enqueue_dma source(%dma_start3A_377 : memref<64xi32, #tpu.memory_space<hbm>>) target(%arg20 : memref<64xi32, #tpu.memory_space<vmem>>) target_semaphore(%arg33 : memref<!tpu.dma_semaphore, #tpu.memory_space<semaphore_mem>>)
      } else {
      }
      %add3A_351 = arith.constant 2 : i32
      %add3A_352 = arith.addi %add3A_338, %add3A_351 : i32
      %lt3A_353 = arith.constant 160 : i32
      %lt3A_354 = arith.cmpi slt, %add3A_352, %lt3A_353 : i32
      %convert_element_type3A_355 = arith.extui %lt3A_354 : i1 to i32
      %cond3A_356 = arith.constant 0 : i32
      %cond3A_357 = arith.cmpi ne, %convert_element_type3A_355, %cond3A_356 : i32
      scf.if %cond3A_357 {
        %add3A_364 = arith.constant 2 : i32
        %add3A_365 = arith.addi %add3A_338, %add3A_364 : i32
        %dma_wait3A_366 = arith.constant 0 : i32
        %dma_wait3A_367 = tpu.memref_slice %arg2[%add3A, %add3A_365, %dma_wait3A_366] : memref<32x160x64xi32, #tpu.memory_space<hbm>> -> memref<1x1x64xi32, #tpu.memory_space<hbm>>
        %dma_wait3A_368 = tpu.memref_squeeze %dma_wait3A_367 : memref<1x1x64xi32, #tpu.memory_space<hbm>> -> memref<64xi32, #tpu.memory_space<hbm>>
        %dma_wait3A_369 = arith.constant 0 : i32
        %dma_wait3A_370 = tpu.memref_slice %arg2[%add3A, %add3A_365, %dma_wait3A_369] : memref<32x160x64xi32, #tpu.memory_space<hbm>> -> memref<1x1x64xi32, #tpu.memory_space<hbm>>
        %dma_wait3A_371 = tpu.memref_squeeze %dma_wait3A_370 : memref<1x1x64xi32, #tpu.memory_space<hbm>> -> memref<64xi32, #tpu.memory_space<hbm>>
        tpu.wait_dma2 semaphore(%arg29 : memref<!tpu.dma_semaphore, #tpu.memory_space<semaphore_mem>>) src(%dma_wait3A_371 : memref<64xi32, #tpu.memory_space<hbm>>) dst(%arg8 : memref<64xi32, #tpu.memory_space<vmem>>)
        %dma_wait3A_372 = arith.constant 0 : i32
        %dma_wait3A_373 = tpu.memref_slice %arg3[%add3A, %add3A_365, %dma_wait3A_372] : memref<32x160x64xi32, #tpu.memory_space<hbm>> -> memref<1x1x64xi32, #tpu.memory_space<hbm>>
        %dma_wait3A_374 = tpu.memref_squeeze %dma_wait3A_373 : memref<1x1x64xi32, #tpu.memory_space<hbm>> -> memref<64xi32, #tpu.memory_space<hbm>>
        %dma_wait3A_375 = arith.constant 0 : i32
        %dma_wait3A_376 = tpu.memref_slice %arg3[%add3A, %add3A_365, %dma_wait3A_375] : memref<32x160x64xi32, #tpu.memory_space<hbm>> -> memref<1x1x64xi32, #tpu.memory_space<hbm>>
        %dma_wait3A_377 = tpu.memref_squeeze %dma_wait3A_376 : memref<1x1x64xi32, #tpu.memory_space<hbm>> -> memref<64xi32, #tpu.memory_space<hbm>>
        tpu.wait_dma2 semaphore(%arg29 : memref<!tpu.dma_semaphore, #tpu.memory_space<semaphore_mem>>) src(%dma_wait3A_377 : memref<64xi32, #tpu.memory_space<hbm>>) dst(%arg16 : memref<64xi32, #tpu.memory_space<vmem>>)
        %dma_start3A_378 = arith.constant 0 : i32
        %dma_start3A_379 = arith.constant 0 : i32
        %dma_start3A_380 = tpu.memref_slice %arg4[%dma_start3A_378, %dma_start3A_379] : memref<10240x128xf32, #tpu.memory_space<hbm>> -> memref<10240x128xf32, #tpu.memory_space<hbm>>
        tpu.enqueue_indirect_dma source(%dma_start3A_380 : memref<10240x128xf32, #tpu.memory_space<hbm>>) target(%arg24 : memref<64x128xf32, #tpu.memory_space<vmem>>) offsets(%arg8 : memref<64xi32, #tpu.memory_space<vmem>>) semaphore(%arg37 : memref<!tpu.dma_semaphore, #tpu.memory_space<semaphore_mem>>)
      } else {
      }
      %dma_wait3A_358 = arith.constant 0 : i32
      %dma_wait3A_359 = arith.constant 0 : i32
      %dma_wait3A_360 = tpu.memref_slice %arg4[%dma_wait3A_358, %dma_wait3A_359] : memref<10240x128xf32, #tpu.memory_space<hbm>> -> memref<10240x128xf32, #tpu.memory_space<hbm>>
      tpu.wait_indirect_dma semaphore(%arg39 : memref<!tpu.dma_semaphore, #tpu.memory_space<semaphore_mem>>) src(%dma_wait3A_360 : memref<10240x128xf32, #tpu.memory_space<hbm>>) dst(%arg26 : memref<64x128xf32, #tpu.memory_space<vmem>>)
      %dma_start3A_361 = arith.constant 0 : i32
      %dma_start3A_362 = arith.constant 0 : i32
      %dma_start3A_363 = tpu.memref_slice %arg27[%dma_start3A_361, %dma_start3A_362] : memref<10240x128xf32, #tpu.memory_space<vmem_shared>> -> memref<10240x128xf32, #tpu.memory_space<vmem_shared>>
      tpu.enqueue_indirect_dma source(%arg26 : memref<64x128xf32, #tpu.memory_space<vmem>>) target(%dma_start3A_363 : memref<10240x128xf32, #tpu.memory_space<vmem_shared>>) offsets(%arg22 : memref<64xi32, #tpu.memory_space<vmem>>) semaphore(%arg43 : memref<!tpu.dma_semaphore, #tpu.memory_space<semaphore_mem>>) {add = true}
    }
    %scan3A_123 = arith.constant 20 : i32
    %dma_wait3A_124 = arith.constant 0 : i32
    %dma_wait3A_125 = arith.constant 0 : i32
    %dma_wait3A_126 = tpu.memref_slice %arg27[%dma_wait3A_124, %dma_wait3A_125] : memref<10240x128xf32, #tpu.memory_space<vmem_shared>> -> memref<10240x128xf32, #tpu.memory_space<vmem_shared>>
    tpu.wait_indirect_dma semaphore(%arg42 : memref<!tpu.dma_semaphore, #tpu.memory_space<semaphore_mem>>) src(%arg25 : memref<64x128xf32, #tpu.memory_space<vmem>>) dst(%dma_wait3A_126 : memref<10240x128xf32, #tpu.memory_space<vmem_shared>>)
    %dma_wait3A_127 = arith.constant 0 : i32
    %dma_wait3A_128 = arith.constant 0 : i32
    %dma_wait3A_129 = tpu.memref_slice %arg27[%dma_wait3A_127, %dma_wait3A_128] : memref<10240x128xf32, #tpu.memory_space<vmem_shared>> -> memref<10240x128xf32, #tpu.memory_space<vmem_shared>>
    tpu.wait_indirect_dma semaphore(%arg43 : memref<!tpu.dma_semaphore, #tpu.memory_space<semaphore_mem>>) src(%arg26 : memref<64x128xf32, #tpu.memory_space<vmem>>) dst(%dma_wait3A_129 : memref<10240x128xf32, #tpu.memory_space<vmem_shared>>)
    %barrier3A_130 = arith.constant 0 : index
    tpu.barrier barrier_id(%barrier3A_130)
    %mul3A_131 = arith.constant 640 : i32
    %mul3A_132 = arith.muli %arg1, %mul3A_131 : i32
    %mul3A_133 = arith.constant 640 : i32
    %mul3A_134 = arith.muli %arg1, %mul3A_133 : i32
    "tpu.region"() ({
      %run_scoped3A = tpu.sem_alloc : memref<!tpu.dma_semaphore, #tpu.memory_space<semaphore_mem>>
      %dma_start3A_135 = arith.constant 0 : i32
      %dma_start3A_136 = tpu.memref_slice %arg6[%arg0, %mul3A_134, %dma_start3A_135] : memref<2x10240x128xf32, #tpu.memory_space<hbm>> -> memref<1x640x128xf32, #tpu.memory_space<hbm>>
      %dma_start3A_137 = tpu.memref_squeeze %dma_start3A_136 : memref<1x640x128xf32, #tpu.memory_space<hbm>> -> memref<640x128xf32, #tpu.memory_space<hbm>>
      %dma_start3A_138 = arith.constant 0 : i32
      %dma_start3A_139 = tpu.memref_slice %arg27[%mul3A_132, %dma_start3A_138] : memref<10240x128xf32, #tpu.memory_space<vmem_shared>> -> memref<640x128xf32, #tpu.memory_space<vmem_shared>>
      tpu.enqueue_dma source(%dma_start3A_139 : memref<640x128xf32, #tpu.memory_space<vmem_shared>>) target(%dma_start3A_137 : memref<640x128xf32, #tpu.memory_space<hbm>>) target_semaphore(%run_scoped3A : memref<!tpu.dma_semaphore, #tpu.memory_space<semaphore_mem>>)
      %dma_wait3A_140 = arith.constant 0 : i32
      %dma_wait3A_141 = tpu.memref_slice %arg6[%arg0, %mul3A_134, %dma_wait3A_140] : memref<2x10240x128xf32, #tpu.memory_space<hbm>> -> memref<1x640x128xf32, #tpu.memory_space<hbm>>
      %dma_wait3A_142 = tpu.memref_squeeze %dma_wait3A_141 : memref<1x640x128xf32, #tpu.memory_space<hbm>> -> memref<640x128xf32, #tpu.memory_space<hbm>>
      %dma_wait3A_143 = arith.constant 0 : i32
      %dma_wait3A_144 = tpu.memref_slice %arg27[%mul3A_132, %dma_wait3A_143] : memref<10240x128xf32, #tpu.memory_space<vmem_shared>> -> memref<640x128xf32, #tpu.memory_space<vmem_shared>>
      tpu.wait_dma2 semaphore(%run_scoped3A : memref<!tpu.dma_semaphore, #tpu.memory_space<semaphore_mem>>) src(%dma_wait3A_144 : memref<640x128xf32, #tpu.memory_space<vmem_shared>>) dst(%dma_wait3A_142 : memref<640x128xf32, #tpu.memory_space<hbm>>)
      tpu.yield
    }) : () -> ()
    return
  }
}

#map = affine_map<(d0, d1) -> (0, 0, 0)>
#map1 = affine_map<(d0, d1) -> (0, 0)>
module attributes {stable_mosaic.version = 14 : i64} {
  func.func @_sc_message(%arg0: i32, %arg1: i32, %arg2: memref<32x160x64xi32, #tpu.memory_space<hbm>>, %arg3: memref<32x160x64xi32, #tpu.memory_space<hbm>>, %arg4: memref<10240x128xf32, #tpu.memory_space<hbm>>, %arg5: memref<640x128xf32, #tpu.memory_space<hbm>>, %arg6: memref<2x10240x128xf32, #tpu.memory_space<hbm>>, %arg7: memref<64xi32, #tpu.memory_space<vmem>>, %arg8: memref<64xi32, #tpu.memory_space<vmem>>, %arg9: memref<64xi32, #tpu.memory_space<vmem>>, %arg10: memref<64xi32, #tpu.memory_space<vmem>>, %arg11: memref<64xi32, #tpu.memory_space<vmem>>, %arg12: memref<64xi32, #tpu.memory_space<vmem>>, %arg13: memref<64xi32, #tpu.memory_space<vmem>>, %arg14: memref<64xi32, #tpu.memory_space<vmem>>, %arg15: memref<64xi32, #tpu.memory_space<vmem>>, %arg16: memref<64xi32, #tpu.memory_space<vmem>>, %arg17: memref<64xi32, #tpu.memory_space<vmem>>, %arg18: memref<64xi32, #tpu.memory_space<vmem>>, %arg19: memref<64xi32, #tpu.memory_space<vmem>>, %arg20: memref<64xi32, #tpu.memory_space<vmem>>, %arg21: memref<64xi32, #tpu.memory_space<vmem>>, %arg22: memref<64xi32, #tpu.memory_space<vmem>>, %arg23: memref<64x128xf32, #tpu.memory_space<vmem>>, %arg24: memref<64x128xf32, #tpu.memory_space<vmem>>, %arg25: memref<64x128xf32, #tpu.memory_space<vmem>>, %arg26: memref<64x128xf32, #tpu.memory_space<vmem>>, %arg27: memref<10240x128xf32, #tpu.memory_space<vmem_shared>>, %arg28: memref<!tpu.dma_semaphore, #tpu.memory_space<semaphore_mem>>, %arg29: memref<!tpu.dma_semaphore, #tpu.memory_space<semaphore_mem>>, %arg30: memref<!tpu.dma_semaphore, #tpu.memory_space<semaphore_mem>>, %arg31: memref<!tpu.dma_semaphore, #tpu.memory_space<semaphore_mem>>, %arg32: memref<!tpu.dma_semaphore, #tpu.memory_space<semaphore_mem>>, %arg33: memref<!tpu.dma_semaphore, #tpu.memory_space<semaphore_mem>>, %arg34: memref<!tpu.dma_semaphore, #tpu.memory_space<semaphore_mem>>, %arg35: memref<!tpu.dma_semaphore, #tpu.memory_space<semaphore_mem>>, %arg36: memref<!tpu.dma_semaphore, #tpu.memory_space<semaphore_mem>>, %arg37: memref<!tpu.dma_semaphore, #tpu.memory_space<semaphore_mem>>, %arg38: memref<!tpu.dma_semaphore, #tpu.memory_space<semaphore_mem>>, %arg39: memref<!tpu.dma_semaphore, #tpu.memory_space<semaphore_mem>>, %arg40: memref<!tpu.dma_semaphore, #tpu.memory_space<semaphore_mem>>, %arg41: memref<!tpu.dma_semaphore, #tpu.memory_space<semaphore_mem>>, %arg42: memref<!tpu.dma_semaphore, #tpu.memory_space<semaphore_mem>>, %arg43: memref<!tpu.dma_semaphore, #tpu.memory_space<semaphore_mem>>) attributes {dimension_semantics = [#tpu.dimension_semantics<core_parallel>, #tpu.dimension_semantics<subcore_parallel>], iteration_bounds = array<i64: 2, 16>, scalar_prefetch = 0 : i64, scratch_operands = 37 : i64, tpu.core_type = #tpu.core_type<sc_vector_subcore>, window_params = [{transform_indices = #map}, {transform_indices = #map}, {transform_indices = #map1}, {transform_indices = #map1}, {transform_indices = #map}]} {
    %mul3A = arith.constant 16 : i32
    %mul3A_0 = arith.muli %arg0, %mul3A : i32
    %add3A = arith.addi %mul3A_0, %arg1 : i32
    %mul3A_1 = arith.constant 640 : i32
    %mul3A_2 = arith.muli %arg1, %mul3A_1 : i32
    "tpu.region"() ({
      %run_scoped3A = tpu.sem_alloc : memref<!tpu.dma_semaphore, #tpu.memory_space<semaphore_mem>>
      %dma_start3A_135 = arith.constant 0 : i32
      %dma_start3A_136 = tpu.memref_slice %arg27[%mul3A_2, %dma_start3A_135] : memref<10240x128xf32, #tpu.memory_space<vmem_shared>> -> memref<640x128xf32, #tpu.memory_space<vmem_shared>>
      tpu.enqueue_dma source(%arg5 : memref<640x128xf32, #tpu.memory_space<hbm>>) target(%dma_start3A_136 : memref<640x128xf32, #tpu.memory_space<vmem_shared>>) target_semaphore(%run_scoped3A : memref<!tpu.dma_semaphore, #tpu.memory_space<semaphore_mem>>)
      %dma_wait3A_137 = arith.constant 0 : i32
      %dma_wait3A_138 = tpu.memref_slice %arg27[%mul3A_2, %dma_wait3A_137] : memref<10240x128xf32, #tpu.memory_space<vmem_shared>> -> memref<640x128xf32, #tpu.memory_space<vmem_shared>>
      tpu.wait_dma2 semaphore(%run_scoped3A : memref<!tpu.dma_semaphore, #tpu.memory_space<semaphore_mem>>) src(%arg5 : memref<640x128xf32, #tpu.memory_space<hbm>>) dst(%dma_wait3A_138 : memref<640x128xf32, #tpu.memory_space<vmem_shared>>)
      tpu.yield
    }) : () -> ()
    %dma_start3A = arith.constant 0 : i32
    %dma_start3A_3 = arith.constant 0 : i32
    %dma_start3A_4 = tpu.memref_slice %arg2[%add3A, %dma_start3A, %dma_start3A_3] : memref<32x160x64xi32, #tpu.memory_space<hbm>> -> memref<1x1x64xi32, #tpu.memory_space<hbm>>
    %dma_start3A_5 = tpu.memref_squeeze %dma_start3A_4 : memref<1x1x64xi32, #tpu.memory_space<hbm>> -> memref<64xi32, #tpu.memory_space<hbm>>
    %dma_start3A_6 = arith.constant 0 : i32
    %dma_start3A_7 = tpu.memref_slice %arg2[%add3A, %dma_start3A, %dma_start3A_6] : memref<32x160x64xi32, #tpu.memory_space<hbm>> -> memref<1x1x64xi32, #tpu.memory_space<hbm>>
    %dma_start3A_8 = tpu.memref_squeeze %dma_start3A_7 : memref<1x1x64xi32, #tpu.memory_space<hbm>> -> memref<64xi32, #tpu.memory_space<hbm>>
    tpu.enqueue_dma source(%dma_start3A_8 : memref<64xi32, #tpu.memory_space<hbm>>) target(%arg7 : memref<64xi32, #tpu.memory_space<vmem>>) target_semaphore(%arg28 : memref<!tpu.dma_semaphore, #tpu.memory_space<semaphore_mem>>)
    %dma_start3A_9 = arith.constant 0 : i32
    %dma_start3A_10 = arith.constant 0 : i32
    %dma_start3A_11 = tpu.memref_slice %arg3[%add3A, %dma_start3A_9, %dma_start3A_10] : memref<32x160x64xi32, #tpu.memory_space<hbm>> -> memref<1x1x64xi32, #tpu.memory_space<hbm>>
    %dma_start3A_12 = tpu.memref_squeeze %dma_start3A_11 : memref<1x1x64xi32, #tpu.memory_space<hbm>> -> memref<64xi32, #tpu.memory_space<hbm>>
    %dma_start3A_13 = arith.constant 0 : i32
    %dma_start3A_14 = tpu.memref_slice %arg3[%add3A, %dma_start3A_9, %dma_start3A_13] : memref<32x160x64xi32, #tpu.memory_space<hbm>> -> memref<1x1x64xi32, #tpu.memory_space<hbm>>
    %dma_start3A_15 = tpu.memref_squeeze %dma_start3A_14 : memref<1x1x64xi32, #tpu.memory_space<hbm>> -> memref<64xi32, #tpu.memory_space<hbm>>
    tpu.enqueue_dma source(%dma_start3A_15 : memref<64xi32, #tpu.memory_space<hbm>>) target(%arg15 : memref<64xi32, #tpu.memory_space<vmem>>) target_semaphore(%arg28 : memref<!tpu.dma_semaphore, #tpu.memory_space<semaphore_mem>>)
    %dma_start3A_16 = arith.constant 1 : i32
    %dma_start3A_17 = arith.constant 0 : i32
    %dma_start3A_18 = tpu.memref_slice %arg2[%add3A, %dma_start3A_16, %dma_start3A_17] : memref<32x160x64xi32, #tpu.memory_space<hbm>> -> memref<1x1x64xi32, #tpu.memory_space<hbm>>
    %dma_start3A_19 = tpu.memref_squeeze %dma_start3A_18 : memref<1x1x64xi32, #tpu.memory_space<hbm>> -> memref<64xi32, #tpu.memory_space<hbm>>
    %dma_start3A_20 = arith.constant 0 : i32
    %dma_start3A_21 = tpu.memref_slice %arg2[%add3A, %dma_start3A_16, %dma_start3A_20] : memref<32x160x64xi32, #tpu.memory_space<hbm>> -> memref<1x1x64xi32, #tpu.memory_space<hbm>>
    %dma_start3A_22 = tpu.memref_squeeze %dma_start3A_21 : memref<1x1x64xi32, #tpu.memory_space<hbm>> -> memref<64xi32, #tpu.memory_space<hbm>>
    tpu.enqueue_dma source(%dma_start3A_22 : memref<64xi32, #tpu.memory_space<hbm>>) target(%arg8 : memref<64xi32, #tpu.memory_space<vmem>>) target_semaphore(%arg29 : memref<!tpu.dma_semaphore, #tpu.memory_space<semaphore_mem>>)
    %dma_start3A_23 = arith.constant 1 : i32
    %dma_start3A_24 = arith.constant 0 : i32
    %dma_start3A_25 = tpu.memref_slice %arg3[%add3A, %dma_start3A_23, %dma_start3A_24] : memref<32x160x64xi32, #tpu.memory_space<hbm>> -> memref<1x1x64xi32, #tpu.memory_space<hbm>>
    %dma_start3A_26 = tpu.memref_squeeze %dma_start3A_25 : memref<1x1x64xi32, #tpu.memory_space<hbm>> -> memref<64xi32, #tpu.memory_space<hbm>>
    %dma_start3A_27 = arith.constant 0 : i32
    %dma_start3A_28 = tpu.memref_slice %arg3[%add3A, %dma_start3A_23, %dma_start3A_27] : memref<32x160x64xi32, #tpu.memory_space<hbm>> -> memref<1x1x64xi32, #tpu.memory_space<hbm>>
    %dma_start3A_29 = tpu.memref_squeeze %dma_start3A_28 : memref<1x1x64xi32, #tpu.memory_space<hbm>> -> memref<64xi32, #tpu.memory_space<hbm>>
    tpu.enqueue_dma source(%dma_start3A_29 : memref<64xi32, #tpu.memory_space<hbm>>) target(%arg16 : memref<64xi32, #tpu.memory_space<vmem>>) target_semaphore(%arg29 : memref<!tpu.dma_semaphore, #tpu.memory_space<semaphore_mem>>)
    %dma_start3A_30 = arith.constant 2 : i32
    %dma_start3A_31 = arith.constant 0 : i32
    %dma_start3A_32 = tpu.memref_slice %arg2[%add3A, %dma_start3A_30, %dma_start3A_31] : memref<32x160x64xi32, #tpu.memory_space<hbm>> -> memref<1x1x64xi32, #tpu.memory_space<hbm>>
    %dma_start3A_33 = tpu.memref_squeeze %dma_start3A_32 : memref<1x1x64xi32, #tpu.memory_space<hbm>> -> memref<64xi32, #tpu.memory_space<hbm>>
    %dma_start3A_34 = arith.constant 0 : i32
    %dma_start3A_35 = tpu.memref_slice %arg2[%add3A, %dma_start3A_30, %dma_start3A_34] : memref<32x160x64xi32, #tpu.memory_space<hbm>> -> memref<1x1x64xi32, #tpu.memory_space<hbm>>
    %dma_start3A_36 = tpu.memref_squeeze %dma_start3A_35 : memref<1x1x64xi32, #tpu.memory_space<hbm>> -> memref<64xi32, #tpu.memory_space<hbm>>
    tpu.enqueue_dma source(%dma_start3A_36 : memref<64xi32, #tpu.memory_space<hbm>>) target(%arg9 : memref<64xi32, #tpu.memory_space<vmem>>) target_semaphore(%arg30 : memref<!tpu.dma_semaphore, #tpu.memory_space<semaphore_mem>>)
    %dma_start3A_37 = arith.constant 2 : i32
    %dma_start3A_38 = arith.constant 0 : i32
    %dma_start3A_39 = tpu.memref_slice %arg3[%add3A, %dma_start3A_37, %dma_start3A_38] : memref<32x160x64xi32, #tpu.memory_space<hbm>> -> memref<1x1x64xi32, #tpu.memory_space<hbm>>
    %dma_start3A_40 = tpu.memref_squeeze %dma_start3A_39 : memref<1x1x64xi32, #tpu.memory_space<hbm>> -> memref<64xi32, #tpu.memory_space<hbm>>
    %dma_start3A_41 = arith.constant 0 : i32
    %dma_start3A_42 = tpu.memref_slice %arg3[%add3A, %dma_start3A_37, %dma_start3A_41] : memref<32x160x64xi32, #tpu.memory_space<hbm>> -> memref<1x1x64xi32, #tpu.memory_space<hbm>>
    %dma_start3A_43 = tpu.memref_squeeze %dma_start3A_42 : memref<1x1x64xi32, #tpu.memory_space<hbm>> -> memref<64xi32, #tpu.memory_space<hbm>>
    tpu.enqueue_dma source(%dma_start3A_43 : memref<64xi32, #tpu.memory_space<hbm>>) target(%arg17 : memref<64xi32, #tpu.memory_space<vmem>>) target_semaphore(%arg30 : memref<!tpu.dma_semaphore, #tpu.memory_space<semaphore_mem>>)
    %dma_start3A_44 = arith.constant 3 : i32
    %dma_start3A_45 = arith.constant 0 : i32
    %dma_start3A_46 = tpu.memref_slice %arg2[%add3A, %dma_start3A_44, %dma_start3A_45] : memref<32x160x64xi32, #tpu.memory_space<hbm>> -> memref<1x1x64xi32, #tpu.memory_space<hbm>>
    %dma_start3A_47 = tpu.memref_squeeze %dma_start3A_46 : memref<1x1x64xi32, #tpu.memory_space<hbm>> -> memref<64xi32, #tpu.memory_space<hbm>>
    %dma_start3A_48 = arith.constant 0 : i32
    %dma_start3A_49 = tpu.memref_slice %arg2[%add3A, %dma_start3A_44, %dma_start3A_48] : memref<32x160x64xi32, #tpu.memory_space<hbm>> -> memref<1x1x64xi32, #tpu.memory_space<hbm>>
    %dma_start3A_50 = tpu.memref_squeeze %dma_start3A_49 : memref<1x1x64xi32, #tpu.memory_space<hbm>> -> memref<64xi32, #tpu.memory_space<hbm>>
    tpu.enqueue_dma source(%dma_start3A_50 : memref<64xi32, #tpu.memory_space<hbm>>) target(%arg10 : memref<64xi32, #tpu.memory_space<vmem>>) target_semaphore(%arg31 : memref<!tpu.dma_semaphore, #tpu.memory_space<semaphore_mem>>)
    %dma_start3A_51 = arith.constant 3 : i32
    %dma_start3A_52 = arith.constant 0 : i32
    %dma_start3A_53 = tpu.memref_slice %arg3[%add3A, %dma_start3A_51, %dma_start3A_52] : memref<32x160x64xi32, #tpu.memory_space<hbm>> -> memref<1x1x64xi32, #tpu.memory_space<hbm>>
    %dma_start3A_54 = tpu.memref_squeeze %dma_start3A_53 : memref<1x1x64xi32, #tpu.memory_space<hbm>> -> memref<64xi32, #tpu.memory_space<hbm>>
    %dma_start3A_55 = arith.constant 0 : i32
    %dma_start3A_56 = tpu.memref_slice %arg3[%add3A, %dma_start3A_51, %dma_start3A_55] : memref<32x160x64xi32, #tpu.memory_space<hbm>> -> memref<1x1x64xi32, #tpu.memory_space<hbm>>
    %dma_start3A_57 = tpu.memref_squeeze %dma_start3A_56 : memref<1x1x64xi32, #tpu.memory_space<hbm>> -> memref<64xi32, #tpu.memory_space<hbm>>
    tpu.enqueue_dma source(%dma_start3A_57 : memref<64xi32, #tpu.memory_space<hbm>>) target(%arg18 : memref<64xi32, #tpu.memory_space<vmem>>) target_semaphore(%arg31 : memref<!tpu.dma_semaphore, #tpu.memory_space<semaphore_mem>>)
    %dma_start3A_58 = arith.constant 4 : i32
    %dma_start3A_59 = arith.constant 0 : i32
    %dma_start3A_60 = tpu.memref_slice %arg2[%add3A, %dma_start3A_58, %dma_start3A_59] : memref<32x160x64xi32, #tpu.memory_space<hbm>> -> memref<1x1x64xi32, #tpu.memory_space<hbm>>
    %dma_start3A_61 = tpu.memref_squeeze %dma_start3A_60 : memref<1x1x64xi32, #tpu.memory_space<hbm>> -> memref<64xi32, #tpu.memory_space<hbm>>
    %dma_start3A_62 = arith.constant 0 : i32
    %dma_start3A_63 = tpu.memref_slice %arg2[%add3A, %dma_start3A_58, %dma_start3A_62] : memref<32x160x64xi32, #tpu.memory_space<hbm>> -> memref<1x1x64xi32, #tpu.memory_space<hbm>>
    %dma_start3A_64 = tpu.memref_squeeze %dma_start3A_63 : memref<1x1x64xi32, #tpu.memory_space<hbm>> -> memref<64xi32, #tpu.memory_space<hbm>>
    tpu.enqueue_dma source(%dma_start3A_64 : memref<64xi32, #tpu.memory_space<hbm>>) target(%arg11 : memref<64xi32, #tpu.memory_space<vmem>>) target_semaphore(%arg32 : memref<!tpu.dma_semaphore, #tpu.memory_space<semaphore_mem>>)
    %dma_start3A_65 = arith.constant 4 : i32
    %dma_start3A_66 = arith.constant 0 : i32
    %dma_start3A_67 = tpu.memref_slice %arg3[%add3A, %dma_start3A_65, %dma_start3A_66] : memref<32x160x64xi32, #tpu.memory_space<hbm>> -> memref<1x1x64xi32, #tpu.memory_space<hbm>>
    %dma_start3A_68 = tpu.memref_squeeze %dma_start3A_67 : memref<1x1x64xi32, #tpu.memory_space<hbm>> -> memref<64xi32, #tpu.memory_space<hbm>>
    %dma_start3A_69 = arith.constant 0 : i32
    %dma_start3A_70 = tpu.memref_slice %arg3[%add3A, %dma_start3A_65, %dma_start3A_69] : memref<32x160x64xi32, #tpu.memory_space<hbm>> -> memref<1x1x64xi32, #tpu.memory_space<hbm>>
    %dma_start3A_71 = tpu.memref_squeeze %dma_start3A_70 : memref<1x1x64xi32, #tpu.memory_space<hbm>> -> memref<64xi32, #tpu.memory_space<hbm>>
    tpu.enqueue_dma source(%dma_start3A_71 : memref<64xi32, #tpu.memory_space<hbm>>) target(%arg19 : memref<64xi32, #tpu.memory_space<vmem>>) target_semaphore(%arg32 : memref<!tpu.dma_semaphore, #tpu.memory_space<semaphore_mem>>)
    %dma_start3A_72 = arith.constant 5 : i32
    %dma_start3A_73 = arith.constant 0 : i32
    %dma_start3A_74 = tpu.memref_slice %arg2[%add3A, %dma_start3A_72, %dma_start3A_73] : memref<32x160x64xi32, #tpu.memory_space<hbm>> -> memref<1x1x64xi32, #tpu.memory_space<hbm>>
    %dma_start3A_75 = tpu.memref_squeeze %dma_start3A_74 : memref<1x1x64xi32, #tpu.memory_space<hbm>> -> memref<64xi32, #tpu.memory_space<hbm>>
    %dma_start3A_76 = arith.constant 0 : i32
    %dma_start3A_77 = tpu.memref_slice %arg2[%add3A, %dma_start3A_72, %dma_start3A_76] : memref<32x160x64xi32, #tpu.memory_space<hbm>> -> memref<1x1x64xi32, #tpu.memory_space<hbm>>
    %dma_start3A_78 = tpu.memref_squeeze %dma_start3A_77 : memref<1x1x64xi32, #tpu.memory_space<hbm>> -> memref<64xi32, #tpu.memory_space<hbm>>
    tpu.enqueue_dma source(%dma_start3A_78 : memref<64xi32, #tpu.memory_space<hbm>>) target(%arg12 : memref<64xi32, #tpu.memory_space<vmem>>) target_semaphore(%arg33 : memref<!tpu.dma_semaphore, #tpu.memory_space<semaphore_mem>>)
    %dma_start3A_79 = arith.constant 5 : i32
    %dma_start3A_80 = arith.constant 0 : i32
    %dma_start3A_81 = tpu.memref_slice %arg3[%add3A, %dma_start3A_79, %dma_start3A_80] : memref<32x160x64xi32, #tpu.memory_space<hbm>> -> memref<1x1x64xi32, #tpu.memory_space<hbm>>
    %dma_start3A_82 = tpu.memref_squeeze %dma_start3A_81 : memref<1x1x64xi32, #tpu.memory_space<hbm>> -> memref<64xi32, #tpu.memory_space<hbm>>
    %dma_start3A_83 = arith.constant 0 : i32
    %dma_start3A_84 = tpu.memref_slice %arg3[%add3A, %dma_start3A_79, %dma_start3A_83] : memref<32x160x64xi32, #tpu.memory_space<hbm>> -> memref<1x1x64xi32, #tpu.memory_space<hbm>>
    %dma_start3A_85 = tpu.memref_squeeze %dma_start3A_84 : memref<1x1x64xi32, #tpu.memory_space<hbm>> -> memref<64xi32, #tpu.memory_space<hbm>>
    tpu.enqueue_dma source(%dma_start3A_85 : memref<64xi32, #tpu.memory_space<hbm>>) target(%arg20 : memref<64xi32, #tpu.memory_space<vmem>>) target_semaphore(%arg33 : memref<!tpu.dma_semaphore, #tpu.memory_space<semaphore_mem>>)
    %dma_wait3A = arith.constant 0 : i32
    %dma_wait3A_86 = arith.constant 0 : i32
    %dma_wait3A_87 = tpu.memref_slice %arg2[%add3A, %dma_wait3A, %dma_wait3A_86] : memref<32x160x64xi32, #tpu.memory_space<hbm>> -> memref<1x1x64xi32, #tpu.memory_space<hbm>>
    %dma_wait3A_88 = tpu.memref_squeeze %dma_wait3A_87 : memref<1x1x64xi32, #tpu.memory_space<hbm>> -> memref<64xi32, #tpu.memory_space<hbm>>
    %dma_wait3A_89 = arith.constant 0 : i32
    %dma_wait3A_90 = tpu.memref_slice %arg2[%add3A, %dma_wait3A, %dma_wait3A_89] : memref<32x160x64xi32, #tpu.memory_space<hbm>> -> memref<1x1x64xi32, #tpu.memory_space<hbm>>
    %dma_wait3A_91 = tpu.memref_squeeze %dma_wait3A_90 : memref<1x1x64xi32, #tpu.memory_space<hbm>> -> memref<64xi32, #tpu.memory_space<hbm>>
    tpu.wait_dma2 semaphore(%arg28 : memref<!tpu.dma_semaphore, #tpu.memory_space<semaphore_mem>>) src(%dma_wait3A_91 : memref<64xi32, #tpu.memory_space<hbm>>) dst(%arg7 : memref<64xi32, #tpu.memory_space<vmem>>)
    %dma_wait3A_92 = arith.constant 0 : i32
    %dma_wait3A_93 = arith.constant 0 : i32
    %dma_wait3A_94 = tpu.memref_slice %arg3[%add3A, %dma_wait3A_92, %dma_wait3A_93] : memref<32x160x64xi32, #tpu.memory_space<hbm>> -> memref<1x1x64xi32, #tpu.memory_space<hbm>>
    %dma_wait3A_95 = tpu.memref_squeeze %dma_wait3A_94 : memref<1x1x64xi32, #tpu.memory_space<hbm>> -> memref<64xi32, #tpu.memory_space<hbm>>
    %dma_wait3A_96 = arith.constant 0 : i32
    %dma_wait3A_97 = tpu.memref_slice %arg3[%add3A, %dma_wait3A_92, %dma_wait3A_96] : memref<32x160x64xi32, #tpu.memory_space<hbm>> -> memref<1x1x64xi32, #tpu.memory_space<hbm>>
    %dma_wait3A_98 = tpu.memref_squeeze %dma_wait3A_97 : memref<1x1x64xi32, #tpu.memory_space<hbm>> -> memref<64xi32, #tpu.memory_space<hbm>>
    tpu.wait_dma2 semaphore(%arg28 : memref<!tpu.dma_semaphore, #tpu.memory_space<semaphore_mem>>) src(%dma_wait3A_98 : memref<64xi32, #tpu.memory_space<hbm>>) dst(%arg15 : memref<64xi32, #tpu.memory_space<vmem>>)
    %dma_start3A_99 = arith.constant 0 : i32
    %dma_start3A_100 = arith.constant 0 : i32
    %dma_start3A_101 = tpu.memref_slice %arg4[%dma_start3A_99, %dma_start3A_100] : memref<10240x128xf32, #tpu.memory_space<hbm>> -> memref<10240x128xf32, #tpu.memory_space<hbm>>
    tpu.enqueue_indirect_dma source(%dma_start3A_101 : memref<10240x128xf32, #tpu.memory_space<hbm>>) target(%arg23 : memref<64x128xf32, #tpu.memory_space<vmem>>) offsets(%arg7 : memref<64xi32, #tpu.memory_space<vmem>>) semaphore(%arg36 : memref<!tpu.dma_semaphore, #tpu.memory_space<semaphore_mem>>)
    %dma_wait3A_102 = arith.constant 1 : i32
    %dma_wait3A_103 = arith.constant 0 : i32
    %dma_wait3A_104 = tpu.memref_slice %arg2[%add3A, %dma_wait3A_102, %dma_wait3A_103] : memref<32x160x64xi32, #tpu.memory_space<hbm>> -> memref<1x1x64xi32, #tpu.memory_space<hbm>>
    %dma_wait3A_105 = tpu.memref_squeeze %dma_wait3A_104 : memref<1x1x64xi32, #tpu.memory_space<hbm>> -> memref<64xi32, #tpu.memory_space<hbm>>
    %dma_wait3A_106 = arith.constant 0 : i32
    %dma_wait3A_107 = tpu.memref_slice %arg2[%add3A, %dma_wait3A_102, %dma_wait3A_106] : memref<32x160x64xi32, #tpu.memory_space<hbm>> -> memref<1x1x64xi32, #tpu.memory_space<hbm>>
    %dma_wait3A_108 = tpu.memref_squeeze %dma_wait3A_107 : memref<1x1x64xi32, #tpu.memory_space<hbm>> -> memref<64xi32, #tpu.memory_space<hbm>>
    tpu.wait_dma2 semaphore(%arg29 : memref<!tpu.dma_semaphore, #tpu.memory_space<semaphore_mem>>) src(%dma_wait3A_108 : memref<64xi32, #tpu.memory_space<hbm>>) dst(%arg8 : memref<64xi32, #tpu.memory_space<vmem>>)
    %dma_wait3A_109 = arith.constant 1 : i32
    %dma_wait3A_110 = arith.constant 0 : i32
    %dma_wait3A_111 = tpu.memref_slice %arg3[%add3A, %dma_wait3A_109, %dma_wait3A_110] : memref<32x160x64xi32, #tpu.memory_space<hbm>> -> memref<1x1x64xi32, #tpu.memory_space<hbm>>
    %dma_wait3A_112 = tpu.memref_squeeze %dma_wait3A_111 : memref<1x1x64xi32, #tpu.memory_space<hbm>> -> memref<64xi32, #tpu.memory_space<hbm>>
    %dma_wait3A_113 = arith.constant 0 : i32
    %dma_wait3A_114 = tpu.memref_slice %arg3[%add3A, %dma_wait3A_109, %dma_wait3A_113] : memref<32x160x64xi32, #tpu.memory_space<hbm>> -> memref<1x1x64xi32, #tpu.memory_space<hbm>>
    %dma_wait3A_115 = tpu.memref_squeeze %dma_wait3A_114 : memref<1x1x64xi32, #tpu.memory_space<hbm>> -> memref<64xi32, #tpu.memory_space<hbm>>
    tpu.wait_dma2 semaphore(%arg29 : memref<!tpu.dma_semaphore, #tpu.memory_space<semaphore_mem>>) src(%dma_wait3A_115 : memref<64xi32, #tpu.memory_space<hbm>>) dst(%arg16 : memref<64xi32, #tpu.memory_space<vmem>>)
    %dma_start3A_116 = arith.constant 0 : i32
    %dma_start3A_117 = arith.constant 0 : i32
    %dma_start3A_118 = tpu.memref_slice %arg4[%dma_start3A_116, %dma_start3A_117] : memref<10240x128xf32, #tpu.memory_space<hbm>> -> memref<10240x128xf32, #tpu.memory_space<hbm>>
    tpu.enqueue_indirect_dma source(%dma_start3A_118 : memref<10240x128xf32, #tpu.memory_space<hbm>>) target(%arg24 : memref<64x128xf32, #tpu.memory_space<vmem>>) offsets(%arg8 : memref<64xi32, #tpu.memory_space<vmem>>) semaphore(%arg37 : memref<!tpu.dma_semaphore, #tpu.memory_space<semaphore_mem>>)
    %barrier3A = arith.constant 0 : index
    tpu.barrier barrier_id(%barrier3A)
    %scan3A = arith.constant 0 : i32
    %scan3A_119 = arith.constant 0 : i32
    %scan3A_120 = arith.constant 20 : i32
    %scan3A_121 = arith.addi %scan3A_119, %scan3A_120 : i32
    %scan3A_122 = arith.constant 1 : i32
    scf.for %scan3A_135 = %scan3A_119 to %scan3A_121 step %scan3A_122  : i32 {
      %mul3A_136 = arith.constant 8 : i32
      %mul3A_137 = arith.muli %mul3A_136, %scan3A_135 : i32
      %add3A_138 = arith.constant 0 : i32
      %add3A_139 = arith.addi %mul3A_137, %add3A_138 : i32
      %ge3A = arith.constant 2 : i32
      %ge3A_140 = arith.cmpi sge, %add3A_139, %ge3A : i32
      %convert_element_type3A = arith.extui %ge3A_140 : i1 to i32
      %cond3A = arith.constant 0 : i32
      %cond3A_141 = arith.cmpi ne, %convert_element_type3A, %cond3A : i32
      scf.if %cond3A_141 {
        %dma_wait3A_364 = arith.constant 0 : i32
        %dma_wait3A_365 = arith.constant 0 : i32
        %dma_wait3A_366 = tpu.memref_slice %arg27[%dma_wait3A_364, %dma_wait3A_365] : memref<10240x128xf32, #tpu.memory_space<vmem_shared>> -> memref<10240x128xf32, #tpu.memory_space<vmem_shared>>
        tpu.wait_indirect_dma semaphore(%arg42 : memref<!tpu.dma_semaphore, #tpu.memory_space<semaphore_mem>>) src(%arg25 : memref<64x128xf32, #tpu.memory_space<vmem>>) dst(%dma_wait3A_366 : memref<10240x128xf32, #tpu.memory_space<vmem_shared>>)
      } else {
      }
      %add3A_142 = arith.constant 6 : i32
      %add3A_143 = arith.addi %add3A_139, %add3A_142 : i32
      %lt3A = arith.constant 160 : i32
      %lt3A_144 = arith.cmpi slt, %add3A_143, %lt3A : i32
      %convert_element_type3A_145 = arith.extui %lt3A_144 : i1 to i32
      %cond3A_146 = arith.constant 0 : i32
      %cond3A_147 = arith.cmpi ne, %convert_element_type3A_145, %cond3A_146 : i32
      scf.if %cond3A_147 {
        %add3A_364 = arith.constant 6 : i32
        %add3A_365 = arith.addi %add3A_139, %add3A_364 : i32
        %dma_start3A_366 = arith.constant 0 : i32
        %dma_start3A_367 = tpu.memref_slice %arg2[%add3A, %add3A_365, %dma_start3A_366] : memref<32x160x64xi32, #tpu.memory_space<hbm>> -> memref<1x1x64xi32, #tpu.memory_space<hbm>>
        %dma_start3A_368 = tpu.memref_squeeze %dma_start3A_367 : memref<1x1x64xi32, #tpu.memory_space<hbm>> -> memref<64xi32, #tpu.memory_space<hbm>>
        %dma_start3A_369 = arith.constant 0 : i32
        %dma_start3A_370 = tpu.memref_slice %arg2[%add3A, %add3A_365, %dma_start3A_369] : memref<32x160x64xi32, #tpu.memory_space<hbm>> -> memref<1x1x64xi32, #tpu.memory_space<hbm>>
        %dma_start3A_371 = tpu.memref_squeeze %dma_start3A_370 : memref<1x1x64xi32, #tpu.memory_space<hbm>> -> memref<64xi32, #tpu.memory_space<hbm>>
        tpu.enqueue_dma source(%dma_start3A_371 : memref<64xi32, #tpu.memory_space<hbm>>) target(%arg13 : memref<64xi32, #tpu.memory_space<vmem>>) target_semaphore(%arg34 : memref<!tpu.dma_semaphore, #tpu.memory_space<semaphore_mem>>)
        %dma_start3A_372 = arith.constant 0 : i32
        %dma_start3A_373 = tpu.memref_slice %arg3[%add3A, %add3A_365, %dma_start3A_372] : memref<32x160x64xi32, #tpu.memory_space<hbm>> -> memref<1x1x64xi32, #tpu.memory_space<hbm>>
        %dma_start3A_374 = tpu.memref_squeeze %dma_start3A_373 : memref<1x1x64xi32, #tpu.memory_space<hbm>> -> memref<64xi32, #tpu.memory_space<hbm>>
        %dma_start3A_375 = arith.constant 0 : i32
        %dma_start3A_376 = tpu.memref_slice %arg3[%add3A, %add3A_365, %dma_start3A_375] : memref<32x160x64xi32, #tpu.memory_space<hbm>> -> memref<1x1x64xi32, #tpu.memory_space<hbm>>
        %dma_start3A_377 = tpu.memref_squeeze %dma_start3A_376 : memref<1x1x64xi32, #tpu.memory_space<hbm>> -> memref<64xi32, #tpu.memory_space<hbm>>
        tpu.enqueue_dma source(%dma_start3A_377 : memref<64xi32, #tpu.memory_space<hbm>>) target(%arg21 : memref<64xi32, #tpu.memory_space<vmem>>) target_semaphore(%arg34 : memref<!tpu.dma_semaphore, #tpu.memory_space<semaphore_mem>>)
      } else {
      }
      %add3A_148 = arith.constant 2 : i32
      %add3A_149 = arith.addi %add3A_139, %add3A_148 : i32
      %lt3A_150 = arith.constant 160 : i32
      %lt3A_151 = arith.cmpi slt, %add3A_149, %lt3A_150 : i32
      %convert_element_type3A_152 = arith.extui %lt3A_151 : i1 to i32
      %cond3A_153 = arith.constant 0 : i32
      %cond3A_154 = arith.cmpi ne, %convert_element_type3A_152, %cond3A_153 : i32
      scf.if %cond3A_154 {
        %add3A_364 = arith.constant 2 : i32
        %add3A_365 = arith.addi %add3A_139, %add3A_364 : i32
        %dma_wait3A_366 = arith.constant 0 : i32
        %dma_wait3A_367 = tpu.memref_slice %arg2[%add3A, %add3A_365, %dma_wait3A_366] : memref<32x160x64xi32, #tpu.memory_space<hbm>> -> memref<1x1x64xi32, #tpu.memory_space<hbm>>
        %dma_wait3A_368 = tpu.memref_squeeze %dma_wait3A_367 : memref<1x1x64xi32, #tpu.memory_space<hbm>> -> memref<64xi32, #tpu.memory_space<hbm>>
        %dma_wait3A_369 = arith.constant 0 : i32
        %dma_wait3A_370 = tpu.memref_slice %arg2[%add3A, %add3A_365, %dma_wait3A_369] : memref<32x160x64xi32, #tpu.memory_space<hbm>> -> memref<1x1x64xi32, #tpu.memory_space<hbm>>
        %dma_wait3A_371 = tpu.memref_squeeze %dma_wait3A_370 : memref<1x1x64xi32, #tpu.memory_space<hbm>> -> memref<64xi32, #tpu.memory_space<hbm>>
        tpu.wait_dma2 semaphore(%arg30 : memref<!tpu.dma_semaphore, #tpu.memory_space<semaphore_mem>>) src(%dma_wait3A_371 : memref<64xi32, #tpu.memory_space<hbm>>) dst(%arg9 : memref<64xi32, #tpu.memory_space<vmem>>)
        %dma_wait3A_372 = arith.constant 0 : i32
        %dma_wait3A_373 = tpu.memref_slice %arg3[%add3A, %add3A_365, %dma_wait3A_372] : memref<32x160x64xi32, #tpu.memory_space<hbm>> -> memref<1x1x64xi32, #tpu.memory_space<hbm>>
        %dma_wait3A_374 = tpu.memref_squeeze %dma_wait3A_373 : memref<1x1x64xi32, #tpu.memory_space<hbm>> -> memref<64xi32, #tpu.memory_space<hbm>>
        %dma_wait3A_375 = arith.constant 0 : i32
        %dma_wait3A_376 = tpu.memref_slice %arg3[%add3A, %add3A_365, %dma_wait3A_375] : memref<32x160x64xi32, #tpu.memory_space<hbm>> -> memref<1x1x64xi32, #tpu.memory_space<hbm>>
        %dma_wait3A_377 = tpu.memref_squeeze %dma_wait3A_376 : memref<1x1x64xi32, #tpu.memory_space<hbm>> -> memref<64xi32, #tpu.memory_space<hbm>>
        tpu.wait_dma2 semaphore(%arg30 : memref<!tpu.dma_semaphore, #tpu.memory_space<semaphore_mem>>) src(%dma_wait3A_377 : memref<64xi32, #tpu.memory_space<hbm>>) dst(%arg17 : memref<64xi32, #tpu.memory_space<vmem>>)
        %dma_start3A_378 = arith.constant 0 : i32
        %dma_start3A_379 = arith.constant 0 : i32
        %dma_start3A_380 = tpu.memref_slice %arg4[%dma_start3A_378, %dma_start3A_379] : memref<10240x128xf32, #tpu.memory_space<hbm>> -> memref<10240x128xf32, #tpu.memory_space<hbm>>
        tpu.enqueue_indirect_dma source(%dma_start3A_380 : memref<10240x128xf32, #tpu.memory_space<hbm>>) target(%arg25 : memref<64x128xf32, #tpu.memory_space<vmem>>) offsets(%arg9 : memref<64xi32, #tpu.memory_space<vmem>>) semaphore(%arg38 : memref<!tpu.dma_semaphore, #tpu.memory_space<semaphore_mem>>)
      } else {
      }
      %dma_wait3A_155 = arith.constant 0 : i32
      %dma_wait3A_156 = arith.constant 0 : i32
      %dma_wait3A_157 = tpu.memref_slice %arg4[%dma_wait3A_155, %dma_wait3A_156] : memref<10240x128xf32, #tpu.memory_space<hbm>> -> memref<10240x128xf32, #tpu.memory_space<hbm>>
      tpu.wait_indirect_dma semaphore(%arg36 : memref<!tpu.dma_semaphore, #tpu.memory_space<semaphore_mem>>) src(%dma_wait3A_157 : memref<10240x128xf32, #tpu.memory_space<hbm>>) dst(%arg23 : memref<64x128xf32, #tpu.memory_space<vmem>>)
      %dma_start3A_158 = arith.constant 0 : i32
      %dma_start3A_159 = arith.constant 0 : i32
      %dma_start3A_160 = tpu.memref_slice %arg27[%dma_start3A_158, %dma_start3A_159] : memref<10240x128xf32, #tpu.memory_space<vmem_shared>> -> memref<10240x128xf32, #tpu.memory_space<vmem_shared>>
      tpu.enqueue_indirect_dma source(%arg23 : memref<64x128xf32, #tpu.memory_space<vmem>>) target(%dma_start3A_160 : memref<10240x128xf32, #tpu.memory_space<vmem_shared>>) offsets(%arg15 : memref<64xi32, #tpu.memory_space<vmem>>) semaphore(%arg40 : memref<!tpu.dma_semaphore, #tpu.memory_space<semaphore_mem>>) {add = true}
      %mul3A_161 = arith.constant 8 : i32
      %mul3A_162 = arith.muli %mul3A_161, %scan3A_135 : i32
      %add3A_163 = arith.constant 1 : i32
      %add3A_164 = arith.addi %mul3A_162, %add3A_163 : i32
      %ge3A_165 = arith.constant 2 : i32
      %ge3A_166 = arith.cmpi sge, %add3A_164, %ge3A_165 : i32
      %convert_element_type3A_167 = arith.extui %ge3A_166 : i1 to i32
      %cond3A_168 = arith.constant 0 : i32
      %cond3A_169 = arith.cmpi ne, %convert_element_type3A_167, %cond3A_168 : i32
      scf.if %cond3A_169 {
        %dma_wait3A_364 = arith.constant 0 : i32
        %dma_wait3A_365 = arith.constant 0 : i32
        %dma_wait3A_366 = tpu.memref_slice %arg27[%dma_wait3A_364, %dma_wait3A_365] : memref<10240x128xf32, #tpu.memory_space<vmem_shared>> -> memref<10240x128xf32, #tpu.memory_space<vmem_shared>>
        tpu.wait_indirect_dma semaphore(%arg43 : memref<!tpu.dma_semaphore, #tpu.memory_space<semaphore_mem>>) src(%arg26 : memref<64x128xf32, #tpu.memory_space<vmem>>) dst(%dma_wait3A_366 : memref<10240x128xf32, #tpu.memory_space<vmem_shared>>)
      } else {
      }
      %add3A_170 = arith.constant 6 : i32
      %add3A_171 = arith.addi %add3A_164, %add3A_170 : i32
      %lt3A_172 = arith.constant 160 : i32
      %lt3A_173 = arith.cmpi slt, %add3A_171, %lt3A_172 : i32
      %convert_element_type3A_174 = arith.extui %lt3A_173 : i1 to i32
      %cond3A_175 = arith.constant 0 : i32
      %cond3A_176 = arith.cmpi ne, %convert_element_type3A_174, %cond3A_175 : i32
      scf.if %cond3A_176 {
        %add3A_364 = arith.constant 6 : i32
        %add3A_365 = arith.addi %add3A_164, %add3A_364 : i32
        %dma_start3A_366 = arith.constant 0 : i32
        %dma_start3A_367 = tpu.memref_slice %arg2[%add3A, %add3A_365, %dma_start3A_366] : memref<32x160x64xi32, #tpu.memory_space<hbm>> -> memref<1x1x64xi32, #tpu.memory_space<hbm>>
        %dma_start3A_368 = tpu.memref_squeeze %dma_start3A_367 : memref<1x1x64xi32, #tpu.memory_space<hbm>> -> memref<64xi32, #tpu.memory_space<hbm>>
        %dma_start3A_369 = arith.constant 0 : i32
        %dma_start3A_370 = tpu.memref_slice %arg2[%add3A, %add3A_365, %dma_start3A_369] : memref<32x160x64xi32, #tpu.memory_space<hbm>> -> memref<1x1x64xi32, #tpu.memory_space<hbm>>
        %dma_start3A_371 = tpu.memref_squeeze %dma_start3A_370 : memref<1x1x64xi32, #tpu.memory_space<hbm>> -> memref<64xi32, #tpu.memory_space<hbm>>
        tpu.enqueue_dma source(%dma_start3A_371 : memref<64xi32, #tpu.memory_space<hbm>>) target(%arg14 : memref<64xi32, #tpu.memory_space<vmem>>) target_semaphore(%arg35 : memref<!tpu.dma_semaphore, #tpu.memory_space<semaphore_mem>>)
        %dma_start3A_372 = arith.constant 0 : i32
        %dma_start3A_373 = tpu.memref_slice %arg3[%add3A, %add3A_365, %dma_start3A_372] : memref<32x160x64xi32, #tpu.memory_space<hbm>> -> memref<1x1x64xi32, #tpu.memory_space<hbm>>
        %dma_start3A_374 = tpu.memref_squeeze %dma_start3A_373 : memref<1x1x64xi32, #tpu.memory_space<hbm>> -> memref<64xi32, #tpu.memory_space<hbm>>
        %dma_start3A_375 = arith.constant 0 : i32
        %dma_start3A_376 = tpu.memref_slice %arg3[%add3A, %add3A_365, %dma_start3A_375] : memref<32x160x64xi32, #tpu.memory_space<hbm>> -> memref<1x1x64xi32, #tpu.memory_space<hbm>>
        %dma_start3A_377 = tpu.memref_squeeze %dma_start3A_376 : memref<1x1x64xi32, #tpu.memory_space<hbm>> -> memref<64xi32, #tpu.memory_space<hbm>>
        tpu.enqueue_dma source(%dma_start3A_377 : memref<64xi32, #tpu.memory_space<hbm>>) target(%arg22 : memref<64xi32, #tpu.memory_space<vmem>>) target_semaphore(%arg35 : memref<!tpu.dma_semaphore, #tpu.memory_space<semaphore_mem>>)
      } else {
      }
      %add3A_177 = arith.constant 2 : i32
      %add3A_178 = arith.addi %add3A_164, %add3A_177 : i32
      %lt3A_179 = arith.constant 160 : i32
      %lt3A_180 = arith.cmpi slt, %add3A_178, %lt3A_179 : i32
      %convert_element_type3A_181 = arith.extui %lt3A_180 : i1 to i32
      %cond3A_182 = arith.constant 0 : i32
      %cond3A_183 = arith.cmpi ne, %convert_element_type3A_181, %cond3A_182 : i32
      scf.if %cond3A_183 {
        %add3A_364 = arith.constant 2 : i32
        %add3A_365 = arith.addi %add3A_164, %add3A_364 : i32
        %dma_wait3A_366 = arith.constant 0 : i32
        %dma_wait3A_367 = tpu.memref_slice %arg2[%add3A, %add3A_365, %dma_wait3A_366] : memref<32x160x64xi32, #tpu.memory_space<hbm>> -> memref<1x1x64xi32, #tpu.memory_space<hbm>>
        %dma_wait3A_368 = tpu.memref_squeeze %dma_wait3A_367 : memref<1x1x64xi32, #tpu.memory_space<hbm>> -> memref<64xi32, #tpu.memory_space<hbm>>
        %dma_wait3A_369 = arith.constant 0 : i32
        %dma_wait3A_370 = tpu.memref_slice %arg2[%add3A, %add3A_365, %dma_wait3A_369] : memref<32x160x64xi32, #tpu.memory_space<hbm>> -> memref<1x1x64xi32, #tpu.memory_space<hbm>>
        %dma_wait3A_371 = tpu.memref_squeeze %dma_wait3A_370 : memref<1x1x64xi32, #tpu.memory_space<hbm>> -> memref<64xi32, #tpu.memory_space<hbm>>
        tpu.wait_dma2 semaphore(%arg31 : memref<!tpu.dma_semaphore, #tpu.memory_space<semaphore_mem>>) src(%dma_wait3A_371 : memref<64xi32, #tpu.memory_space<hbm>>) dst(%arg10 : memref<64xi32, #tpu.memory_space<vmem>>)
        %dma_wait3A_372 = arith.constant 0 : i32
        %dma_wait3A_373 = tpu.memref_slice %arg3[%add3A, %add3A_365, %dma_wait3A_372] : memref<32x160x64xi32, #tpu.memory_space<hbm>> -> memref<1x1x64xi32, #tpu.memory_space<hbm>>
        %dma_wait3A_374 = tpu.memref_squeeze %dma_wait3A_373 : memref<1x1x64xi32, #tpu.memory_space<hbm>> -> memref<64xi32, #tpu.memory_space<hbm>>
        %dma_wait3A_375 = arith.constant 0 : i32
        %dma_wait3A_376 = tpu.memref_slice %arg3[%add3A, %add3A_365, %dma_wait3A_375] : memref<32x160x64xi32, #tpu.memory_space<hbm>> -> memref<1x1x64xi32, #tpu.memory_space<hbm>>
        %dma_wait3A_377 = tpu.memref_squeeze %dma_wait3A_376 : memref<1x1x64xi32, #tpu.memory_space<hbm>> -> memref<64xi32, #tpu.memory_space<hbm>>
        tpu.wait_dma2 semaphore(%arg31 : memref<!tpu.dma_semaphore, #tpu.memory_space<semaphore_mem>>) src(%dma_wait3A_377 : memref<64xi32, #tpu.memory_space<hbm>>) dst(%arg18 : memref<64xi32, #tpu.memory_space<vmem>>)
        %dma_start3A_378 = arith.constant 0 : i32
        %dma_start3A_379 = arith.constant 0 : i32
        %dma_start3A_380 = tpu.memref_slice %arg4[%dma_start3A_378, %dma_start3A_379] : memref<10240x128xf32, #tpu.memory_space<hbm>> -> memref<10240x128xf32, #tpu.memory_space<hbm>>
        tpu.enqueue_indirect_dma source(%dma_start3A_380 : memref<10240x128xf32, #tpu.memory_space<hbm>>) target(%arg26 : memref<64x128xf32, #tpu.memory_space<vmem>>) offsets(%arg10 : memref<64xi32, #tpu.memory_space<vmem>>) semaphore(%arg39 : memref<!tpu.dma_semaphore, #tpu.memory_space<semaphore_mem>>)
      } else {
      }
      %dma_wait3A_184 = arith.constant 0 : i32
      %dma_wait3A_185 = arith.constant 0 : i32
      %dma_wait3A_186 = tpu.memref_slice %arg4[%dma_wait3A_184, %dma_wait3A_185] : memref<10240x128xf32, #tpu.memory_space<hbm>> -> memref<10240x128xf32, #tpu.memory_space<hbm>>
      tpu.wait_indirect_dma semaphore(%arg37 : memref<!tpu.dma_semaphore, #tpu.memory_space<semaphore_mem>>) src(%dma_wait3A_186 : memref<10240x128xf32, #tpu.memory_space<hbm>>) dst(%arg24 : memref<64x128xf32, #tpu.memory_space<vmem>>)
      %dma_start3A_187 = arith.constant 0 : i32
      %dma_start3A_188 = arith.constant 0 : i32
      %dma_start3A_189 = tpu.memref_slice %arg27[%dma_start3A_187, %dma_start3A_188] : memref<10240x128xf32, #tpu.memory_space<vmem_shared>> -> memref<10240x128xf32, #tpu.memory_space<vmem_shared>>
      tpu.enqueue_indirect_dma source(%arg24 : memref<64x128xf32, #tpu.memory_space<vmem>>) target(%dma_start3A_189 : memref<10240x128xf32, #tpu.memory_space<vmem_shared>>) offsets(%arg16 : memref<64xi32, #tpu.memory_space<vmem>>) semaphore(%arg41 : memref<!tpu.dma_semaphore, #tpu.memory_space<semaphore_mem>>) {add = true}
      %mul3A_190 = arith.constant 8 : i32
      %mul3A_191 = arith.muli %mul3A_190, %scan3A_135 : i32
      %add3A_192 = arith.constant 2 : i32
      %add3A_193 = arith.addi %mul3A_191, %add3A_192 : i32
      %ge3A_194 = arith.constant 2 : i32
      %ge3A_195 = arith.cmpi sge, %add3A_193, %ge3A_194 : i32
      %convert_element_type3A_196 = arith.extui %ge3A_195 : i1 to i32
      %cond3A_197 = arith.constant 0 : i32
      %cond3A_198 = arith.cmpi ne, %convert_element_type3A_196, %cond3A_197 : i32
      scf.if %cond3A_198 {
        %dma_wait3A_364 = arith.constant 0 : i32
        %dma_wait3A_365 = arith.constant 0 : i32
        %dma_wait3A_366 = tpu.memref_slice %arg27[%dma_wait3A_364, %dma_wait3A_365] : memref<10240x128xf32, #tpu.memory_space<vmem_shared>> -> memref<10240x128xf32, #tpu.memory_space<vmem_shared>>
        tpu.wait_indirect_dma semaphore(%arg40 : memref<!tpu.dma_semaphore, #tpu.memory_space<semaphore_mem>>) src(%arg23 : memref<64x128xf32, #tpu.memory_space<vmem>>) dst(%dma_wait3A_366 : memref<10240x128xf32, #tpu.memory_space<vmem_shared>>)
      } else {
      }
      %add3A_199 = arith.constant 6 : i32
      %add3A_200 = arith.addi %add3A_193, %add3A_199 : i32
      %lt3A_201 = arith.constant 160 : i32
      %lt3A_202 = arith.cmpi slt, %add3A_200, %lt3A_201 : i32
      %convert_element_type3A_203 = arith.extui %lt3A_202 : i1 to i32
      %cond3A_204 = arith.constant 0 : i32
      %cond3A_205 = arith.cmpi ne, %convert_element_type3A_203, %cond3A_204 : i32
      scf.if %cond3A_205 {
        %add3A_364 = arith.constant 6 : i32
        %add3A_365 = arith.addi %add3A_193, %add3A_364 : i32
        %dma_start3A_366 = arith.constant 0 : i32
        %dma_start3A_367 = tpu.memref_slice %arg2[%add3A, %add3A_365, %dma_start3A_366] : memref<32x160x64xi32, #tpu.memory_space<hbm>> -> memref<1x1x64xi32, #tpu.memory_space<hbm>>
        %dma_start3A_368 = tpu.memref_squeeze %dma_start3A_367 : memref<1x1x64xi32, #tpu.memory_space<hbm>> -> memref<64xi32, #tpu.memory_space<hbm>>
        %dma_start3A_369 = arith.constant 0 : i32
        %dma_start3A_370 = tpu.memref_slice %arg2[%add3A, %add3A_365, %dma_start3A_369] : memref<32x160x64xi32, #tpu.memory_space<hbm>> -> memref<1x1x64xi32, #tpu.memory_space<hbm>>
        %dma_start3A_371 = tpu.memref_squeeze %dma_start3A_370 : memref<1x1x64xi32, #tpu.memory_space<hbm>> -> memref<64xi32, #tpu.memory_space<hbm>>
        tpu.enqueue_dma source(%dma_start3A_371 : memref<64xi32, #tpu.memory_space<hbm>>) target(%arg7 : memref<64xi32, #tpu.memory_space<vmem>>) target_semaphore(%arg28 : memref<!tpu.dma_semaphore, #tpu.memory_space<semaphore_mem>>)
        %dma_start3A_372 = arith.constant 0 : i32
        %dma_start3A_373 = tpu.memref_slice %arg3[%add3A, %add3A_365, %dma_start3A_372] : memref<32x160x64xi32, #tpu.memory_space<hbm>> -> memref<1x1x64xi32, #tpu.memory_space<hbm>>
        %dma_start3A_374 = tpu.memref_squeeze %dma_start3A_373 : memref<1x1x64xi32, #tpu.memory_space<hbm>> -> memref<64xi32, #tpu.memory_space<hbm>>
        %dma_start3A_375 = arith.constant 0 : i32
        %dma_start3A_376 = tpu.memref_slice %arg3[%add3A, %add3A_365, %dma_start3A_375] : memref<32x160x64xi32, #tpu.memory_space<hbm>> -> memref<1x1x64xi32, #tpu.memory_space<hbm>>
        %dma_start3A_377 = tpu.memref_squeeze %dma_start3A_376 : memref<1x1x64xi32, #tpu.memory_space<hbm>> -> memref<64xi32, #tpu.memory_space<hbm>>
        tpu.enqueue_dma source(%dma_start3A_377 : memref<64xi32, #tpu.memory_space<hbm>>) target(%arg15 : memref<64xi32, #tpu.memory_space<vmem>>) target_semaphore(%arg28 : memref<!tpu.dma_semaphore, #tpu.memory_space<semaphore_mem>>)
      } else {
      }
      %add3A_206 = arith.constant 2 : i32
      %add3A_207 = arith.addi %add3A_193, %add3A_206 : i32
      %lt3A_208 = arith.constant 160 : i32
      %lt3A_209 = arith.cmpi slt, %add3A_207, %lt3A_208 : i32
      %convert_element_type3A_210 = arith.extui %lt3A_209 : i1 to i32
      %cond3A_211 = arith.constant 0 : i32
      %cond3A_212 = arith.cmpi ne, %convert_element_type3A_210, %cond3A_211 : i32
      scf.if %cond3A_212 {
        %add3A_364 = arith.constant 2 : i32
        %add3A_365 = arith.addi %add3A_193, %add3A_364 : i32
        %dma_wait3A_366 = arith.constant 0 : i32
        %dma_wait3A_367 = tpu.memref_slice %arg2[%add3A, %add3A_365, %dma_wait3A_366] : memref<32x160x64xi32, #tpu.memory_space<hbm>> -> memref<1x1x64xi32, #tpu.memory_space<hbm>>
        %dma_wait3A_368 = tpu.memref_squeeze %dma_wait3A_367 : memref<1x1x64xi32, #tpu.memory_space<hbm>> -> memref<64xi32, #tpu.memory_space<hbm>>
        %dma_wait3A_369 = arith.constant 0 : i32
        %dma_wait3A_370 = tpu.memref_slice %arg2[%add3A, %add3A_365, %dma_wait3A_369] : memref<32x160x64xi32, #tpu.memory_space<hbm>> -> memref<1x1x64xi32, #tpu.memory_space<hbm>>
        %dma_wait3A_371 = tpu.memref_squeeze %dma_wait3A_370 : memref<1x1x64xi32, #tpu.memory_space<hbm>> -> memref<64xi32, #tpu.memory_space<hbm>>
        tpu.wait_dma2 semaphore(%arg32 : memref<!tpu.dma_semaphore, #tpu.memory_space<semaphore_mem>>) src(%dma_wait3A_371 : memref<64xi32, #tpu.memory_space<hbm>>) dst(%arg11 : memref<64xi32, #tpu.memory_space<vmem>>)
        %dma_wait3A_372 = arith.constant 0 : i32
        %dma_wait3A_373 = tpu.memref_slice %arg3[%add3A, %add3A_365, %dma_wait3A_372] : memref<32x160x64xi32, #tpu.memory_space<hbm>> -> memref<1x1x64xi32, #tpu.memory_space<hbm>>
        %dma_wait3A_374 = tpu.memref_squeeze %dma_wait3A_373 : memref<1x1x64xi32, #tpu.memory_space<hbm>> -> memref<64xi32, #tpu.memory_space<hbm>>
        %dma_wait3A_375 = arith.constant 0 : i32
        %dma_wait3A_376 = tpu.memref_slice %arg3[%add3A, %add3A_365, %dma_wait3A_375] : memref<32x160x64xi32, #tpu.memory_space<hbm>> -> memref<1x1x64xi32, #tpu.memory_space<hbm>>
        %dma_wait3A_377 = tpu.memref_squeeze %dma_wait3A_376 : memref<1x1x64xi32, #tpu.memory_space<hbm>> -> memref<64xi32, #tpu.memory_space<hbm>>
        tpu.wait_dma2 semaphore(%arg32 : memref<!tpu.dma_semaphore, #tpu.memory_space<semaphore_mem>>) src(%dma_wait3A_377 : memref<64xi32, #tpu.memory_space<hbm>>) dst(%arg19 : memref<64xi32, #tpu.memory_space<vmem>>)
        %dma_start3A_378 = arith.constant 0 : i32
        %dma_start3A_379 = arith.constant 0 : i32
        %dma_start3A_380 = tpu.memref_slice %arg4[%dma_start3A_378, %dma_start3A_379] : memref<10240x128xf32, #tpu.memory_space<hbm>> -> memref<10240x128xf32, #tpu.memory_space<hbm>>
        tpu.enqueue_indirect_dma source(%dma_start3A_380 : memref<10240x128xf32, #tpu.memory_space<hbm>>) target(%arg23 : memref<64x128xf32, #tpu.memory_space<vmem>>) offsets(%arg11 : memref<64xi32, #tpu.memory_space<vmem>>) semaphore(%arg36 : memref<!tpu.dma_semaphore, #tpu.memory_space<semaphore_mem>>)
      } else {
      }
      %dma_wait3A_213 = arith.constant 0 : i32
      %dma_wait3A_214 = arith.constant 0 : i32
      %dma_wait3A_215 = tpu.memref_slice %arg4[%dma_wait3A_213, %dma_wait3A_214] : memref<10240x128xf32, #tpu.memory_space<hbm>> -> memref<10240x128xf32, #tpu.memory_space<hbm>>
      tpu.wait_indirect_dma semaphore(%arg38 : memref<!tpu.dma_semaphore, #tpu.memory_space<semaphore_mem>>) src(%dma_wait3A_215 : memref<10240x128xf32, #tpu.memory_space<hbm>>) dst(%arg25 : memref<64x128xf32, #tpu.memory_space<vmem>>)
      %dma_start3A_216 = arith.constant 0 : i32
      %dma_start3A_217 = arith.constant 0 : i32
      %dma_start3A_218 = tpu.memref_slice %arg27[%dma_start3A_216, %dma_start3A_217] : memref<10240x128xf32, #tpu.memory_space<vmem_shared>> -> memref<10240x128xf32, #tpu.memory_space<vmem_shared>>
      tpu.enqueue_indirect_dma source(%arg25 : memref<64x128xf32, #tpu.memory_space<vmem>>) target(%dma_start3A_218 : memref<10240x128xf32, #tpu.memory_space<vmem_shared>>) offsets(%arg17 : memref<64xi32, #tpu.memory_space<vmem>>) semaphore(%arg42 : memref<!tpu.dma_semaphore, #tpu.memory_space<semaphore_mem>>) {add = true}
      %mul3A_219 = arith.constant 8 : i32
      %mul3A_220 = arith.muli %mul3A_219, %scan3A_135 : i32
      %add3A_221 = arith.constant 3 : i32
      %add3A_222 = arith.addi %mul3A_220, %add3A_221 : i32
      %ge3A_223 = arith.constant 2 : i32
      %ge3A_224 = arith.cmpi sge, %add3A_222, %ge3A_223 : i32
      %convert_element_type3A_225 = arith.extui %ge3A_224 : i1 to i32
      %cond3A_226 = arith.constant 0 : i32
      %cond3A_227 = arith.cmpi ne, %convert_element_type3A_225, %cond3A_226 : i32
      scf.if %cond3A_227 {
        %dma_wait3A_364 = arith.constant 0 : i32
        %dma_wait3A_365 = arith.constant 0 : i32
        %dma_wait3A_366 = tpu.memref_slice %arg27[%dma_wait3A_364, %dma_wait3A_365] : memref<10240x128xf32, #tpu.memory_space<vmem_shared>> -> memref<10240x128xf32, #tpu.memory_space<vmem_shared>>
        tpu.wait_indirect_dma semaphore(%arg41 : memref<!tpu.dma_semaphore, #tpu.memory_space<semaphore_mem>>) src(%arg24 : memref<64x128xf32, #tpu.memory_space<vmem>>) dst(%dma_wait3A_366 : memref<10240x128xf32, #tpu.memory_space<vmem_shared>>)
      } else {
      }
      %add3A_228 = arith.constant 6 : i32
      %add3A_229 = arith.addi %add3A_222, %add3A_228 : i32
      %lt3A_230 = arith.constant 160 : i32
      %lt3A_231 = arith.cmpi slt, %add3A_229, %lt3A_230 : i32
      %convert_element_type3A_232 = arith.extui %lt3A_231 : i1 to i32
      %cond3A_233 = arith.constant 0 : i32
      %cond3A_234 = arith.cmpi ne, %convert_element_type3A_232, %cond3A_233 : i32
      scf.if %cond3A_234 {
        %add3A_364 = arith.constant 6 : i32
        %add3A_365 = arith.addi %add3A_222, %add3A_364 : i32
        %dma_start3A_366 = arith.constant 0 : i32
        %dma_start3A_367 = tpu.memref_slice %arg2[%add3A, %add3A_365, %dma_start3A_366] : memref<32x160x64xi32, #tpu.memory_space<hbm>> -> memref<1x1x64xi32, #tpu.memory_space<hbm>>
        %dma_start3A_368 = tpu.memref_squeeze %dma_start3A_367 : memref<1x1x64xi32, #tpu.memory_space<hbm>> -> memref<64xi32, #tpu.memory_space<hbm>>
        %dma_start3A_369 = arith.constant 0 : i32
        %dma_start3A_370 = tpu.memref_slice %arg2[%add3A, %add3A_365, %dma_start3A_369] : memref<32x160x64xi32, #tpu.memory_space<hbm>> -> memref<1x1x64xi32, #tpu.memory_space<hbm>>
        %dma_start3A_371 = tpu.memref_squeeze %dma_start3A_370 : memref<1x1x64xi32, #tpu.memory_space<hbm>> -> memref<64xi32, #tpu.memory_space<hbm>>
        tpu.enqueue_dma source(%dma_start3A_371 : memref<64xi32, #tpu.memory_space<hbm>>) target(%arg8 : memref<64xi32, #tpu.memory_space<vmem>>) target_semaphore(%arg29 : memref<!tpu.dma_semaphore, #tpu.memory_space<semaphore_mem>>)
        %dma_start3A_372 = arith.constant 0 : i32
        %dma_start3A_373 = tpu.memref_slice %arg3[%add3A, %add3A_365, %dma_start3A_372] : memref<32x160x64xi32, #tpu.memory_space<hbm>> -> memref<1x1x64xi32, #tpu.memory_space<hbm>>
        %dma_start3A_374 = tpu.memref_squeeze %dma_start3A_373 : memref<1x1x64xi32, #tpu.memory_space<hbm>> -> memref<64xi32, #tpu.memory_space<hbm>>
        %dma_start3A_375 = arith.constant 0 : i32
        %dma_start3A_376 = tpu.memref_slice %arg3[%add3A, %add3A_365, %dma_start3A_375] : memref<32x160x64xi32, #tpu.memory_space<hbm>> -> memref<1x1x64xi32, #tpu.memory_space<hbm>>
        %dma_start3A_377 = tpu.memref_squeeze %dma_start3A_376 : memref<1x1x64xi32, #tpu.memory_space<hbm>> -> memref<64xi32, #tpu.memory_space<hbm>>
        tpu.enqueue_dma source(%dma_start3A_377 : memref<64xi32, #tpu.memory_space<hbm>>) target(%arg16 : memref<64xi32, #tpu.memory_space<vmem>>) target_semaphore(%arg29 : memref<!tpu.dma_semaphore, #tpu.memory_space<semaphore_mem>>)
      } else {
      }
      %add3A_235 = arith.constant 2 : i32
      %add3A_236 = arith.addi %add3A_222, %add3A_235 : i32
      %lt3A_237 = arith.constant 160 : i32
      %lt3A_238 = arith.cmpi slt, %add3A_236, %lt3A_237 : i32
      %convert_element_type3A_239 = arith.extui %lt3A_238 : i1 to i32
      %cond3A_240 = arith.constant 0 : i32
      %cond3A_241 = arith.cmpi ne, %convert_element_type3A_239, %cond3A_240 : i32
      scf.if %cond3A_241 {
        %add3A_364 = arith.constant 2 : i32
        %add3A_365 = arith.addi %add3A_222, %add3A_364 : i32
        %dma_wait3A_366 = arith.constant 0 : i32
        %dma_wait3A_367 = tpu.memref_slice %arg2[%add3A, %add3A_365, %dma_wait3A_366] : memref<32x160x64xi32, #tpu.memory_space<hbm>> -> memref<1x1x64xi32, #tpu.memory_space<hbm>>
        %dma_wait3A_368 = tpu.memref_squeeze %dma_wait3A_367 : memref<1x1x64xi32, #tpu.memory_space<hbm>> -> memref<64xi32, #tpu.memory_space<hbm>>
        %dma_wait3A_369 = arith.constant 0 : i32
        %dma_wait3A_370 = tpu.memref_slice %arg2[%add3A, %add3A_365, %dma_wait3A_369] : memref<32x160x64xi32, #tpu.memory_space<hbm>> -> memref<1x1x64xi32, #tpu.memory_space<hbm>>
        %dma_wait3A_371 = tpu.memref_squeeze %dma_wait3A_370 : memref<1x1x64xi32, #tpu.memory_space<hbm>> -> memref<64xi32, #tpu.memory_space<hbm>>
        tpu.wait_dma2 semaphore(%arg33 : memref<!tpu.dma_semaphore, #tpu.memory_space<semaphore_mem>>) src(%dma_wait3A_371 : memref<64xi32, #tpu.memory_space<hbm>>) dst(%arg12 : memref<64xi32, #tpu.memory_space<vmem>>)
        %dma_wait3A_372 = arith.constant 0 : i32
        %dma_wait3A_373 = tpu.memref_slice %arg3[%add3A, %add3A_365, %dma_wait3A_372] : memref<32x160x64xi32, #tpu.memory_space<hbm>> -> memref<1x1x64xi32, #tpu.memory_space<hbm>>
        %dma_wait3A_374 = tpu.memref_squeeze %dma_wait3A_373 : memref<1x1x64xi32, #tpu.memory_space<hbm>> -> memref<64xi32, #tpu.memory_space<hbm>>
        %dma_wait3A_375 = arith.constant 0 : i32
        %dma_wait3A_376 = tpu.memref_slice %arg3[%add3A, %add3A_365, %dma_wait3A_375] : memref<32x160x64xi32, #tpu.memory_space<hbm>> -> memref<1x1x64xi32, #tpu.memory_space<hbm>>
        %dma_wait3A_377 = tpu.memref_squeeze %dma_wait3A_376 : memref<1x1x64xi32, #tpu.memory_space<hbm>> -> memref<64xi32, #tpu.memory_space<hbm>>
        tpu.wait_dma2 semaphore(%arg33 : memref<!tpu.dma_semaphore, #tpu.memory_space<semaphore_mem>>) src(%dma_wait3A_377 : memref<64xi32, #tpu.memory_space<hbm>>) dst(%arg20 : memref<64xi32, #tpu.memory_space<vmem>>)
        %dma_start3A_378 = arith.constant 0 : i32
        %dma_start3A_379 = arith.constant 0 : i32
        %dma_start3A_380 = tpu.memref_slice %arg4[%dma_start3A_378, %dma_start3A_379] : memref<10240x128xf32, #tpu.memory_space<hbm>> -> memref<10240x128xf32, #tpu.memory_space<hbm>>
        tpu.enqueue_indirect_dma source(%dma_start3A_380 : memref<10240x128xf32, #tpu.memory_space<hbm>>) target(%arg24 : memref<64x128xf32, #tpu.memory_space<vmem>>) offsets(%arg12 : memref<64xi32, #tpu.memory_space<vmem>>) semaphore(%arg37 : memref<!tpu.dma_semaphore, #tpu.memory_space<semaphore_mem>>)
      } else {
      }
      %dma_wait3A_242 = arith.constant 0 : i32
      %dma_wait3A_243 = arith.constant 0 : i32
      %dma_wait3A_244 = tpu.memref_slice %arg4[%dma_wait3A_242, %dma_wait3A_243] : memref<10240x128xf32, #tpu.memory_space<hbm>> -> memref<10240x128xf32, #tpu.memory_space<hbm>>
      tpu.wait_indirect_dma semaphore(%arg39 : memref<!tpu.dma_semaphore, #tpu.memory_space<semaphore_mem>>) src(%dma_wait3A_244 : memref<10240x128xf32, #tpu.memory_space<hbm>>) dst(%arg26 : memref<64x128xf32, #tpu.memory_space<vmem>>)
      %dma_start3A_245 = arith.constant 0 : i32
      %dma_start3A_246 = arith.constant 0 : i32
      %dma_start3A_247 = tpu.memref_slice %arg27[%dma_start3A_245, %dma_start3A_246] : memref<10240x128xf32, #tpu.memory_space<vmem_shared>> -> memref<10240x128xf32, #tpu.memory_space<vmem_shared>>
      tpu.enqueue_indirect_dma source(%arg26 : memref<64x128xf32, #tpu.memory_space<vmem>>) target(%dma_start3A_247 : memref<10240x128xf32, #tpu.memory_space<vmem_shared>>) offsets(%arg18 : memref<64xi32, #tpu.memory_space<vmem>>) semaphore(%arg43 : memref<!tpu.dma_semaphore, #tpu.memory_space<semaphore_mem>>) {add = true}
      %mul3A_248 = arith.constant 8 : i32
      %mul3A_249 = arith.muli %mul3A_248, %scan3A_135 : i32
      %add3A_250 = arith.constant 4 : i32
      %add3A_251 = arith.addi %mul3A_249, %add3A_250 : i32
      %ge3A_252 = arith.constant 2 : i32
      %ge3A_253 = arith.cmpi sge, %add3A_251, %ge3A_252 : i32
      %convert_element_type3A_254 = arith.extui %ge3A_253 : i1 to i32
      %cond3A_255 = arith.constant 0 : i32
      %cond3A_256 = arith.cmpi ne, %convert_element_type3A_254, %cond3A_255 : i32
      scf.if %cond3A_256 {
        %dma_wait3A_364 = arith.constant 0 : i32
        %dma_wait3A_365 = arith.constant 0 : i32
        %dma_wait3A_366 = tpu.memref_slice %arg27[%dma_wait3A_364, %dma_wait3A_365] : memref<10240x128xf32, #tpu.memory_space<vmem_shared>> -> memref<10240x128xf32, #tpu.memory_space<vmem_shared>>
        tpu.wait_indirect_dma semaphore(%arg42 : memref<!tpu.dma_semaphore, #tpu.memory_space<semaphore_mem>>) src(%arg25 : memref<64x128xf32, #tpu.memory_space<vmem>>) dst(%dma_wait3A_366 : memref<10240x128xf32, #tpu.memory_space<vmem_shared>>)
      } else {
      }
      %add3A_257 = arith.constant 6 : i32
      %add3A_258 = arith.addi %add3A_251, %add3A_257 : i32
      %lt3A_259 = arith.constant 160 : i32
      %lt3A_260 = arith.cmpi slt, %add3A_258, %lt3A_259 : i32
      %convert_element_type3A_261 = arith.extui %lt3A_260 : i1 to i32
      %cond3A_262 = arith.constant 0 : i32
      %cond3A_263 = arith.cmpi ne, %convert_element_type3A_261, %cond3A_262 : i32
      scf.if %cond3A_263 {
        %add3A_364 = arith.constant 6 : i32
        %add3A_365 = arith.addi %add3A_251, %add3A_364 : i32
        %dma_start3A_366 = arith.constant 0 : i32
        %dma_start3A_367 = tpu.memref_slice %arg2[%add3A, %add3A_365, %dma_start3A_366] : memref<32x160x64xi32, #tpu.memory_space<hbm>> -> memref<1x1x64xi32, #tpu.memory_space<hbm>>
        %dma_start3A_368 = tpu.memref_squeeze %dma_start3A_367 : memref<1x1x64xi32, #tpu.memory_space<hbm>> -> memref<64xi32, #tpu.memory_space<hbm>>
        %dma_start3A_369 = arith.constant 0 : i32
        %dma_start3A_370 = tpu.memref_slice %arg2[%add3A, %add3A_365, %dma_start3A_369] : memref<32x160x64xi32, #tpu.memory_space<hbm>> -> memref<1x1x64xi32, #tpu.memory_space<hbm>>
        %dma_start3A_371 = tpu.memref_squeeze %dma_start3A_370 : memref<1x1x64xi32, #tpu.memory_space<hbm>> -> memref<64xi32, #tpu.memory_space<hbm>>
        tpu.enqueue_dma source(%dma_start3A_371 : memref<64xi32, #tpu.memory_space<hbm>>) target(%arg9 : memref<64xi32, #tpu.memory_space<vmem>>) target_semaphore(%arg30 : memref<!tpu.dma_semaphore, #tpu.memory_space<semaphore_mem>>)
        %dma_start3A_372 = arith.constant 0 : i32
        %dma_start3A_373 = tpu.memref_slice %arg3[%add3A, %add3A_365, %dma_start3A_372] : memref<32x160x64xi32, #tpu.memory_space<hbm>> -> memref<1x1x64xi32, #tpu.memory_space<hbm>>
        %dma_start3A_374 = tpu.memref_squeeze %dma_start3A_373 : memref<1x1x64xi32, #tpu.memory_space<hbm>> -> memref<64xi32, #tpu.memory_space<hbm>>
        %dma_start3A_375 = arith.constant 0 : i32
        %dma_start3A_376 = tpu.memref_slice %arg3[%add3A, %add3A_365, %dma_start3A_375] : memref<32x160x64xi32, #tpu.memory_space<hbm>> -> memref<1x1x64xi32, #tpu.memory_space<hbm>>
        %dma_start3A_377 = tpu.memref_squeeze %dma_start3A_376 : memref<1x1x64xi32, #tpu.memory_space<hbm>> -> memref<64xi32, #tpu.memory_space<hbm>>
        tpu.enqueue_dma source(%dma_start3A_377 : memref<64xi32, #tpu.memory_space<hbm>>) target(%arg17 : memref<64xi32, #tpu.memory_space<vmem>>) target_semaphore(%arg30 : memref<!tpu.dma_semaphore, #tpu.memory_space<semaphore_mem>>)
      } else {
      }
      %add3A_264 = arith.constant 2 : i32
      %add3A_265 = arith.addi %add3A_251, %add3A_264 : i32
      %lt3A_266 = arith.constant 160 : i32
      %lt3A_267 = arith.cmpi slt, %add3A_265, %lt3A_266 : i32
      %convert_element_type3A_268 = arith.extui %lt3A_267 : i1 to i32
      %cond3A_269 = arith.constant 0 : i32
      %cond3A_270 = arith.cmpi ne, %convert_element_type3A_268, %cond3A_269 : i32
      scf.if %cond3A_270 {
        %add3A_364 = arith.constant 2 : i32
        %add3A_365 = arith.addi %add3A_251, %add3A_364 : i32
        %dma_wait3A_366 = arith.constant 0 : i32
        %dma_wait3A_367 = tpu.memref_slice %arg2[%add3A, %add3A_365, %dma_wait3A_366] : memref<32x160x64xi32, #tpu.memory_space<hbm>> -> memref<1x1x64xi32, #tpu.memory_space<hbm>>
        %dma_wait3A_368 = tpu.memref_squeeze %dma_wait3A_367 : memref<1x1x64xi32, #tpu.memory_space<hbm>> -> memref<64xi32, #tpu.memory_space<hbm>>
        %dma_wait3A_369 = arith.constant 0 : i32
        %dma_wait3A_370 = tpu.memref_slice %arg2[%add3A, %add3A_365, %dma_wait3A_369] : memref<32x160x64xi32, #tpu.memory_space<hbm>> -> memref<1x1x64xi32, #tpu.memory_space<hbm>>
        %dma_wait3A_371 = tpu.memref_squeeze %dma_wait3A_370 : memref<1x1x64xi32, #tpu.memory_space<hbm>> -> memref<64xi32, #tpu.memory_space<hbm>>
        tpu.wait_dma2 semaphore(%arg34 : memref<!tpu.dma_semaphore, #tpu.memory_space<semaphore_mem>>) src(%dma_wait3A_371 : memref<64xi32, #tpu.memory_space<hbm>>) dst(%arg13 : memref<64xi32, #tpu.memory_space<vmem>>)
        %dma_wait3A_372 = arith.constant 0 : i32
        %dma_wait3A_373 = tpu.memref_slice %arg3[%add3A, %add3A_365, %dma_wait3A_372] : memref<32x160x64xi32, #tpu.memory_space<hbm>> -> memref<1x1x64xi32, #tpu.memory_space<hbm>>
        %dma_wait3A_374 = tpu.memref_squeeze %dma_wait3A_373 : memref<1x1x64xi32, #tpu.memory_space<hbm>> -> memref<64xi32, #tpu.memory_space<hbm>>
        %dma_wait3A_375 = arith.constant 0 : i32
        %dma_wait3A_376 = tpu.memref_slice %arg3[%add3A, %add3A_365, %dma_wait3A_375] : memref<32x160x64xi32, #tpu.memory_space<hbm>> -> memref<1x1x64xi32, #tpu.memory_space<hbm>>
        %dma_wait3A_377 = tpu.memref_squeeze %dma_wait3A_376 : memref<1x1x64xi32, #tpu.memory_space<hbm>> -> memref<64xi32, #tpu.memory_space<hbm>>
        tpu.wait_dma2 semaphore(%arg34 : memref<!tpu.dma_semaphore, #tpu.memory_space<semaphore_mem>>) src(%dma_wait3A_377 : memref<64xi32, #tpu.memory_space<hbm>>) dst(%arg21 : memref<64xi32, #tpu.memory_space<vmem>>)
        %dma_start3A_378 = arith.constant 0 : i32
        %dma_start3A_379 = arith.constant 0 : i32
        %dma_start3A_380 = tpu.memref_slice %arg4[%dma_start3A_378, %dma_start3A_379] : memref<10240x128xf32, #tpu.memory_space<hbm>> -> memref<10240x128xf32, #tpu.memory_space<hbm>>
        tpu.enqueue_indirect_dma source(%dma_start3A_380 : memref<10240x128xf32, #tpu.memory_space<hbm>>) target(%arg25 : memref<64x128xf32, #tpu.memory_space<vmem>>) offsets(%arg13 : memref<64xi32, #tpu.memory_space<vmem>>) semaphore(%arg38 : memref<!tpu.dma_semaphore, #tpu.memory_space<semaphore_mem>>)
      } else {
      }
      %dma_wait3A_271 = arith.constant 0 : i32
      %dma_wait3A_272 = arith.constant 0 : i32
      %dma_wait3A_273 = tpu.memref_slice %arg4[%dma_wait3A_271, %dma_wait3A_272] : memref<10240x128xf32, #tpu.memory_space<hbm>> -> memref<10240x128xf32, #tpu.memory_space<hbm>>
      tpu.wait_indirect_dma semaphore(%arg36 : memref<!tpu.dma_semaphore, #tpu.memory_space<semaphore_mem>>) src(%dma_wait3A_273 : memref<10240x128xf32, #tpu.memory_space<hbm>>) dst(%arg23 : memref<64x128xf32, #tpu.memory_space<vmem>>)
      %dma_start3A_274 = arith.constant 0 : i32
      %dma_start3A_275 = arith.constant 0 : i32
      %dma_start3A_276 = tpu.memref_slice %arg27[%dma_start3A_274, %dma_start3A_275] : memref<10240x128xf32, #tpu.memory_space<vmem_shared>> -> memref<10240x128xf32, #tpu.memory_space<vmem_shared>>
      tpu.enqueue_indirect_dma source(%arg23 : memref<64x128xf32, #tpu.memory_space<vmem>>) target(%dma_start3A_276 : memref<10240x128xf32, #tpu.memory_space<vmem_shared>>) offsets(%arg19 : memref<64xi32, #tpu.memory_space<vmem>>) semaphore(%arg40 : memref<!tpu.dma_semaphore, #tpu.memory_space<semaphore_mem>>) {add = true}
      %mul3A_277 = arith.constant 8 : i32
      %mul3A_278 = arith.muli %mul3A_277, %scan3A_135 : i32
      %add3A_279 = arith.constant 5 : i32
      %add3A_280 = arith.addi %mul3A_278, %add3A_279 : i32
      %ge3A_281 = arith.constant 2 : i32
      %ge3A_282 = arith.cmpi sge, %add3A_280, %ge3A_281 : i32
      %convert_element_type3A_283 = arith.extui %ge3A_282 : i1 to i32
      %cond3A_284 = arith.constant 0 : i32
      %cond3A_285 = arith.cmpi ne, %convert_element_type3A_283, %cond3A_284 : i32
      scf.if %cond3A_285 {
        %dma_wait3A_364 = arith.constant 0 : i32
        %dma_wait3A_365 = arith.constant 0 : i32
        %dma_wait3A_366 = tpu.memref_slice %arg27[%dma_wait3A_364, %dma_wait3A_365] : memref<10240x128xf32, #tpu.memory_space<vmem_shared>> -> memref<10240x128xf32, #tpu.memory_space<vmem_shared>>
        tpu.wait_indirect_dma semaphore(%arg43 : memref<!tpu.dma_semaphore, #tpu.memory_space<semaphore_mem>>) src(%arg26 : memref<64x128xf32, #tpu.memory_space<vmem>>) dst(%dma_wait3A_366 : memref<10240x128xf32, #tpu.memory_space<vmem_shared>>)
      } else {
      }
      %add3A_286 = arith.constant 6 : i32
      %add3A_287 = arith.addi %add3A_280, %add3A_286 : i32
      %lt3A_288 = arith.constant 160 : i32
      %lt3A_289 = arith.cmpi slt, %add3A_287, %lt3A_288 : i32
      %convert_element_type3A_290 = arith.extui %lt3A_289 : i1 to i32
      %cond3A_291 = arith.constant 0 : i32
      %cond3A_292 = arith.cmpi ne, %convert_element_type3A_290, %cond3A_291 : i32
      scf.if %cond3A_292 {
        %add3A_364 = arith.constant 6 : i32
        %add3A_365 = arith.addi %add3A_280, %add3A_364 : i32
        %dma_start3A_366 = arith.constant 0 : i32
        %dma_start3A_367 = tpu.memref_slice %arg2[%add3A, %add3A_365, %dma_start3A_366] : memref<32x160x64xi32, #tpu.memory_space<hbm>> -> memref<1x1x64xi32, #tpu.memory_space<hbm>>
        %dma_start3A_368 = tpu.memref_squeeze %dma_start3A_367 : memref<1x1x64xi32, #tpu.memory_space<hbm>> -> memref<64xi32, #tpu.memory_space<hbm>>
        %dma_start3A_369 = arith.constant 0 : i32
        %dma_start3A_370 = tpu.memref_slice %arg2[%add3A, %add3A_365, %dma_start3A_369] : memref<32x160x64xi32, #tpu.memory_space<hbm>> -> memref<1x1x64xi32, #tpu.memory_space<hbm>>
        %dma_start3A_371 = tpu.memref_squeeze %dma_start3A_370 : memref<1x1x64xi32, #tpu.memory_space<hbm>> -> memref<64xi32, #tpu.memory_space<hbm>>
        tpu.enqueue_dma source(%dma_start3A_371 : memref<64xi32, #tpu.memory_space<hbm>>) target(%arg10 : memref<64xi32, #tpu.memory_space<vmem>>) target_semaphore(%arg31 : memref<!tpu.dma_semaphore, #tpu.memory_space<semaphore_mem>>)
        %dma_start3A_372 = arith.constant 0 : i32
        %dma_start3A_373 = tpu.memref_slice %arg3[%add3A, %add3A_365, %dma_start3A_372] : memref<32x160x64xi32, #tpu.memory_space<hbm>> -> memref<1x1x64xi32, #tpu.memory_space<hbm>>
        %dma_start3A_374 = tpu.memref_squeeze %dma_start3A_373 : memref<1x1x64xi32, #tpu.memory_space<hbm>> -> memref<64xi32, #tpu.memory_space<hbm>>
        %dma_start3A_375 = arith.constant 0 : i32
        %dma_start3A_376 = tpu.memref_slice %arg3[%add3A, %add3A_365, %dma_start3A_375] : memref<32x160x64xi32, #tpu.memory_space<hbm>> -> memref<1x1x64xi32, #tpu.memory_space<hbm>>
        %dma_start3A_377 = tpu.memref_squeeze %dma_start3A_376 : memref<1x1x64xi32, #tpu.memory_space<hbm>> -> memref<64xi32, #tpu.memory_space<hbm>>
        tpu.enqueue_dma source(%dma_start3A_377 : memref<64xi32, #tpu.memory_space<hbm>>) target(%arg18 : memref<64xi32, #tpu.memory_space<vmem>>) target_semaphore(%arg31 : memref<!tpu.dma_semaphore, #tpu.memory_space<semaphore_mem>>)
      } else {
      }
      %add3A_293 = arith.constant 2 : i32
      %add3A_294 = arith.addi %add3A_280, %add3A_293 : i32
      %lt3A_295 = arith.constant 160 : i32
      %lt3A_296 = arith.cmpi slt, %add3A_294, %lt3A_295 : i32
      %convert_element_type3A_297 = arith.extui %lt3A_296 : i1 to i32
      %cond3A_298 = arith.constant 0 : i32
      %cond3A_299 = arith.cmpi ne, %convert_element_type3A_297, %cond3A_298 : i32
      scf.if %cond3A_299 {
        %add3A_364 = arith.constant 2 : i32
        %add3A_365 = arith.addi %add3A_280, %add3A_364 : i32
        %dma_wait3A_366 = arith.constant 0 : i32
        %dma_wait3A_367 = tpu.memref_slice %arg2[%add3A, %add3A_365, %dma_wait3A_366] : memref<32x160x64xi32, #tpu.memory_space<hbm>> -> memref<1x1x64xi32, #tpu.memory_space<hbm>>
        %dma_wait3A_368 = tpu.memref_squeeze %dma_wait3A_367 : memref<1x1x64xi32, #tpu.memory_space<hbm>> -> memref<64xi32, #tpu.memory_space<hbm>>
        %dma_wait3A_369 = arith.constant 0 : i32
        %dma_wait3A_370 = tpu.memref_slice %arg2[%add3A, %add3A_365, %dma_wait3A_369] : memref<32x160x64xi32, #tpu.memory_space<hbm>> -> memref<1x1x64xi32, #tpu.memory_space<hbm>>
        %dma_wait3A_371 = tpu.memref_squeeze %dma_wait3A_370 : memref<1x1x64xi32, #tpu.memory_space<hbm>> -> memref<64xi32, #tpu.memory_space<hbm>>
        tpu.wait_dma2 semaphore(%arg35 : memref<!tpu.dma_semaphore, #tpu.memory_space<semaphore_mem>>) src(%dma_wait3A_371 : memref<64xi32, #tpu.memory_space<hbm>>) dst(%arg14 : memref<64xi32, #tpu.memory_space<vmem>>)
        %dma_wait3A_372 = arith.constant 0 : i32
        %dma_wait3A_373 = tpu.memref_slice %arg3[%add3A, %add3A_365, %dma_wait3A_372] : memref<32x160x64xi32, #tpu.memory_space<hbm>> -> memref<1x1x64xi32, #tpu.memory_space<hbm>>
        %dma_wait3A_374 = tpu.memref_squeeze %dma_wait3A_373 : memref<1x1x64xi32, #tpu.memory_space<hbm>> -> memref<64xi32, #tpu.memory_space<hbm>>
        %dma_wait3A_375 = arith.constant 0 : i32
        %dma_wait3A_376 = tpu.memref_slice %arg3[%add3A, %add3A_365, %dma_wait3A_375] : memref<32x160x64xi32, #tpu.memory_space<hbm>> -> memref<1x1x64xi32, #tpu.memory_space<hbm>>
        %dma_wait3A_377 = tpu.memref_squeeze %dma_wait3A_376 : memref<1x1x64xi32, #tpu.memory_space<hbm>> -> memref<64xi32, #tpu.memory_space<hbm>>
        tpu.wait_dma2 semaphore(%arg35 : memref<!tpu.dma_semaphore, #tpu.memory_space<semaphore_mem>>) src(%dma_wait3A_377 : memref<64xi32, #tpu.memory_space<hbm>>) dst(%arg22 : memref<64xi32, #tpu.memory_space<vmem>>)
        %dma_start3A_378 = arith.constant 0 : i32
        %dma_start3A_379 = arith.constant 0 : i32
        %dma_start3A_380 = tpu.memref_slice %arg4[%dma_start3A_378, %dma_start3A_379] : memref<10240x128xf32, #tpu.memory_space<hbm>> -> memref<10240x128xf32, #tpu.memory_space<hbm>>
        tpu.enqueue_indirect_dma source(%dma_start3A_380 : memref<10240x128xf32, #tpu.memory_space<hbm>>) target(%arg26 : memref<64x128xf32, #tpu.memory_space<vmem>>) offsets(%arg14 : memref<64xi32, #tpu.memory_space<vmem>>) semaphore(%arg39 : memref<!tpu.dma_semaphore, #tpu.memory_space<semaphore_mem>>)
      } else {
      }
      %dma_wait3A_300 = arith.constant 0 : i32
      %dma_wait3A_301 = arith.constant 0 : i32
      %dma_wait3A_302 = tpu.memref_slice %arg4[%dma_wait3A_300, %dma_wait3A_301] : memref<10240x128xf32, #tpu.memory_space<hbm>> -> memref<10240x128xf32, #tpu.memory_space<hbm>>
      tpu.wait_indirect_dma semaphore(%arg37 : memref<!tpu.dma_semaphore, #tpu.memory_space<semaphore_mem>>) src(%dma_wait3A_302 : memref<10240x128xf32, #tpu.memory_space<hbm>>) dst(%arg24 : memref<64x128xf32, #tpu.memory_space<vmem>>)
      %dma_start3A_303 = arith.constant 0 : i32
      %dma_start3A_304 = arith.constant 0 : i32
      %dma_start3A_305 = tpu.memref_slice %arg27[%dma_start3A_303, %dma_start3A_304] : memref<10240x128xf32, #tpu.memory_space<vmem_shared>> -> memref<10240x128xf32, #tpu.memory_space<vmem_shared>>
      tpu.enqueue_indirect_dma source(%arg24 : memref<64x128xf32, #tpu.memory_space<vmem>>) target(%dma_start3A_305 : memref<10240x128xf32, #tpu.memory_space<vmem_shared>>) offsets(%arg20 : memref<64xi32, #tpu.memory_space<vmem>>) semaphore(%arg41 : memref<!tpu.dma_semaphore, #tpu.memory_space<semaphore_mem>>) {add = true}
      %mul3A_306 = arith.constant 8 : i32
      %mul3A_307 = arith.muli %mul3A_306, %scan3A_135 : i32
      %add3A_308 = arith.constant 6 : i32
      %add3A_309 = arith.addi %mul3A_307, %add3A_308 : i32
      %ge3A_310 = arith.constant 2 : i32
      %ge3A_311 = arith.cmpi sge, %add3A_309, %ge3A_310 : i32
      %convert_element_type3A_312 = arith.extui %ge3A_311 : i1 to i32
      %cond3A_313 = arith.constant 0 : i32
      %cond3A_314 = arith.cmpi ne, %convert_element_type3A_312, %cond3A_313 : i32
      scf.if %cond3A_314 {
        %dma_wait3A_364 = arith.constant 0 : i32
        %dma_wait3A_365 = arith.constant 0 : i32
        %dma_wait3A_366 = tpu.memref_slice %arg27[%dma_wait3A_364, %dma_wait3A_365] : memref<10240x128xf32, #tpu.memory_space<vmem_shared>> -> memref<10240x128xf32, #tpu.memory_space<vmem_shared>>
        tpu.wait_indirect_dma semaphore(%arg40 : memref<!tpu.dma_semaphore, #tpu.memory_space<semaphore_mem>>) src(%arg23 : memref<64x128xf32, #tpu.memory_space<vmem>>) dst(%dma_wait3A_366 : memref<10240x128xf32, #tpu.memory_space<vmem_shared>>)
      } else {
      }
      %add3A_315 = arith.constant 6 : i32
      %add3A_316 = arith.addi %add3A_309, %add3A_315 : i32
      %lt3A_317 = arith.constant 160 : i32
      %lt3A_318 = arith.cmpi slt, %add3A_316, %lt3A_317 : i32
      %convert_element_type3A_319 = arith.extui %lt3A_318 : i1 to i32
      %cond3A_320 = arith.constant 0 : i32
      %cond3A_321 = arith.cmpi ne, %convert_element_type3A_319, %cond3A_320 : i32
      scf.if %cond3A_321 {
        %add3A_364 = arith.constant 6 : i32
        %add3A_365 = arith.addi %add3A_309, %add3A_364 : i32
        %dma_start3A_366 = arith.constant 0 : i32
        %dma_start3A_367 = tpu.memref_slice %arg2[%add3A, %add3A_365, %dma_start3A_366] : memref<32x160x64xi32, #tpu.memory_space<hbm>> -> memref<1x1x64xi32, #tpu.memory_space<hbm>>
        %dma_start3A_368 = tpu.memref_squeeze %dma_start3A_367 : memref<1x1x64xi32, #tpu.memory_space<hbm>> -> memref<64xi32, #tpu.memory_space<hbm>>
        %dma_start3A_369 = arith.constant 0 : i32
        %dma_start3A_370 = tpu.memref_slice %arg2[%add3A, %add3A_365, %dma_start3A_369] : memref<32x160x64xi32, #tpu.memory_space<hbm>> -> memref<1x1x64xi32, #tpu.memory_space<hbm>>
        %dma_start3A_371 = tpu.memref_squeeze %dma_start3A_370 : memref<1x1x64xi32, #tpu.memory_space<hbm>> -> memref<64xi32, #tpu.memory_space<hbm>>
        tpu.enqueue_dma source(%dma_start3A_371 : memref<64xi32, #tpu.memory_space<hbm>>) target(%arg11 : memref<64xi32, #tpu.memory_space<vmem>>) target_semaphore(%arg32 : memref<!tpu.dma_semaphore, #tpu.memory_space<semaphore_mem>>)
        %dma_start3A_372 = arith.constant 0 : i32
        %dma_start3A_373 = tpu.memref_slice %arg3[%add3A, %add3A_365, %dma_start3A_372] : memref<32x160x64xi32, #tpu.memory_space<hbm>> -> memref<1x1x64xi32, #tpu.memory_space<hbm>>
        %dma_start3A_374 = tpu.memref_squeeze %dma_start3A_373 : memref<1x1x64xi32, #tpu.memory_space<hbm>> -> memref<64xi32, #tpu.memory_space<hbm>>
        %dma_start3A_375 = arith.constant 0 : i32
        %dma_start3A_376 = tpu.memref_slice %arg3[%add3A, %add3A_365, %dma_start3A_375] : memref<32x160x64xi32, #tpu.memory_space<hbm>> -> memref<1x1x64xi32, #tpu.memory_space<hbm>>
        %dma_start3A_377 = tpu.memref_squeeze %dma_start3A_376 : memref<1x1x64xi32, #tpu.memory_space<hbm>> -> memref<64xi32, #tpu.memory_space<hbm>>
        tpu.enqueue_dma source(%dma_start3A_377 : memref<64xi32, #tpu.memory_space<hbm>>) target(%arg19 : memref<64xi32, #tpu.memory_space<vmem>>) target_semaphore(%arg32 : memref<!tpu.dma_semaphore, #tpu.memory_space<semaphore_mem>>)
      } else {
      }
      %add3A_322 = arith.constant 2 : i32
      %add3A_323 = arith.addi %add3A_309, %add3A_322 : i32
      %lt3A_324 = arith.constant 160 : i32
      %lt3A_325 = arith.cmpi slt, %add3A_323, %lt3A_324 : i32
      %convert_element_type3A_326 = arith.extui %lt3A_325 : i1 to i32
      %cond3A_327 = arith.constant 0 : i32
      %cond3A_328 = arith.cmpi ne, %convert_element_type3A_326, %cond3A_327 : i32
      scf.if %cond3A_328 {
        %add3A_364 = arith.constant 2 : i32
        %add3A_365 = arith.addi %add3A_309, %add3A_364 : i32
        %dma_wait3A_366 = arith.constant 0 : i32
        %dma_wait3A_367 = tpu.memref_slice %arg2[%add3A, %add3A_365, %dma_wait3A_366] : memref<32x160x64xi32, #tpu.memory_space<hbm>> -> memref<1x1x64xi32, #tpu.memory_space<hbm>>
        %dma_wait3A_368 = tpu.memref_squeeze %dma_wait3A_367 : memref<1x1x64xi32, #tpu.memory_space<hbm>> -> memref<64xi32, #tpu.memory_space<hbm>>
        %dma_wait3A_369 = arith.constant 0 : i32
        %dma_wait3A_370 = tpu.memref_slice %arg2[%add3A, %add3A_365, %dma_wait3A_369] : memref<32x160x64xi32, #tpu.memory_space<hbm>> -> memref<1x1x64xi32, #tpu.memory_space<hbm>>
        %dma_wait3A_371 = tpu.memref_squeeze %dma_wait3A_370 : memref<1x1x64xi32, #tpu.memory_space<hbm>> -> memref<64xi32, #tpu.memory_space<hbm>>
        tpu.wait_dma2 semaphore(%arg28 : memref<!tpu.dma_semaphore, #tpu.memory_space<semaphore_mem>>) src(%dma_wait3A_371 : memref<64xi32, #tpu.memory_space<hbm>>) dst(%arg7 : memref<64xi32, #tpu.memory_space<vmem>>)
        %dma_wait3A_372 = arith.constant 0 : i32
        %dma_wait3A_373 = tpu.memref_slice %arg3[%add3A, %add3A_365, %dma_wait3A_372] : memref<32x160x64xi32, #tpu.memory_space<hbm>> -> memref<1x1x64xi32, #tpu.memory_space<hbm>>
        %dma_wait3A_374 = tpu.memref_squeeze %dma_wait3A_373 : memref<1x1x64xi32, #tpu.memory_space<hbm>> -> memref<64xi32, #tpu.memory_space<hbm>>
        %dma_wait3A_375 = arith.constant 0 : i32
        %dma_wait3A_376 = tpu.memref_slice %arg3[%add3A, %add3A_365, %dma_wait3A_375] : memref<32x160x64xi32, #tpu.memory_space<hbm>> -> memref<1x1x64xi32, #tpu.memory_space<hbm>>
        %dma_wait3A_377 = tpu.memref_squeeze %dma_wait3A_376 : memref<1x1x64xi32, #tpu.memory_space<hbm>> -> memref<64xi32, #tpu.memory_space<hbm>>
        tpu.wait_dma2 semaphore(%arg28 : memref<!tpu.dma_semaphore, #tpu.memory_space<semaphore_mem>>) src(%dma_wait3A_377 : memref<64xi32, #tpu.memory_space<hbm>>) dst(%arg15 : memref<64xi32, #tpu.memory_space<vmem>>)
        %dma_start3A_378 = arith.constant 0 : i32
        %dma_start3A_379 = arith.constant 0 : i32
        %dma_start3A_380 = tpu.memref_slice %arg4[%dma_start3A_378, %dma_start3A_379] : memref<10240x128xf32, #tpu.memory_space<hbm>> -> memref<10240x128xf32, #tpu.memory_space<hbm>>
        tpu.enqueue_indirect_dma source(%dma_start3A_380 : memref<10240x128xf32, #tpu.memory_space<hbm>>) target(%arg23 : memref<64x128xf32, #tpu.memory_space<vmem>>) offsets(%arg7 : memref<64xi32, #tpu.memory_space<vmem>>) semaphore(%arg36 : memref<!tpu.dma_semaphore, #tpu.memory_space<semaphore_mem>>)
      } else {
      }
      %dma_wait3A_329 = arith.constant 0 : i32
      %dma_wait3A_330 = arith.constant 0 : i32
      %dma_wait3A_331 = tpu.memref_slice %arg4[%dma_wait3A_329, %dma_wait3A_330] : memref<10240x128xf32, #tpu.memory_space<hbm>> -> memref<10240x128xf32, #tpu.memory_space<hbm>>
      tpu.wait_indirect_dma semaphore(%arg38 : memref<!tpu.dma_semaphore, #tpu.memory_space<semaphore_mem>>) src(%dma_wait3A_331 : memref<10240x128xf32, #tpu.memory_space<hbm>>) dst(%arg25 : memref<64x128xf32, #tpu.memory_space<vmem>>)
      %dma_start3A_332 = arith.constant 0 : i32
      %dma_start3A_333 = arith.constant 0 : i32
      %dma_start3A_334 = tpu.memref_slice %arg27[%dma_start3A_332, %dma_start3A_333] : memref<10240x128xf32, #tpu.memory_space<vmem_shared>> -> memref<10240x128xf32, #tpu.memory_space<vmem_shared>>
      tpu.enqueue_indirect_dma source(%arg25 : memref<64x128xf32, #tpu.memory_space<vmem>>) target(%dma_start3A_334 : memref<10240x128xf32, #tpu.memory_space<vmem_shared>>) offsets(%arg21 : memref<64xi32, #tpu.memory_space<vmem>>) semaphore(%arg42 : memref<!tpu.dma_semaphore, #tpu.memory_space<semaphore_mem>>) {add = true}
      %mul3A_335 = arith.constant 8 : i32
      %mul3A_336 = arith.muli %mul3A_335, %scan3A_135 : i32
      %add3A_337 = arith.constant 7 : i32
      %add3A_338 = arith.addi %mul3A_336, %add3A_337 : i32
      %ge3A_339 = arith.constant 2 : i32
      %ge3A_340 = arith.cmpi sge, %add3A_338, %ge3A_339 : i32
      %convert_element_type3A_341 = arith.extui %ge3A_340 : i1 to i32
      %cond3A_342 = arith.constant 0 : i32
      %cond3A_343 = arith.cmpi ne, %convert_element_type3A_341, %cond3A_342 : i32
      scf.if %cond3A_343 {
        %dma_wait3A_364 = arith.constant 0 : i32
        %dma_wait3A_365 = arith.constant 0 : i32
        %dma_wait3A_366 = tpu.memref_slice %arg27[%dma_wait3A_364, %dma_wait3A_365] : memref<10240x128xf32, #tpu.memory_space<vmem_shared>> -> memref<10240x128xf32, #tpu.memory_space<vmem_shared>>
        tpu.wait_indirect_dma semaphore(%arg41 : memref<!tpu.dma_semaphore, #tpu.memory_space<semaphore_mem>>) src(%arg24 : memref<64x128xf32, #tpu.memory_space<vmem>>) dst(%dma_wait3A_366 : memref<10240x128xf32, #tpu.memory_space<vmem_shared>>)
      } else {
      }
      %add3A_344 = arith.constant 6 : i32
      %add3A_345 = arith.addi %add3A_338, %add3A_344 : i32
      %lt3A_346 = arith.constant 160 : i32
      %lt3A_347 = arith.cmpi slt, %add3A_345, %lt3A_346 : i32
      %convert_element_type3A_348 = arith.extui %lt3A_347 : i1 to i32
      %cond3A_349 = arith.constant 0 : i32
      %cond3A_350 = arith.cmpi ne, %convert_element_type3A_348, %cond3A_349 : i32
      scf.if %cond3A_350 {
        %add3A_364 = arith.constant 6 : i32
        %add3A_365 = arith.addi %add3A_338, %add3A_364 : i32
        %dma_start3A_366 = arith.constant 0 : i32
        %dma_start3A_367 = tpu.memref_slice %arg2[%add3A, %add3A_365, %dma_start3A_366] : memref<32x160x64xi32, #tpu.memory_space<hbm>> -> memref<1x1x64xi32, #tpu.memory_space<hbm>>
        %dma_start3A_368 = tpu.memref_squeeze %dma_start3A_367 : memref<1x1x64xi32, #tpu.memory_space<hbm>> -> memref<64xi32, #tpu.memory_space<hbm>>
        %dma_start3A_369 = arith.constant 0 : i32
        %dma_start3A_370 = tpu.memref_slice %arg2[%add3A, %add3A_365, %dma_start3A_369] : memref<32x160x64xi32, #tpu.memory_space<hbm>> -> memref<1x1x64xi32, #tpu.memory_space<hbm>>
        %dma_start3A_371 = tpu.memref_squeeze %dma_start3A_370 : memref<1x1x64xi32, #tpu.memory_space<hbm>> -> memref<64xi32, #tpu.memory_space<hbm>>
        tpu.enqueue_dma source(%dma_start3A_371 : memref<64xi32, #tpu.memory_space<hbm>>) target(%arg12 : memref<64xi32, #tpu.memory_space<vmem>>) target_semaphore(%arg33 : memref<!tpu.dma_semaphore, #tpu.memory_space<semaphore_mem>>)
        %dma_start3A_372 = arith.constant 0 : i32
        %dma_start3A_373 = tpu.memref_slice %arg3[%add3A, %add3A_365, %dma_start3A_372] : memref<32x160x64xi32, #tpu.memory_space<hbm>> -> memref<1x1x64xi32, #tpu.memory_space<hbm>>
        %dma_start3A_374 = tpu.memref_squeeze %dma_start3A_373 : memref<1x1x64xi32, #tpu.memory_space<hbm>> -> memref<64xi32, #tpu.memory_space<hbm>>
        %dma_start3A_375 = arith.constant 0 : i32
        %dma_start3A_376 = tpu.memref_slice %arg3[%add3A, %add3A_365, %dma_start3A_375] : memref<32x160x64xi32, #tpu.memory_space<hbm>> -> memref<1x1x64xi32, #tpu.memory_space<hbm>>
        %dma_start3A_377 = tpu.memref_squeeze %dma_start3A_376 : memref<1x1x64xi32, #tpu.memory_space<hbm>> -> memref<64xi32, #tpu.memory_space<hbm>>
        tpu.enqueue_dma source(%dma_start3A_377 : memref<64xi32, #tpu.memory_space<hbm>>) target(%arg20 : memref<64xi32, #tpu.memory_space<vmem>>) target_semaphore(%arg33 : memref<!tpu.dma_semaphore, #tpu.memory_space<semaphore_mem>>)
      } else {
      }
      %add3A_351 = arith.constant 2 : i32
      %add3A_352 = arith.addi %add3A_338, %add3A_351 : i32
      %lt3A_353 = arith.constant 160 : i32
      %lt3A_354 = arith.cmpi slt, %add3A_352, %lt3A_353 : i32
      %convert_element_type3A_355 = arith.extui %lt3A_354 : i1 to i32
      %cond3A_356 = arith.constant 0 : i32
      %cond3A_357 = arith.cmpi ne, %convert_element_type3A_355, %cond3A_356 : i32
      scf.if %cond3A_357 {
        %add3A_364 = arith.constant 2 : i32
        %add3A_365 = arith.addi %add3A_338, %add3A_364 : i32
        %dma_wait3A_366 = arith.constant 0 : i32
        %dma_wait3A_367 = tpu.memref_slice %arg2[%add3A, %add3A_365, %dma_wait3A_366] : memref<32x160x64xi32, #tpu.memory_space<hbm>> -> memref<1x1x64xi32, #tpu.memory_space<hbm>>
        %dma_wait3A_368 = tpu.memref_squeeze %dma_wait3A_367 : memref<1x1x64xi32, #tpu.memory_space<hbm>> -> memref<64xi32, #tpu.memory_space<hbm>>
        %dma_wait3A_369 = arith.constant 0 : i32
        %dma_wait3A_370 = tpu.memref_slice %arg2[%add3A, %add3A_365, %dma_wait3A_369] : memref<32x160x64xi32, #tpu.memory_space<hbm>> -> memref<1x1x64xi32, #tpu.memory_space<hbm>>
        %dma_wait3A_371 = tpu.memref_squeeze %dma_wait3A_370 : memref<1x1x64xi32, #tpu.memory_space<hbm>> -> memref<64xi32, #tpu.memory_space<hbm>>
        tpu.wait_dma2 semaphore(%arg29 : memref<!tpu.dma_semaphore, #tpu.memory_space<semaphore_mem>>) src(%dma_wait3A_371 : memref<64xi32, #tpu.memory_space<hbm>>) dst(%arg8 : memref<64xi32, #tpu.memory_space<vmem>>)
        %dma_wait3A_372 = arith.constant 0 : i32
        %dma_wait3A_373 = tpu.memref_slice %arg3[%add3A, %add3A_365, %dma_wait3A_372] : memref<32x160x64xi32, #tpu.memory_space<hbm>> -> memref<1x1x64xi32, #tpu.memory_space<hbm>>
        %dma_wait3A_374 = tpu.memref_squeeze %dma_wait3A_373 : memref<1x1x64xi32, #tpu.memory_space<hbm>> -> memref<64xi32, #tpu.memory_space<hbm>>
        %dma_wait3A_375 = arith.constant 0 : i32
        %dma_wait3A_376 = tpu.memref_slice %arg3[%add3A, %add3A_365, %dma_wait3A_375] : memref<32x160x64xi32, #tpu.memory_space<hbm>> -> memref<1x1x64xi32, #tpu.memory_space<hbm>>
        %dma_wait3A_377 = tpu.memref_squeeze %dma_wait3A_376 : memref<1x1x64xi32, #tpu.memory_space<hbm>> -> memref<64xi32, #tpu.memory_space<hbm>>
        tpu.wait_dma2 semaphore(%arg29 : memref<!tpu.dma_semaphore, #tpu.memory_space<semaphore_mem>>) src(%dma_wait3A_377 : memref<64xi32, #tpu.memory_space<hbm>>) dst(%arg16 : memref<64xi32, #tpu.memory_space<vmem>>)
        %dma_start3A_378 = arith.constant 0 : i32
        %dma_start3A_379 = arith.constant 0 : i32
        %dma_start3A_380 = tpu.memref_slice %arg4[%dma_start3A_378, %dma_start3A_379] : memref<10240x128xf32, #tpu.memory_space<hbm>> -> memref<10240x128xf32, #tpu.memory_space<hbm>>
        tpu.enqueue_indirect_dma source(%dma_start3A_380 : memref<10240x128xf32, #tpu.memory_space<hbm>>) target(%arg24 : memref<64x128xf32, #tpu.memory_space<vmem>>) offsets(%arg8 : memref<64xi32, #tpu.memory_space<vmem>>) semaphore(%arg37 : memref<!tpu.dma_semaphore, #tpu.memory_space<semaphore_mem>>)
      } else {
      }
      %dma_wait3A_358 = arith.constant 0 : i32
      %dma_wait3A_359 = arith.constant 0 : i32
      %dma_wait3A_360 = tpu.memref_slice %arg4[%dma_wait3A_358, %dma_wait3A_359] : memref<10240x128xf32, #tpu.memory_space<hbm>> -> memref<10240x128xf32, #tpu.memory_space<hbm>>
      tpu.wait_indirect_dma semaphore(%arg39 : memref<!tpu.dma_semaphore, #tpu.memory_space<semaphore_mem>>) src(%dma_wait3A_360 : memref<10240x128xf32, #tpu.memory_space<hbm>>) dst(%arg26 : memref<64x128xf32, #tpu.memory_space<vmem>>)
      %dma_start3A_361 = arith.constant 0 : i32
      %dma_start3A_362 = arith.constant 0 : i32
      %dma_start3A_363 = tpu.memref_slice %arg27[%dma_start3A_361, %dma_start3A_362] : memref<10240x128xf32, #tpu.memory_space<vmem_shared>> -> memref<10240x128xf32, #tpu.memory_space<vmem_shared>>
      tpu.enqueue_indirect_dma source(%arg26 : memref<64x128xf32, #tpu.memory_space<vmem>>) target(%dma_start3A_363 : memref<10240x128xf32, #tpu.memory_space<vmem_shared>>) offsets(%arg22 : memref<64xi32, #tpu.memory_space<vmem>>) semaphore(%arg43 : memref<!tpu.dma_semaphore, #tpu.memory_space<semaphore_mem>>) {add = true}
    }
    %scan3A_123 = arith.constant 20 : i32
    %dma_wait3A_124 = arith.constant 0 : i32
    %dma_wait3A_125 = arith.constant 0 : i32
    %dma_wait3A_126 = tpu.memref_slice %arg27[%dma_wait3A_124, %dma_wait3A_125] : memref<10240x128xf32, #tpu.memory_space<vmem_shared>> -> memref<10240x128xf32, #tpu.memory_space<vmem_shared>>
    tpu.wait_indirect_dma semaphore(%arg42 : memref<!tpu.dma_semaphore, #tpu.memory_space<semaphore_mem>>) src(%arg25 : memref<64x128xf32, #tpu.memory_space<vmem>>) dst(%dma_wait3A_126 : memref<10240x128xf32, #tpu.memory_space<vmem_shared>>)
    %dma_wait3A_127 = arith.constant 0 : i32
    %dma_wait3A_128 = arith.constant 0 : i32
    %dma_wait3A_129 = tpu.memref_slice %arg27[%dma_wait3A_127, %dma_wait3A_128] : memref<10240x128xf32, #tpu.memory_space<vmem_shared>> -> memref<10240x128xf32, #tpu.memory_space<vmem_shared>>
    tpu.wait_indirect_dma semaphore(%arg43 : memref<!tpu.dma_semaphore, #tpu.memory_space<semaphore_mem>>) src(%arg26 : memref<64x128xf32, #tpu.memory_space<vmem>>) dst(%dma_wait3A_129 : memref<10240x128xf32, #tpu.memory_space<vmem_shared>>)
    %barrier3A_130 = arith.constant 0 : index
    tpu.barrier barrier_id(%barrier3A_130)
    %mul3A_131 = arith.constant 640 : i32
    %mul3A_132 = arith.muli %arg1, %mul3A_131 : i32
    %mul3A_133 = arith.constant 640 : i32
    %mul3A_134 = arith.muli %arg1, %mul3A_133 : i32
    "tpu.region"() ({
      %run_scoped3A = tpu.sem_alloc : memref<!tpu.dma_semaphore, #tpu.memory_space<semaphore_mem>>
      %dma_start3A_135 = arith.constant 0 : i32
      %dma_start3A_136 = tpu.memref_slice %arg6[%arg0, %mul3A_134, %dma_start3A_135] : memref<2x10240x128xf32, #tpu.memory_space<hbm>> -> memref<1x640x128xf32, #tpu.memory_space<hbm>>
      %dma_start3A_137 = tpu.memref_squeeze %dma_start3A_136 : memref<1x640x128xf32, #tpu.memory_space<hbm>> -> memref<640x128xf32, #tpu.memory_space<hbm>>
      %dma_start3A_138 = arith.constant 0 : i32
      %dma_start3A_139 = tpu.memref_slice %arg27[%mul3A_132, %dma_start3A_138] : memref<10240x128xf32, #tpu.memory_space<vmem_shared>> -> memref<640x128xf32, #tpu.memory_space<vmem_shared>>
      tpu.enqueue_dma source(%dma_start3A_139 : memref<640x128xf32, #tpu.memory_space<vmem_shared>>) target(%dma_start3A_137 : memref<640x128xf32, #tpu.memory_space<hbm>>) target_semaphore(%run_scoped3A : memref<!tpu.dma_semaphore, #tpu.memory_space<semaphore_mem>>)
      %dma_wait3A_140 = arith.constant 0 : i32
      %dma_wait3A_141 = tpu.memref_slice %arg6[%arg0, %mul3A_134, %dma_wait3A_140] : memref<2x10240x128xf32, #tpu.memory_space<hbm>> -> memref<1x640x128xf32, #tpu.memory_space<hbm>>
      %dma_wait3A_142 = tpu.memref_squeeze %dma_wait3A_141 : memref<1x640x128xf32, #tpu.memory_space<hbm>> -> memref<640x128xf32, #tpu.memory_space<hbm>>
      %dma_wait3A_143 = arith.constant 0 : i32
      %dma_wait3A_144 = tpu.memref_slice %arg27[%mul3A_132, %dma_wait3A_143] : memref<10240x128xf32, #tpu.memory_space<vmem_shared>> -> memref<640x128xf32, #tpu.memory_space<vmem_shared>>
      tpu.wait_dma2 semaphore(%run_scoped3A : memref<!tpu.dma_semaphore, #tpu.memory_space<semaphore_mem>>) src(%dma_wait3A_144 : memref<640x128xf32, #tpu.memory_space<vmem_shared>>) dst(%dma_wait3A_142 : memref<640x128xf32, #tpu.memory_space<hbm>>)
      tpu.yield
    }) : () -> ()
    return
  }
}

module attributes {stable_mosaic.version = 14 : i64} {
  func.func @_tc1_body(%arg0: i32, %arg1: memref<1024x128xf32, #tpu.memory_space<vmem>>, %arg2: memref<128x128xf32, #tpu.memory_space<vmem>>, %arg3: memref<2x1024x128xf32, #tpu.memory_space<vmem>>, %arg4: memref<1024x128xf32, #tpu.memory_space<vmem>>) attributes {dimension_semantics = [#tpu.dimension_semantics<arbitrary>], iteration_bounds = array<i64: 10>, scalar_prefetch = 0 : i64, scratch_operands = 0 : i64, tpu.core_type = #tpu.core_type<tc>, window_params = [{transform_indices = @transform_0, window_bounds = array<i64: 1024, 128>}, {pipeline_mode = #tpu.pipeline_mode<synchronous>, transform_indices = @transform_1, window_bounds = array<i64: 128, 128>}, {transform_indices = @transform_2, window_bounds = array<i64: 2, 1024, 128>}, {transform_indices = @transform_3, window_bounds = array<i64: 1024, 128>}]} {
    %get3A = arith.constant 0 : index
    %get3A_0 = arith.constant 0 : index
    %get3A_1 = vector.load %arg1[%get3A, %get3A_0] : memref<1024x128xf32, #tpu.memory_space<vmem>>, vector<1024x128xf32>
    %get3A_2 = arith.constant 0 : index
    %get3A_3 = arith.constant 0 : index
    %get3A_4 = vector.load %arg2[%get3A_2, %get3A_3] : memref<128x128xf32, #tpu.memory_space<vmem>>, vector<128x128xf32>
    %dot_general3A = arith.constant dense<0.000000e+00> : vector<1024x128xf32>
    %dot_general3A_5 = tpu.matmul %get3A_1, %get3A_4, %dot_general3A {dimension_numbers = #tpu.dot_dimension_numbers<[1], [0], [0], [1], [0, 0, 1, 1], [], []>, transpose_lhs_hint = false} : vector<1024x128xf32>, vector<128x128xf32>, vector<1024x128xf32> -> vector<1024x128xf32>
    %get3A_6 = arith.constant 0 : index
    %get3A_7 = arith.constant 0 : index
    %get3A_8 = arith.constant 0 : index
    %get3A_9 = vector.load %arg3[%get3A_6, %get3A_7, %get3A_8] : memref<2x1024x128xf32, #tpu.memory_space<vmem>>, vector<1x1024x128xf32>
    %get3A_10 = vector.shape_cast %get3A_9 : vector<1x1024x128xf32> to vector<1024x128xf32>
    %get3A_11 = arith.constant 1 : index
    %get3A_12 = arith.constant 0 : index
    %get3A_13 = arith.constant 0 : index
    %get3A_14 = vector.load %arg3[%get3A_11, %get3A_12, %get3A_13] : memref<2x1024x128xf32, #tpu.memory_space<vmem>>, vector<1x1024x128xf32>
    %get3A_15 = vector.shape_cast %get3A_14 : vector<1x1024x128xf32> to vector<1024x128xf32>
    %add3A = arith.addf %get3A_10, %get3A_15 : vector<1024x128xf32>
    %slice3A = vector.extract_strided_slice %add3A {offsets = [0, 0], sizes = [1024, 1], strides = [1, 1]} : vector<1024x128xf32> to vector<1024x1xf32>
    %add3A_16 = arith.constant 1.000000e+00 : f32
    %add3A_17 = vector.broadcast %add3A_16 : f32 to vector<1024x1xf32>
    %add3A_18 = arith.addf %slice3A, %add3A_17 : vector<1024x1xf32>
    %rsqrt3A = math.rsqrt %add3A_18 : vector<1024x1xf32>
    %mul3A = vector.broadcast %rsqrt3A : vector<1024x1xf32> to vector<1024x128xf32>
    %mul3A_19 = arith.mulf %dot_general3A_5, %mul3A : vector<1024x128xf32>
    %iota3A = tpu.iota {dimensions = array<i32: 0>} : vector<1024x1xi32>
    %mul3A_20 = arith.constant 1024 : i32
    %mul3A_21 = arith.muli %arg0, %mul3A_20 : i32
    %add3A_22 = vector.broadcast %mul3A_21 : i32 to vector<1024x1xi32>
    %add3A_23 = arith.addi %iota3A, %add3A_22 : vector<1024x1xi32>
    %lt3A = arith.constant 10000 : i32
    %lt3A_24 = vector.broadcast %lt3A : i32 to vector<1024x1xi32>
    %lt3A_25 = arith.cmpi slt, %add3A_23, %lt3A_24 : vector<1024x1xi32>
    %jit3A = arith.constant 0.000000e+00 : f32
    %broadcast_in_dim3A = vector.shape_cast %lt3A_25 : vector<1024x1xi1> to vector<1024x1xi1>
    %broadcast_in_dim3A_26 = vector.broadcast %broadcast_in_dim3A : vector<1024x1xi1> to vector<1024x128xi1>
    %broadcast_in_dim3A_27 = vector.broadcast %jit3A : f32 to vector<1024x128xf32>
    %select_n3A = arith.select %broadcast_in_dim3A_26, %mul3A_19, %broadcast_in_dim3A_27 : vector<1024x128xi1>, vector<1024x128xf32>
    %swap3A = arith.constant 0 : index
    %swap3A_28 = arith.constant 0 : index
    %swap3A_29 = vector.load %arg4[%swap3A, %swap3A_28] : memref<1024x128xf32, #tpu.memory_space<vmem>>, vector<1024x128xf32>
    tpu.vector_store %arg4[%swap3A, %swap3A_28], %select_n3A {strides = array<i32>} : memref<1024x128xf32, #tpu.memory_space<vmem>>, vector<1024x128xf32>,
    return
  }
  func.func @transform_0(%arg0: i32) -> (i32, i32) {
    %c0_i32 = arith.constant 0 : i32
    %c0_i32_0 = arith.constant 0 : i32
    return %arg0, %c0_i32 : i32, i32
  }
  func.func @transform_1(%arg0: i32) -> (i32, i32) {
    %c0_i32 = arith.constant 0 : i32
    %c0_i32_0 = arith.constant 0 : i32
    %c0_i32_1 = arith.constant 0 : i32
    return %c0_i32, %c0_i32_0 : i32, i32
  }
  func.func @transform_2(%arg0: i32) -> (i32, i32, i32) {
    %c0_i32 = arith.constant 0 : i32
    %c0_i32_0 = arith.constant 0 : i32
    %c0_i32_1 = arith.constant 0 : i32
    return %c0_i32, %arg0, %c0_i32_0 : i32, i32, i32
  }
  func.func @transform_3(%arg0: i32) -> (i32, i32) {
    %c0_i32 = arith.constant 0 : i32
    %c0_i32_0 = arith.constant 0 : i32
    return %arg0, %c0_i32 : i32, i32
  }
}

module attributes {stable_mosaic.version = 14 : i64} {
  func.func @_tc2_body(%arg0: i32, %arg1: memref<2x1024x128xf32, #tpu.memory_space<vmem>>, %arg2: memref<1024x128xf32, #tpu.memory_space<vmem>>, %arg3: memref<2x1024x128xf32, #tpu.memory_space<vmem>>, %arg4: memref<1x128xf32, #tpu.memory_space<vmem>>, %arg5: memref<128x128xf32, #tpu.memory_space<vmem>>, %arg6: memref<1024x128xf32, #tpu.memory_space<vmem>>) attributes {dimension_semantics = [#tpu.dimension_semantics<arbitrary>], iteration_bounds = array<i64: 10>, scalar_prefetch = 0 : i64, scratch_operands = 0 : i64, tpu.core_type = #tpu.core_type<tc>, window_params = [{transform_indices = @transform_0, window_bounds = array<i64: 2, 1024, 128>}, {transform_indices = @transform_1, window_bounds = array<i64: 1024, 128>}, {transform_indices = @transform_2, window_bounds = array<i64: 2, 1024, 128>}, {pipeline_mode = #tpu.pipeline_mode<synchronous>, transform_indices = @transform_3, window_bounds = array<i64: 1, 128>}, {pipeline_mode = #tpu.pipeline_mode<synchronous>, transform_indices = @transform_4, window_bounds = array<i64: 128, 128>}, {transform_indices = @transform_5, window_bounds = array<i64: 1024, 128>}]} {
    %get3A = arith.constant 0 : index
    %get3A_0 = arith.constant 0 : index
    %get3A_1 = arith.constant 0 : index
    %get3A_2 = vector.load %arg3[%get3A, %get3A_0, %get3A_1] : memref<2x1024x128xf32, #tpu.memory_space<vmem>>, vector<1x1024x128xf32>
    %get3A_3 = vector.shape_cast %get3A_2 : vector<1x1024x128xf32> to vector<1024x128xf32>
    %get3A_4 = arith.constant 1 : index
    %get3A_5 = arith.constant 0 : index
    %get3A_6 = arith.constant 0 : index
    %get3A_7 = vector.load %arg3[%get3A_4, %get3A_5, %get3A_6] : memref<2x1024x128xf32, #tpu.memory_space<vmem>>, vector<1x1024x128xf32>
    %get3A_8 = vector.shape_cast %get3A_7 : vector<1x1024x128xf32> to vector<1024x128xf32>
    %add3A = arith.addf %get3A_3, %get3A_8 : vector<1024x128xf32>
    %slice3A = vector.extract_strided_slice %add3A {offsets = [0, 0], sizes = [1024, 1], strides = [1, 1]} : vector<1024x128xf32> to vector<1024x1xf32>
    %add3A_9 = arith.constant 1.000000e+00 : f32
    %add3A_10 = vector.broadcast %add3A_9 : f32 to vector<1024x1xf32>
    %add3A_11 = arith.addf %slice3A, %add3A_10 : vector<1024x1xf32>
    %rsqrt3A = math.rsqrt %add3A_11 : vector<1024x1xf32>
    %get3A_12 = arith.constant 0 : index
    %get3A_13 = arith.constant 0 : index
    %get3A_14 = arith.constant 0 : index
    %get3A_15 = vector.load %arg1[%get3A_12, %get3A_13, %get3A_14] : memref<2x1024x128xf32, #tpu.memory_space<vmem>>, vector<1x1024x128xf32>
    %get3A_16 = vector.shape_cast %get3A_15 : vector<1x1024x128xf32> to vector<1024x128xf32>
    %get3A_17 = arith.constant 1 : index
    %get3A_18 = arith.constant 0 : index
    %get3A_19 = arith.constant 0 : index
    %get3A_20 = vector.load %arg1[%get3A_17, %get3A_18, %get3A_19] : memref<2x1024x128xf32, #tpu.memory_space<vmem>>, vector<1x1024x128xf32>
    %get3A_21 = vector.shape_cast %get3A_20 : vector<1x1024x128xf32> to vector<1024x128xf32>
    %add3A_22 = arith.addf %get3A_16, %get3A_21 : vector<1024x128xf32>
    %get3A_23 = arith.constant 0 : index
    %get3A_24 = arith.constant 0 : index
    %get3A_25 = vector.load %arg2[%get3A_23, %get3A_24] : memref<1024x128xf32, #tpu.memory_space<vmem>>, vector<1024x128xf32>
    %add3A_26 = arith.addf %add3A_22, %get3A_25 : vector<1024x128xf32>
    %mul3A = vector.broadcast %rsqrt3A : vector<1024x1xf32> to vector<1024x128xf32>
    %mul3A_27 = arith.mulf %mul3A, %add3A_26 : vector<1024x128xf32>
    %get3A_28 = arith.constant 0 : index
    %get3A_29 = arith.constant 0 : index
    %get3A_30 = vector.load %arg4[%get3A_28, %get3A_29] : memref<1x128xf32, #tpu.memory_space<vmem>>, vector<1x128xf32>
    %add3A_31 = vector.broadcast %get3A_30 : vector<1x128xf32> to vector<1024x128xf32>
    %add3A_32 = arith.addf %mul3A_27, %add3A_31 : vector<1024x128xf32>
    %max3A = arith.constant 0.000000e+00 : f32
    %max3A_33 = vector.broadcast %max3A : f32 to vector<1024x128xf32>
    %max3A_34 = arith.maximumf %add3A_32, %max3A_33 : vector<1024x128xf32>
    %get3A_35 = arith.constant 0 : index
    %get3A_36 = arith.constant 0 : index
    %get3A_37 = vector.load %arg5[%get3A_35, %get3A_36] : memref<128x128xf32, #tpu.memory_space<vmem>>, vector<128x128xf32>
    %dot_general3A = arith.constant dense<0.000000e+00> : vector<1024x128xf32>
    %dot_general3A_38 = tpu.matmul %max3A_34, %get3A_37, %dot_general3A {dimension_numbers = #tpu.dot_dimension_numbers<[1], [0], [0], [1], [0, 0, 1, 1], [], []>, transpose_lhs_hint = false} : vector<1024x128xf32>, vector<128x128xf32>, vector<1024x128xf32> -> vector<1024x128xf32>
    %iota3A = tpu.iota {dimensions = array<i32: 0>} : vector<1024x1xi32>
    %mul3A_39 = arith.constant 1024 : i32
    %mul3A_40 = arith.muli %arg0, %mul3A_39 : i32
    %add3A_41 = vector.broadcast %mul3A_40 : i32 to vector<1024x1xi32>
    %add3A_42 = arith.addi %iota3A, %add3A_41 : vector<1024x1xi32>
    %lt3A = arith.constant 10000 : i32
    %lt3A_43 = vector.broadcast %lt3A : i32 to vector<1024x1xi32>
    %lt3A_44 = arith.cmpi slt, %add3A_42, %lt3A_43 : vector<1024x1xi32>
    %mul3A_45 = vector.broadcast %rsqrt3A : vector<1024x1xf32> to vector<1024x128xf32>
    %mul3A_46 = arith.mulf %dot_general3A_38, %mul3A_45 : vector<1024x128xf32>
    %jit3A = arith.constant 0.000000e+00 : f32
    %broadcast_in_dim3A = vector.shape_cast %lt3A_44 : vector<1024x1xi1> to vector<1024x1xi1>
    %broadcast_in_dim3A_47 = vector.broadcast %broadcast_in_dim3A : vector<1024x1xi1> to vector<1024x128xi1>
    %broadcast_in_dim3A_48 = vector.broadcast %jit3A : f32 to vector<1024x128xf32>
    %select_n3A = arith.select %broadcast_in_dim3A_47, %mul3A_46, %broadcast_in_dim3A_48 : vector<1024x128xi1>, vector<1024x128xf32>
    %swap3A = arith.constant 0 : index
    %swap3A_49 = arith.constant 0 : index
    %swap3A_50 = vector.load %arg6[%swap3A, %swap3A_49] : memref<1024x128xf32, #tpu.memory_space<vmem>>, vector<1024x128xf32>
    tpu.vector_store %arg6[%swap3A, %swap3A_49], %select_n3A {strides = array<i32>} : memref<1024x128xf32, #tpu.memory_space<vmem>>, vector<1024x128xf32>,
    return
  }
  func.func @transform_0(%arg0: i32) -> (i32, i32, i32) {
    %c0_i32 = arith.constant 0 : i32
    %c0_i32_0 = arith.constant 0 : i32
    %c0_i32_1 = arith.constant 0 : i32
    return %c0_i32, %arg0, %c0_i32_0 : i32, i32, i32
  }
  func.func @transform_1(%arg0: i32) -> (i32, i32) {
    %c0_i32 = arith.constant 0 : i32
    %c0_i32_0 = arith.constant 0 : i32
    return %arg0, %c0_i32 : i32, i32
  }
  func.func @transform_2(%arg0: i32) -> (i32, i32, i32) {
    %c0_i32 = arith.constant 0 : i32
    %c0_i32_0 = arith.constant 0 : i32
    %c0_i32_1 = arith.constant 0 : i32
    return %c0_i32, %arg0, %c0_i32_0 : i32, i32, i32
  }
  func.func @transform_3(%arg0: i32) -> (i32, i32) {
    %c0_i32 = arith.constant 0 : i32
    %c0_i32_0 = arith.constant 0 : i32
    %c0_i32_1 = arith.constant 0 : i32
    return %c0_i32, %c0_i32_0 : i32, i32
  }
  func.func @transform_4(%arg0: i32) -> (i32, i32) {
    %c0_i32 = arith.constant 0 : i32
    %c0_i32_0 = arith.constant 0 : i32
    %c0_i32_1 = arith.constant 0 : i32
    return %c0_i32, %c0_i32_0 : i32, i32
  }
  func.func @transform_5(%arg0: i32) -> (i32, i32) {
    %c0_i32 = arith.constant 0 : i32
    %c0_i32_0 = arith.constant 0 : i32
    return %arg0, %c0_i32 : i32, i32
  }
}

module attributes {stable_mosaic.version = 14 : i64} {
  func.func @_tc3_body(%arg0: i32, %arg1: memref<2x1024x128xf32, #tpu.memory_space<vmem>>, %arg2: memref<1024x128xf32, #tpu.memory_space<vmem>>, %arg3: memref<2x1024x128xf32, #tpu.memory_space<vmem>>, %arg4: memref<1x128xf32, #tpu.memory_space<vmem>>, %arg5: memref<1024x128xf32, #tpu.memory_space<vmem>>) attributes {dimension_semantics = [#tpu.dimension_semantics<arbitrary>], iteration_bounds = array<i64: 10>, scalar_prefetch = 0 : i64, scratch_operands = 0 : i64, tpu.core_type = #tpu.core_type<tc>, window_params = [{transform_indices = @transform_0, window_bounds = array<i64: 2, 1024, 128>}, {transform_indices = @transform_1, window_bounds = array<i64: 1024, 128>}, {transform_indices = @transform_2, window_bounds = array<i64: 2, 1024, 128>}, {pipeline_mode = #tpu.pipeline_mode<synchronous>, transform_indices = @transform_3, window_bounds = array<i64: 1, 128>}, {transform_indices = @transform_4, window_bounds = array<i64: 1024, 128>}]} {
    %get3A = arith.constant 0 : index
    %get3A_0 = arith.constant 0 : index
    %get3A_1 = arith.constant 0 : index
    %get3A_2 = vector.load %arg3[%get3A, %get3A_0, %get3A_1] : memref<2x1024x128xf32, #tpu.memory_space<vmem>>, vector<1x1024x128xf32>
    %get3A_3 = vector.shape_cast %get3A_2 : vector<1x1024x128xf32> to vector<1024x128xf32>
    %get3A_4 = arith.constant 1 : index
    %get3A_5 = arith.constant 0 : index
    %get3A_6 = arith.constant 0 : index
    %get3A_7 = vector.load %arg3[%get3A_4, %get3A_5, %get3A_6] : memref<2x1024x128xf32, #tpu.memory_space<vmem>>, vector<1x1024x128xf32>
    %get3A_8 = vector.shape_cast %get3A_7 : vector<1x1024x128xf32> to vector<1024x128xf32>
    %add3A = arith.addf %get3A_3, %get3A_8 : vector<1024x128xf32>
    %slice3A = vector.extract_strided_slice %add3A {offsets = [0, 0], sizes = [1024, 1], strides = [1, 1]} : vector<1024x128xf32> to vector<1024x1xf32>
    %add3A_9 = arith.constant 1.000000e+00 : f32
    %add3A_10 = vector.broadcast %add3A_9 : f32 to vector<1024x1xf32>
    %add3A_11 = arith.addf %slice3A, %add3A_10 : vector<1024x1xf32>
    %rsqrt3A = math.rsqrt %add3A_11 : vector<1024x1xf32>
    %get3A_12 = arith.constant 0 : index
    %get3A_13 = arith.constant 0 : index
    %get3A_14 = arith.constant 0 : index
    %get3A_15 = vector.load %arg1[%get3A_12, %get3A_13, %get3A_14] : memref<2x1024x128xf32, #tpu.memory_space<vmem>>, vector<1x1024x128xf32>
    %get3A_16 = vector.shape_cast %get3A_15 : vector<1x1024x128xf32> to vector<1024x128xf32>
    %get3A_17 = arith.constant 1 : index
    %get3A_18 = arith.constant 0 : index
    %get3A_19 = arith.constant 0 : index
    %get3A_20 = vector.load %arg1[%get3A_17, %get3A_18, %get3A_19] : memref<2x1024x128xf32, #tpu.memory_space<vmem>>, vector<1x1024x128xf32>
    %get3A_21 = vector.shape_cast %get3A_20 : vector<1x1024x128xf32> to vector<1024x128xf32>
    %add3A_22 = arith.addf %get3A_16, %get3A_21 : vector<1024x128xf32>
    %get3A_23 = arith.constant 0 : index
    %get3A_24 = arith.constant 0 : index
    %get3A_25 = vector.load %arg2[%get3A_23, %get3A_24] : memref<1024x128xf32, #tpu.memory_space<vmem>>, vector<1024x128xf32>
    %add3A_26 = arith.addf %add3A_22, %get3A_25 : vector<1024x128xf32>
    %mul3A = vector.broadcast %rsqrt3A : vector<1024x1xf32> to vector<1024x128xf32>
    %mul3A_27 = arith.mulf %mul3A, %add3A_26 : vector<1024x128xf32>
    %get3A_28 = arith.constant 0 : index
    %get3A_29 = arith.constant 0 : index
    %get3A_30 = vector.load %arg4[%get3A_28, %get3A_29] : memref<1x128xf32, #tpu.memory_space<vmem>>, vector<1x128xf32>
    %add3A_31 = vector.broadcast %get3A_30 : vector<1x128xf32> to vector<1024x128xf32>
    %add3A_32 = arith.addf %mul3A_27, %add3A_31 : vector<1024x128xf32>
    %swap3A = arith.constant 0 : index
    %swap3A_33 = arith.constant 0 : index
    %swap3A_34 = vector.load %arg5[%swap3A, %swap3A_33] : memref<1024x128xf32, #tpu.memory_space<vmem>>, vector<1024x128xf32>
    tpu.vector_store %arg5[%swap3A, %swap3A_33], %add3A_32 {strides = array<i32>} : memref<1024x128xf32, #tpu.memory_space<vmem>>, vector<1024x128xf32>,
    return
  }
  func.func @transform_0(%arg0: i32) -> (i32, i32, i32) {
    %c0_i32 = arith.constant 0 : i32
    %c0_i32_0 = arith.constant 0 : i32
    %c0_i32_1 = arith.constant 0 : i32
    return %c0_i32, %arg0, %c0_i32_0 : i32, i32, i32
  }
  func.func @transform_1(%arg0: i32) -> (i32, i32) {
    %c0_i32 = arith.constant 0 : i32
    %c0_i32_0 = arith.constant 0 : i32
    return %arg0, %c0_i32 : i32, i32
  }
  func.func @transform_2(%arg0: i32) -> (i32, i32, i32) {
    %c0_i32 = arith.constant 0 : i32
    %c0_i32_0 = arith.constant 0 : i32
    %c0_i32_1 = arith.constant 0 : i32
    return %c0_i32, %arg0, %c0_i32_0 : i32, i32, i32
  }
  func.func @transform_3(%arg0: i32) -> (i32, i32) {
    %c0_i32 = arith.constant 0 : i32
    %c0_i32_0 = arith.constant 0 : i32
    %c0_i32_1 = arith.constant 0 : i32
    return %c0_i32, %c0_i32_0 : i32, i32
  }
  func.func @transform_4(%arg0: i32) -> (i32, i32) {
    %c0_i32 = arith.constant 0 : i32
    %c0_i32_0 = arith.constant 0 : i32
    return %arg0, %c0_i32 : i32, i32
  }
}

</mosaic_0001>

<sc_bundles>
// kernel: kernel.11.cloned.1.call-start
scs
__scs_entry_jumppad:
0x0: {  	(pc) =	sbr.rel $0x88, $3  }
0x1: {  	(tag) =	ssettag $0x0;
	lr =	simm.s32 $0x1  }
0x2: {  	[smem:$0x3F9B] =	sst lr;
	_ =	strace $0xD0000000  }
0x3: {  	_ = 	snop  }
0x4: {  	_ = 	snop  }
0x5: {  	_ = 	snop  }
0x6: {  	_ = 	snop  }
0x7: {  	_ = 	snop  }
__scs_overlays_trampoline_lowered:
0x8: {  	[smem:$0x3FAA] =	sst s0  }
0x9: {  	[smem:$0x3FAB] =	sst s1  }
0xa: {  	[smem:$0x3FAC] =	sst s2  }
0xb: {  	[smem:$0x3FAD] =	sst s3  }
0xc: {  	[smem:$0x3FAE] =	sst s4  }
0xd: {  	[smem:$0x3FAF] =	sst s5  }
0xe: {  	[smem:$0x3FB0] =	sst s6  }
0xf: {  	[smem:$0x3FB1] =	sst s7  }
0x10: {  	[smem:$0x3FB2] =	sst s8  }
0x11: {  	[smem:$0x3FB3] =	sst s9;
	s0 =	simm.s32 @!p0 $0x0  }
0x12: {  	s1 =	sld [smem:$0x3F99];
	s0 =	simm.s32 @p0 $0x1  }
0x13: {  	[smem:$0x3FB4] =	sst s0;
	s0 =	simm.s32 @!p1 $0x0  }
0x14: {  	s2 =	sld [smem:$0x3F98];
	s0 =	simm.s32 @p1 $0x1  }
0x15: {  	[smem:$0x3FB5] =	sst s0;
	s0 =	simm.s32 @!p2 $0x0  }
0x16: {  	s3 =	sld [smem:$0x3FDB];
	s0 =	simm.s32 @p2 $0x1  }
0x17: {  	s4 =	simm.s32 $0x1BF5;
	[smem:$0x3FB7] =	sst s0  }
0x18: {  	s0 =	sld [smem:$0x3F9A];
	_ =	swait.ge [sflag:s4], $0x0  }
0x19: {  	s7 =	sld [smem:$0x3F9B]  }
0x1a: {  	s8 =	sadd.s32 $0xFFFFE003, lr  }
0x1b: {  	s9 =	sadd.s32 $0xFFFFFEF7, lr;
	s5 =	simm.s32 $0xFFFFFFFF;
	p2 =	slt.u32 s8, $0xFFFFF086  }
0x1c: {  	p1 =	slt.u32 s9, $0xF7A;
	s5 =	simm.s32 @!p2 $0x0  }
0x1d: {  	s5 =	simm.s32 @p1 $0x1;
	p0 =	seq.s32 s7, s2  }
0x1e: {  	s7 =	smul.u32 @!p0 $0xF7A, s2;
	p2 =	seq.s32 @!p0 s5, $0x0  }
0x1f: {  	s9 =	smul.u32 $0xF7A, s1;
	s8 =	simm.s32 @!p0 $0x1BF5;
	p2 =	por !p2, p0  }
0x20: {  	[sflag:s8] =	ssyncset.s32 @!p0 $0xFFFFF086;
	s6 =	sadd.s32 @!p0 s3, s7;
	s7 =	simm.s32 @!p0 $0x108  }
0x21: {  	s3 =	sadd.s32 s3, s9;
	s6 =	sadd.s32 @!p0 $0x88, s6;
	s7 =	simm.s32 @p2 $0x1082  }
0x22: {  	[simem:s7], [sflag:s8] =	dma.local @!p0 [hbm:s6], $0xF7A  }
0x23: {  	s9 =	sor.u32 $0xD0000000, s2;
	s6 =	simm.s32 $0x108;
	_ =	swait.ge @!p0 [sflag:s8], $0x0  }
0x24: {  	s3 =	sadd.s32 $0x88, s3;
	s6 =	simm.s32 @!p1 $0x1082;
	[sflag:s4] =	ssyncset.s32 $0xFFFFF086  }
0x25: {  	[simem:s6], [sflag:s4] =	dma.local [hbm:s3], $0xF7A  }
0x26: {  	[smem:$0x3F9B] =	sst s1;
	(tag) =	ssettag s2;
	_ =	strace s9  }
0x27: {  	s1 =	sld [smem:$0x3FAB]  }
0x28: {  	s2 =	sld [smem:$0x3FAC]  }
0x29: {  	s4 =	sld [smem:$0x3FAE]  }
0x2a: {  	p0 =	seq.s32 s5, $0x0;
	s5 =	sld [smem:$0x3FAF]  }
0x2b: {  	s6 =	sld [smem:$0x3FB0]  }
0x2c: {  	s7 =	sld [smem:$0x3FB1]  }
0x2d: {  	s3 =	simm.s32 $0x108;
	s8 =	sld [smem:$0x3FB2]  }
0x2e: {  	s3 =	simm.s32 @!p0 $0x1082;
	s9 =	sld [smem:$0x3FB3]  }
0x2f: {  	lr =	sadd.s32 s0, s3;
	s0 =	sld [smem:$0x3FAA]  }
0x30: {  	s3 =	sld [smem:$0x3FAD]  }
0x31: {  	[smem:$0x3FB6] =	sst s10  }
0x32: {  	s10 =	sld [smem:$0x3FB4];
	_ =	sdelay $0x3  }
0x33: {  	p0 =	seq.s32 s10, $0x1;
	s10 =	sld [smem:$0x3FB6];
	_ =	sdelay $0x3  }
0x34: {  	[smem:$0x3FB6] =	sst s10  }
0x35: {  	s10 =	sld [smem:$0x3FB5];
	_ =	sdelay $0x3  }
0x36: {  	p1 =	seq.s32 s10, $0x1;
	s10 =	sld [smem:$0x3FB6];
	_ =	sdelay $0x3  }
0x37: {  	[smem:$0x3FB6] =	sst s10  }
0x38: {  	s10 =	sld [smem:$0x3FB7]  }
0x39: {  	_ = 	snop;
	(pc) =	sbr.ind lr, $3  }
0x3a: {  	_ = 	snop  }
0x3b: {  	_ = 	snop  }
0x3c: {  	p2 =	seq.s32 s10, $0x1;
	s10 =	sld [smem:$0x3FB6]  }
0x3d: {  	_ =	shalt  }
0x3e: {  	_ =	shalt  }
0x3f: {  	_ =	shalt  }
0x40: {  	_ =	shalt  }
0x41: {  	_ =	shalt  }
0x42: {  	_ =	shalt  }
0x43: {  	_ =	shalt  }
0x44: {  	_ =	shalt  }
0x45: {  	_ =	shalt  }
0x46: {  	_ =	shalt  }
0x47: {  	_ =	shalt  }
0x48: {  	_ =	shalt  }
0x49: {  	_ =	shalt  }
0x4a: {  	_ =	shalt  }
0x4b: {  	_ =	shalt  }
0x4c: {  	_ =	shalt  }
0x4d: {  	_ =	shalt  }
0x4e: {  	_ =	shalt  }
0x4f: {  	_ =	shalt  }
0x50: {  	_ =	shalt  }
0x51: {  	_ =	shalt  }
0x52: {  	_ =	shalt  }
0x53: {  	_ =	shalt  }
0x54: {  	_ =	shalt  }
0x55: {  	_ =	shalt  }
0x56: {  	_ =	shalt  }
0x57: {  	_ =	shalt  }
0x58: {  	_ =	shalt  }
0x59: {  	_ =	shalt  }
0x5a: {  	_ =	shalt  }
0x5b: {  	_ =	shalt  }
0x5c: {  	_ =	shalt  }
0x5d: {  	_ =	shalt  }
0x5e: {  	_ =	shalt  }
0x5f: {  	_ =	shalt  }
0x60: {  	_ =	shalt  }
0x61: {  	_ =	shalt  }
0x62: {  	_ =	shalt  }
0x63: {  	_ =	shalt  }
0x64: {  	_ =	shalt  }
0x65: {  	_ =	shalt  }
0x66: {  	_ =	shalt  }
0x67: {  	_ =	shalt  }
0x68: {  	_ =	shalt  }
0x69: {  	_ =	shalt  }
0x6a: {  	_ =	shalt  }
0x6b: {  	_ =	shalt  }
0x6c: {  	_ =	shalt  }
0x6d: {  	_ =	shalt  }
0x6e: {  	_ =	shalt  }
0x6f: {  	_ =	shalt  }
0x70: {  	_ =	shalt  }
0x71: {  	_ =	shalt  }
0x72: {  	_ =	shalt  }
0x73: {  	_ =	shalt  }
0x74: {  	_ =	shalt  }
0x75: {  	_ =	shalt  }
0x76: {  	_ =	shalt  }
0x77: {  	_ =	shalt  }
0x78: {  	_ =	shalt  }
0x79: {  	_ =	shalt  }
0x7a: {  	_ =	shalt  }
0x7b: {  	_ =	shalt  }
0x7c: {  	_ =	shalt  }
0x7d: {  	_ =	shalt  }
0x7e: {  	_ =	shalt  }
0x7f: {  	_ =	shalt  }
0x80: {  	_ =	shalt  }
0x81: {  	_ =	shalt  }
0x82: {  	_ =	shalt  }
0x83: {  	_ =	shalt  }
0x84: {  	_ =	shalt  }
0x85: {  	_ =	shalt  }
0x86: {  	_ =	shalt  }
0x87: {  	_ =	shalt  }
.Lfunc_end0:
.L_simem_size_0:
called_computation.1_lowered:
.L_overlay_start_0:
0x88: {  	s2 =	sld [smem:$0x3FD9]  }
0x89: {  	s3 =	sld [smem:$0x3FFE];
	_ =	sdelay $0x1  }
0x8a: {  	s1 =	srdreg.scid  }
0x8b: {  	s0 =	sand.u32 $0x1, s1  }
0x8c: {  	s17 =	sshll.u32 s0, $0xA;
	s2 =	sadd.s32 s3, s2  }
0x8d: {  	s2 =	sadd.s32 s2, s17  }
0x8e: {  	[smem:$0x3FC2] =	sst s2  }
0x8f: {  	_ = 	snop  }
0x90: {  	s2 =	sld [smem:$0x3FD0];
	(tm) =	ssettm $0x1  }
0x91: {  	s18 =	sld [smem:$0x3FFB];
	_ =	sdelay $0x3  }
0x92: {  	_ =	strace s18  }
0x93: {  	s3 =	sld [smem:$0x3FFC];
	_ =	sdelay $0x3  }
0x94: {  	_ =	strace s3  }
0x95: {  	s3 =	sld [smem:$0x3FFD];
	_ =	sdelay $0x3  }
0x96: {  	_ =	strace s3  }
0x97: {  	_ =	strace $0x8FFFFFFF  }
0x98: {  	s19 =	sld [smem:$0x3FDB];
	_ =	sdelay $0x1  }
0x99: {  	s4 =	simm.s32 $_scs_section_size  }
0x9a: {  	s5 =	simm.s32 $_size__tile_overlayer_lowered;
	s6 =	simm.s32 $_tile_overlayer_lowered  }
0x9b: {  	s22 =	simm.s32 $0x1BFF;
	s21 =	sshll.u32 s6, $0x1;
	s3 =	sadd.s32 s4, s19  }
0x9c: {  	s7 =	simm.s32 $0x0;
	s20 =	sshll.u32 s5, $0x1;
	s5 =	sadd.s32 s21, s3  }
0x9d: {  	[timem:s7], [sflag:s22] =	dma.local [hbm:s5], s20  }
0x9e: {  	_ =	swait.ge [sflag:s22], s20  }
0x9f: {  	s4 =	ssub.s32 $0x0, s20;
	[sflag:s22] =	ssyncset.done $0x0  }
0xa0: {  	[sflag:s22] =	ssyncadd.s32 s4;
	_ =	sdelay $0x1  }
0xa1: {  	s23 =	simm.s32 $0x1B8B  }
0xa2: {  	_ =	swait.ge [sflag:s23], $0x1  }
0xa3: {  	[sflag:s23] =	ssyncset.done $0x0  }
0xa4: {  	s25 =	simm.s32 $0x1B8E;
	s24 =	sld [smem:$0x3FFE];
	[sflag:s23] =	ssyncadd.s32 $0xFFFFFFFF  }
0xa5: {  	s26 =	simm.s32 $execute0_lowered;
	[smem:$0x3FD2] =	sst s25  }
0xa6: {  	s5 =	sshll.u32 s26, $0x1;
	_ =	strace $0x80000049;
	[dreg:$0x1] =	wrdreg $0xFFFFFFFF  }
0xa7: {  	s28 =	simm.s32 $_size_execute0_lowered;
	s3 =	sadd.s32 s3, s5;
	[dreg:$0x0] =	wrdreg $0x0  }
0xa8: {  	s5 =	sshll.u32 s28, $0x1;
	[dreg:$0x2] =	wrdreg s3  }
0xa9: {  	[dreg:$0x3] =	wrdreg s5  }
0xaa: {  	[dreg:$0x4] =	wrdreg $0xC0  }
0xab: {  	_ =	task [dreg:s7], $0x5FFFF  }
0xac: {  	[dreg:$0x1] =	wrdreg $0xFFFFFFFF  }
0xad: {  	[dreg:$0x0] =	wrdreg $0x60  }
0xae: {  	[dreg:$0x2] =	wrdreg s2  }
0xaf: {  	[dreg:$0x3] =	wrdreg s24  }
0xb0: {  	[dreg:$0x4] =	wrdreg $0x88000  }
0xb1: {  	[dreg:$0x5] =	wrdreg $0x9  }
0xb2: {  	_ =	task.clear_ibuf [dreg:s7], $0x6FFFF;
	_ =	strace $0x90000049  }
0xb3: {  	s29 =	simm.s32 $0x9;
	_ =	strace $0x8000004B  }
0xb4: {  	_ =	swait.ge [sflag:s29], $0x1  }
0xb5: {  	[sflag:s29] =	ssyncadd.s32 $0xFFFFFFFF  }
0xb6: {  	_ =	strace $0x9000004B  }
0xb7: {  	_ =	sfence  }
0xb8: {  	s30 =	sld [smem:$0x0];
	_ =	sdelay $0x2  }
0xb9: {  	s31 =	sshll.u32 s1, $0xD;
	s1 =	sshrl.u32 s1, $0x2  }
0xba: {  	s3 =	sand.u32 $0x4000, s31;
	s1 =	sadd.s32 s1, s30  }
0xbb: {  	s0 =	sor.u32 s3, s0;
	s1 =	sshll.u32 s1, $0x11  }
0xbc: {  	s0 =	sor.u32 s1, s0  }
0xbd: {  	s0 =	sadd.s32 $0x8F2B, s0  }
0xbe: {  	[sflag:s0] =	ssyncadd.remote.s32 $0x1  }
0xbf: {  	_ =	sfence.sel $0xFFFF  }
0xc0: {  	[dreg:$0x0] =	wrdreg $0xFFFFFFFF;
	(pc) =	sbr.abs _section_cstart, $3  }
0xc1: {  	[dreg:$0x1] =	wrdreg $0xFFFFFFFF  }
0xc2: {  	_ =	task.clear_ibuf [dreg:s7], $0x2FFFF;
	_ =	strace $0x9FFFFFFF  }
0xc3: {  	(tm) =	ssettm $0x7FFFFFFF  }
tec
execute0_lowered:
.L_overlay_start_1:
0x0: {  	(tag) =	ssettag $0x1  }
0x1: {  	s0 =	rddreg [dreg:$0x0]  }
0x2: {  	s2 =	rddreg [dreg:$0x1]  }
0x3: {  	s1 =	rddreg [dreg:$0x2]  }
0x4: {  	s3 =	srdreg.scid;
	s11 =	stileid.u32  }
0x5: {  	s28 =	simm.s32 $0x8;
	s5 =	sand.u32 $0x1, s3;
	s3 =	simm.s32 $0x0  }
0x6: {  	s7 =	smul.u32 $0x14000, s11;
	s8 =	sadd.s32 $0x2000, s2;
	s4 =	sadd.s32 $0x18800, s2  }
0x7: {  	s29 =	sadd.s32 $0x16000, s2;
	s10 =	smul.u32 $0x50000, s11;
	s13 =	sshll.u32 s11, $0x6  }
0x8: {  	s6 =	smul.u32 $0x140000, s5;
	[smem:$0x7FF] =	sst s3;
	s30 =	sshll.u32 s5, $0x4  }
0x9: {  	s9 =	ssub.s32 $0x2, s5;
	s5 =	smul.u32 $0x50000, s5;
	_ =	strace $0x8000004A  }
0xa: {  	[dreg:$0x9] =	wrdreg s29;
	s31 =	sshrl.u32 s9, $0x1;
	s6 =	sadd.s32 s7, s6  }
0xb: {  	s12 =	sshrl.u32 s10, $0x2;
	s7 =	sor.u32 s11, s30;
	s6 =	sshrl.u32 s6, $0x3  }
0xc: {  	s2 =	sadd.s32 s6, s2;
	s6 =	ssub.s32 s9, s31;
	s9 =	sadd.s32 s12, s1  }
0xd: {  	s11 =	smul.u32 $0x5000, s11;
	s31 =	simm.s32 $0x700;
	[dreg:$0xa] =	wrdreg s9  }
0xe: {  	s7 =	smul.u32 $0x5000, s7;
	s12 =	sor.u32 $0x1C11, s13;
	[dreg:$0x8] =	wrdreg s31  }
0xf: {  	s5 =	sadd.s32 s11, s5;
	s2 =	sadd.s32 $0x90800, s2;
	[dreg:$0xb] =	wrdreg s12  }
0x10: {  	s7 =	sshrl.u32 s7, $0x3;
	s30 =	smax.u32 s6, $0x1;
	[dreg:$0x18] =	wrdreg s2  }
0x11: {  	s11 =	sor.u32 $0x400, s5;
	s14 =	sadd.s32 s0, s7;
	[dreg:$0x19] =	wrdreg s30  }
0x12: {  	s5 =	sshrl.u32 s5, $0x3;
	s15 =	sadd.s32 s8, s7;
	[dreg:$0xc] =	wrdreg s14  }
0x13: {  	s16 =	sor.u32 $0x10, s7;
	s29 =	sadd.s32 s5, s8;
	[dreg:$0xd] =	wrdreg s15  }
0x14: {  	s6 =	simm.s32 $0x6;
	s13 =	sadd.s32 s0, s16;
	[dreg:$0x7] =	wrdreg s29  }
0x15: {  	s17 =	sor.u32 $0x20, s7;
	s9 =	sadd.s32 s8, s16;
	[dreg:$0xe] =	wrdreg s13  }
0x16: {  	s20 =	sor.u32 $0x30, s7;
	s18 =	sadd.s32 s0, s17;
	[dreg:$0xf] =	wrdreg s9  }
0x17: {  	s22 =	sor.u32 $0x40, s7;
	s19 =	sadd.s32 s8, s17;
	[dreg:$0x10] =	wrdreg s18  }
0x18: {  	s24 =	sshrl.u32 s11, $0x3;
	s21 =	sadd.s32 s0, s20;
	[dreg:$0x11] =	wrdreg s19  }
0x19: {  	s7 =	sor.u32 $0x50, s7;
	s23 =	sadd.s32 s0, s22;
	[dreg:$0x12] =	wrdreg s21  }
0x1a: {  	s2 =	simm.s32 $0x11;
	s10 =	sadd.s32 s8, s22;
	[dreg:$0x14] =	wrdreg s23  }
0x1b: {  	s25 =	sadd.s32 s24, s0;
	s26 =	sadd.s32 s0, s7;
	[dreg:$0x15] =	wrdreg s10  }
0x1c: {  	s0 =	sadd.s32 s5, s0;
	s7 =	sadd.s32 s8, s7;
	[dreg:$0x4] =	wrdreg s25  }
0x1d: {  	s15 =	simm.s32 $0x9;
	s22 =	simm.s32 $0x780;
	[dreg:$0x16] =	wrdreg s26  }
0x1e: {  	s5 =	simm.s32 $0x0;
	s9 =	sadd.s32 s8, s20;
	[dreg:$0x17] =	wrdreg s7  }
0x1f: {  	[dreg:$0x6] =	wrdreg s0;
	s13 =	simm.s32 $0x3;
	s18 =	simm.s32 $0x6800  }
0x20: {  	s19 =	simm.s32 $0xA;
	s20 =	simm.s32 $0xD;
	s21 =	simm.s32 $0x5  }
0x21: {  	s10 =	simm.s32 $0xC;
	s23 =	simm.s32 $0xF;
	s25 =	simm.s32 $0x7  }
0x22: {  	s26 =	simm.s32 $0x10;
	[dreg:$0x13] =	wrdreg s9;
	s9 =	sadd.s32 s24, s8  }
0x23: {  	s8 =	simm.s32 $0x40;
	s24 =	simm.s32 $0x4;
	[dreg:$0x5] =	wrdreg s9  }
.LBB2_1:
0x24: {  	[dreg:$0x1a] =	wrdreg s5  }
0x25: {  	s0 =	rddreg [dreg:$0xa]  }
0x26: {  	s17 =	rddreg [dreg:$0x9];
	s16 =	sshrl.u32 s0, $0x3  }
0x27: {  	[dreg:$0x1b] =	wrdreg s16  }
0x28: {  	[spmem:s16], [sflag:s12] =	dma.local [hbm:s17], $0x2800  }
0x29: {  	_ =	swait.ge [sflag:s2], $0x2800  }
0x2a: {  	[sflag:s2] =	ssyncset.done $0x0  }
0x2b: {  	s31 =	rddreg [dreg:$0xc];
	[sflag:s2] =	ssyncadd.s32 $0xFFFFD800  }
0x2c: {  	[tilespmem:s3], [sflag:$0x1] =	stream.linear.gather [hbm4b:s31+s3], $0x80, $0x38;
	[tilespmem:$0x1C800] =	vst v63  }
0x2d: {  	s9 =	simm.s32 $0x400;
	s2 =	rddreg [dreg:$0xd]  }
0x2e: {  	[tilespmem:s9], [sflag:$0x1] =	stream.linear.gather [hbm4b:s2+s3], $0x80, $0x38;
	[tilespmem:$0x1C800] =	vst v63  }
0x2f: {  	s5 =	rddreg [dreg:$0xe];
	s2 =	simm.s32 $0x80  }
0x30: {  	[tilespmem:s2], [sflag:$0x2] =	stream.linear.gather [hbm4b:s5+s3], $0x80, $0x38;
	[tilespmem:$0x1C800] =	vst v63  }
0x31: {  	s17 =	simm.s32 $0x480;
	s7 =	rddreg [dreg:$0xf]  }
0x32: {  	[tilespmem:s17], [sflag:$0x2] =	stream.linear.gather [hbm4b:s7+s3], $0x80, $0x38;
	[tilespmem:$0x1C800] =	vst v63  }
0x33: {  	s16 =	simm.s32 $0x100;
	s11 =	rddreg [dreg:$0x10]  }
0x34: {  	[tilespmem:s16], [sflag:$0x3] =	stream.linear.gather [hbm4b:s11+s3], $0x80, $0x38;
	[tilespmem:$0x1C800] =	vst v63  }
0x35: {  	s14 =	simm.s32 $0x500;
	s12 =	rddreg [dreg:$0x11]  }
0x36: {  	[tilespmem:s14], [sflag:$0x3] =	stream.linear.gather [hbm4b:s12+s3], $0x80, $0x38;
	[tilespmem:$0x1C800] =	vst v63  }
0x37: {  	s30 =	simm.s32 $0x180;
	s31 =	rddreg [dreg:$0x12]  }
0x38: {  	[tilespmem:s30], [sflag:$0x4] =	stream.linear.gather [hbm4b:s31+s3], $0x80, $0x38;
	[tilespmem:$0x1C800] =	vst v63  }
0x39: {  	s5 =	rddreg [dreg:$0x13];
	s7 =	simm.s32 $0x580  }
0x3a: {  	[tilespmem:s7], [sflag:$0x4] =	stream.linear.gather [hbm4b:s5+s3], $0x80, $0x38;
	[tilespmem:$0x1C800] =	vst v63  }
0x3b: {  	s11 =	rddreg [dreg:$0x14];
	s31 =	simm.s32 $0x200  }
0x3c: {  	[tilespmem:s31], [sflag:$0x5] =	stream.linear.gather [hbm4b:s11+s3], $0x80, $0x38;
	[tilespmem:$0x1C800] =	vst v63  }
0x3d: {  	s12 =	rddreg [dreg:$0x15];
	s14 =	simm.s32 $0x600  }
0x3e: {  	[tilespmem:s14], [sflag:$0x5] =	stream.linear.gather [hbm4b:s12+s3], $0x80, $0x38;
	[tilespmem:$0x1C800] =	vst v63  }
0x3f: {  	s5 =	rddreg [dreg:$0x16];
	s7 =	simm.s32 $0x280  }
0x40: {  	[tilespmem:s7], [sflag:$0x6] =	stream.linear.gather [hbm4b:s5+s3], $0x80, $0x38;
	[tilespmem:$0x1C800] =	vst v63  }
0x41: {  	s11 =	rddreg [dreg:$0x17];
	s12 =	simm.s32 $0x680;
	s14 =	simm.s32 $0x1  }
0x42: {  	[tilespmem:s12], [sflag:$0x6] =	stream.linear.gather [hbm4b:s11+s3], $0x80, $0x38;
	[tilespmem:$0x1C800] =	vst v63  }
0x43: {  	_ =	swait.ge [sflag:s14], $0x80  }
0x44: {  	[sflag:s14] =	ssyncset.done $0x0  }
0x45: {  	[sflag:s14] =	ssyncadd.s32 $0xFFFFFF80  }
0x46: {  	_ =	swait.ge [sflag:s14], $0x80  }
0x47: {  	[sflag:s14] =	ssyncset.done $0x0  }
0x48: {  	s5 =	simm.s32 $0x2;
	s12 =	simm.s32 $0x800;
	[sflag:s14] =	ssyncadd.s32 $0xFFFFFF80  }
0x49: {  	[tilespmem:s12], [sflag:$0x9] =	stream.indirect.gather [hbm4b:s4+s8], $0x80, s3, s8, $0xb8;
	[tilespmem:$0x1C800] =	vst v63  }
0x4a: {  	_ =	swait.ge [sflag:s5], $0x80  }
0x4b: {  	[sflag:s5] =	ssyncset.done $0x0  }
0x4c: {  	[sflag:s5] =	ssyncadd.s32 $0xFFFFFF80  }
0x4d: {  	_ =	swait.ge [sflag:s5], $0x80  }
0x4e: {  	[sflag:s5] =	ssyncset.done $0x0  }
0x4f: {  	p0 =	por $0x1, $0x1;
	s14 =	simm.s32 $0x2800;
	[sflag:s5] =	ssyncadd.s32 $0xFFFFFF80  }
0x50: {  	[tilespmem:s14], [sflag:$0xA] =	stream.indirect.gather [hbm4b:s4+s8], $0x80, s2, s8, $0xb8;
	[tilespmem:$0x1C800] =	vst v63  }
0x51: {  	s0 =	simm.s32 @!p0 $0xF;
	[bflag:$0x0] =	sbarrier.arrive $0xFFFF  }
0x52: {  	_ =	swait.ge @!p0 [sflag:s0], $0x2000  }
0x53: {  	s7 =	rddreg [dreg:$0x6];
	[sflag:s0] =	ssyncset.done @!p0 $0x0  }
0x54: {  	s11 =	rddreg [dreg:$0x7];
	[sflag:s0] =	ssyncadd.s32 @!p0 $0xFFFFE000;
	s0 =	sadd.s32 $0x0, s7  }
0x55: {  	s5 =	sadd.s32 $0x0, s11;
	s11 =	simm.s32 $0x300;
	s2 =	sadd.s32 $0x60, s0  }
0x56: {  	[tilespmem:s11], [sflag:$0x7] =	stream.linear.gather [hbm4b:s2+s3], $0x80, $0x38;
	[tilespmem:$0x1C800] =	vst v63  }
0x57: {  	s29 =	rddreg [dreg:$0x8];
	s7 =	sadd.s32 $0x60, s5  }
0x58: {  	[tilespmem:s29], [sflag:$0x7] =	stream.linear.gather [hbm4b:s7+s3], $0x80, $0x38;
	[tilespmem:$0x1C800] =	vst v63  }
0x59: {  	_ =	swait.ge [sflag:s13], $0x80  }
0x5a: {  	[sflag:s13] =	ssyncset.done $0x0  }
0x5b: {  	[sflag:s13] =	ssyncadd.s32 $0xFFFFFF80  }
0x5c: {  	_ =	swait.ge [sflag:s13], $0x80  }
0x5d: {  	[sflag:s13] =	ssyncset.done $0x0  }
0x5e: {  	s7 =	simm.s32 $0x4800;
	[sflag:s13] =	ssyncadd.s32 $0xFFFFFF80  }
0x5f: {  	[tilespmem:s7], [sflag:$0xB] =	stream.indirect.gather [hbm4b:s4+s8], $0x80, s16, s8, $0xb8;
	[tilespmem:$0x1C800] =	vst v63  }
0x60: {  	_ =	swait.ge [sflag:s15], $0x2000  }
0x61: {  	[sflag:s15] =	ssyncset.done $0x0  }
0x62: {  	s2 =	simm.s32 @!p0 $0x10;
	[sflag:s15] =	ssyncadd.s32 $0xFFFFE000  }
0x63: {  	[spmem:s1] =	stream.indirect.scatter.add.f32 [tilespmem:s12], [sflag:$0xD], $0x80, s9, s8, $0xb8;
	[tilespmem:$0x1C800] =	vst v63  }
0x64: {  	_ =	swait.ge @!p0 [sflag:s2], $0x2000  }
0x65: {  	[sflag:s2] =	ssyncset.done @!p0 $0x0  }
0x66: {  	s0 =	sadd.s32 $0x70, s0;
	s9 =	simm.s32 $0x380;
	[sflag:s2] =	ssyncadd.s32 @!p0 $0xFFFFE000  }
0x67: {  	[tilespmem:s9], [sflag:$0x8] =	stream.linear.gather [hbm4b:s0+s3], $0x80, $0x38;
	[tilespmem:$0x1C800] =	vst v63  }
0x68: {  	s16 =	sadd.s32 $0x70, s5  }
0x69: {  	[tilespmem:s22], [sflag:$0x8] =	stream.linear.gather [hbm4b:s16+s3], $0x80, $0x38;
	[tilespmem:$0x1C800] =	vst v63  }
0x6a: {  	_ =	swait.ge [sflag:s24], $0x80  }
0x6b: {  	[sflag:s24] =	ssyncset.done $0x0  }
0x6c: {  	[sflag:s24] =	ssyncadd.s32 $0xFFFFFF80  }
0x6d: {  	_ =	swait.ge [sflag:s24], $0x80  }
0x6e: {  	[sflag:s24] =	ssyncset.done $0x0  }
0x6f: {  	[sflag:s24] =	ssyncadd.s32 $0xFFFFFF80  }
0x70: {  	[tilespmem:s18], [sflag:$0xC] =	stream.indirect.gather [hbm4b:s4+s8], $0x80, s30, s8, $0xb8;
	[tilespmem:$0x1C800] =	vst v63  }
0x71: {  	_ =	swait.ge [sflag:s19], $0x2000  }
0x72: {  	[sflag:s19] =	ssyncset.done $0x0  }
0x73: {  	[sflag:s19] =	ssyncadd.s32 $0xFFFFE000  }
0x74: {  	[spmem:s1] =	stream.indirect.scatter.add.f32 [tilespmem:s14], [sflag:$0xE], $0x80, s17, s8, $0xb8;
	[tilespmem:$0x1C800] =	vst v63  }
0x75: {  	_ =	swait.ge [sflag:s20], $0x2000  }
0x76: {  	s0 =	rddreg [dreg:$0x4]  }
0x77: {  	p0 =	por $0x0, $0x0;
	[sflag:s20] =	ssyncset.done $0x0;
	s5 =	rddreg [dreg:$0x5]  }
0x78: {  	[sflag:s20] =	ssyncadd.s32 $0xFFFFE000;
	s2 =	sadd.s32 @!p0 $0x0, s0;
	s0 =	simm.s32 @!p0 $0x0  }
0x79: {  	[tilespmem:s0], [sflag:$0x1] =	stream.linear.gather @!p0 [hbm4b:s2+s0], $0x80, $0x38;
	[tilespmem:$0x1C800] =	vst v63  }
0x7a: {  	s29 =	simm.s32 @!p0 $0x400;
	s5 =	sadd.s32 @!p0 $0x0, s5  }
0x7b: {  	[tilespmem:s29], [sflag:$0x1] =	stream.linear.gather @!p0 [hbm4b:s5+s0], $0x80, $0x38;
	[tilespmem:$0x1C800] =	vst v63  }
0x7c: {  	_ =	swait.ge [sflag:s21], $0x80  }
0x7d: {  	[sflag:s21] =	ssyncset.done $0x0  }
0x7e: {  	[sflag:s21] =	ssyncadd.s32 $0xFFFFFF80  }
0x7f: {  	_ =	swait.ge [sflag:s21], $0x80  }
0x80: {  	[sflag:s21] =	ssyncset.done $0x0  }
0x81: {  	s22 =	simm.s32 $0xB;
	[sflag:s21] =	ssyncadd.s32 $0xFFFFFF80  }
0x82: {  	[tilespmem:s12], [sflag:$0x9] =	stream.indirect.gather [hbm4b:s4+s8], $0x80, s31, s8, $0xb8;
	[tilespmem:$0x1C800] =	vst v63  }
0x83: {  	_ =	swait.ge [sflag:s22], $0x2000  }
0x84: {  	[sflag:s22] =	ssyncset.done $0x0  }
0x85: {  	s17 =	simm.s32 $0xE;
	s31 =	simm.s32 $0x500;
	[sflag:s22] =	ssyncadd.s32 $0xFFFFE000  }
0x86: {  	[spmem:s1] =	stream.indirect.scatter.add.f32 [tilespmem:s7], [sflag:$0xF], $0x80, s31, s8, $0xb8;
	[tilespmem:$0x1C800] =	vst v63  }
0x87: {  	_ =	swait.ge [sflag:s17], $0x2000  }
0x88: {  	[sflag:s17] =	ssyncset.done $0x0  }
0x89: {  	s16 =	simm.s32 @!p0 $0x80;
	s30 =	sadd.s32 @!p0 $0x10, s2;
	[sflag:s17] =	ssyncadd.s32 $0xFFFFE000  }
0x8a: {  	[tilespmem:s16], [sflag:$0x2] =	stream.linear.gather @!p0 [hbm4b:s30+s0], $0x80, $0x38;
	[tilespmem:$0x1C800] =	vst v63  }
0x8b: {  	s31 =	simm.s32 @!p0 $0x480;
	s30 =	sadd.s32 @!p0 $0x10, s5  }
0x8c: {  	[tilespmem:s31], [sflag:$0x2] =	stream.linear.gather @!p0 [hbm4b:s30+s0], $0x80, $0x38;
	[tilespmem:$0x1C800] =	vst v63  }
0x8d: {  	_ =	swait.ge [sflag:s6], $0x80  }
0x8e: {  	[sflag:s6] =	ssyncset.done $0x0  }
0x8f: {  	[sflag:s6] =	ssyncadd.s32 $0xFFFFFF80  }
0x90: {  	_ =	swait.ge [sflag:s6], $0x80  }
0x91: {  	[sflag:s6] =	ssyncset.done $0x0  }
0x92: {  	s22 =	simm.s32 $0x280;
	[sflag:s6] =	ssyncadd.s32 $0xFFFFFF80  }
0x93: {  	[tilespmem:s14], [sflag:$0xA] =	stream.indirect.gather [hbm4b:s4+s8], $0x80, s22, s8, $0xb8;
	[tilespmem:$0x1C800] =	vst v63  }
0x94: {  	_ =	swait.ge [sflag:s10], $0x2000  }
0x95: {  	[sflag:s10] =	ssyncset.done $0x0  }
0x96: {  	s31 =	simm.s32 $0x580;
	[sflag:s10] =	ssyncadd.s32 $0xFFFFE000  }
0x97: {  	[spmem:s1] =	stream.indirect.scatter.add.f32 [tilespmem:s18], [sflag:$0x10], $0x80, s31, s8, $0xb8;
	[tilespmem:$0x1C800] =	vst v63  }
0x98: {  	_ =	swait.ge [sflag:s23], $0x2000  }
0x99: {  	[sflag:s23] =	ssyncset.done $0x0  }
0x9a: {  	s30 =	sadd.s32 @!p0 $0x20, s2;
	s31 =	simm.s32 @!p0 $0x100;
	[sflag:s23] =	ssyncadd.s32 $0xFFFFE000  }
0x9b: {  	[tilespmem:s31], [sflag:$0x3] =	stream.linear.gather @!p0 [hbm4b:s30+s0], $0x80, $0x38;
	[tilespmem:$0x1C800] =	vst v63  }
0x9c: {  	s30 =	sadd.s32 @!p0 $0x20, s5;
	s31 =	simm.s32 @!p0 $0x500  }
0x9d: {  	[tilespmem:s31], [sflag:$0x3] =	stream.linear.gather @!p0 [hbm4b:s30+s0], $0x80, $0x38;
	[tilespmem:$0x1C800] =	vst v63  }
0x9e: {  	_ =	swait.ge [sflag:s25], $0x80  }
0x9f: {  	[sflag:s25] =	ssyncset.done $0x0  }
0xa0: {  	[sflag:s25] =	ssyncadd.s32 $0xFFFFFF80  }
0xa1: {  	_ =	swait.ge [sflag:s25], $0x80  }
0xa2: {  	[sflag:s25] =	ssyncset.done $0x0  }
0xa3: {  	[sflag:s25] =	ssyncadd.s32 $0xFFFFFF80  }
0xa4: {  	[tilespmem:s7], [sflag:$0xB] =	stream.indirect.gather [hbm4b:s4+s8], $0x80, s11, s8, $0xb8;
	[tilespmem:$0x1C800] =	vst v63  }
0xa5: {  	_ =	swait.ge [sflag:s15], $0x2000  }
0xa6: {  	[sflag:s15] =	ssyncset.done $0x0  }
0xa7: {  	s22 =	simm.s32 $0x600;
	[sflag:s15] =	ssyncadd.s32 $0xFFFFE000  }
0xa8: {  	[spmem:s1] =	stream.indirect.scatter.add.f32 [tilespmem:s12], [sflag:$0xD], $0x80, s22, s8, $0xb8;
	[tilespmem:$0x1C800] =	vst v63  }
0xa9: {  	_ =	swait.ge [sflag:s26], $0x2000  }
0xaa: {  	[sflag:s26] =	ssyncset.done $0x0  }
0xab: {  	s30 =	sadd.s32 @!p0 $0x30, s2;
	s31 =	simm.s32 @!p0 $0x180;
	[sflag:s26] =	ssyncadd.s32 $0xFFFFE000  }
0xac: {  	[tilespmem:s31], [sflag:$0x4] =	stream.linear.gather @!p0 [hbm4b:s30+s0], $0x80, $0x38;
	[tilespmem:$0x1C800] =	vst v63  }
0xad: {  	s30 =	sadd.s32 @!p0 $0x30, s5;
	s31 =	simm.s32 @!p0 $0x580  }
0xae: {  	[tilespmem:s31], [sflag:$0x4] =	stream.linear.gather @!p0 [hbm4b:s30+s0], $0x80, $0x38;
	[tilespmem:$0x1C800] =	vst v63  }
0xaf: {  	_ =	swait.ge [sflag:s28], $0x80  }
0xb0: {  	[sflag:s28] =	ssyncset.done $0x0  }
0xb1: {  	[sflag:s28] =	ssyncadd.s32 $0xFFFFFF80  }
0xb2: {  	_ =	swait.ge [sflag:s28], $0x80  }
0xb3: {  	[sflag:s28] =	ssyncset.done $0x0  }
0xb4: {  	[sflag:s28] =	ssyncadd.s32 $0xFFFFFF80  }
0xb5: {  	[tilespmem:s18], [sflag:$0xC] =	stream.indirect.gather [hbm4b:s4+s8], $0x80, s9, s8, $0xb8;
	[tilespmem:$0x1C800] =	vst v63  }
0xb6: {  	_ =	swait.ge [sflag:s19], $0x2000  }
0xb7: {  	[sflag:s19] =	ssyncset.done $0x0  }
0xb8: {  	s31 =	simm.s32 $0x680;
	[sflag:s19] =	ssyncadd.s32 $0xFFFFE000  }
0xb9: {  	[spmem:s1] =	stream.indirect.scatter.add.f32 [tilespmem:s14], [sflag:$0xE], $0x80, s31, s8, $0xb8;
	[tilespmem:$0x1C800] =	vst v63  }
0xba: {  	_ =	swait.ge [sflag:s20], $0x2000  }
0xbb: {  	[sflag:s20] =	ssyncset.done $0x0  }
0xbc: {  	s30 =	simm.s32 @p0 $0xB;
	[sflag:s20] =	ssyncadd.s32 $0xFFFFE000  }
0xbd: {  	_ =	swait.ge @p0 [sflag:s30], $0x2000  }
0xbe: {  	s29 =	simm.s32 @p0 $0x700;
	[sflag:s30] =	ssyncset.done @p0 $0x0  }
0xbf: {  	s31 =	simm.s32 @p0 $0x4800;
	[sflag:s30] =	ssyncadd.s32 @p0 $0xFFFFE000;
	s30 =	simm.s32 @p0 $0x40  }
0xc0: {  	[spmem:s1] =	stream.indirect.scatter.add.f32 @p0 [tilespmem:s31], [sflag:$0xF], $0x80, s29, s30, $0xb8;
	[tilespmem:$0x1C800] =	vst v63  }
0xc1: {  	s29 =	simm.s32 @p0 $0xE  }
0xc2: {  	_ =	swait.ge @p0 [sflag:s29], $0x2000  }
0xc3: {  	[sflag:s29] =	ssyncset.done @p0 $0x0  }
0xc4: {  	s30 =	simm.s32 @!p0 $0x200;
	[sflag:s29] =	ssyncadd.s32 @p0 $0xFFFFE000;
	s29 =	sadd.s32 @!p0 $0x40, s2  }
0xc5: {  	[tilespmem:s30], [sflag:$0x5] =	stream.linear.gather @!p0 [hbm4b:s29+s0], $0x80, $0x38;
	[tilespmem:$0x1C800] =	vst v63  }
0xc6: {  	s31 =	simm.s32 @!p0 $0x1;
	s29 =	sadd.s32 @!p0 $0x40, s5;
	s30 =	simm.s32 @!p0 $0x600  }
0xc7: {  	[tilespmem:s30], [sflag:$0x5] =	stream.linear.gather @!p0 [hbm4b:s29+s0], $0x80, $0x38;
	[tilespmem:$0x1C800] =	vst v63  }
0xc8: {  	_ =	swait.ge @!p0 [sflag:s31], $0x80  }
0xc9: {  	[sflag:s31] =	ssyncset.done @!p0 $0x0  }
0xca: {  	[sflag:s31] =	ssyncadd.s32 @!p0 $0xFFFFFF80  }
0xcb: {  	_ =	swait.ge @!p0 [sflag:s31], $0x80  }
0xcc: {  	s29 =	simm.s32 @!p0 $0xB;
	[sflag:s31] =	ssyncset.done @!p0 $0x0  }
0xcd: {  	s30 =	simm.s32 @!p0 $0x40;
	[sflag:s31] =	ssyncadd.s32 @!p0 $0xFFFFFF80;
	s31 =	simm.s32 @!p0 $0x800  }
0xce: {  	[tilespmem:s31], [sflag:$0x9] =	stream.indirect.gather @!p0 [hbm4b:s4+s30], $0x80, s0, s30, $0xb8;
	[tilespmem:$0x1C800] =	vst v63  }
0xcf: {  	_ =	swait.ge @!p0 [sflag:s29], $0x2000  }
0xd0: {  	[sflag:s29] =	ssyncset.done @!p0 $0x0  }
0xd1: {  	s31 =	simm.s32 @!p0 $0x4800;
	[sflag:s29] =	ssyncadd.s32 @!p0 $0xFFFFE000;
	s29 =	simm.s32 @!p0 $0x700  }
0xd2: {  	[spmem:s1] =	stream.indirect.scatter.add.f32 @!p0 [tilespmem:s31], [sflag:$0xF], $0x80, s29, s30, $0xb8;
	[tilespmem:$0x1C800] =	vst v63  }
0xd3: {  	s29 =	simm.s32 @!p0 $0xE  }
0xd4: {  	_ =	swait.ge @!p0 [sflag:s29], $0x2000  }
0xd5: {  	[sflag:s29] =	ssyncset.done @!p0 $0x0  }
0xd6: {  	s2 =	sadd.s32 @!p0 $0x50, s2;
	[sflag:s29] =	ssyncadd.s32 @!p0 $0xFFFFE000;
	s29 =	simm.s32 @!p0 $0x280  }
0xd7: {  	[tilespmem:s29], [sflag:$0x6] =	stream.linear.gather @!p0 [hbm4b:s2+s0], $0x80, $0x38;
	[tilespmem:$0x1C800] =	vst v63  }
0xd8: {  	s2 =	sadd.s32 @!p0 $0x50, s5;
	s5 =	simm.s32 @!p0 $0x680  }
0xd9: {  	[tilespmem:s5], [sflag:$0x6] =	stream.linear.gather @!p0 [hbm4b:s2+s0], $0x80, $0x38;
	[tilespmem:$0x1C800] =	vst v63  }
0xda: {  	s0 =	simm.s32 @!p0 $0x2  }
0xdb: {  	_ =	swait.ge @!p0 [sflag:s0], $0x80  }
0xdc: {  	[sflag:s0] =	ssyncset.done @!p0 $0x0  }
0xdd: {  	[sflag:s0] =	ssyncadd.s32 @!p0 $0xFFFFFF80  }
0xde: {  	_ =	swait.ge @!p0 [sflag:s0], $0x80  }
0xdf: {  	[sflag:s0] =	ssyncset.done @!p0 $0x0  }
0xe0: {  	[sflag:s0] =	ssyncadd.s32 @!p0 $0xFFFFFF80;
	s0 =	simm.s32 @!p0 $0x2800  }
0xe1: {  	[tilespmem:s0], [sflag:$0xA] =	stream.indirect.gather @!p0 [hbm4b:s4+s30], $0x80, s16, s30, $0xb8;
	[tilespmem:$0x1C800] =	vst v63  }
0xe2: {  	p1 =	por $0x0, $0x0;
	_ =	swait.ge [sflag:s10], $0x2000  }
0xe3: {  	s29 =	simm.s32 $0x80;
	s30 =	simm.s32 $0x100;
	[sflag:s10] =	ssyncset.done $0x0  }
.LBB2_2:
0xe4: {  	s0 =	simm.s32 @!p1 $0xF;
	[sflag:s10] =	ssyncadd.s32 $0xFFFFE000;
	s14 =	simm.s32 $0x780  }
0xe5: {  	[spmem:s1] =	stream.indirect.scatter.add.f32 [tilespmem:s18], [sflag:$0x10], $0x80, s14, s8, $0xb8;
	[tilespmem:$0x1C800] =	vst v63  }
0xe6: {  	_ =	swait.ge @!p1 [sflag:s0], $0x2000  }
0xe7: {  	s11 =	simm.s32 $0x300;
	s2 =	rddreg [dreg:$0x6]  }
0xe8: {  	[sflag:s0] =	ssyncset.done @!p1 $0x0;
	s17 =	rddreg [dreg:$0x7];
	s2 =	sadd.s32 s29, s2  }
0xe9: {  	[sflag:s0] =	ssyncadd.s32 @!p1 $0xFFFFE000;
	s0 =	sadd.s32 s29, s17;
	s31 =	sadd.s32 $0x60, s2  }
0xea: {  	[tilespmem:s11], [sflag:$0x7] =	stream.linear.gather [hbm4b:s31+s3], $0x80, $0x38;
	[tilespmem:$0x1C800] =	vst v63  }
0xeb: {  	s12 =	rddreg [dreg:$0x8];
	s22 =	sadd.s32 $0x60, s0  }
0xec: {  	[tilespmem:s12], [sflag:$0x7] =	stream.linear.gather [hbm4b:s22+s3], $0x80, $0x38;
	[tilespmem:$0x1C800] =	vst v63  }
0xed: {  	_ =	swait.ge [sflag:s13], $0x80  }
0xee: {  	[sflag:s13] =	ssyncset.done $0x0  }
0xef: {  	[sflag:s13] =	ssyncadd.s32 $0xFFFFFF80  }
0xf0: {  	_ =	swait.ge [sflag:s13], $0x80  }
0xf1: {  	[sflag:s13] =	ssyncset.done $0x0  }
0xf2: {  	s9 =	simm.s32 $0x100;
	s7 =	simm.s32 $0x4800;
	[sflag:s13] =	ssyncadd.s32 $0xFFFFFF80  }
0xf3: {  	[tilespmem:s7], [sflag:$0xB] =	stream.indirect.gather [hbm4b:s4+s8], $0x80, s9, s8, $0xb8;
	[tilespmem:$0x1C800] =	vst v63  }
0xf4: {  	_ =	swait.ge [sflag:s15], $0x2000  }
0xf5: {  	s17 =	simm.s32 $0x800;
	[sflag:s15] =	ssyncset.done $0x0  }
0xf6: {  	s31 =	simm.s32 $0x400;
	s12 =	simm.s32 @!p1 $0x10;
	[sflag:s15] =	ssyncadd.s32 $0xFFFFE000  }
0xf7: {  	[spmem:s1] =	stream.indirect.scatter.add.f32 [tilespmem:s17], [sflag:$0xD], $0x80, s31, s8, $0xb8;
	[tilespmem:$0x1C800] =	vst v63  }
0xf8: {  	_ =	swait.ge @!p1 [sflag:s12], $0x2000  }
0xf9: {  	[sflag:s12] =	ssyncset.done @!p1 $0x0  }
0xfa: {  	s2 =	sadd.s32 $0x70, s2;
	s22 =	simm.s32 $0x380;
	[sflag:s12] =	ssyncadd.s32 @!p1 $0xFFFFE000  }
0xfb: {  	[tilespmem:s22], [sflag:$0x8] =	stream.linear.gather [hbm4b:s2+s3], $0x80, $0x38;
	[tilespmem:$0x1C800] =	vst v63  }
0xfc: {  	s0 =	sadd.s32 $0x70, s0  }
0xfd: {  	[tilespmem:s14], [sflag:$0x8] =	stream.linear.gather [hbm4b:s0+s3], $0x80, $0x38;
	[tilespmem:$0x1C800] =	vst v63  }
0xfe: {  	_ =	swait.ge [sflag:s24], $0x80  }
0xff: {  	[sflag:s24] =	ssyncset.done $0x0  }
0x100: {  	[sflag:s24] =	ssyncadd.s32 $0xFFFFFF80  }
0x101: {  	_ =	swait.ge [sflag:s24], $0x80  }
0x102: {  	[sflag:s24] =	ssyncset.done $0x0  }
0x103: {  	s2 =	simm.s32 $0x180;
	[sflag:s24] =	ssyncadd.s32 $0xFFFFFF80  }
0x104: {  	[tilespmem:s18], [sflag:$0xC] =	stream.indirect.gather [hbm4b:s4+s8], $0x80, s2, s8, $0xb8;
	[tilespmem:$0x1C800] =	vst v63  }
0x105: {  	_ =	swait.ge [sflag:s19], $0x2000  }
0x106: {  	[sflag:s19] =	ssyncset.done $0x0  }
0x107: {  	s9 =	simm.s32 $0x480;
	s14 =	simm.s32 $0x2800;
	[sflag:s19] =	ssyncadd.s32 $0xFFFFE000  }
0x108: {  	[spmem:s1] =	stream.indirect.scatter.add.f32 [tilespmem:s14], [sflag:$0xE], $0x80, s9, s8, $0xb8;
	[tilespmem:$0x1C800] =	vst v63  }
0x109: {  	p1 =	seq.s32 s29, $0x980;
	_ =	swait.ge [sflag:s20], $0x2000  }
0x10a: {  	s31 =	simm.s32 @!p1 $0x0;
	s0 =	rddreg [dreg:$0x4];
	[sflag:s20] =	ssyncset.done $0x0  }
0x10b: {  	s2 =	rddreg [dreg:$0x5];
	[sflag:s20] =	ssyncadd.s32 $0xFFFFE000;
	s0 =	sadd.s32 @!p1 s29, s0  }
0x10c: {  	[tilespmem:s31], [sflag:$0x1] =	stream.linear.gather @!p1 [hbm4b:s0+s31], $0x80, $0x38;
	[tilespmem:$0x1C800] =	vst v63  }
0x10d: {  	s12 =	simm.s32 @!p1 $0x400;
	s2 =	sadd.s32 @!p1 s29, s2  }
0x10e: {  	[tilespmem:s12], [sflag:$0x1] =	stream.linear.gather @!p1 [hbm4b:s2+s31], $0x80, $0x38;
	[tilespmem:$0x1C800] =	vst v63  }
0x10f: {  	_ =	swait.ge [sflag:s21], $0x80  }
0x110: {  	[sflag:s21] =	ssyncset.done $0x0  }
0x111: {  	[sflag:s21] =	ssyncadd.s32 $0xFFFFFF80  }
0x112: {  	_ =	swait.ge [sflag:s21], $0x80  }
0x113: {  	[sflag:s21] =	ssyncset.done $0x0  }
0x114: {  	s16 =	simm.s32 $0xB;
	s12 =	simm.s32 $0x200;
	[sflag:s21] =	ssyncadd.s32 $0xFFFFFF80  }
0x115: {  	[tilespmem:s17], [sflag:$0x9] =	stream.indirect.gather [hbm4b:s4+s8], $0x80, s12, s8, $0xb8;
	[tilespmem:$0x1C800] =	vst v63  }
0x116: {  	_ =	swait.ge [sflag:s16], $0x2000  }
0x117: {  	[sflag:s16] =	ssyncset.done $0x0  }
0x118: {  	s9 =	simm.s32 $0x500;
	s12 =	simm.s32 $0xE;
	[sflag:s16] =	ssyncadd.s32 $0xFFFFE000  }
0x119: {  	[spmem:s1] =	stream.indirect.scatter.add.f32 [tilespmem:s7], [sflag:$0xF], $0x80, s9, s8, $0xb8;
	[tilespmem:$0x1C800] =	vst v63  }
0x11a: {  	s5 =	smov.u32 s30;
	_ =	swait.ge [sflag:s12], $0x2000  }
0x11b: {  	s29 =	smov.u32 s5;
	[sflag:s12] =	ssyncset.done $0x0  }
0x11c: {  	s5 =	simm.s32 @!p1 $0x80;
	[sflag:s12] =	ssyncadd.s32 $0xFFFFE000;
	s12 =	sadd.s32 @!p1 $0x10, s0  }
0x11d: {  	[tilespmem:s5], [sflag:$0x2] =	stream.linear.gather @!p1 [hbm4b:s12+s31], $0x80, $0x38;
	[tilespmem:$0x1C800] =	vst v63  }
0x11e: {  	s16 =	simm.s32 @!p1 $0x480;
	s12 =	sadd.s32 @!p1 $0x10, s2  }
0x11f: {  	[tilespmem:s16], [sflag:$0x2] =	stream.linear.gather @!p1 [hbm4b:s12+s31], $0x80, $0x38;
	[tilespmem:$0x1C800] =	vst v63  }
0x120: {  	_ =	swait.ge [sflag:s6], $0x80  }
0x121: {  	[sflag:s6] =	ssyncset.done $0x0  }
0x122: {  	[sflag:s6] =	ssyncadd.s32 $0xFFFFFF80  }
0x123: {  	_ =	swait.ge [sflag:s6], $0x80  }
0x124: {  	[sflag:s6] =	ssyncset.done $0x0  }
0x125: {  	s16 =	simm.s32 $0x280;
	[sflag:s6] =	ssyncadd.s32 $0xFFFFFF80  }
0x126: {  	[tilespmem:s14], [sflag:$0xA] =	stream.indirect.gather [hbm4b:s4+s8], $0x80, s16, s8, $0xb8;
	[tilespmem:$0x1C800] =	vst v63  }
0x127: {  	_ =	swait.ge [sflag:s10], $0x2000  }
0x128: {  	[sflag:s10] =	ssyncset.done $0x0  }
0x129: {  	s12 =	simm.s32 $0x580;
	[sflag:s10] =	ssyncadd.s32 $0xFFFFE000  }
0x12a: {  	[spmem:s1] =	stream.indirect.scatter.add.f32 [tilespmem:s18], [sflag:$0x10], $0x80, s12, s8, $0xb8;
	[tilespmem:$0x1C800] =	vst v63  }
0x12b: {  	_ =	swait.ge [sflag:s23], $0x2000  }
0x12c: {  	[sflag:s23] =	ssyncset.done $0x0  }
0x12d: {  	s16 =	simm.s32 @!p1 $0x100;
	s12 =	sadd.s32 @!p1 $0x20, s0;
	[sflag:s23] =	ssyncadd.s32 $0xFFFFE000  }
0x12e: {  	[tilespmem:s16], [sflag:$0x3] =	stream.linear.gather @!p1 [hbm4b:s12+s31], $0x80, $0x38;
	[tilespmem:$0x1C800] =	vst v63  }
0x12f: {  	s12 =	sadd.s32 @!p1 $0x20, s2;
	s16 =	simm.s32 @!p1 $0x500  }
0x130: {  	[tilespmem:s16], [sflag:$0x3] =	stream.linear.gather @!p1 [hbm4b:s12+s31], $0x80, $0x38;
	[tilespmem:$0x1C800] =	vst v63  }
0x131: {  	_ =	swait.ge [sflag:s25], $0x80  }
0x132: {  	[sflag:s25] =	ssyncset.done $0x0  }
0x133: {  	[sflag:s25] =	ssyncadd.s32 $0xFFFFFF80  }
0x134: {  	_ =	swait.ge [sflag:s25], $0x80  }
0x135: {  	[sflag:s25] =	ssyncset.done $0x0  }
0x136: {  	[sflag:s25] =	ssyncadd.s32 $0xFFFFFF80  }
0x137: {  	[tilespmem:s7], [sflag:$0xB] =	stream.indirect.gather [hbm4b:s4+s8], $0x80, s11, s8, $0xb8;
	[tilespmem:$0x1C800] =	vst v63  }
0x138: {  	_ =	swait.ge [sflag:s15], $0x2000  }
0x139: {  	[sflag:s15] =	ssyncset.done $0x0  }
0x13a: {  	s16 =	simm.s32 $0x600;
	[sflag:s15] =	ssyncadd.s32 $0xFFFFE000  }
0x13b: {  	[spmem:s1] =	stream.indirect.scatter.add.f32 [tilespmem:s17], [sflag:$0xD], $0x80, s16, s8, $0xb8;
	[tilespmem:$0x1C800] =	vst v63  }
0x13c: {  	_ =	swait.ge [sflag:s26], $0x2000  }
0x13d: {  	[sflag:s26] =	ssyncset.done $0x0  }
0x13e: {  	s12 =	sadd.s32 @!p1 $0x30, s0;
	s16 =	simm.s32 @!p1 $0x180;
	[sflag:s26] =	ssyncadd.s32 $0xFFFFE000  }
0x13f: {  	[tilespmem:s16], [sflag:$0x4] =	stream.linear.gather @!p1 [hbm4b:s12+s31], $0x80, $0x38;
	[tilespmem:$0x1C800] =	vst v63  }
0x140: {  	s12 =	sadd.s32 @!p1 $0x30, s2;
	s16 =	simm.s32 @!p1 $0x580  }
0x141: {  	[tilespmem:s16], [sflag:$0x4] =	stream.linear.gather @!p1 [hbm4b:s12+s31], $0x80, $0x38;
	[tilespmem:$0x1C800] =	vst v63  }
0x142: {  	_ =	swait.ge [sflag:s28], $0x80  }
0x143: {  	[sflag:s28] =	ssyncset.done $0x0  }
0x144: {  	[sflag:s28] =	ssyncadd.s32 $0xFFFFFF80  }
0x145: {  	_ =	swait.ge [sflag:s28], $0x80  }
0x146: {  	[sflag:s28] =	ssyncset.done $0x0  }
0x147: {  	[sflag:s28] =	ssyncadd.s32 $0xFFFFFF80  }
0x148: {  	[tilespmem:s18], [sflag:$0xC] =	stream.indirect.gather [hbm4b:s4+s8], $0x80, s22, s8, $0xb8;
	[tilespmem:$0x1C800] =	vst v63  }
0x149: {  	_ =	swait.ge [sflag:s19], $0x2000  }
0x14a: {  	[sflag:s19] =	ssyncset.done $0x0  }
0x14b: {  	s22 =	simm.s32 $0x680;
	[sflag:s19] =	ssyncadd.s32 $0xFFFFE000  }
0x14c: {  	[spmem:s1] =	stream.indirect.scatter.add.f32 [tilespmem:s14], [sflag:$0xE], $0x80, s22, s8, $0xb8;
	[tilespmem:$0x1C800] =	vst v63  }
0x14d: {  	_ =	swait.ge [sflag:s20], $0x2000  }
0x14e: {  	[sflag:s20] =	ssyncset.done $0x0  }
0x14f: {  	s12 =	simm.s32 @p1 $0xB;
	[sflag:s20] =	ssyncadd.s32 $0xFFFFE000  }
0x150: {  	_ =	swait.ge @p1 [sflag:s12], $0x2000  }
0x151: {  	s9 =	simm.s32 @p1 $0x700;
	s17 =	simm.s32 @p1 $0xE;
	[sflag:s12] =	ssyncset.done @p1 $0x0  }
0x152: {  	s16 =	simm.s32 @p1 $0x4800;
	[sflag:s12] =	ssyncadd.s32 @p1 $0xFFFFE000;
	s12 =	simm.s32 @p1 $0x40  }
0x153: {  	[spmem:s1] =	stream.indirect.scatter.add.f32 @p1 [tilespmem:s16], [sflag:$0xF], $0x80, s9, s12, $0xb8;
	[tilespmem:$0x1C800] =	vst v63  }
0x154: {  	_ =	swait.ge @p1 [sflag:s17], $0x2000  }
0x155: {  	[sflag:s17] =	ssyncset.done @p1 $0x0  }
0x156: {  	s9 =	sadd.s32 @!p1 $0x40, s0;
	s12 =	simm.s32 @!p1 $0x200;
	[sflag:s17] =	ssyncadd.s32 @p1 $0xFFFFE000  }
0x157: {  	[tilespmem:s12], [sflag:$0x5] =	stream.linear.gather @!p1 [hbm4b:s9+s31], $0x80, $0x38;
	[tilespmem:$0x1C800] =	vst v63  }
0x158: {  	s16 =	simm.s32 @!p1 $0x1;
	s9 =	sadd.s32 @!p1 $0x40, s2;
	s12 =	simm.s32 @!p1 $0x600  }
0x159: {  	[tilespmem:s12], [sflag:$0x5] =	stream.linear.gather @!p1 [hbm4b:s9+s31], $0x80, $0x38;
	[tilespmem:$0x1C800] =	vst v63  }
0x15a: {  	_ =	swait.ge @!p1 [sflag:s16], $0x80  }
0x15b: {  	[sflag:s16] =	ssyncset.done @!p1 $0x0  }
0x15c: {  	[sflag:s16] =	ssyncadd.s32 @!p1 $0xFFFFFF80  }
0x15d: {  	_ =	swait.ge @!p1 [sflag:s16], $0x80  }
0x15e: {  	s9 =	simm.s32 @!p1 $0xB;
	[sflag:s16] =	ssyncset.done @!p1 $0x0  }
0x15f: {  	s12 =	simm.s32 @!p1 $0x40;
	[sflag:s16] =	ssyncadd.s32 @!p1 $0xFFFFFF80;
	s16 =	simm.s32 @!p1 $0x800  }
0x160: {  	[tilespmem:s16], [sflag:$0x9] =	stream.indirect.gather @!p1 [hbm4b:s4+s12], $0x80, s31, s12, $0xb8;
	[tilespmem:$0x1C800] =	vst v63  }
0x161: {  	_ =	swait.ge @!p1 [sflag:s9], $0x2000  }
0x162: {  	s17 =	simm.s32 @!p1 $0x4800;
	[sflag:s9] =	ssyncset.done @!p1 $0x0  }
0x163: {  	s16 =	simm.s32 @!p1 $0xE;
	[sflag:s9] =	ssyncadd.s32 @!p1 $0xFFFFE000;
	s9 =	simm.s32 @!p1 $0x700  }
0x164: {  	[spmem:s1] =	stream.indirect.scatter.add.f32 @!p1 [tilespmem:s17], [sflag:$0xF], $0x80, s9, s12, $0xb8;
	[tilespmem:$0x1C800] =	vst v63  }
0x165: {  	_ =	swait.ge @!p1 [sflag:s16], $0x2000  }
0x166: {  	[sflag:s16] =	ssyncset.done @!p1 $0x0  }
0x167: {  	s0 =	sadd.s32 @!p1 $0x50, s0;
	s9 =	simm.s32 @!p1 $0x280;
	[sflag:s16] =	ssyncadd.s32 @!p1 $0xFFFFE000  }
0x168: {  	[tilespmem:s9], [sflag:$0x6] =	stream.linear.gather @!p1 [hbm4b:s0+s31], $0x80, $0x38;
	[tilespmem:$0x1C800] =	vst v63  }
0x169: {  	s0 =	sadd.s32 @!p1 $0x50, s2;
	s2 =	simm.s32 @!p1 $0x680;
	s9 =	simm.s32 @!p1 $0x2  }
0x16a: {  	[tilespmem:s2], [sflag:$0x6] =	stream.linear.gather @!p1 [hbm4b:s0+s31], $0x80, $0x38;
	[tilespmem:$0x1C800] =	vst v63  }
0x16b: {  	_ =	swait.ge @!p1 [sflag:s9], $0x80  }
0x16c: {  	[sflag:s9] =	ssyncset.done @!p1 $0x0  }
0x16d: {  	s30 =	sadd.s32 $0x80, s30;
	[sflag:s9] =	ssyncadd.s32 @!p1 $0xFFFFFF80  }
0x16e: {  	p0 =	sne.s32 s30, $0xA00;
	_ =	swait.ge @!p1 [sflag:s9], $0x80  }
.Ltmp0:
0x16f: {  	[sflag:s9] =	ssyncset.done @!p1 $0x0;
	(pc) =	sbr.rel @p0 .LBB2_2-.Ltmp0, $4  }
0x170: {  	s0 =	simm.s32 @!p1 $0x2800;
	[sflag:s9] =	ssyncadd.s32 @!p1 $0xFFFFFF80  }
0x171: {  	[tilespmem:s0], [sflag:$0xA] =	stream.indirect.gather @!p1 [hbm4b:s4+s12], $0x80, s5, s12, $0xb8;
	[tilespmem:$0x1C800] =	vst v63  }
0x172: {  	_ =	swait.ge [sflag:s10], $0x2000  }
0x173: {  	p1 =	seq.s32 s29, $0x0;
	[sflag:s10] =	ssyncset.done $0x0  }
0x174: {  	s0 =	simm.s32 @!p1 $0xF;
	[sflag:s10] =	ssyncadd.s32 $0xFFFFE000;
	s30 =	simm.s32 $0x780  }
0x175: {  	[spmem:s1] =	stream.indirect.scatter.add.f32 [tilespmem:s18], [sflag:$0x10], $0x80, s30, s8, $0xb8;
	[tilespmem:$0x1C800] =	vst v63  }
0x176: {  	_ =	swait.ge @!p1 [sflag:s0], $0x2000  }
0x177: {  	s11 =	simm.s32 $0x300;
	s2 =	rddreg [dreg:$0x6]  }
0x178: {  	s5 =	rddreg [dreg:$0x7];
	[sflag:s0] =	ssyncset.done @!p1 $0x0;
	s14 =	sadd.s32 s29, s2  }
0x179: {  	[sflag:s0] =	ssyncadd.s32 @!p1 $0xFFFFE000;
	s5 =	sadd.s32 s29, s5;
	s2 =	sadd.s32 $0x60, s14  }
0x17a: {  	[tilespmem:s11], [sflag:$0x7] =	stream.linear.gather [hbm4b:s2+s3], $0x80, $0x38;
	[tilespmem:$0x1C800] =	vst v63  }
0x17b: {  	s9 =	rddreg [dreg:$0x8];
	s17 =	sadd.s32 $0x60, s5  }
0x17c: {  	[tilespmem:s9], [sflag:$0x7] =	stream.linear.gather [hbm4b:s17+s3], $0x80, $0x38;
	[tilespmem:$0x1C800] =	vst v63  }
0x17d: {  	_ =	swait.ge [sflag:s13], $0x80  }
0x17e: {  	[sflag:s13] =	ssyncset.done $0x0  }
0x17f: {  	[sflag:s13] =	ssyncadd.s32 $0xFFFFFF80  }
0x180: {  	_ =	swait.ge [sflag:s13], $0x80  }
0x181: {  	[sflag:s13] =	ssyncset.done $0x0  }
0x182: {  	s22 =	simm.s32 $0x100;
	s7 =	simm.s32 $0x4800;
	[sflag:s13] =	ssyncadd.s32 $0xFFFFFF80  }
0x183: {  	[tilespmem:s7], [sflag:$0xB] =	stream.indirect.gather [hbm4b:s4+s8], $0x80, s22, s8, $0xb8;
	[tilespmem:$0x1C800] =	vst v63  }
0x184: {  	_ =	swait.ge [sflag:s15], $0x2000  }
0x185: {  	s31 =	simm.s32 $0x400;
	[sflag:s15] =	ssyncset.done $0x0  }
0x186: {  	s16 =	simm.s32 $0x800;
	s2 =	simm.s32 @!p1 $0x10;
	[sflag:s15] =	ssyncadd.s32 $0xFFFFE000  }
0x187: {  	[spmem:s1] =	stream.indirect.scatter.add.f32 [tilespmem:s16], [sflag:$0xD], $0x80, s31, s8, $0xb8;
	[tilespmem:$0x1C800] =	vst v63  }
0x188: {  	_ =	swait.ge @!p1 [sflag:s2], $0x2000  }
0x189: {  	[sflag:s2] =	ssyncset.done @!p1 $0x0  }
0x18a: {  	s0 =	sadd.s32 $0x70, s14;
	s17 =	simm.s32 $0x380;
	[sflag:s2] =	ssyncadd.s32 @!p1 $0xFFFFE000  }
0x18b: {  	[tilespmem:s17], [sflag:$0x8] =	stream.linear.gather [hbm4b:s0+s3], $0x80, $0x38;
	[tilespmem:$0x1C800] =	vst v63  }
0x18c: {  	s5 =	sadd.s32 $0x70, s5  }
0x18d: {  	[tilespmem:s30], [sflag:$0x8] =	stream.linear.gather [hbm4b:s5+s3], $0x80, $0x38;
	[tilespmem:$0x1C800] =	vst v63  }
0x18e: {  	_ =	swait.ge [sflag:s24], $0x80  }
0x18f: {  	[sflag:s24] =	ssyncset.done $0x0  }
0x190: {  	[sflag:s24] =	ssyncadd.s32 $0xFFFFFF80  }
0x191: {  	_ =	swait.ge [sflag:s24], $0x80  }
0x192: {  	[sflag:s24] =	ssyncset.done $0x0  }
0x193: {  	s9 =	simm.s32 $0x180;
	[sflag:s24] =	ssyncadd.s32 $0xFFFFFF80  }
0x194: {  	[tilespmem:s18], [sflag:$0xC] =	stream.indirect.gather [hbm4b:s4+s8], $0x80, s9, s8, $0xb8;
	[tilespmem:$0x1C800] =	vst v63  }
0x195: {  	_ =	swait.ge [sflag:s19], $0x2000  }
0x196: {  	[sflag:s19] =	ssyncset.done $0x0  }
0x197: {  	s12 =	simm.s32 $0x480;
	s14 =	simm.s32 $0x2800;
	[sflag:s19] =	ssyncadd.s32 $0xFFFFE000  }
0x198: {  	[spmem:s1] =	stream.indirect.scatter.add.f32 [tilespmem:s14], [sflag:$0xE], $0x80, s12, s8, $0xb8;
	[tilespmem:$0x1C800] =	vst v63  }
0x199: {  	_ =	swait.ge [sflag:s20], $0x2000  }
0x19a: {  	s0 =	rddreg [dreg:$0x4]  }
0x19b: {  	p0 =	seq.s32 s29, $0x980;
	[sflag:s20] =	ssyncset.done $0x0;
	s5 =	rddreg [dreg:$0x5]  }
0x19c: {  	[sflag:s20] =	ssyncadd.s32 $0xFFFFE000;
	s2 =	sadd.s32 @!p0 s29, s0;
	s0 =	simm.s32 @!p0 $0x0  }
0x19d: {  	[tilespmem:s0], [sflag:$0x1] =	stream.linear.gather @!p0 [hbm4b:s2+s0], $0x80, $0x38;
	[tilespmem:$0x1C800] =	vst v63  }
0x19e: {  	s9 =	simm.s32 @!p0 $0x400;
	s5 =	sadd.s32 @!p0 s29, s5  }
0x19f: {  	[tilespmem:s9], [sflag:$0x1] =	stream.linear.gather @!p0 [hbm4b:s5+s0], $0x80, $0x38;
	[tilespmem:$0x1C800] =	vst v63  }
0x1a0: {  	_ =	swait.ge [sflag:s21], $0x80  }
0x1a1: {  	[sflag:s21] =	ssyncset.done $0x0  }
0x1a2: {  	[sflag:s21] =	ssyncadd.s32 $0xFFFFFF80  }
0x1a3: {  	_ =	swait.ge [sflag:s21], $0x80  }
0x1a4: {  	[sflag:s21] =	ssyncset.done $0x0  }
0x1a5: {  	s22 =	simm.s32 $0x200;
	s29 =	simm.s32 $0xB;
	[sflag:s21] =	ssyncadd.s32 $0xFFFFFF80  }
0x1a6: {  	[tilespmem:s16], [sflag:$0x9] =	stream.indirect.gather [hbm4b:s4+s8], $0x80, s22, s8, $0xb8;
	[tilespmem:$0x1C800] =	vst v63  }
0x1a7: {  	_ =	swait.ge [sflag:s29], $0x2000  }
0x1a8: {  	[sflag:s29] =	ssyncset.done $0x0  }
0x1a9: {  	s31 =	simm.s32 $0x500;
	s12 =	simm.s32 $0xE;
	[sflag:s29] =	ssyncadd.s32 $0xFFFFE000  }
0x1aa: {  	[spmem:s1] =	stream.indirect.scatter.add.f32 [tilespmem:s7], [sflag:$0xF], $0x80, s31, s8, $0xb8;
	[tilespmem:$0x1C800] =	vst v63  }
0x1ab: {  	_ =	swait.ge [sflag:s12], $0x2000  }
0x1ac: {  	[sflag:s12] =	ssyncset.done $0x0  }
0x1ad: {  	s9 =	sadd.s32 @!p0 $0x10, s2;
	s29 =	simm.s32 @!p0 $0x80;
	[sflag:s12] =	ssyncadd.s32 $0xFFFFE000  }
0x1ae: {  	[tilespmem:s29], [sflag:$0x2] =	stream.linear.gather @!p0 [hbm4b:s9+s0], $0x80, $0x38;
	[tilespmem:$0x1C800] =	vst v63  }
0x1af: {  	s12 =	simm.s32 @!p0 $0x480;
	s9 =	sadd.s32 @!p0 $0x10, s5  }
0x1b0: {  	[tilespmem:s12], [sflag:$0x2] =	stream.linear.gather @!p0 [hbm4b:s9+s0], $0x80, $0x38;
	[tilespmem:$0x1C800] =	vst v63  }
0x1b1: {  	_ =	swait.ge [sflag:s6], $0x80  }
0x1b2: {  	[sflag:s6] =	ssyncset.done $0x0  }
0x1b3: {  	[sflag:s6] =	ssyncadd.s32 $0xFFFFFF80  }
0x1b4: {  	_ =	swait.ge [sflag:s6], $0x80  }
0x1b5: {  	[sflag:s6] =	ssyncset.done $0x0  }
0x1b6: {  	s22 =	simm.s32 $0x280;
	[sflag:s6] =	ssyncadd.s32 $0xFFFFFF80  }
0x1b7: {  	[tilespmem:s14], [sflag:$0xA] =	stream.indirect.gather [hbm4b:s4+s8], $0x80, s22, s8, $0xb8;
	[tilespmem:$0x1C800] =	vst v63  }
0x1b8: {  	_ =	swait.ge [sflag:s10], $0x2000  }
0x1b9: {  	[sflag:s10] =	ssyncset.done $0x0  }
0x1ba: {  	s31 =	simm.s32 $0x580;
	[sflag:s10] =	ssyncadd.s32 $0xFFFFE000  }
0x1bb: {  	[spmem:s1] =	stream.indirect.scatter.add.f32 [tilespmem:s18], [sflag:$0x10], $0x80, s31, s8, $0xb8;
	[tilespmem:$0x1C800] =	vst v63  }
0x1bc: {  	_ =	swait.ge [sflag:s23], $0x2000  }
0x1bd: {  	[sflag:s23] =	ssyncset.done $0x0  }
0x1be: {  	s9 =	sadd.s32 @!p0 $0x20, s2;
	s12 =	simm.s32 @!p0 $0x100;
	[sflag:s23] =	ssyncadd.s32 $0xFFFFE000  }
0x1bf: {  	[tilespmem:s12], [sflag:$0x3] =	stream.linear.gather @!p0 [hbm4b:s9+s0], $0x80, $0x38;
	[tilespmem:$0x1C800] =	vst v63  }
0x1c0: {  	s9 =	sadd.s32 @!p0 $0x20, s5;
	s12 =	simm.s32 @!p0 $0x500  }
0x1c1: {  	[tilespmem:s12], [sflag:$0x3] =	stream.linear.gather @!p0 [hbm4b:s9+s0], $0x80, $0x38;
	[tilespmem:$0x1C800] =	vst v63  }
0x1c2: {  	_ =	swait.ge [sflag:s25], $0x80  }
0x1c3: {  	[sflag:s25] =	ssyncset.done $0x0  }
0x1c4: {  	[sflag:s25] =	ssyncadd.s32 $0xFFFFFF80  }
0x1c5: {  	_ =	swait.ge [sflag:s25], $0x80  }
0x1c6: {  	[sflag:s25] =	ssyncset.done $0x0  }
0x1c7: {  	[sflag:s25] =	ssyncadd.s32 $0xFFFFFF80  }
0x1c8: {  	[tilespmem:s7], [sflag:$0xB] =	stream.indirect.gather [hbm4b:s4+s8], $0x80, s11, s8, $0xb8;
	[tilespmem:$0x1C800] =	vst v63  }
0x1c9: {  	_ =	swait.ge [sflag:s15], $0x2000  }
0x1ca: {  	[sflag:s15] =	ssyncset.done $0x0  }
0x1cb: {  	s12 =	simm.s32 $0x600;
	[sflag:s15] =	ssyncadd.s32 $0xFFFFE000  }
0x1cc: {  	[spmem:s1] =	stream.indirect.scatter.add.f32 [tilespmem:s16], [sflag:$0xD], $0x80, s12, s8, $0xb8;
	[tilespmem:$0x1C800] =	vst v63  }
0x1cd: {  	_ =	swait.ge [sflag:s26], $0x2000  }
0x1ce: {  	[sflag:s26] =	ssyncset.done $0x0  }
0x1cf: {  	s9 =	sadd.s32 @!p0 $0x30, s2;
	s12 =	simm.s32 @!p0 $0x180;
	[sflag:s26] =	ssyncadd.s32 $0xFFFFE000  }
0x1d0: {  	[tilespmem:s12], [sflag:$0x4] =	stream.linear.gather @!p0 [hbm4b:s9+s0], $0x80, $0x38;
	[tilespmem:$0x1C800] =	vst v63  }
0x1d1: {  	s9 =	sadd.s32 @!p0 $0x30, s5;
	s12 =	simm.s32 @!p0 $0x580  }
0x1d2: {  	[tilespmem:s12], [sflag:$0x4] =	stream.linear.gather @!p0 [hbm4b:s9+s0], $0x80, $0x38;
	[tilespmem:$0x1C800] =	vst v63  }
0x1d3: {  	_ =	swait.ge [sflag:s28], $0x80  }
0x1d4: {  	[sflag:s28] =	ssyncset.done $0x0  }
0x1d5: {  	[sflag:s28] =	ssyncadd.s32 $0xFFFFFF80  }
0x1d6: {  	_ =	swait.ge [sflag:s28], $0x80  }
0x1d7: {  	[sflag:s28] =	ssyncset.done $0x0  }
0x1d8: {  	[sflag:s28] =	ssyncadd.s32 $0xFFFFFF80  }
0x1d9: {  	[tilespmem:s18], [sflag:$0xC] =	stream.indirect.gather [hbm4b:s4+s8], $0x80, s17, s8, $0xb8;
	[tilespmem:$0x1C800] =	vst v63  }
0x1da: {  	_ =	swait.ge [sflag:s19], $0x2000  }
0x1db: {  	[sflag:s19] =	ssyncset.done $0x0  }
0x1dc: {  	s16 =	simm.s32 $0x680;
	[sflag:s19] =	ssyncadd.s32 $0xFFFFE000  }
0x1dd: {  	[spmem:s1] =	stream.indirect.scatter.add.f32 [tilespmem:s14], [sflag:$0xE], $0x80, s16, s8, $0xb8;
	[tilespmem:$0x1C800] =	vst v63  }
0x1de: {  	_ =	swait.ge [sflag:s20], $0x2000  }
0x1df: {  	[sflag:s20] =	ssyncset.done $0x0  }
0x1e0: {  	s9 =	simm.s32 @p0 $0xB;
	[sflag:s20] =	ssyncadd.s32 $0xFFFFE000  }
0x1e1: {  	_ =	swait.ge @p0 [sflag:s9], $0x2000  }
0x1e2: {  	s12 =	simm.s32 @p0 $0x4800;
	[sflag:s9] =	ssyncset.done @p0 $0x0  }
0x1e3: {  	s16 =	simm.s32 @p0 $0x700;
	[sflag:s9] =	ssyncadd.s32 @p0 $0xFFFFE000;
	s9 =	simm.s32 @p0 $0x40  }
0x1e4: {  	[spmem:s1] =	stream.indirect.scatter.add.f32 @p0 [tilespmem:s12], [sflag:$0xF], $0x80, s16, s9, $0xb8;
	[tilespmem:$0x1C800] =	vst v63  }
0x1e5: {  	s9 =	simm.s32 @p0 $0xE  }
0x1e6: {  	_ =	swait.ge @p0 [sflag:s9], $0x2000  }
0x1e7: {  	[sflag:s9] =	ssyncset.done @p0 $0x0  }
0x1e8: {  	s12 =	simm.s32 @!p0 $0x200;
	[sflag:s9] =	ssyncadd.s32 @p0 $0xFFFFE000;
	s9 =	sadd.s32 @!p0 $0x40, s2  }
0x1e9: {  	[tilespmem:s12], [sflag:$0x5] =	stream.linear.gather @!p0 [hbm4b:s9+s0], $0x80, $0x38;
	[tilespmem:$0x1C800] =	vst v63  }
0x1ea: {  	s16 =	simm.s32 @!p0 $0x1;
	s9 =	sadd.s32 @!p0 $0x40, s5;
	s12 =	simm.s32 @!p0 $0x600  }
0x1eb: {  	[tilespmem:s12], [sflag:$0x5] =	stream.linear.gather @!p0 [hbm4b:s9+s0], $0x80, $0x38;
	[tilespmem:$0x1C800] =	vst v63  }
0x1ec: {  	_ =	swait.ge @!p0 [sflag:s16], $0x80  }
0x1ed: {  	[sflag:s16] =	ssyncset.done @!p0 $0x0  }
0x1ee: {  	[sflag:s16] =	ssyncadd.s32 @!p0 $0xFFFFFF80  }
0x1ef: {  	_ =	swait.ge @!p0 [sflag:s16], $0x80  }
0x1f0: {  	s9 =	simm.s32 @!p0 $0xB;
	[sflag:s16] =	ssyncset.done @!p0 $0x0  }
0x1f1: {  	s12 =	simm.s32 @!p0 $0x40;
	[sflag:s16] =	ssyncadd.s32 @!p0 $0xFFFFFF80;
	s16 =	simm.s32 @!p0 $0x800  }
0x1f2: {  	[tilespmem:s16], [sflag:$0x9] =	stream.indirect.gather @!p0 [hbm4b:s4+s12], $0x80, s0, s12, $0xb8;
	[tilespmem:$0x1C800] =	vst v63  }
0x1f3: {  	_ =	swait.ge @!p0 [sflag:s9], $0x2000  }
0x1f4: {  	[sflag:s9] =	ssyncset.done @!p0 $0x0  }
0x1f5: {  	s16 =	simm.s32 @!p0 $0x4800;
	[sflag:s9] =	ssyncadd.s32 @!p0 $0xFFFFE000;
	s9 =	simm.s32 @!p0 $0x700  }
0x1f6: {  	[spmem:s1] =	stream.indirect.scatter.add.f32 @!p0 [tilespmem:s16], [sflag:$0xF], $0x80, s9, s12, $0xb8;
	[tilespmem:$0x1C800] =	vst v63  }
0x1f7: {  	s9 =	simm.s32 @!p0 $0xE  }
0x1f8: {  	_ =	swait.ge @!p0 [sflag:s9], $0x2000  }
0x1f9: {  	[sflag:s9] =	ssyncset.done @!p0 $0x0  }
0x1fa: {  	s2 =	sadd.s32 @!p0 $0x50, s2;
	[sflag:s9] =	ssyncadd.s32 @!p0 $0xFFFFE000;
	s9 =	simm.s32 @!p0 $0x280  }
0x1fb: {  	[tilespmem:s9], [sflag:$0x6] =	stream.linear.gather @!p0 [hbm4b:s2+s0], $0x80, $0x38;
	[tilespmem:$0x1C800] =	vst v63  }
0x1fc: {  	s2 =	sadd.s32 @!p0 $0x50, s5;
	s5 =	simm.s32 @!p0 $0x680  }
0x1fd: {  	[tilespmem:s5], [sflag:$0x6] =	stream.linear.gather @!p0 [hbm4b:s2+s0], $0x80, $0x38;
	[tilespmem:$0x1C800] =	vst v63  }
0x1fe: {  	s0 =	simm.s32 @!p0 $0x2  }
0x1ff: {  	_ =	swait.ge @!p0 [sflag:s0], $0x80  }
0x200: {  	[sflag:s0] =	ssyncset.done @!p0 $0x0  }
0x201: {  	[sflag:s0] =	ssyncadd.s32 @!p0 $0xFFFFFF80  }
0x202: {  	_ =	swait.ge @!p0 [sflag:s0], $0x80  }
0x203: {  	[sflag:s0] =	ssyncset.done @!p0 $0x0  }
0x204: {  	[sflag:s0] =	ssyncadd.s32 @!p0 $0xFFFFFF80;
	s0 =	simm.s32 @!p0 $0x2800  }
0x205: {  	[tilespmem:s0], [sflag:$0xA] =	stream.indirect.gather @!p0 [hbm4b:s4+s12], $0x80, s29, s12, $0xb8;
	[tilespmem:$0x1C800] =	vst v63  }
0x206: {  	_ =	swait.ge [sflag:s10], $0x2000  }
0x207: {  	[sflag:s10] =	ssyncset.done $0x0  }
0x208: {  	[sflag:s10] =	ssyncadd.s32 $0xFFFFE000  }
0x209: {  	[spmem:s1] =	stream.indirect.scatter.add.f32 [tilespmem:s18], [sflag:$0x10], $0x80, s30, s8, $0xb8;
	[tilespmem:$0x1C800] =	vst v63  }
0x20a: {  	_ =	swait.ge [sflag:s23], $0x2000  }
0x20b: {  	[sflag:s23] =	ssyncset.done $0x0  }
0x20c: {  	[sflag:s23] =	ssyncadd.s32 $0xFFFFE000  }
0x20d: {  	_ =	swait.ge [sflag:s26], $0x2000  }
0x20e: {  	[sflag:s26] =	ssyncset.done $0x0  }
0x20f: {  	[sflag:s26] =	ssyncadd.s32 $0xFFFFE000  }
0x210: {  	[bflag:$0x0] =	sbarrier.arrive $0xFFFF  }
0x211: {  	s12 =	rddreg [dreg:$0xb]  }
0x212: {  	s17 =	rddreg [dreg:$0x18]  }
0x213: {  	s2 =	simm.s32 $0x11;
	s29 =	rddreg [dreg:$0x1b]  }
0x214: {  	[hbm:s17], [sflag:s12] =	dma.local [spmem:s29], $0x2800  }
0x215: {  	_ =	swait.ge [sflag:s2], $0x2800  }
0x216: {  	s30 =	rddreg [dreg:$0x1a]  }
0x217: {  	s31 =	rddreg [dreg:$0x19];
	s5 =	sadd.s32 $0x1, s30  }
0x218: {  	p0 =	sne.s32 s5, s31  }
.Ltmp1:
0x219: {  	_ = 	snop;
	(pc) =	sbr.rel @p0 .LBB2_1-.Ltmp1, $3  }
0x21a: {  	_ =	sdelay $0x1  }
0x21b: {  	[sflag:s2] =	ssyncset.done $0x0  }
0x21c: {  	s22 =	simm.s32 $0x780;
	[sflag:s2] =	ssyncadd.s32 $0xFFFFD800  }
0x21d: {  	_ =	sfence.sel $0x180000  }
0x21e: {  	[bflag:$0x0] =	sbarrier.arrive $0xFFFF  }
0x21f: {  	_ =	strace $0x9000004A  }
0x220: {  	s0 =	stileid.u32;
	[bflag:$0x2] =	sbarrier.arrive $0xFFFF  }
0x221: {  	p0 =	sne.s32 s0, $0x0;
	s0 =	rddreg [dreg:$0x3]  }
0x222: {  	s0 =	sadd.s32 @!p0 $0x100000, s0  }
0x223: {  	[sflag:s0] =	ssyncadd.tile.s32 @!p0 $0x1;
	_ =	shalt  }
.Lfunc_end2:
_tile_overlayer_lowered:
.L_overlay_start_2:
0x224: {  	(tag) =	ssettag $0x2  }
0x225: {  	s0 =	rddreg [dreg:$0x0];
	s2 =	stileid.u32  }
0x226: {  	s1 =	rddreg [dreg:$0x1];
	p0 =	sne.s32 s2, $0x0  }
0x227: {  	s3 =	rddreg [dreg:$0x2];
	[bflag:$0x3] =	sbarrier.arrive $0xFFFF;
	s2 =	simm.s32 @!p0 $0x1C11  }
0x228: {  	[timem:s3], [sflag:s2] =	dma.local @!p0 [hbm:s0], s1  }
0x229: {  	s0 =	simm.s32 @!p0 $0x11  }
0x22a: {  	_ =	swait.ge @!p0 [sflag:s0], s1  }
0x22b: {  	s1 =	ssub.s32 @!p0 $0x0, s1;
	[sflag:s0] =	ssyncset.done @!p0 $0x0  }
0x22c: {  	[sflag:s0] =	ssyncadd.s32 @!p0 s1  }
0x22d: {  	[bflag:$0x3] =	sbarrier.arrive $0xFFFF  }
0x22e: {  	_ =	shalt  }

// kernel: kernel.14.cloned.1.call-start
scs
__scs_entry_jumppad:
0x0: {  	(pc) =	sbr.rel $0x88, $3  }
0x1: {  	(tag) =	ssettag $0x0;
	lr =	simm.s32 $0x1  }
0x2: {  	[smem:$0x3F9B] =	sst lr;
	_ =	strace $0xD0000000  }
0x3: {  	_ = 	snop  }
0x4: {  	_ = 	snop  }
0x5: {  	_ = 	snop  }
0x6: {  	_ = 	snop  }
0x7: {  	_ = 	snop  }
__scs_overlays_trampoline_lowered:
0x8: {  	[smem:$0x3FAA] =	sst s0  }
0x9: {  	[smem:$0x3FAB] =	sst s1  }
0xa: {  	[smem:$0x3FAC] =	sst s2  }
0xb: {  	[smem:$0x3FAD] =	sst s3  }
0xc: {  	[smem:$0x3FAE] =	sst s4  }
0xd: {  	[smem:$0x3FAF] =	sst s5  }
0xe: {  	[smem:$0x3FB0] =	sst s6  }
0xf: {  	[smem:$0x3FB1] =	sst s7  }
0x10: {  	[smem:$0x3FB2] =	sst s8  }
0x11: {  	[smem:$0x3FB3] =	sst s9;
	s0 =	simm.s32 @!p0 $0x0  }
0x12: {  	s1 =	sld [smem:$0x3F99];
	s0 =	simm.s32 @p0 $0x1  }
0x13: {  	[smem:$0x3FB4] =	sst s0;
	s0 =	simm.s32 @!p1 $0x0  }
0x14: {  	s2 =	sld [smem:$0x3F98];
	s0 =	simm.s32 @p1 $0x1  }
0x15: {  	[smem:$0x3FB5] =	sst s0;
	s0 =	simm.s32 @!p2 $0x0  }
0x16: {  	s3 =	sld [smem:$0x3FDB];
	s0 =	simm.s32 @p2 $0x1  }
0x17: {  	s4 =	simm.s32 $0x1BF5;
	[smem:$0x3FB7] =	sst s0  }
0x18: {  	s0 =	sld [smem:$0x3F9A];
	_ =	swait.ge [sflag:s4], $0x0  }
0x19: {  	s7 =	sld [smem:$0x3F9B]  }
0x1a: {  	s8 =	sadd.s32 $0xFFFFE003, lr  }
0x1b: {  	s9 =	sadd.s32 $0xFFFFFEF7, lr;
	s5 =	simm.s32 $0xFFFFFFFF;
	p2 =	slt.u32 s8, $0xFFFFF086  }
0x1c: {  	p1 =	slt.u32 s9, $0xF7A;
	s5 =	simm.s32 @!p2 $0x0  }
0x1d: {  	s5 =	simm.s32 @p1 $0x1;
	p0 =	seq.s32 s7, s2  }
0x1e: {  	s7 =	smul.u32 @!p0 $0xF7A, s2;
	p2 =	seq.s32 @!p0 s5, $0x0  }
0x1f: {  	s9 =	smul.u32 $0xF7A, s1;
	s8 =	simm.s32 @!p0 $0x1BF5;
	p2 =	por !p2, p0  }
0x20: {  	[sflag:s8] =	ssyncset.s32 @!p0 $0xFFFFF086;
	s6 =	sadd.s32 @!p0 s3, s7;
	s7 =	simm.s32 @!p0 $0x108  }
0x21: {  	s3 =	sadd.s32 s3, s9;
	s6 =	sadd.s32 @!p0 $0x88, s6;
	s7 =	simm.s32 @p2 $0x1082  }
0x22: {  	[simem:s7], [sflag:s8] =	dma.local @!p0 [hbm:s6], $0xF7A  }
0x23: {  	s9 =	sor.u32 $0xD0000000, s2;
	s6 =	simm.s32 $0x108;
	_ =	swait.ge @!p0 [sflag:s8], $0x0  }
0x24: {  	s3 =	sadd.s32 $0x88, s3;
	s6 =	simm.s32 @!p1 $0x1082;
	[sflag:s4] =	ssyncset.s32 $0xFFFFF086  }
0x25: {  	[simem:s6], [sflag:s4] =	dma.local [hbm:s3], $0xF7A  }
0x26: {  	[smem:$0x3F9B] =	sst s1;
	(tag) =	ssettag s2;
	_ =	strace s9  }
0x27: {  	s1 =	sld [smem:$0x3FAB]  }
0x28: {  	s2 =	sld [smem:$0x3FAC]  }
0x29: {  	s4 =	sld [smem:$0x3FAE]  }
0x2a: {  	p0 =	seq.s32 s5, $0x0;
	s5 =	sld [smem:$0x3FAF]  }
0x2b: {  	s6 =	sld [smem:$0x3FB0]  }
0x2c: {  	s7 =	sld [smem:$0x3FB1]  }
0x2d: {  	s3 =	simm.s32 $0x108;
	s8 =	sld [smem:$0x3FB2]  }
0x2e: {  	s3 =	simm.s32 @!p0 $0x1082;
	s9 =	sld [smem:$0x3FB3]  }
0x2f: {  	lr =	sadd.s32 s0, s3;
	s0 =	sld [smem:$0x3FAA]  }
0x30: {  	s3 =	sld [smem:$0x3FAD]  }
0x31: {  	[smem:$0x3FB6] =	sst s10  }
0x32: {  	s10 =	sld [smem:$0x3FB4];
	_ =	sdelay $0x3  }
0x33: {  	p0 =	seq.s32 s10, $0x1;
	s10 =	sld [smem:$0x3FB6];
	_ =	sdelay $0x3  }
0x34: {  	[smem:$0x3FB6] =	sst s10  }
0x35: {  	s10 =	sld [smem:$0x3FB5];
	_ =	sdelay $0x3  }
0x36: {  	p1 =	seq.s32 s10, $0x1;
	s10 =	sld [smem:$0x3FB6];
	_ =	sdelay $0x3  }
0x37: {  	[smem:$0x3FB6] =	sst s10  }
0x38: {  	s10 =	sld [smem:$0x3FB7]  }
0x39: {  	_ = 	snop;
	(pc) =	sbr.ind lr, $3  }
0x3a: {  	_ = 	snop  }
0x3b: {  	_ = 	snop  }
0x3c: {  	p2 =	seq.s32 s10, $0x1;
	s10 =	sld [smem:$0x3FB6]  }
0x3d: {  	_ =	shalt  }
0x3e: {  	_ =	shalt  }
0x3f: {  	_ =	shalt  }
0x40: {  	_ =	shalt  }
0x41: {  	_ =	shalt  }
0x42: {  	_ =	shalt  }
0x43: {  	_ =	shalt  }
0x44: {  	_ =	shalt  }
0x45: {  	_ =	shalt  }
0x46: {  	_ =	shalt  }
0x47: {  	_ =	shalt  }
0x48: {  	_ =	shalt  }
0x49: {  	_ =	shalt  }
0x4a: {  	_ =	shalt  }
0x4b: {  	_ =	shalt  }
0x4c: {  	_ =	shalt  }
0x4d: {  	_ =	shalt  }
0x4e: {  	_ =	shalt  }
0x4f: {  	_ =	shalt  }
0x50: {  	_ =	shalt  }
0x51: {  	_ =	shalt  }
0x52: {  	_ =	shalt  }
0x53: {  	_ =	shalt  }
0x54: {  	_ =	shalt  }
0x55: {  	_ =	shalt  }
0x56: {  	_ =	shalt  }
0x57: {  	_ =	shalt  }
0x58: {  	_ =	shalt  }
0x59: {  	_ =	shalt  }
0x5a: {  	_ =	shalt  }
0x5b: {  	_ =	shalt  }
0x5c: {  	_ =	shalt  }
0x5d: {  	_ =	shalt  }
0x5e: {  	_ =	shalt  }
0x5f: {  	_ =	shalt  }
0x60: {  	_ =	shalt  }
0x61: {  	_ =	shalt  }
0x62: {  	_ =	shalt  }
0x63: {  	_ =	shalt  }
0x64: {  	_ =	shalt  }
0x65: {  	_ =	shalt  }
0x66: {  	_ =	shalt  }
0x67: {  	_ =	shalt  }
0x68: {  	_ =	shalt  }
0x69: {  	_ =	shalt  }
0x6a: {  	_ =	shalt  }
0x6b: {  	_ =	shalt  }
0x6c: {  	_ =	shalt  }
0x6d: {  	_ =	shalt  }
0x6e: {  	_ =	shalt  }
0x6f: {  	_ =	shalt  }
0x70: {  	_ =	shalt  }
0x71: {  	_ =	shalt  }
0x72: {  	_ =	shalt  }
0x73: {  	_ =	shalt  }
0x74: {  	_ =	shalt  }
0x75: {  	_ =	shalt  }
0x76: {  	_ =	shalt  }
0x77: {  	_ =	shalt  }
0x78: {  	_ =	shalt  }
0x79: {  	_ =	shalt  }
0x7a: {  	_ =	shalt  }
0x7b: {  	_ =	shalt  }
0x7c: {  	_ =	shalt  }
0x7d: {  	_ =	shalt  }
0x7e: {  	_ =	shalt  }
0x7f: {  	_ =	shalt  }
0x80: {  	_ =	shalt  }
0x81: {  	_ =	shalt  }
0x82: {  	_ =	shalt  }
0x83: {  	_ =	shalt  }
0x84: {  	_ =	shalt  }
0x85: {  	_ =	shalt  }
0x86: {  	_ =	shalt  }
0x87: {  	_ =	shalt  }
.Lfunc_end0:
.L_simem_size_0:
called_computation.2_lowered:
.L_overlay_start_0:
0x88: {  	s2 =	sld [smem:$0x3FD9]  }
0x89: {  	s3 =	sld [smem:$0x3FFE];
	_ =	sdelay $0x1  }
0x8a: {  	s1 =	srdreg.scid  }
0x8b: {  	s0 =	sand.u32 $0x1, s1  }
0x8c: {  	s17 =	sshll.u32 s0, $0xA;
	s2 =	sadd.s32 s3, s2  }
0x8d: {  	s2 =	sadd.s32 s2, s17  }
0x8e: {  	[smem:$0x3FC2] =	sst s2  }
0x8f: {  	_ = 	snop  }
0x90: {  	s2 =	sld [smem:$0x3FD0];
	(tm) =	ssettm $0x1  }
0x91: {  	s18 =	sld [smem:$0x3FFB];
	_ =	sdelay $0x3  }
0x92: {  	_ =	strace s18  }
0x93: {  	s3 =	sld [smem:$0x3FFC];
	_ =	sdelay $0x3  }
0x94: {  	_ =	strace s3  }
0x95: {  	s3 =	sld [smem:$0x3FFD];
	_ =	sdelay $0x3  }
0x96: {  	_ =	strace s3  }
0x97: {  	_ =	strace $0x8FFFFFFF  }
0x98: {  	s19 =	sld [smem:$0x3FDB];
	_ =	sdelay $0x1  }
0x99: {  	s4 =	simm.s32 $_scs_section_size  }
0x9a: {  	s5 =	simm.s32 $_size__tile_overlayer_lowered;
	s6 =	simm.s32 $_tile_overlayer_lowered  }
0x9b: {  	s22 =	simm.s32 $0x1BFF;
	s21 =	sshll.u32 s6, $0x1;
	s3 =	sadd.s32 s4, s19  }
0x9c: {  	s7 =	simm.s32 $0x0;
	s20 =	sshll.u32 s5, $0x1;
	s5 =	sadd.s32 s21, s3  }
0x9d: {  	[timem:s7], [sflag:s22] =	dma.local [hbm:s5], s20  }
0x9e: {  	_ =	swait.ge [sflag:s22], s20  }
0x9f: {  	s4 =	ssub.s32 $0x0, s20;
	[sflag:s22] =	ssyncset.done $0x0  }
0xa0: {  	[sflag:s22] =	ssyncadd.s32 s4;
	_ =	sdelay $0x1  }
0xa1: {  	s23 =	simm.s32 $0x1B8B  }
0xa2: {  	_ =	swait.ge [sflag:s23], $0x1  }
0xa3: {  	[sflag:s23] =	ssyncset.done $0x0  }
0xa4: {  	s25 =	simm.s32 $0x1B8E;
	s24 =	sld [smem:$0x3FFE];
	[sflag:s23] =	ssyncadd.s32 $0xFFFFFFFF  }
0xa5: {  	s26 =	simm.s32 $execute0_lowered;
	[smem:$0x3FD2] =	sst s25  }
0xa6: {  	s5 =	sshll.u32 s26, $0x1;
	_ =	strace $0x8000004C;
	[dreg:$0x1] =	wrdreg $0xFFFFFFFF  }
0xa7: {  	s28 =	simm.s32 $_size_execute0_lowered;
	s3 =	sadd.s32 s3, s5;
	[dreg:$0x0] =	wrdreg $0x0  }
0xa8: {  	s5 =	sshll.u32 s28, $0x1;
	[dreg:$0x2] =	wrdreg s3  }
0xa9: {  	[dreg:$0x3] =	wrdreg s5  }
0xaa: {  	[dreg:$0x4] =	wrdreg $0xC0  }
0xab: {  	_ =	task [dreg:s7], $0x5FFFF  }
0xac: {  	[dreg:$0x1] =	wrdreg $0xFFFFFFFF  }
0xad: {  	[dreg:$0x0] =	wrdreg $0x60  }
0xae: {  	[dreg:$0x2] =	wrdreg s2  }
0xaf: {  	[dreg:$0x3] =	wrdreg s24  }
0xb0: {  	[dreg:$0x4] =	wrdreg $0x88000  }
0xb1: {  	[dreg:$0x5] =	wrdreg $0x9  }
0xb2: {  	_ =	task.clear_ibuf [dreg:s7], $0x6FFFF;
	_ =	strace $0x9000004C  }
0xb3: {  	s29 =	simm.s32 $0x9;
	_ =	strace $0x8000004E  }
0xb4: {  	_ =	swait.ge [sflag:s29], $0x1  }
0xb5: {  	[sflag:s29] =	ssyncadd.s32 $0xFFFFFFFF  }
0xb6: {  	_ =	strace $0x9000004E  }
0xb7: {  	_ =	sfence  }
0xb8: {  	s30 =	sld [smem:$0x0];
	_ =	sdelay $0x2  }
0xb9: {  	s31 =	sshll.u32 s1, $0xD;
	s1 =	sshrl.u32 s1, $0x2  }
0xba: {  	s3 =	sand.u32 $0x4000, s31;
	s1 =	sadd.s32 s1, s30  }
0xbb: {  	s0 =	sor.u32 s3, s0;
	s1 =	sshll.u32 s1, $0x11  }
0xbc: {  	s0 =	sor.u32 s1, s0  }
0xbd: {  	s0 =	sadd.s32 $0x8F2B, s0  }
0xbe: {  	[sflag:s0] =	ssyncadd.remote.s32 $0x1  }
0xbf: {  	_ =	sfence.sel $0xFFFF  }
0xc0: {  	[dreg:$0x0] =	wrdreg $0xFFFFFFFF;
	(pc) =	sbr.abs _section_cstart, $3  }
0xc1: {  	[dreg:$0x1] =	wrdreg $0xFFFFFFFF  }
0xc2: {  	_ =	task.clear_ibuf [dreg:s7], $0x2FFFF;
	_ =	strace $0x9FFFFFFF  }
0xc3: {  	(tm) =	ssettm $0x7FFFFFFF  }
tec
execute0_lowered:
.L_overlay_start_1:
0x0: {  	(tag) =	ssettag $0x1  }
0x1: {  	s0 =	rddreg [dreg:$0x0]  }
0x2: {  	s2 =	rddreg [dreg:$0x1]  }
0x3: {  	s1 =	rddreg [dreg:$0x2]  }
0x4: {  	s3 =	srdreg.scid;
	s11 =	stileid.u32  }
0x5: {  	s28 =	simm.s32 $0x8;
	s5 =	sand.u32 $0x1, s3;
	s3 =	simm.s32 $0x0  }
0x6: {  	s7 =	smul.u32 $0x14000, s11;
	s8 =	sadd.s32 $0x2000, s2;
	s4 =	sadd.s32 $0x18800, s2  }
0x7: {  	s29 =	sadd.s32 $0x16000, s2;
	s10 =	smul.u32 $0x50000, s11;
	s13 =	sshll.u32 s11, $0x6  }
0x8: {  	s6 =	smul.u32 $0x140000, s5;
	[smem:$0x7FF] =	sst s3;
	s30 =	sshll.u32 s5, $0x4  }
0x9: {  	s9 =	ssub.s32 $0x2, s5;
	s5 =	smul.u32 $0x50000, s5;
	_ =	strace $0x8000004D  }
0xa: {  	[dreg:$0x9] =	wrdreg s29;
	s31 =	sshrl.u32 s9, $0x1;
	s6 =	sadd.s32 s7, s6  }
0xb: {  	s12 =	sshrl.u32 s10, $0x2;
	s7 =	sor.u32 s11, s30;
	s6 =	sshrl.u32 s6, $0x3  }
0xc: {  	s2 =	sadd.s32 s6, s2;
	s6 =	ssub.s32 s9, s31;
	s9 =	sadd.s32 s12, s1  }
0xd: {  	s11 =	smul.u32 $0x5000, s11;
	s31 =	simm.s32 $0x700;
	[dreg:$0xa] =	wrdreg s9  }
0xe: {  	s7 =	smul.u32 $0x5000, s7;
	s12 =	sor.u32 $0x1C11, s13;
	[dreg:$0x8] =	wrdreg s31  }
0xf: {  	s5 =	sadd.s32 s11, s5;
	s2 =	sadd.s32 $0x90800, s2;
	[dreg:$0xb] =	wrdreg s12  }
0x10: {  	s7 =	sshrl.u32 s7, $0x3;
	s30 =	smax.u32 s6, $0x1;
	[dreg:$0x18] =	wrdreg s2  }
0x11: {  	s11 =	sor.u32 $0x400, s5;
	s14 =	sadd.s32 s0, s7;
	[dreg:$0x19] =	wrdreg s30  }
0x12: {  	s5 =	sshrl.u32 s5, $0x3;
	s15 =	sadd.s32 s8, s7;
	[dreg:$0xc] =	wrdreg s14  }
0x13: {  	s16 =	sor.u32 $0x10, s7;
	s29 =	sadd.s32 s5, s8;
	[dreg:$0xd] =	wrdreg s15  }
0x14: {  	s6 =	simm.s32 $0x6;
	s13 =	sadd.s32 s0, s16;
	[dreg:$0x7] =	wrdreg s29  }
0x15: {  	s17 =	sor.u32 $0x20, s7;
	s9 =	sadd.s32 s8, s16;
	[dreg:$0xe] =	wrdreg s13  }
0x16: {  	s20 =	sor.u32 $0x30, s7;
	s18 =	sadd.s32 s0, s17;
	[dreg:$0xf] =	wrdreg s9  }
0x17: {  	s22 =	sor.u32 $0x40, s7;
	s19 =	sadd.s32 s8, s17;
	[dreg:$0x10] =	wrdreg s18  }
0x18: {  	s24 =	sshrl.u32 s11, $0x3;
	s21 =	sadd.s32 s0, s20;
	[dreg:$0x11] =	wrdreg s19  }
0x19: {  	s7 =	sor.u32 $0x50, s7;
	s23 =	sadd.s32 s0, s22;
	[dreg:$0x12] =	wrdreg s21  }
0x1a: {  	s2 =	simm.s32 $0x11;
	s10 =	sadd.s32 s8, s22;
	[dreg:$0x14] =	wrdreg s23  }
0x1b: {  	s25 =	sadd.s32 s24, s0;
	s26 =	sadd.s32 s0, s7;
	[dreg:$0x15] =	wrdreg s10  }
0x1c: {  	s0 =	sadd.s32 s5, s0;
	s7 =	sadd.s32 s8, s7;
	[dreg:$0x4] =	wrdreg s25  }
0x1d: {  	s15 =	simm.s32 $0x9;
	s22 =	simm.s32 $0x780;
	[dreg:$0x16] =	wrdreg s26  }
0x1e: {  	s5 =	simm.s32 $0x0;
	s9 =	sadd.s32 s8, s20;
	[dreg:$0x17] =	wrdreg s7  }
0x1f: {  	[dreg:$0x6] =	wrdreg s0;
	s13 =	simm.s32 $0x3;
	s18 =	simm.s32 $0x6800  }
0x20: {  	s19 =	simm.s32 $0xA;
	s20 =	simm.s32 $0xD;
	s21 =	simm.s32 $0x5  }
0x21: {  	s10 =	simm.s32 $0xC;
	s23 =	simm.s32 $0xF;
	s25 =	simm.s32 $0x7  }
0x22: {  	s26 =	simm.s32 $0x10;
	[dreg:$0x13] =	wrdreg s9;
	s9 =	sadd.s32 s24, s8  }
0x23: {  	s8 =	simm.s32 $0x40;
	s24 =	simm.s32 $0x4;
	[dreg:$0x5] =	wrdreg s9  }
.LBB2_1:
0x24: {  	[dreg:$0x1a] =	wrdreg s5  }
0x25: {  	s0 =	rddreg [dreg:$0xa]  }
0x26: {  	s17 =	rddreg [dreg:$0x9];
	s16 =	sshrl.u32 s0, $0x3  }
0x27: {  	[dreg:$0x1b] =	wrdreg s16  }
0x28: {  	[spmem:s16], [sflag:s12] =	dma.local [hbm:s17], $0x2800  }
0x29: {  	_ =	swait.ge [sflag:s2], $0x2800  }
0x2a: {  	[sflag:s2] =	ssyncset.done $0x0  }
0x2b: {  	s31 =	rddreg [dreg:$0xc];
	[sflag:s2] =	ssyncadd.s32 $0xFFFFD800  }
0x2c: {  	[tilespmem:s3], [sflag:$0x1] =	stream.linear.gather [hbm4b:s31+s3], $0x80, $0x38;
	[tilespmem:$0x1C800] =	vst v63  }
0x2d: {  	s9 =	simm.s32 $0x400;
	s2 =	rddreg [dreg:$0xd]  }
0x2e: {  	[tilespmem:s9], [sflag:$0x1] =	stream.linear.gather [hbm4b:s2+s3], $0x80, $0x38;
	[tilespmem:$0x1C800] =	vst v63  }
0x2f: {  	s5 =	rddreg [dreg:$0xe];
	s2 =	simm.s32 $0x80  }
0x30: {  	[tilespmem:s2], [sflag:$0x2] =	stream.linear.gather [hbm4b:s5+s3], $0x80, $0x38;
	[tilespmem:$0x1C800] =	vst v63  }
0x31: {  	s17 =	simm.s32 $0x480;
	s7 =	rddreg [dreg:$0xf]  }
0x32: {  	[tilespmem:s17], [sflag:$0x2] =	stream.linear.gather [hbm4b:s7+s3], $0x80, $0x38;
	[tilespmem:$0x1C800] =	vst v63  }
0x33: {  	s16 =	simm.s32 $0x100;
	s11 =	rddreg [dreg:$0x10]  }
0x34: {  	[tilespmem:s16], [sflag:$0x3] =	stream.linear.gather [hbm4b:s11+s3], $0x80, $0x38;
	[tilespmem:$0x1C800] =	vst v63  }
0x35: {  	s14 =	simm.s32 $0x500;
	s12 =	rddreg [dreg:$0x11]  }
0x36: {  	[tilespmem:s14], [sflag:$0x3] =	stream.linear.gather [hbm4b:s12+s3], $0x80, $0x38;
	[tilespmem:$0x1C800] =	vst v63  }
0x37: {  	s30 =	simm.s32 $0x180;
	s31 =	rddreg [dreg:$0x12]  }
0x38: {  	[tilespmem:s30], [sflag:$0x4] =	stream.linear.gather [hbm4b:s31+s3], $0x80, $0x38;
	[tilespmem:$0x1C800] =	vst v63  }
0x39: {  	s5 =	rddreg [dreg:$0x13];
	s7 =	simm.s32 $0x580  }
0x3a: {  	[tilespmem:s7], [sflag:$0x4] =	stream.linear.gather [hbm4b:s5+s3], $0x80, $0x38;
	[tilespmem:$0x1C800] =	vst v63  }
0x3b: {  	s11 =	rddreg [dreg:$0x14];
	s31 =	simm.s32 $0x200  }
0x3c: {  	[tilespmem:s31], [sflag:$0x5] =	stream.linear.gather [hbm4b:s11+s3], $0x80, $0x38;
	[tilespmem:$0x1C800] =	vst v63  }
0x3d: {  	s12 =	rddreg [dreg:$0x15];
	s14 =	simm.s32 $0x600  }
0x3e: {  	[tilespmem:s14], [sflag:$0x5] =	stream.linear.gather [hbm4b:s12+s3], $0x80, $0x38;
	[tilespmem:$0x1C800] =	vst v63  }
0x3f: {  	s5 =	rddreg [dreg:$0x16];
	s7 =	simm.s32 $0x280  }
0x40: {  	[tilespmem:s7], [sflag:$0x6] =	stream.linear.gather [hbm4b:s5+s3], $0x80, $0x38;
	[tilespmem:$0x1C800] =	vst v63  }
0x41: {  	s11 =	rddreg [dreg:$0x17];
	s12 =	simm.s32 $0x680;
	s14 =	simm.s32 $0x1  }
0x42: {  	[tilespmem:s12], [sflag:$0x6] =	stream.linear.gather [hbm4b:s11+s3], $0x80, $0x38;
	[tilespmem:$0x1C800] =	vst v63  }
0x43: {  	_ =	swait.ge [sflag:s14], $0x80  }
0x44: {  	[sflag:s14] =	ssyncset.done $0x0  }
0x45: {  	[sflag:s14] =	ssyncadd.s32 $0xFFFFFF80  }
0x46: {  	_ =	swait.ge [sflag:s14], $0x80  }
0x47: {  	[sflag:s14] =	ssyncset.done $0x0  }
0x48: {  	s5 =	simm.s32 $0x2;
	s12 =	simm.s32 $0x800;
	[sflag:s14] =	ssyncadd.s32 $0xFFFFFF80  }
0x49: {  	[tilespmem:s12], [sflag:$0x9] =	stream.indirect.gather [hbm4b:s4+s8], $0x80, s3, s8, $0xb8;
	[tilespmem:$0x1C800] =	vst v63  }
0x4a: {  	_ =	swait.ge [sflag:s5], $0x80  }
0x4b: {  	[sflag:s5] =	ssyncset.done $0x0  }
0x4c: {  	[sflag:s5] =	ssyncadd.s32 $0xFFFFFF80  }
0x4d: {  	_ =	swait.ge [sflag:s5], $0x80  }
0x4e: {  	[sflag:s5] =	ssyncset.done $0x0  }
0x4f: {  	p0 =	por $0x1, $0x1;
	s14 =	simm.s32 $0x2800;
	[sflag:s5] =	ssyncadd.s32 $0xFFFFFF80  }
0x50: {  	[tilespmem:s14], [sflag:$0xA] =	stream.indirect.gather [hbm4b:s4+s8], $0x80, s2, s8, $0xb8;
	[tilespmem:$0x1C800] =	vst v63  }
0x51: {  	s0 =	simm.s32 @!p0 $0xF;
	[bflag:$0x0] =	sbarrier.arrive $0xFFFF  }
0x52: {  	_ =	swait.ge @!p0 [sflag:s0], $0x2000  }
0x53: {  	s7 =	rddreg [dreg:$0x6];
	[sflag:s0] =	ssyncset.done @!p0 $0x0  }
0x54: {  	s11 =	rddreg [dreg:$0x7];
	[sflag:s0] =	ssyncadd.s32 @!p0 $0xFFFFE000;
	s0 =	sadd.s32 $0x0, s7  }
0x55: {  	s5 =	sadd.s32 $0x0, s11;
	s11 =	simm.s32 $0x300;
	s2 =	sadd.s32 $0x60, s0  }
0x56: {  	[tilespmem:s11], [sflag:$0x7] =	stream.linear.gather [hbm4b:s2+s3], $0x80, $0x38;
	[tilespmem:$0x1C800] =	vst v63  }
0x57: {  	s29 =	rddreg [dreg:$0x8];
	s7 =	sadd.s32 $0x60, s5  }
0x58: {  	[tilespmem:s29], [sflag:$0x7] =	stream.linear.gather [hbm4b:s7+s3], $0x80, $0x38;
	[tilespmem:$0x1C800] =	vst v63  }
0x59: {  	_ =	swait.ge [sflag:s13], $0x80  }
0x5a: {  	[sflag:s13] =	ssyncset.done $0x0  }
0x5b: {  	[sflag:s13] =	ssyncadd.s32 $0xFFFFFF80  }
0x5c: {  	_ =	swait.ge [sflag:s13], $0x80  }
0x5d: {  	[sflag:s13] =	ssyncset.done $0x0  }
0x5e: {  	s7 =	simm.s32 $0x4800;
	[sflag:s13] =	ssyncadd.s32 $0xFFFFFF80  }
0x5f: {  	[tilespmem:s7], [sflag:$0xB] =	stream.indirect.gather [hbm4b:s4+s8], $0x80, s16, s8, $0xb8;
	[tilespmem:$0x1C800] =	vst v63  }
0x60: {  	_ =	swait.ge [sflag:s15], $0x2000  }
0x61: {  	[sflag:s15] =	ssyncset.done $0x0  }
0x62: {  	s2 =	simm.s32 @!p0 $0x10;
	[sflag:s15] =	ssyncadd.s32 $0xFFFFE000  }
0x63: {  	[spmem:s1] =	stream.indirect.scatter.add.f32 [tilespmem:s12], [sflag:$0xD], $0x80, s9, s8, $0xb8;
	[tilespmem:$0x1C800] =	vst v63  }
0x64: {  	_ =	swait.ge @!p0 [sflag:s2], $0x2000  }
0x65: {  	[sflag:s2] =	ssyncset.done @!p0 $0x0  }
0x66: {  	s0 =	sadd.s32 $0x70, s0;
	s9 =	simm.s32 $0x380;
	[sflag:s2] =	ssyncadd.s32 @!p0 $0xFFFFE000  }
0x67: {  	[tilespmem:s9], [sflag:$0x8] =	stream.linear.gather [hbm4b:s0+s3], $0x80, $0x38;
	[tilespmem:$0x1C800] =	vst v63  }
0x68: {  	s16 =	sadd.s32 $0x70, s5  }
0x69: {  	[tilespmem:s22], [sflag:$0x8] =	stream.linear.gather [hbm4b:s16+s3], $0x80, $0x38;
	[tilespmem:$0x1C800] =	vst v63  }
0x6a: {  	_ =	swait.ge [sflag:s24], $0x80  }
0x6b: {  	[sflag:s24] =	ssyncset.done $0x0  }
0x6c: {  	[sflag:s24] =	ssyncadd.s32 $0xFFFFFF80  }
0x6d: {  	_ =	swait.ge [sflag:s24], $0x80  }
0x6e: {  	[sflag:s24] =	ssyncset.done $0x0  }
0x6f: {  	[sflag:s24] =	ssyncadd.s32 $0xFFFFFF80  }
0x70: {  	[tilespmem:s18], [sflag:$0xC] =	stream.indirect.gather [hbm4b:s4+s8], $0x80, s30, s8, $0xb8;
	[tilespmem:$0x1C800] =	vst v63  }
0x71: {  	_ =	swait.ge [sflag:s19], $0x2000  }
0x72: {  	[sflag:s19] =	ssyncset.done $0x0  }
0x73: {  	[sflag:s19] =	ssyncadd.s32 $0xFFFFE000  }
0x74: {  	[spmem:s1] =	stream.indirect.scatter.add.f32 [tilespmem:s14], [sflag:$0xE], $0x80, s17, s8, $0xb8;
	[tilespmem:$0x1C800] =	vst v63  }
0x75: {  	_ =	swait.ge [sflag:s20], $0x2000  }
0x76: {  	s0 =	rddreg [dreg:$0x4]  }
0x77: {  	p0 =	por $0x0, $0x0;
	[sflag:s20] =	ssyncset.done $0x0;
	s5 =	rddreg [dreg:$0x5]  }
0x78: {  	[sflag:s20] =	ssyncadd.s32 $0xFFFFE000;
	s2 =	sadd.s32 @!p0 $0x0, s0;
	s0 =	simm.s32 @!p0 $0x0  }
0x79: {  	[tilespmem:s0], [sflag:$0x1] =	stream.linear.gather @!p0 [hbm4b:s2+s0], $0x80, $0x38;
	[tilespmem:$0x1C800] =	vst v63  }
0x7a: {  	s29 =	simm.s32 @!p0 $0x400;
	s5 =	sadd.s32 @!p0 $0x0, s5  }
0x7b: {  	[tilespmem:s29], [sflag:$0x1] =	stream.linear.gather @!p0 [hbm4b:s5+s0], $0x80, $0x38;
	[tilespmem:$0x1C800] =	vst v63  }
0x7c: {  	_ =	swait.ge [sflag:s21], $0x80  }
0x7d: {  	[sflag:s21] =	ssyncset.done $0x0  }
0x7e: {  	[sflag:s21] =	ssyncadd.s32 $0xFFFFFF80  }
0x7f: {  	_ =	swait.ge [sflag:s21], $0x80  }
0x80: {  	[sflag:s21] =	ssyncset.done $0x0  }
0x81: {  	s22 =	simm.s32 $0xB;
	[sflag:s21] =	ssyncadd.s32 $0xFFFFFF80  }
0x82: {  	[tilespmem:s12], [sflag:$0x9] =	stream.indirect.gather [hbm4b:s4+s8], $0x80, s31, s8, $0xb8;
	[tilespmem:$0x1C800] =	vst v63  }
0x83: {  	_ =	swait.ge [sflag:s22], $0x2000  }
0x84: {  	[sflag:s22] =	ssyncset.done $0x0  }
0x85: {  	s17 =	simm.s32 $0xE;
	s31 =	simm.s32 $0x500;
	[sflag:s22] =	ssyncadd.s32 $0xFFFFE000  }
0x86: {  	[spmem:s1] =	stream.indirect.scatter.add.f32 [tilespmem:s7], [sflag:$0xF], $0x80, s31, s8, $0xb8;
	[tilespmem:$0x1C800] =	vst v63  }
0x87: {  	_ =	swait.ge [sflag:s17], $0x2000  }
0x88: {  	[sflag:s17] =	ssyncset.done $0x0  }
0x89: {  	s16 =	simm.s32 @!p0 $0x80;
	s30 =	sadd.s32 @!p0 $0x10, s2;
	[sflag:s17] =	ssyncadd.s32 $0xFFFFE000  }
0x8a: {  	[tilespmem:s16], [sflag:$0x2] =	stream.linear.gather @!p0 [hbm4b:s30+s0], $0x80, $0x38;
	[tilespmem:$0x1C800] =	vst v63  }
0x8b: {  	s31 =	simm.s32 @!p0 $0x480;
	s30 =	sadd.s32 @!p0 $0x10, s5  }
0x8c: {  	[tilespmem:s31], [sflag:$0x2] =	stream.linear.gather @!p0 [hbm4b:s30+s0], $0x80, $0x38;
	[tilespmem:$0x1C800] =	vst v63  }
0x8d: {  	_ =	swait.ge [sflag:s6], $0x80  }
0x8e: {  	[sflag:s6] =	ssyncset.done $0x0  }
0x8f: {  	[sflag:s6] =	ssyncadd.s32 $0xFFFFFF80  }
0x90: {  	_ =	swait.ge [sflag:s6], $0x80  }
0x91: {  	[sflag:s6] =	ssyncset.done $0x0  }
0x92: {  	s22 =	simm.s32 $0x280;
	[sflag:s6] =	ssyncadd.s32 $0xFFFFFF80  }
0x93: {  	[tilespmem:s14], [sflag:$0xA] =	stream.indirect.gather [hbm4b:s4+s8], $0x80, s22, s8, $0xb8;
	[tilespmem:$0x1C800] =	vst v63  }
0x94: {  	_ =	swait.ge [sflag:s10], $0x2000  }
0x95: {  	[sflag:s10] =	ssyncset.done $0x0  }
0x96: {  	s31 =	simm.s32 $0x580;
	[sflag:s10] =	ssyncadd.s32 $0xFFFFE000  }
0x97: {  	[spmem:s1] =	stream.indirect.scatter.add.f32 [tilespmem:s18], [sflag:$0x10], $0x80, s31, s8, $0xb8;
	[tilespmem:$0x1C800] =	vst v63  }
0x98: {  	_ =	swait.ge [sflag:s23], $0x2000  }
0x99: {  	[sflag:s23] =	ssyncset.done $0x0  }
0x9a: {  	s30 =	sadd.s32 @!p0 $0x20, s2;
	s31 =	simm.s32 @!p0 $0x100;
	[sflag:s23] =	ssyncadd.s32 $0xFFFFE000  }
0x9b: {  	[tilespmem:s31], [sflag:$0x3] =	stream.linear.gather @!p0 [hbm4b:s30+s0], $0x80, $0x38;
	[tilespmem:$0x1C800] =	vst v63  }
0x9c: {  	s30 =	sadd.s32 @!p0 $0x20, s5;
	s31 =	simm.s32 @!p0 $0x500  }
0x9d: {  	[tilespmem:s31], [sflag:$0x3] =	stream.linear.gather @!p0 [hbm4b:s30+s0], $0x80, $0x38;
	[tilespmem:$0x1C800] =	vst v63  }
0x9e: {  	_ =	swait.ge [sflag:s25], $0x80  }
0x9f: {  	[sflag:s25] =	ssyncset.done $0x0  }
0xa0: {  	[sflag:s25] =	ssyncadd.s32 $0xFFFFFF80  }
0xa1: {  	_ =	swait.ge [sflag:s25], $0x80  }
0xa2: {  	[sflag:s25] =	ssyncset.done $0x0  }
0xa3: {  	[sflag:s25] =	ssyncadd.s32 $0xFFFFFF80  }
0xa4: {  	[tilespmem:s7], [sflag:$0xB] =	stream.indirect.gather [hbm4b:s4+s8], $0x80, s11, s8, $0xb8;
	[tilespmem:$0x1C800] =	vst v63  }
0xa5: {  	_ =	swait.ge [sflag:s15], $0x2000  }
0xa6: {  	[sflag:s15] =	ssyncset.done $0x0  }
0xa7: {  	s22 =	simm.s32 $0x600;
	[sflag:s15] =	ssyncadd.s32 $0xFFFFE000  }
0xa8: {  	[spmem:s1] =	stream.indirect.scatter.add.f32 [tilespmem:s12], [sflag:$0xD], $0x80, s22, s8, $0xb8;
	[tilespmem:$0x1C800] =	vst v63  }
0xa9: {  	_ =	swait.ge [sflag:s26], $0x2000  }
0xaa: {  	[sflag:s26] =	ssyncset.done $0x0  }
0xab: {  	s30 =	sadd.s32 @!p0 $0x30, s2;
	s31 =	simm.s32 @!p0 $0x180;
	[sflag:s26] =	ssyncadd.s32 $0xFFFFE000  }
0xac: {  	[tilespmem:s31], [sflag:$0x4] =	stream.linear.gather @!p0 [hbm4b:s30+s0], $0x80, $0x38;
	[tilespmem:$0x1C800] =	vst v63  }
0xad: {  	s30 =	sadd.s32 @!p0 $0x30, s5;
	s31 =	simm.s32 @!p0 $0x580  }
0xae: {  	[tilespmem:s31], [sflag:$0x4] =	stream.linear.gather @!p0 [hbm4b:s30+s0], $0x80, $0x38;
	[tilespmem:$0x1C800] =	vst v63  }
0xaf: {  	_ =	swait.ge [sflag:s28], $0x80  }
0xb0: {  	[sflag:s28] =	ssyncset.done $0x0  }
0xb1: {  	[sflag:s28] =	ssyncadd.s32 $0xFFFFFF80  }
0xb2: {  	_ =	swait.ge [sflag:s28], $0x80  }
0xb3: {  	[sflag:s28] =	ssyncset.done $0x0  }
0xb4: {  	[sflag:s28] =	ssyncadd.s32 $0xFFFFFF80  }
0xb5: {  	[tilespmem:s18], [sflag:$0xC] =	stream.indirect.gather [hbm4b:s4+s8], $0x80, s9, s8, $0xb8;
	[tilespmem:$0x1C800] =	vst v63  }
0xb6: {  	_ =	swait.ge [sflag:s19], $0x2000  }
0xb7: {  	[sflag:s19] =	ssyncset.done $0x0  }
0xb8: {  	s31 =	simm.s32 $0x680;
	[sflag:s19] =	ssyncadd.s32 $0xFFFFE000  }
0xb9: {  	[spmem:s1] =	stream.indirect.scatter.add.f32 [tilespmem:s14], [sflag:$0xE], $0x80, s31, s8, $0xb8;
	[tilespmem:$0x1C800] =	vst v63  }
0xba: {  	_ =	swait.ge [sflag:s20], $0x2000  }
0xbb: {  	[sflag:s20] =	ssyncset.done $0x0  }
0xbc: {  	s30 =	simm.s32 @p0 $0xB;
	[sflag:s20] =	ssyncadd.s32 $0xFFFFE000  }
0xbd: {  	_ =	swait.ge @p0 [sflag:s30], $0x2000  }
0xbe: {  	s29 =	simm.s32 @p0 $0x700;
	[sflag:s30] =	ssyncset.done @p0 $0x0  }
0xbf: {  	s31 =	simm.s32 @p0 $0x4800;
	[sflag:s30] =	ssyncadd.s32 @p0 $0xFFFFE000;
	s30 =	simm.s32 @p0 $0x40  }
0xc0: {  	[spmem:s1] =	stream.indirect.scatter.add.f32 @p0 [tilespmem:s31], [sflag:$0xF], $0x80, s29, s30, $0xb8;
	[tilespmem:$0x1C800] =	vst v63  }
0xc1: {  	s29 =	simm.s32 @p0 $0xE  }
0xc2: {  	_ =	swait.ge @p0 [sflag:s29], $0x2000  }
0xc3: {  	[sflag:s29] =	ssyncset.done @p0 $0x0  }
0xc4: {  	s30 =	simm.s32 @!p0 $0x200;
	[sflag:s29] =	ssyncadd.s32 @p0 $0xFFFFE000;
	s29 =	sadd.s32 @!p0 $0x40, s2  }
0xc5: {  	[tilespmem:s30], [sflag:$0x5] =	stream.linear.gather @!p0 [hbm4b:s29+s0], $0x80, $0x38;
	[tilespmem:$0x1C800] =	vst v63  }
0xc6: {  	s31 =	simm.s32 @!p0 $0x1;
	s29 =	sadd.s32 @!p0 $0x40, s5;
	s30 =	simm.s32 @!p0 $0x600  }
0xc7: {  	[tilespmem:s30], [sflag:$0x5] =	stream.linear.gather @!p0 [hbm4b:s29+s0], $0x80, $0x38;
	[tilespmem:$0x1C800] =	vst v63  }
0xc8: {  	_ =	swait.ge @!p0 [sflag:s31], $0x80  }
0xc9: {  	[sflag:s31] =	ssyncset.done @!p0 $0x0  }
0xca: {  	[sflag:s31] =	ssyncadd.s32 @!p0 $0xFFFFFF80  }
0xcb: {  	_ =	swait.ge @!p0 [sflag:s31], $0x80  }
0xcc: {  	s29 =	simm.s32 @!p0 $0xB;
	[sflag:s31] =	ssyncset.done @!p0 $0x0  }
0xcd: {  	s30 =	simm.s32 @!p0 $0x40;
	[sflag:s31] =	ssyncadd.s32 @!p0 $0xFFFFFF80;
	s31 =	simm.s32 @!p0 $0x800  }
0xce: {  	[tilespmem:s31], [sflag:$0x9] =	stream.indirect.gather @!p0 [hbm4b:s4+s30], $0x80, s0, s30, $0xb8;
	[tilespmem:$0x1C800] =	vst v63  }
0xcf: {  	_ =	swait.ge @!p0 [sflag:s29], $0x2000  }
0xd0: {  	[sflag:s29] =	ssyncset.done @!p0 $0x0  }
0xd1: {  	s31 =	simm.s32 @!p0 $0x4800;
	[sflag:s29] =	ssyncadd.s32 @!p0 $0xFFFFE000;
	s29 =	simm.s32 @!p0 $0x700  }
0xd2: {  	[spmem:s1] =	stream.indirect.scatter.add.f32 @!p0 [tilespmem:s31], [sflag:$0xF], $0x80, s29, s30, $0xb8;
	[tilespmem:$0x1C800] =	vst v63  }
0xd3: {  	s29 =	simm.s32 @!p0 $0xE  }
0xd4: {  	_ =	swait.ge @!p0 [sflag:s29], $0x2000  }
0xd5: {  	[sflag:s29] =	ssyncset.done @!p0 $0x0  }
0xd6: {  	s2 =	sadd.s32 @!p0 $0x50, s2;
	[sflag:s29] =	ssyncadd.s32 @!p0 $0xFFFFE000;
	s29 =	simm.s32 @!p0 $0x280  }
0xd7: {  	[tilespmem:s29], [sflag:$0x6] =	stream.linear.gather @!p0 [hbm4b:s2+s0], $0x80, $0x38;
	[tilespmem:$0x1C800] =	vst v63  }
0xd8: {  	s2 =	sadd.s32 @!p0 $0x50, s5;
	s5 =	simm.s32 @!p0 $0x680  }
0xd9: {  	[tilespmem:s5], [sflag:$0x6] =	stream.linear.gather @!p0 [hbm4b:s2+s0], $0x80, $0x38;
	[tilespmem:$0x1C800] =	vst v63  }
0xda: {  	s0 =	simm.s32 @!p0 $0x2  }
0xdb: {  	_ =	swait.ge @!p0 [sflag:s0], $0x80  }
0xdc: {  	[sflag:s0] =	ssyncset.done @!p0 $0x0  }
0xdd: {  	[sflag:s0] =	ssyncadd.s32 @!p0 $0xFFFFFF80  }
0xde: {  	_ =	swait.ge @!p0 [sflag:s0], $0x80  }
0xdf: {  	[sflag:s0] =	ssyncset.done @!p0 $0x0  }
0xe0: {  	[sflag:s0] =	ssyncadd.s32 @!p0 $0xFFFFFF80;
	s0 =	simm.s32 @!p0 $0x2800  }
0xe1: {  	[tilespmem:s0], [sflag:$0xA] =	stream.indirect.gather @!p0 [hbm4b:s4+s30], $0x80, s16, s30, $0xb8;
	[tilespmem:$0x1C800] =	vst v63  }
0xe2: {  	p1 =	por $0x0, $0x0;
	_ =	swait.ge [sflag:s10], $0x2000  }
0xe3: {  	s29 =	simm.s32 $0x80;
	s30 =	simm.s32 $0x100;
	[sflag:s10] =	ssyncset.done $0x0  }
.LBB2_2:
0xe4: {  	s0 =	simm.s32 @!p1 $0xF;
	[sflag:s10] =	ssyncadd.s32 $0xFFFFE000;
	s14 =	simm.s32 $0x780  }
0xe5: {  	[spmem:s1] =	stream.indirect.scatter.add.f32 [tilespmem:s18], [sflag:$0x10], $0x80, s14, s8, $0xb8;
	[tilespmem:$0x1C800] =	vst v63  }
0xe6: {  	_ =	swait.ge @!p1 [sflag:s0], $0x2000  }
0xe7: {  	s11 =	simm.s32 $0x300;
	s2 =	rddreg [dreg:$0x6]  }
0xe8: {  	[sflag:s0] =	ssyncset.done @!p1 $0x0;
	s17 =	rddreg [dreg:$0x7];
	s2 =	sadd.s32 s29, s2  }
0xe9: {  	[sflag:s0] =	ssyncadd.s32 @!p1 $0xFFFFE000;
	s0 =	sadd.s32 s29, s17;
	s31 =	sadd.s32 $0x60, s2  }
0xea: {  	[tilespmem:s11], [sflag:$0x7] =	stream.linear.gather [hbm4b:s31+s3], $0x80, $0x38;
	[tilespmem:$0x1C800] =	vst v63  }
0xeb: {  	s12 =	rddreg [dreg:$0x8];
	s22 =	sadd.s32 $0x60, s0  }
0xec: {  	[tilespmem:s12], [sflag:$0x7] =	stream.linear.gather [hbm4b:s22+s3], $0x80, $0x38;
	[tilespmem:$0x1C800] =	vst v63  }
0xed: {  	_ =	swait.ge [sflag:s13], $0x80  }
0xee: {  	[sflag:s13] =	ssyncset.done $0x0  }
0xef: {  	[sflag:s13] =	ssyncadd.s32 $0xFFFFFF80  }
0xf0: {  	_ =	swait.ge [sflag:s13], $0x80  }
0xf1: {  	[sflag:s13] =	ssyncset.done $0x0  }
0xf2: {  	s9 =	simm.s32 $0x100;
	s7 =	simm.s32 $0x4800;
	[sflag:s13] =	ssyncadd.s32 $0xFFFFFF80  }
0xf3: {  	[tilespmem:s7], [sflag:$0xB] =	stream.indirect.gather [hbm4b:s4+s8], $0x80, s9, s8, $0xb8;
	[tilespmem:$0x1C800] =	vst v63  }
0xf4: {  	_ =	swait.ge [sflag:s15], $0x2000  }
0xf5: {  	s17 =	simm.s32 $0x800;
	[sflag:s15] =	ssyncset.done $0x0  }
0xf6: {  	s31 =	simm.s32 $0x400;
	s12 =	simm.s32 @!p1 $0x10;
	[sflag:s15] =	ssyncadd.s32 $0xFFFFE000  }
0xf7: {  	[spmem:s1] =	stream.indirect.scatter.add.f32 [tilespmem:s17], [sflag:$0xD], $0x80, s31, s8, $0xb8;
	[tilespmem:$0x1C800] =	vst v63  }
0xf8: {  	_ =	swait.ge @!p1 [sflag:s12], $0x2000  }
0xf9: {  	[sflag:s12] =	ssyncset.done @!p1 $0x0  }
0xfa: {  	s2 =	sadd.s32 $0x70, s2;
	s22 =	simm.s32 $0x380;
	[sflag:s12] =	ssyncadd.s32 @!p1 $0xFFFFE000  }
0xfb: {  	[tilespmem:s22], [sflag:$0x8] =	stream.linear.gather [hbm4b:s2+s3], $0x80, $0x38;
	[tilespmem:$0x1C800] =	vst v63  }
0xfc: {  	s0 =	sadd.s32 $0x70, s0  }
0xfd: {  	[tilespmem:s14], [sflag:$0x8] =	stream.linear.gather [hbm4b:s0+s3], $0x80, $0x38;
	[tilespmem:$0x1C800] =	vst v63  }
0xfe: {  	_ =	swait.ge [sflag:s24], $0x80  }
0xff: {  	[sflag:s24] =	ssyncset.done $0x0  }
0x100: {  	[sflag:s24] =	ssyncadd.s32 $0xFFFFFF80  }
0x101: {  	_ =	swait.ge [sflag:s24], $0x80  }
0x102: {  	[sflag:s24] =	ssyncset.done $0x0  }
0x103: {  	s2 =	simm.s32 $0x180;
	[sflag:s24] =	ssyncadd.s32 $0xFFFFFF80  }
0x104: {  	[tilespmem:s18], [sflag:$0xC] =	stream.indirect.gather [hbm4b:s4+s8], $0x80, s2, s8, $0xb8;
	[tilespmem:$0x1C800] =	vst v63  }
0x105: {  	_ =	swait.ge [sflag:s19], $0x2000  }
0x106: {  	[sflag:s19] =	ssyncset.done $0x0  }
0x107: {  	s9 =	simm.s32 $0x480;
	s14 =	simm.s32 $0x2800;
	[sflag:s19] =	ssyncadd.s32 $0xFFFFE000  }
0x108: {  	[spmem:s1] =	stream.indirect.scatter.add.f32 [tilespmem:s14], [sflag:$0xE], $0x80, s9, s8, $0xb8;
	[tilespmem:$0x1C800] =	vst v63  }
0x109: {  	p1 =	seq.s32 s29, $0x980;
	_ =	swait.ge [sflag:s20], $0x2000  }
0x10a: {  	s31 =	simm.s32 @!p1 $0x0;
	s0 =	rddreg [dreg:$0x4];
	[sflag:s20] =	ssyncset.done $0x0  }
0x10b: {  	s2 =	rddreg [dreg:$0x5];
	[sflag:s20] =	ssyncadd.s32 $0xFFFFE000;
	s0 =	sadd.s32 @!p1 s29, s0  }
0x10c: {  	[tilespmem:s31], [sflag:$0x1] =	stream.linear.gather @!p1 [hbm4b:s0+s31], $0x80, $0x38;
	[tilespmem:$0x1C800] =	vst v63  }
0x10d: {  	s12 =	simm.s32 @!p1 $0x400;
	s2 =	sadd.s32 @!p1 s29, s2  }
0x10e: {  	[tilespmem:s12], [sflag:$0x1] =	stream.linear.gather @!p1 [hbm4b:s2+s31], $0x80, $0x38;
	[tilespmem:$0x1C800] =	vst v63  }
0x10f: {  	_ =	swait.ge [sflag:s21], $0x80  }
0x110: {  	[sflag:s21] =	ssyncset.done $0x0  }
0x111: {  	[sflag:s21] =	ssyncadd.s32 $0xFFFFFF80  }
0x112: {  	_ =	swait.ge [sflag:s21], $0x80  }
0x113: {  	[sflag:s21] =	ssyncset.done $0x0  }
0x114: {  	s16 =	simm.s32 $0xB;
	s12 =	simm.s32 $0x200;
	[sflag:s21] =	ssyncadd.s32 $0xFFFFFF80  }
0x115: {  	[tilespmem:s17], [sflag:$0x9] =	stream.indirect.gather [hbm4b:s4+s8], $0x80, s12, s8, $0xb8;
	[tilespmem:$0x1C800] =	vst v63  }
0x116: {  	_ =	swait.ge [sflag:s16], $0x2000  }
0x117: {  	[sflag:s16] =	ssyncset.done $0x0  }
0x118: {  	s9 =	simm.s32 $0x500;
	s12 =	simm.s32 $0xE;
	[sflag:s16] =	ssyncadd.s32 $0xFFFFE000  }
0x119: {  	[spmem:s1] =	stream.indirect.scatter.add.f32 [tilespmem:s7], [sflag:$0xF], $0x80, s9, s8, $0xb8;
	[tilespmem:$0x1C800] =	vst v63  }
0x11a: {  	s5 =	smov.u32 s30;
	_ =	swait.ge [sflag:s12], $0x2000  }
0x11b: {  	s29 =	smov.u32 s5;
	[sflag:s12] =	ssyncset.done $0x0  }
0x11c: {  	s5 =	simm.s32 @!p1 $0x80;
	[sflag:s12] =	ssyncadd.s32 $0xFFFFE000;
	s12 =	sadd.s32 @!p1 $0x10, s0  }
0x11d: {  	[tilespmem:s5], [sflag:$0x2] =	stream.linear.gather @!p1 [hbm4b:s12+s31], $0x80, $0x38;
	[tilespmem:$0x1C800] =	vst v63  }
0x11e: {  	s16 =	simm.s32 @!p1 $0x480;
	s12 =	sadd.s32 @!p1 $0x10, s2  }
0x11f: {  	[tilespmem:s16], [sflag:$0x2] =	stream.linear.gather @!p1 [hbm4b:s12+s31], $0x80, $0x38;
	[tilespmem:$0x1C800] =	vst v63  }
0x120: {  	_ =	swait.ge [sflag:s6], $0x80  }
0x121: {  	[sflag:s6] =	ssyncset.done $0x0  }
0x122: {  	[sflag:s6] =	ssyncadd.s32 $0xFFFFFF80  }
0x123: {  	_ =	swait.ge [sflag:s6], $0x80  }
0x124: {  	[sflag:s6] =	ssyncset.done $0x0  }
0x125: {  	s16 =	simm.s32 $0x280;
	[sflag:s6] =	ssyncadd.s32 $0xFFFFFF80  }
0x126: {  	[tilespmem:s14], [sflag:$0xA] =	stream.indirect.gather [hbm4b:s4+s8], $0x80, s16, s8, $0xb8;
	[tilespmem:$0x1C800] =	vst v63  }
0x127: {  	_ =	swait.ge [sflag:s10], $0x2000  }
0x128: {  	[sflag:s10] =	ssyncset.done $0x0  }
0x129: {  	s12 =	simm.s32 $0x580;
	[sflag:s10] =	ssyncadd.s32 $0xFFFFE000  }
0x12a: {  	[spmem:s1] =	stream.indirect.scatter.add.f32 [tilespmem:s18], [sflag:$0x10], $0x80, s12, s8, $0xb8;
	[tilespmem:$0x1C800] =	vst v63  }
0x12b: {  	_ =	swait.ge [sflag:s23], $0x2000  }
0x12c: {  	[sflag:s23] =	ssyncset.done $0x0  }
0x12d: {  	s16 =	simm.s32 @!p1 $0x100;
	s12 =	sadd.s32 @!p1 $0x20, s0;
	[sflag:s23] =	ssyncadd.s32 $0xFFFFE000  }
0x12e: {  	[tilespmem:s16], [sflag:$0x3] =	stream.linear.gather @!p1 [hbm4b:s12+s31], $0x80, $0x38;
	[tilespmem:$0x1C800] =	vst v63  }
0x12f: {  	s12 =	sadd.s32 @!p1 $0x20, s2;
	s16 =	simm.s32 @!p1 $0x500  }
0x130: {  	[tilespmem:s16], [sflag:$0x3] =	stream.linear.gather @!p1 [hbm4b:s12+s31], $0x80, $0x38;
	[tilespmem:$0x1C800] =	vst v63  }
0x131: {  	_ =	swait.ge [sflag:s25], $0x80  }
0x132: {  	[sflag:s25] =	ssyncset.done $0x0  }
0x133: {  	[sflag:s25] =	ssyncadd.s32 $0xFFFFFF80  }
0x134: {  	_ =	swait.ge [sflag:s25], $0x80  }
0x135: {  	[sflag:s25] =	ssyncset.done $0x0  }
0x136: {  	[sflag:s25] =	ssyncadd.s32 $0xFFFFFF80  }
0x137: {  	[tilespmem:s7], [sflag:$0xB] =	stream.indirect.gather [hbm4b:s4+s8], $0x80, s11, s8, $0xb8;
	[tilespmem:$0x1C800] =	vst v63  }
0x138: {  	_ =	swait.ge [sflag:s15], $0x2000  }
0x139: {  	[sflag:s15] =	ssyncset.done $0x0  }
0x13a: {  	s16 =	simm.s32 $0x600;
	[sflag:s15] =	ssyncadd.s32 $0xFFFFE000  }
0x13b: {  	[spmem:s1] =	stream.indirect.scatter.add.f32 [tilespmem:s17], [sflag:$0xD], $0x80, s16, s8, $0xb8;
	[tilespmem:$0x1C800] =	vst v63  }
0x13c: {  	_ =	swait.ge [sflag:s26], $0x2000  }
0x13d: {  	[sflag:s26] =	ssyncset.done $0x0  }
0x13e: {  	s12 =	sadd.s32 @!p1 $0x30, s0;
	s16 =	simm.s32 @!p1 $0x180;
	[sflag:s26] =	ssyncadd.s32 $0xFFFFE000  }
0x13f: {  	[tilespmem:s16], [sflag:$0x4] =	stream.linear.gather @!p1 [hbm4b:s12+s31], $0x80, $0x38;
	[tilespmem:$0x1C800] =	vst v63  }
0x140: {  	s12 =	sadd.s32 @!p1 $0x30, s2;
	s16 =	simm.s32 @!p1 $0x580  }
0x141: {  	[tilespmem:s16], [sflag:$0x4] =	stream.linear.gather @!p1 [hbm4b:s12+s31], $0x80, $0x38;
	[tilespmem:$0x1C800] =	vst v63  }
0x142: {  	_ =	swait.ge [sflag:s28], $0x80  }
0x143: {  	[sflag:s28] =	ssyncset.done $0x0  }
0x144: {  	[sflag:s28] =	ssyncadd.s32 $0xFFFFFF80  }
0x145: {  	_ =	swait.ge [sflag:s28], $0x80  }
0x146: {  	[sflag:s28] =	ssyncset.done $0x0  }
0x147: {  	[sflag:s28] =	ssyncadd.s32 $0xFFFFFF80  }
0x148: {  	[tilespmem:s18], [sflag:$0xC] =	stream.indirect.gather [hbm4b:s4+s8], $0x80, s22, s8, $0xb8;
	[tilespmem:$0x1C800] =	vst v63  }
0x149: {  	_ =	swait.ge [sflag:s19], $0x2000  }
0x14a: {  	[sflag:s19] =	ssyncset.done $0x0  }
0x14b: {  	s22 =	simm.s32 $0x680;
	[sflag:s19] =	ssyncadd.s32 $0xFFFFE000  }
0x14c: {  	[spmem:s1] =	stream.indirect.scatter.add.f32 [tilespmem:s14], [sflag:$0xE], $0x80, s22, s8, $0xb8;
	[tilespmem:$0x1C800] =	vst v63  }
0x14d: {  	_ =	swait.ge [sflag:s20], $0x2000  }
0x14e: {  	[sflag:s20] =	ssyncset.done $0x0  }
0x14f: {  	s12 =	simm.s32 @p1 $0xB;
	[sflag:s20] =	ssyncadd.s32 $0xFFFFE000  }
0x150: {  	_ =	swait.ge @p1 [sflag:s12], $0x2000  }
0x151: {  	s9 =	simm.s32 @p1 $0x700;
	s17 =	simm.s32 @p1 $0xE;
	[sflag:s12] =	ssyncset.done @p1 $0x0  }
0x152: {  	s16 =	simm.s32 @p1 $0x4800;
	[sflag:s12] =	ssyncadd.s32 @p1 $0xFFFFE000;
	s12 =	simm.s32 @p1 $0x40  }
0x153: {  	[spmem:s1] =	stream.indirect.scatter.add.f32 @p1 [tilespmem:s16], [sflag:$0xF], $0x80, s9, s12, $0xb8;
	[tilespmem:$0x1C800] =	vst v63  }
0x154: {  	_ =	swait.ge @p1 [sflag:s17], $0x2000  }
0x155: {  	[sflag:s17] =	ssyncset.done @p1 $0x0  }
0x156: {  	s9 =	sadd.s32 @!p1 $0x40, s0;
	s12 =	simm.s32 @!p1 $0x200;
	[sflag:s17] =	ssyncadd.s32 @p1 $0xFFFFE000  }
0x157: {  	[tilespmem:s12], [sflag:$0x5] =	stream.linear.gather @!p1 [hbm4b:s9+s31], $0x80, $0x38;
	[tilespmem:$0x1C800] =	vst v63  }
0x158: {  	s16 =	simm.s32 @!p1 $0x1;
	s9 =	sadd.s32 @!p1 $0x40, s2;
	s12 =	simm.s32 @!p1 $0x600  }
0x159: {  	[tilespmem:s12], [sflag:$0x5] =	stream.linear.gather @!p1 [hbm4b:s9+s31], $0x80, $0x38;
	[tilespmem:$0x1C800] =	vst v63  }
0x15a: {  	_ =	swait.ge @!p1 [sflag:s16], $0x80  }
0x15b: {  	[sflag:s16] =	ssyncset.done @!p1 $0x0  }
0x15c: {  	[sflag:s16] =	ssyncadd.s32 @!p1 $0xFFFFFF80  }
0x15d: {  	_ =	swait.ge @!p1 [sflag:s16], $0x80  }
0x15e: {  	s9 =	simm.s32 @!p1 $0xB;
	[sflag:s16] =	ssyncset.done @!p1 $0x0  }
0x15f: {  	s12 =	simm.s32 @!p1 $0x40;
	[sflag:s16] =	ssyncadd.s32 @!p1 $0xFFFFFF80;
	s16 =	simm.s32 @!p1 $0x800  }
0x160: {  	[tilespmem:s16], [sflag:$0x9] =	stream.indirect.gather @!p1 [hbm4b:s4+s12], $0x80, s31, s12, $0xb8;
	[tilespmem:$0x1C800] =	vst v63  }
0x161: {  	_ =	swait.ge @!p1 [sflag:s9], $0x2000  }
0x162: {  	s17 =	simm.s32 @!p1 $0x4800;
	[sflag:s9] =	ssyncset.done @!p1 $0x0  }
0x163: {  	s16 =	simm.s32 @!p1 $0xE;
	[sflag:s9] =	ssyncadd.s32 @!p1 $0xFFFFE000;
	s9 =	simm.s32 @!p1 $0x700  }
0x164: {  	[spmem:s1] =	stream.indirect.scatter.add.f32 @!p1 [tilespmem:s17], [sflag:$0xF], $0x80, s9, s12, $0xb8;
	[tilespmem:$0x1C800] =	vst v63  }
0x165: {  	_ =	swait.ge @!p1 [sflag:s16], $0x2000  }
0x166: {  	[sflag:s16] =	ssyncset.done @!p1 $0x0  }
0x167: {  	s0 =	sadd.s32 @!p1 $0x50, s0;
	s9 =	simm.s32 @!p1 $0x280;
	[sflag:s16] =	ssyncadd.s32 @!p1 $0xFFFFE000  }
0x168: {  	[tilespmem:s9], [sflag:$0x6] =	stream.linear.gather @!p1 [hbm4b:s0+s31], $0x80, $0x38;
	[tilespmem:$0x1C800] =	vst v63  }
0x169: {  	s0 =	sadd.s32 @!p1 $0x50, s2;
	s2 =	simm.s32 @!p1 $0x680;
	s9 =	simm.s32 @!p1 $0x2  }
0x16a: {  	[tilespmem:s2], [sflag:$0x6] =	stream.linear.gather @!p1 [hbm4b:s0+s31], $0x80, $0x38;
	[tilespmem:$0x1C800] =	vst v63  }
0x16b: {  	_ =	swait.ge @!p1 [sflag:s9], $0x80  }
0x16c: {  	[sflag:s9] =	ssyncset.done @!p1 $0x0  }
0x16d: {  	s30 =	sadd.s32 $0x80, s30;
	[sflag:s9] =	ssyncadd.s32 @!p1 $0xFFFFFF80  }
0x16e: {  	p0 =	sne.s32 s30, $0xA00;
	_ =	swait.ge @!p1 [sflag:s9], $0x80  }
.Ltmp0:
0x16f: {  	[sflag:s9] =	ssyncset.done @!p1 $0x0;
	(pc) =	sbr.rel @p0 .LBB2_2-.Ltmp0, $4  }
0x170: {  	s0 =	simm.s32 @!p1 $0x2800;
	[sflag:s9] =	ssyncadd.s32 @!p1 $0xFFFFFF80  }
0x171: {  	[tilespmem:s0], [sflag:$0xA] =	stream.indirect.gather @!p1 [hbm4b:s4+s12], $0x80, s5, s12, $0xb8;
	[tilespmem:$0x1C800] =	vst v63  }
0x172: {  	_ =	swait.ge [sflag:s10], $0x2000  }
0x173: {  	p1 =	seq.s32 s29, $0x0;
	[sflag:s10] =	ssyncset.done $0x0  }
0x174: {  	s0 =	simm.s32 @!p1 $0xF;
	[sflag:s10] =	ssyncadd.s32 $0xFFFFE000;
	s30 =	simm.s32 $0x780  }
0x175: {  	[spmem:s1] =	stream.indirect.scatter.add.f32 [tilespmem:s18], [sflag:$0x10], $0x80, s30, s8, $0xb8;
	[tilespmem:$0x1C800] =	vst v63  }
0x176: {  	_ =	swait.ge @!p1 [sflag:s0], $0x2000  }
0x177: {  	s11 =	simm.s32 $0x300;
	s2 =	rddreg [dreg:$0x6]  }
0x178: {  	s5 =	rddreg [dreg:$0x7];
	[sflag:s0] =	ssyncset.done @!p1 $0x0;
	s14 =	sadd.s32 s29, s2  }
0x179: {  	[sflag:s0] =	ssyncadd.s32 @!p1 $0xFFFFE000;
	s5 =	sadd.s32 s29, s5;
	s2 =	sadd.s32 $0x60, s14  }
0x17a: {  	[tilespmem:s11], [sflag:$0x7] =	stream.linear.gather [hbm4b:s2+s3], $0x80, $0x38;
	[tilespmem:$0x1C800] =	vst v63  }
0x17b: {  	s9 =	rddreg [dreg:$0x8];
	s17 =	sadd.s32 $0x60, s5  }
0x17c: {  	[tilespmem:s9], [sflag:$0x7] =	stream.linear.gather [hbm4b:s17+s3], $0x80, $0x38;
	[tilespmem:$0x1C800] =	vst v63  }
0x17d: {  	_ =	swait.ge [sflag:s13], $0x80  }
0x17e: {  	[sflag:s13] =	ssyncset.done $0x0  }
0x17f: {  	[sflag:s13] =	ssyncadd.s32 $0xFFFFFF80  }
0x180: {  	_ =	swait.ge [sflag:s13], $0x80  }
0x181: {  	[sflag:s13] =	ssyncset.done $0x0  }
0x182: {  	s22 =	simm.s32 $0x100;
	s7 =	simm.s32 $0x4800;
	[sflag:s13] =	ssyncadd.s32 $0xFFFFFF80  }
0x183: {  	[tilespmem:s7], [sflag:$0xB] =	stream.indirect.gather [hbm4b:s4+s8], $0x80, s22, s8, $0xb8;
	[tilespmem:$0x1C800] =	vst v63  }
0x184: {  	_ =	swait.ge [sflag:s15], $0x2000  }
0x185: {  	s31 =	simm.s32 $0x400;
	[sflag:s15] =	ssyncset.done $0x0  }
0x186: {  	s16 =	simm.s32 $0x800;
	s2 =	simm.s32 @!p1 $0x10;
	[sflag:s15] =	ssyncadd.s32 $0xFFFFE000  }
0x187: {  	[spmem:s1] =	stream.indirect.scatter.add.f32 [tilespmem:s16], [sflag:$0xD], $0x80, s31, s8, $0xb8;
	[tilespmem:$0x1C800] =	vst v63  }
0x188: {  	_ =	swait.ge @!p1 [sflag:s2], $0x2000  }
0x189: {  	[sflag:s2] =	ssyncset.done @!p1 $0x0  }
0x18a: {  	s0 =	sadd.s32 $0x70, s14;
	s17 =	simm.s32 $0x380;
	[sflag:s2] =	ssyncadd.s32 @!p1 $0xFFFFE000  }
0x18b: {  	[tilespmem:s17], [sflag:$0x8] =	stream.linear.gather [hbm4b:s0+s3], $0x80, $0x38;
	[tilespmem:$0x1C800] =	vst v63  }
0x18c: {  	s5 =	sadd.s32 $0x70, s5  }
0x18d: {  	[tilespmem:s30], [sflag:$0x8] =	stream.linear.gather [hbm4b:s5+s3], $0x80, $0x38;
	[tilespmem:$0x1C800] =	vst v63  }
0x18e: {  	_ =	swait.ge [sflag:s24], $0x80  }
0x18f: {  	[sflag:s24] =	ssyncset.done $0x0  }
0x190: {  	[sflag:s24] =	ssyncadd.s32 $0xFFFFFF80  }
0x191: {  	_ =	swait.ge [sflag:s24], $0x80  }
0x192: {  	[sflag:s24] =	ssyncset.done $0x0  }
0x193: {  	s9 =	simm.s32 $0x180;
	[sflag:s24] =	ssyncadd.s32 $0xFFFFFF80  }
0x194: {  	[tilespmem:s18], [sflag:$0xC] =	stream.indirect.gather [hbm4b:s4+s8], $0x80, s9, s8, $0xb8;
	[tilespmem:$0x1C800] =	vst v63  }
0x195: {  	_ =	swait.ge [sflag:s19], $0x2000  }
0x196: {  	[sflag:s19] =	ssyncset.done $0x0  }
0x197: {  	s12 =	simm.s32 $0x480;
	s14 =	simm.s32 $0x2800;
	[sflag:s19] =	ssyncadd.s32 $0xFFFFE000  }
0x198: {  	[spmem:s1] =	stream.indirect.scatter.add.f32 [tilespmem:s14], [sflag:$0xE], $0x80, s12, s8, $0xb8;
	[tilespmem:$0x1C800] =	vst v63  }
0x199: {  	_ =	swait.ge [sflag:s20], $0x2000  }
0x19a: {  	s0 =	rddreg [dreg:$0x4]  }
0x19b: {  	p0 =	seq.s32 s29, $0x980;
	[sflag:s20] =	ssyncset.done $0x0;
	s5 =	rddreg [dreg:$0x5]  }
0x19c: {  	[sflag:s20] =	ssyncadd.s32 $0xFFFFE000;
	s2 =	sadd.s32 @!p0 s29, s0;
	s0 =	simm.s32 @!p0 $0x0  }
0x19d: {  	[tilespmem:s0], [sflag:$0x1] =	stream.linear.gather @!p0 [hbm4b:s2+s0], $0x80, $0x38;
	[tilespmem:$0x1C800] =	vst v63  }
0x19e: {  	s9 =	simm.s32 @!p0 $0x400;
	s5 =	sadd.s32 @!p0 s29, s5  }
0x19f: {  	[tilespmem:s9], [sflag:$0x1] =	stream.linear.gather @!p0 [hbm4b:s5+s0], $0x80, $0x38;
	[tilespmem:$0x1C800] =	vst v63  }
0x1a0: {  	_ =	swait.ge [sflag:s21], $0x80  }
0x1a1: {  	[sflag:s21] =	ssyncset.done $0x0  }
0x1a2: {  	[sflag:s21] =	ssyncadd.s32 $0xFFFFFF80  }
0x1a3: {  	_ =	swait.ge [sflag:s21], $0x80  }
0x1a4: {  	[sflag:s21] =	ssyncset.done $0x0  }
0x1a5: {  	s22 =	simm.s32 $0x200;
	s29 =	simm.s32 $0xB;
	[sflag:s21] =	ssyncadd.s32 $0xFFFFFF80  }
0x1a6: {  	[tilespmem:s16], [sflag:$0x9] =	stream.indirect.gather [hbm4b:s4+s8], $0x80, s22, s8, $0xb8;
	[tilespmem:$0x1C800] =	vst v63  }
0x1a7: {  	_ =	swait.ge [sflag:s29], $0x2000  }
0x1a8: {  	[sflag:s29] =	ssyncset.done $0x0  }
0x1a9: {  	s31 =	simm.s32 $0x500;
	s12 =	simm.s32 $0xE;
	[sflag:s29] =	ssyncadd.s32 $0xFFFFE000  }
0x1aa: {  	[spmem:s1] =	stream.indirect.scatter.add.f32 [tilespmem:s7], [sflag:$0xF], $0x80, s31, s8, $0xb8;
	[tilespmem:$0x1C800] =	vst v63  }
0x1ab: {  	_ =	swait.ge [sflag:s12], $0x2000  }
0x1ac: {  	[sflag:s12] =	ssyncset.done $0x0  }
0x1ad: {  	s9 =	sadd.s32 @!p0 $0x10, s2;
	s29 =	simm.s32 @!p0 $0x80;
	[sflag:s12] =	ssyncadd.s32 $0xFFFFE000  }
0x1ae: {  	[tilespmem:s29], [sflag:$0x2] =	stream.linear.gather @!p0 [hbm4b:s9+s0], $0x80, $0x38;
	[tilespmem:$0x1C800] =	vst v63  }
0x1af: {  	s12 =	simm.s32 @!p0 $0x480;
	s9 =	sadd.s32 @!p0 $0x10, s5  }
0x1b0: {  	[tilespmem:s12], [sflag:$0x2] =	stream.linear.gather @!p0 [hbm4b:s9+s0], $0x80, $0x38;
	[tilespmem:$0x1C800] =	vst v63  }
0x1b1: {  	_ =	swait.ge [sflag:s6], $0x80  }
0x1b2: {  	[sflag:s6] =	ssyncset.done $0x0  }
0x1b3: {  	[sflag:s6] =	ssyncadd.s32 $0xFFFFFF80  }
0x1b4: {  	_ =	swait.ge [sflag:s6], $0x80  }
0x1b5: {  	[sflag:s6] =	ssyncset.done $0x0  }
0x1b6: {  	s22 =	simm.s32 $0x280;
	[sflag:s6] =	ssyncadd.s32 $0xFFFFFF80  }
0x1b7: {  	[tilespmem:s14], [sflag:$0xA] =	stream.indirect.gather [hbm4b:s4+s8], $0x80, s22, s8, $0xb8;
	[tilespmem:$0x1C800] =	vst v63  }
0x1b8: {  	_ =	swait.ge [sflag:s10], $0x2000  }
0x1b9: {  	[sflag:s10] =	ssyncset.done $0x0  }
0x1ba: {  	s31 =	simm.s32 $0x580;
	[sflag:s10] =	ssyncadd.s32 $0xFFFFE000  }
0x1bb: {  	[spmem:s1] =	stream.indirect.scatter.add.f32 [tilespmem:s18], [sflag:$0x10], $0x80, s31, s8, $0xb8;
	[tilespmem:$0x1C800] =	vst v63  }
0x1bc: {  	_ =	swait.ge [sflag:s23], $0x2000  }
0x1bd: {  	[sflag:s23] =	ssyncset.done $0x0  }
0x1be: {  	s9 =	sadd.s32 @!p0 $0x20, s2;
	s12 =	simm.s32 @!p0 $0x100;
	[sflag:s23] =	ssyncadd.s32 $0xFFFFE000  }
0x1bf: {  	[tilespmem:s12], [sflag:$0x3] =	stream.linear.gather @!p0 [hbm4b:s9+s0], $0x80, $0x38;
	[tilespmem:$0x1C800] =	vst v63  }
0x1c0: {  	s9 =	sadd.s32 @!p0 $0x20, s5;
	s12 =	simm.s32 @!p0 $0x500  }
0x1c1: {  	[tilespmem:s12], [sflag:$0x3] =	stream.linear.gather @!p0 [hbm4b:s9+s0], $0x80, $0x38;
	[tilespmem:$0x1C800] =	vst v63  }
0x1c2: {  	_ =	swait.ge [sflag:s25], $0x80  }
0x1c3: {  	[sflag:s25] =	ssyncset.done $0x0  }
0x1c4: {  	[sflag:s25] =	ssyncadd.s32 $0xFFFFFF80  }
0x1c5: {  	_ =	swait.ge [sflag:s25], $0x80  }
0x1c6: {  	[sflag:s25] =	ssyncset.done $0x0  }
0x1c7: {  	[sflag:s25] =	ssyncadd.s32 $0xFFFFFF80  }
0x1c8: {  	[tilespmem:s7], [sflag:$0xB] =	stream.indirect.gather [hbm4b:s4+s8], $0x80, s11, s8, $0xb8;
	[tilespmem:$0x1C800] =	vst v63  }
0x1c9: {  	_ =	swait.ge [sflag:s15], $0x2000  }
0x1ca: {  	[sflag:s15] =	ssyncset.done $0x0  }
0x1cb: {  	s12 =	simm.s32 $0x600;
	[sflag:s15] =	ssyncadd.s32 $0xFFFFE000  }
0x1cc: {  	[spmem:s1] =	stream.indirect.scatter.add.f32 [tilespmem:s16], [sflag:$0xD], $0x80, s12, s8, $0xb8;
	[tilespmem:$0x1C800] =	vst v63  }
0x1cd: {  	_ =	swait.ge [sflag:s26], $0x2000  }
0x1ce: {  	[sflag:s26] =	ssyncset.done $0x0  }
0x1cf: {  	s9 =	sadd.s32 @!p0 $0x30, s2;
	s12 =	simm.s32 @!p0 $0x180;
	[sflag:s26] =	ssyncadd.s32 $0xFFFFE000  }
0x1d0: {  	[tilespmem:s12], [sflag:$0x4] =	stream.linear.gather @!p0 [hbm4b:s9+s0], $0x80, $0x38;
	[tilespmem:$0x1C800] =	vst v63  }
0x1d1: {  	s9 =	sadd.s32 @!p0 $0x30, s5;
	s12 =	simm.s32 @!p0 $0x580  }
0x1d2: {  	[tilespmem:s12], [sflag:$0x4] =	stream.linear.gather @!p0 [hbm4b:s9+s0], $0x80, $0x38;
	[tilespmem:$0x1C800] =	vst v63  }
0x1d3: {  	_ =	swait.ge [sflag:s28], $0x80  }
0x1d4: {  	[sflag:s28] =	ssyncset.done $0x0  }
0x1d5: {  	[sflag:s28] =	ssyncadd.s32 $0xFFFFFF80  }
0x1d6: {  	_ =	swait.ge [sflag:s28], $0x80  }
0x1d7: {  	[sflag:s28] =	ssyncset.done $0x0  }
0x1d8: {  	[sflag:s28] =	ssyncadd.s32 $0xFFFFFF80  }
0x1d9: {  	[tilespmem:s18], [sflag:$0xC] =	stream.indirect.gather [hbm4b:s4+s8], $0x80, s17, s8, $0xb8;
	[tilespmem:$0x1C800] =	vst v63  }
0x1da: {  	_ =	swait.ge [sflag:s19], $0x2000  }
0x1db: {  	[sflag:s19] =	ssyncset.done $0x0  }
0x1dc: {  	s16 =	simm.s32 $0x680;
	[sflag:s19] =	ssyncadd.s32 $0xFFFFE000  }
0x1dd: {  	[spmem:s1] =	stream.indirect.scatter.add.f32 [tilespmem:s14], [sflag:$0xE], $0x80, s16, s8, $0xb8;
	[tilespmem:$0x1C800] =	vst v63  }
0x1de: {  	_ =	swait.ge [sflag:s20], $0x2000  }
0x1df: {  	[sflag:s20] =	ssyncset.done $0x0  }
0x1e0: {  	s9 =	simm.s32 @p0 $0xB;
	[sflag:s20] =	ssyncadd.s32 $0xFFFFE000  }
0x1e1: {  	_ =	swait.ge @p0 [sflag:s9], $0x2000  }
0x1e2: {  	s12 =	simm.s32 @p0 $0x4800;
	[sflag:s9] =	ssyncset.done @p0 $0x0  }
0x1e3: {  	s16 =	simm.s32 @p0 $0x700;
	[sflag:s9] =	ssyncadd.s32 @p0 $0xFFFFE000;
	s9 =	simm.s32 @p0 $0x40  }
0x1e4: {  	[spmem:s1] =	stream.indirect.scatter.add.f32 @p0 [tilespmem:s12], [sflag:$0xF], $0x80, s16, s9, $0xb8;
	[tilespmem:$0x1C800] =	vst v63  }
0x1e5: {  	s9 =	simm.s32 @p0 $0xE  }
0x1e6: {  	_ =	swait.ge @p0 [sflag:s9], $0x2000  }
0x1e7: {  	[sflag:s9] =	ssyncset.done @p0 $0x0  }
0x1e8: {  	s12 =	simm.s32 @!p0 $0x200;
	[sflag:s9] =	ssyncadd.s32 @p0 $0xFFFFE000;
	s9 =	sadd.s32 @!p0 $0x40, s2  }
0x1e9: {  	[tilespmem:s12], [sflag:$0x5] =	stream.linear.gather @!p0 [hbm4b:s9+s0], $0x80, $0x38;
	[tilespmem:$0x1C800] =	vst v63  }
0x1ea: {  	s16 =	simm.s32 @!p0 $0x1;
	s9 =	sadd.s32 @!p0 $0x40, s5;
	s12 =	simm.s32 @!p0 $0x600  }
0x1eb: {  	[tilespmem:s12], [sflag:$0x5] =	stream.linear.gather @!p0 [hbm4b:s9+s0], $0x80, $0x38;
	[tilespmem:$0x1C800] =	vst v63  }
0x1ec: {  	_ =	swait.ge @!p0 [sflag:s16], $0x80  }
0x1ed: {  	[sflag:s16] =	ssyncset.done @!p0 $0x0  }
0x1ee: {  	[sflag:s16] =	ssyncadd.s32 @!p0 $0xFFFFFF80  }
0x1ef: {  	_ =	swait.ge @!p0 [sflag:s16], $0x80  }
0x1f0: {  	s9 =	simm.s32 @!p0 $0xB;
	[sflag:s16] =	ssyncset.done @!p0 $0x0  }
0x1f1: {  	s12 =	simm.s32 @!p0 $0x40;
	[sflag:s16] =	ssyncadd.s32 @!p0 $0xFFFFFF80;
	s16 =	simm.s32 @!p0 $0x800  }
0x1f2: {  	[tilespmem:s16], [sflag:$0x9] =	stream.indirect.gather @!p0 [hbm4b:s4+s12], $0x80, s0, s12, $0xb8;
	[tilespmem:$0x1C800] =	vst v63  }
0x1f3: {  	_ =	swait.ge @!p0 [sflag:s9], $0x2000  }
0x1f4: {  	[sflag:s9] =	ssyncset.done @!p0 $0x0  }
0x1f5: {  	s16 =	simm.s32 @!p0 $0x4800;
	[sflag:s9] =	ssyncadd.s32 @!p0 $0xFFFFE000;
	s9 =	simm.s32 @!p0 $0x700  }
0x1f6: {  	[spmem:s1] =	stream.indirect.scatter.add.f32 @!p0 [tilespmem:s16], [sflag:$0xF], $0x80, s9, s12, $0xb8;
	[tilespmem:$0x1C800] =	vst v63  }
0x1f7: {  	s9 =	simm.s32 @!p0 $0xE  }
0x1f8: {  	_ =	swait.ge @!p0 [sflag:s9], $0x2000  }
0x1f9: {  	[sflag:s9] =	ssyncset.done @!p0 $0x0  }
0x1fa: {  	s2 =	sadd.s32 @!p0 $0x50, s2;
	[sflag:s9] =	ssyncadd.s32 @!p0 $0xFFFFE000;
	s9 =	simm.s32 @!p0 $0x280  }
0x1fb: {  	[tilespmem:s9], [sflag:$0x6] =	stream.linear.gather @!p0 [hbm4b:s2+s0], $0x80, $0x38;
	[tilespmem:$0x1C800] =	vst v63  }
0x1fc: {  	s2 =	sadd.s32 @!p0 $0x50, s5;
	s5 =	simm.s32 @!p0 $0x680  }
0x1fd: {  	[tilespmem:s5], [sflag:$0x6] =	stream.linear.gather @!p0 [hbm4b:s2+s0], $0x80, $0x38;
	[tilespmem:$0x1C800] =	vst v63  }
0x1fe: {  	s0 =	simm.s32 @!p0 $0x2  }
0x1ff: {  	_ =	swait.ge @!p0 [sflag:s0], $0x80  }
0x200: {  	[sflag:s0] =	ssyncset.done @!p0 $0x0  }
0x201: {  	[sflag:s0] =	ssyncadd.s32 @!p0 $0xFFFFFF80  }
0x202: {  	_ =	swait.ge @!p0 [sflag:s0], $0x80  }
0x203: {  	[sflag:s0] =	ssyncset.done @!p0 $0x0  }
0x204: {  	[sflag:s0] =	ssyncadd.s32 @!p0 $0xFFFFFF80;
	s0 =	simm.s32 @!p0 $0x2800  }
0x205: {  	[tilespmem:s0], [sflag:$0xA] =	stream.indirect.gather @!p0 [hbm4b:s4+s12], $0x80, s29, s12, $0xb8;
	[tilespmem:$0x1C800] =	vst v63  }
0x206: {  	_ =	swait.ge [sflag:s10], $0x2000  }
0x207: {  	[sflag:s10] =	ssyncset.done $0x0  }
0x208: {  	[sflag:s10] =	ssyncadd.s32 $0xFFFFE000  }
0x209: {  	[spmem:s1] =	stream.indirect.scatter.add.f32 [tilespmem:s18], [sflag:$0x10], $0x80, s30, s8, $0xb8;
	[tilespmem:$0x1C800] =	vst v63  }
0x20a: {  	_ =	swait.ge [sflag:s23], $0x2000  }
0x20b: {  	[sflag:s23] =	ssyncset.done $0x0  }
0x20c: {  	[sflag:s23] =	ssyncadd.s32 $0xFFFFE000  }
0x20d: {  	_ =	swait.ge [sflag:s26], $0x2000  }
0x20e: {  	[sflag:s26] =	ssyncset.done $0x0  }
0x20f: {  	[sflag:s26] =	ssyncadd.s32 $0xFFFFE000  }
0x210: {  	[bflag:$0x0] =	sbarrier.arrive $0xFFFF  }
0x211: {  	s12 =	rddreg [dreg:$0xb]  }
0x212: {  	s17 =	rddreg [dreg:$0x18]  }
0x213: {  	s2 =	simm.s32 $0x11;
	s29 =	rddreg [dreg:$0x1b]  }
0x214: {  	[hbm:s17], [sflag:s12] =	dma.local [spmem:s29], $0x2800  }
0x215: {  	_ =	swait.ge [sflag:s2], $0x2800  }
0x216: {  	s30 =	rddreg [dreg:$0x1a]  }
0x217: {  	s31 =	rddreg [dreg:$0x19];
	s5 =	sadd.s32 $0x1, s30  }
0x218: {  	p0 =	sne.s32 s5, s31  }
.Ltmp1:
0x219: {  	_ = 	snop;
	(pc) =	sbr.rel @p0 .LBB2_1-.Ltmp1, $3  }
0x21a: {  	_ =	sdelay $0x1  }
0x21b: {  	[sflag:s2] =	ssyncset.done $0x0  }
0x21c: {  	s22 =	simm.s32 $0x780;
	[sflag:s2] =	ssyncadd.s32 $0xFFFFD800  }
0x21d: {  	_ =	sfence.sel $0x180000  }
0x21e: {  	[bflag:$0x0] =	sbarrier.arrive $0xFFFF  }
0x21f: {  	_ =	strace $0x9000004D  }
0x220: {  	s0 =	stileid.u32;
	[bflag:$0x2] =	sbarrier.arrive $0xFFFF  }
0x221: {  	p0 =	sne.s32 s0, $0x0;
	s0 =	rddreg [dreg:$0x3]  }
0x222: {  	s0 =	sadd.s32 @!p0 $0x100000, s0  }
0x223: {  	[sflag:s0] =	ssyncadd.tile.s32 @!p0 $0x1;
	_ =	shalt  }
.Lfunc_end2:
_tile_overlayer_lowered:
.L_overlay_start_2:
0x224: {  	(tag) =	ssettag $0x2  }
0x225: {  	s0 =	rddreg [dreg:$0x0];
	s2 =	stileid.u32  }
0x226: {  	s1 =	rddreg [dreg:$0x1];
	p0 =	sne.s32 s2, $0x0  }
0x227: {  	s3 =	rddreg [dreg:$0x2];
	[bflag:$0x3] =	sbarrier.arrive $0xFFFF;
	s2 =	simm.s32 @!p0 $0x1C11  }
0x228: {  	[timem:s3], [sflag:s2] =	dma.local @!p0 [hbm:s0], s1  }
0x229: {  	s0 =	simm.s32 @!p0 $0x11  }
0x22a: {  	_ =	swait.ge @!p0 [sflag:s0], s1  }
0x22b: {  	s1 =	ssub.s32 @!p0 $0x0, s1;
	[sflag:s0] =	ssyncset.done @!p0 $0x0  }
0x22c: {  	[sflag:s0] =	ssyncadd.s32 @!p0 s1  }
0x22d: {  	[bflag:$0x3] =	sbarrier.arrive $0xFFFF  }
0x22e: {  	_ =	shalt  }

// kernel: kernel.8.cloned.1.call-start
scs
__scs_entry_jumppad:
0x0: {  	(pc) =	sbr.rel $0x88, $3  }
0x1: {  	(tag) =	ssettag $0x0;
	lr =	simm.s32 $0x1  }
0x2: {  	[smem:$0x3F9B] =	sst lr;
	_ =	strace $0xD0000000  }
0x3: {  	_ = 	snop  }
0x4: {  	_ = 	snop  }
0x5: {  	_ = 	snop  }
0x6: {  	_ = 	snop  }
0x7: {  	_ = 	snop  }
__scs_overlays_trampoline_lowered:
0x8: {  	[smem:$0x3FAA] =	sst s0  }
0x9: {  	[smem:$0x3FAB] =	sst s1  }
0xa: {  	[smem:$0x3FAC] =	sst s2  }
0xb: {  	[smem:$0x3FAD] =	sst s3  }
0xc: {  	[smem:$0x3FAE] =	sst s4  }
0xd: {  	[smem:$0x3FAF] =	sst s5  }
0xe: {  	[smem:$0x3FB0] =	sst s6  }
0xf: {  	[smem:$0x3FB1] =	sst s7  }
0x10: {  	[smem:$0x3FB2] =	sst s8  }
0x11: {  	[smem:$0x3FB3] =	sst s9;
	s0 =	simm.s32 @!p0 $0x0  }
0x12: {  	s1 =	sld [smem:$0x3F99];
	s0 =	simm.s32 @p0 $0x1  }
0x13: {  	[smem:$0x3FB4] =	sst s0;
	s0 =	simm.s32 @!p1 $0x0  }
0x14: {  	s2 =	sld [smem:$0x3F98];
	s0 =	simm.s32 @p1 $0x1  }
0x15: {  	[smem:$0x3FB5] =	sst s0;
	s0 =	simm.s32 @!p2 $0x0  }
0x16: {  	s3 =	sld [smem:$0x3FDB];
	s0 =	simm.s32 @p2 $0x1  }
0x17: {  	s4 =	simm.s32 $0x1BF5;
	[smem:$0x3FB7] =	sst s0  }
0x18: {  	s0 =	sld [smem:$0x3F9A];
	_ =	swait.ge [sflag:s4], $0x0  }
0x19: {  	s7 =	sld [smem:$0x3F9B]  }
0x1a: {  	s8 =	sadd.s32 $0xFFFFE003, lr  }
0x1b: {  	s9 =	sadd.s32 $0xFFFFFEF7, lr;
	s5 =	simm.s32 $0xFFFFFFFF;
	p2 =	slt.u32 s8, $0xFFFFF086  }
0x1c: {  	p1 =	slt.u32 s9, $0xF7A;
	s5 =	simm.s32 @!p2 $0x0  }
0x1d: {  	s5 =	simm.s32 @p1 $0x1;
	p0 =	seq.s32 s7, s2  }
0x1e: {  	s7 =	smul.u32 @!p0 $0xF7A, s2;
	p2 =	seq.s32 @!p0 s5, $0x0  }
0x1f: {  	s9 =	smul.u32 $0xF7A, s1;
	s8 =	simm.s32 @!p0 $0x1BF5;
	p2 =	por !p2, p0  }
0x20: {  	[sflag:s8] =	ssyncset.s32 @!p0 $0xFFFFF086;
	s6 =	sadd.s32 @!p0 s3, s7;
	s7 =	simm.s32 @!p0 $0x108  }
0x21: {  	s3 =	sadd.s32 s3, s9;
	s6 =	sadd.s32 @!p0 $0x88, s6;
	s7 =	simm.s32 @p2 $0x1082  }
0x22: {  	[simem:s7], [sflag:s8] =	dma.local @!p0 [hbm:s6], $0xF7A  }
0x23: {  	s9 =	sor.u32 $0xD0000000, s2;
	s6 =	simm.s32 $0x108;
	_ =	swait.ge @!p0 [sflag:s8], $0x0  }
0x24: {  	s3 =	sadd.s32 $0x88, s3;
	s6 =	simm.s32 @!p1 $0x1082;
	[sflag:s4] =	ssyncset.s32 $0xFFFFF086  }
0x25: {  	[simem:s6], [sflag:s4] =	dma.local [hbm:s3], $0xF7A  }
0x26: {  	[smem:$0x3F9B] =	sst s1;
	(tag) =	ssettag s2;
	_ =	strace s9  }
0x27: {  	s1 =	sld [smem:$0x3FAB]  }
0x28: {  	s2 =	sld [smem:$0x3FAC]  }
0x29: {  	s4 =	sld [smem:$0x3FAE]  }
0x2a: {  	p0 =	seq.s32 s5, $0x0;
	s5 =	sld [smem:$0x3FAF]  }
0x2b: {  	s6 =	sld [smem:$0x3FB0]  }
0x2c: {  	s7 =	sld [smem:$0x3FB1]  }
0x2d: {  	s3 =	simm.s32 $0x108;
	s8 =	sld [smem:$0x3FB2]  }
0x2e: {  	s3 =	simm.s32 @!p0 $0x1082;
	s9 =	sld [smem:$0x3FB3]  }
0x2f: {  	lr =	sadd.s32 s0, s3;
	s0 =	sld [smem:$0x3FAA]  }
0x30: {  	s3 =	sld [smem:$0x3FAD]  }
0x31: {  	[smem:$0x3FB6] =	sst s10  }
0x32: {  	s10 =	sld [smem:$0x3FB4];
	_ =	sdelay $0x3  }
0x33: {  	p0 =	seq.s32 s10, $0x1;
	s10 =	sld [smem:$0x3FB6];
	_ =	sdelay $0x3  }
0x34: {  	[smem:$0x3FB6] =	sst s10  }
0x35: {  	s10 =	sld [smem:$0x3FB5];
	_ =	sdelay $0x3  }
0x36: {  	p1 =	seq.s32 s10, $0x1;
	s10 =	sld [smem:$0x3FB6];
	_ =	sdelay $0x3  }
0x37: {  	[smem:$0x3FB6] =	sst s10  }
0x38: {  	s10 =	sld [smem:$0x3FB7]  }
0x39: {  	_ = 	snop;
	(pc) =	sbr.ind lr, $3  }
0x3a: {  	_ = 	snop  }
0x3b: {  	_ = 	snop  }
0x3c: {  	p2 =	seq.s32 s10, $0x1;
	s10 =	sld [smem:$0x3FB6]  }
0x3d: {  	_ =	shalt  }
0x3e: {  	_ =	shalt  }
0x3f: {  	_ =	shalt  }
0x40: {  	_ =	shalt  }
0x41: {  	_ =	shalt  }
0x42: {  	_ =	shalt  }
0x43: {  	_ =	shalt  }
0x44: {  	_ =	shalt  }
0x45: {  	_ =	shalt  }
0x46: {  	_ =	shalt  }
0x47: {  	_ =	shalt  }
0x48: {  	_ =	shalt  }
0x49: {  	_ =	shalt  }
0x4a: {  	_ =	shalt  }
0x4b: {  	_ =	shalt  }
0x4c: {  	_ =	shalt  }
0x4d: {  	_ =	shalt  }
0x4e: {  	_ =	shalt  }
0x4f: {  	_ =	shalt  }
0x50: {  	_ =	shalt  }
0x51: {  	_ =	shalt  }
0x52: {  	_ =	shalt  }
0x53: {  	_ =	shalt  }
0x54: {  	_ =	shalt  }
0x55: {  	_ =	shalt  }
0x56: {  	_ =	shalt  }
0x57: {  	_ =	shalt  }
0x58: {  	_ =	shalt  }
0x59: {  	_ =	shalt  }
0x5a: {  	_ =	shalt  }
0x5b: {  	_ =	shalt  }
0x5c: {  	_ =	shalt  }
0x5d: {  	_ =	shalt  }
0x5e: {  	_ =	shalt  }
0x5f: {  	_ =	shalt  }
0x60: {  	_ =	shalt  }
0x61: {  	_ =	shalt  }
0x62: {  	_ =	shalt  }
0x63: {  	_ =	shalt  }
0x64: {  	_ =	shalt  }
0x65: {  	_ =	shalt  }
0x66: {  	_ =	shalt  }
0x67: {  	_ =	shalt  }
0x68: {  	_ =	shalt  }
0x69: {  	_ =	shalt  }
0x6a: {  	_ =	shalt  }
0x6b: {  	_ =	shalt  }
0x6c: {  	_ =	shalt  }
0x6d: {  	_ =	shalt  }
0x6e: {  	_ =	shalt  }
0x6f: {  	_ =	shalt  }
0x70: {  	_ =	shalt  }
0x71: {  	_ =	shalt  }
0x72: {  	_ =	shalt  }
0x73: {  	_ =	shalt  }
0x74: {  	_ =	shalt  }
0x75: {  	_ =	shalt  }
0x76: {  	_ =	shalt  }
0x77: {  	_ =	shalt  }
0x78: {  	_ =	shalt  }
0x79: {  	_ =	shalt  }
0x7a: {  	_ =	shalt  }
0x7b: {  	_ =	shalt  }
0x7c: {  	_ =	shalt  }
0x7d: {  	_ =	shalt  }
0x7e: {  	_ =	shalt  }
0x7f: {  	_ =	shalt  }
0x80: {  	_ =	shalt  }
0x81: {  	_ =	shalt  }
0x82: {  	_ =	shalt  }
0x83: {  	_ =	shalt  }
0x84: {  	_ =	shalt  }
0x85: {  	_ =	shalt  }
0x86: {  	_ =	shalt  }
0x87: {  	_ =	shalt  }
.Lfunc_end0:
.L_simem_size_0:
called_computation_lowered:
.L_overlay_start_0:
0x88: {  	s2 =	sld [smem:$0x3FD9]  }
0x89: {  	s3 =	sld [smem:$0x3FFE];
	_ =	sdelay $0x1  }
0x8a: {  	s1 =	srdreg.scid  }
0x8b: {  	s0 =	sand.u32 $0x1, s1  }
0x8c: {  	s17 =	sshll.u32 s0, $0xA;
	s2 =	sadd.s32 s3, s2  }
0x8d: {  	s2 =	sadd.s32 s2, s17  }
0x8e: {  	[smem:$0x3FC2] =	sst s2  }
0x8f: {  	_ = 	snop  }
0x90: {  	s2 =	sld [smem:$0x3FD0];
	(tm) =	ssettm $0x1  }
0x91: {  	s18 =	sld [smem:$0x3FFB];
	_ =	sdelay $0x3  }
0x92: {  	_ =	strace s18  }
0x93: {  	s3 =	sld [smem:$0x3FFC];
	_ =	sdelay $0x3  }
0x94: {  	_ =	strace s3  }
0x95: {  	s3 =	sld [smem:$0x3FFD];
	_ =	sdelay $0x3  }
0x96: {  	_ =	strace s3  }
0x97: {  	_ =	strace $0x8FFFFFFF  }
0x98: {  	s19 =	sld [smem:$0x3FDB];
	_ =	sdelay $0x1  }
0x99: {  	s4 =	simm.s32 $_scs_section_size  }
0x9a: {  	s5 =	simm.s32 $_size__tile_overlayer_lowered;
	s6 =	simm.s32 $_tile_overlayer_lowered  }
0x9b: {  	s22 =	simm.s32 $0x1BFF;
	s21 =	sshll.u32 s6, $0x1;
	s3 =	sadd.s32 s4, s19  }
0x9c: {  	s7 =	simm.s32 $0x0;
	s20 =	sshll.u32 s5, $0x1;
	s5 =	sadd.s32 s21, s3  }
0x9d: {  	[timem:s7], [sflag:s22] =	dma.local [hbm:s5], s20  }
0x9e: {  	_ =	swait.ge [sflag:s22], s20  }
0x9f: {  	s4 =	ssub.s32 $0x0, s20;
	[sflag:s22] =	ssyncset.done $0x0  }
0xa0: {  	[sflag:s22] =	ssyncadd.s32 s4;
	_ =	sdelay $0x1  }
0xa1: {  	s23 =	simm.s32 $0x1B8B  }
0xa2: {  	_ =	swait.ge [sflag:s23], $0x1  }
0xa3: {  	[sflag:s23] =	ssyncset.done $0x0  }
0xa4: {  	s25 =	simm.s32 $0x1B8E;
	s24 =	sld [smem:$0x3FFE];
	[sflag:s23] =	ssyncadd.s32 $0xFFFFFFFF  }
0xa5: {  	s26 =	simm.s32 $execute0_lowered;
	[smem:$0x3FD2] =	sst s25  }
0xa6: {  	s5 =	sshll.u32 s26, $0x1;
	_ =	strace $0x80000046;
	[dreg:$0x1] =	wrdreg $0xFFFFFFFF  }
0xa7: {  	s28 =	simm.s32 $_size_execute0_lowered;
	s3 =	sadd.s32 s3, s5;
	[dreg:$0x0] =	wrdreg $0x0  }
0xa8: {  	s5 =	sshll.u32 s28, $0x1;
	[dreg:$0x2] =	wrdreg s3  }
0xa9: {  	[dreg:$0x3] =	wrdreg s5  }
0xaa: {  	[dreg:$0x4] =	wrdreg $0xC0  }
0xab: {  	_ =	task [dreg:s7], $0x5FFFF  }
0xac: {  	[dreg:$0x1] =	wrdreg $0xFFFFFFFF  }
0xad: {  	[dreg:$0x0] =	wrdreg $0x60  }
0xae: {  	[dreg:$0x2] =	wrdreg s2  }
0xaf: {  	[dreg:$0x3] =	wrdreg s24  }
0xb0: {  	[dreg:$0x4] =	wrdreg $0x88000  }
0xb1: {  	[dreg:$0x5] =	wrdreg $0x9  }
0xb2: {  	_ =	task.clear_ibuf [dreg:s7], $0x6FFFF;
	_ =	strace $0x90000046  }
0xb3: {  	s29 =	simm.s32 $0x9;
	_ =	strace $0x80000048  }
0xb4: {  	_ =	swait.ge [sflag:s29], $0x1  }
0xb5: {  	[sflag:s29] =	ssyncadd.s32 $0xFFFFFFFF  }
0xb6: {  	_ =	strace $0x90000048  }
0xb7: {  	_ =	sfence  }
0xb8: {  	s30 =	sld [smem:$0x0];
	_ =	sdelay $0x2  }
0xb9: {  	s31 =	sshll.u32 s1, $0xD;
	s1 =	sshrl.u32 s1, $0x2  }
0xba: {  	s3 =	sand.u32 $0x4000, s31;
	s1 =	sadd.s32 s1, s30  }
0xbb: {  	s0 =	sor.u32 s3, s0;
	s1 =	sshll.u32 s1, $0x11  }
0xbc: {  	s0 =	sor.u32 s1, s0  }
0xbd: {  	s0 =	sadd.s32 $0x8F2B, s0  }
0xbe: {  	[sflag:s0] =	ssyncadd.remote.s32 $0x1  }
0xbf: {  	_ =	sfence.sel $0xFFFF  }
0xc0: {  	[dreg:$0x0] =	wrdreg $0xFFFFFFFF;
	(pc) =	sbr.abs _section_cstart, $3  }
0xc1: {  	[dreg:$0x1] =	wrdreg $0xFFFFFFFF  }
0xc2: {  	_ =	task.clear_ibuf [dreg:s7], $0x2FFFF;
	_ =	strace $0x9FFFFFFF  }
0xc3: {  	(tm) =	ssettm $0x7FFFFFFF  }
tec
execute0_lowered:
.L_overlay_start_1:
0x0: {  	(tag) =	ssettag $0x1  }
0x1: {  	s0 =	rddreg [dreg:$0x0]  }
0x2: {  	s2 =	rddreg [dreg:$0x1]  }
0x3: {  	s1 =	rddreg [dreg:$0x2]  }
0x4: {  	s3 =	srdreg.scid;
	s11 =	stileid.u32  }
0x5: {  	s28 =	simm.s32 $0x8;
	s5 =	sand.u32 $0x1, s3;
	s3 =	simm.s32 $0x0  }
0x6: {  	s7 =	smul.u32 $0x14000, s11;
	s8 =	sadd.s32 $0x2000, s2;
	s4 =	sadd.s32 $0x18800, s2  }
0x7: {  	s29 =	sadd.s32 $0x16000, s2;
	s10 =	smul.u32 $0x50000, s11;
	s13 =	sshll.u32 s11, $0x6  }
0x8: {  	s6 =	smul.u32 $0x140000, s5;
	[smem:$0x7FF] =	sst s3;
	s30 =	sshll.u32 s5, $0x4  }
0x9: {  	s9 =	ssub.s32 $0x2, s5;
	s5 =	smul.u32 $0x50000, s5;
	_ =	strace $0x80000047  }
0xa: {  	[dreg:$0x9] =	wrdreg s29;
	s31 =	sshrl.u32 s9, $0x1;
	s6 =	sadd.s32 s7, s6  }
0xb: {  	s12 =	sshrl.u32 s10, $0x2;
	s7 =	sor.u32 s11, s30;
	s6 =	sshrl.u32 s6, $0x3  }
0xc: {  	s2 =	sadd.s32 s6, s2;
	s6 =	ssub.s32 s9, s31;
	s9 =	sadd.s32 s12, s1  }
0xd: {  	s11 =	smul.u32 $0x5000, s11;
	s31 =	simm.s32 $0x700;
	[dreg:$0xa] =	wrdreg s9  }
0xe: {  	s7 =	smul.u32 $0x5000, s7;
	s12 =	sor.u32 $0x1C11, s13;
	[dreg:$0x8] =	wrdreg s31  }
0xf: {  	s5 =	sadd.s32 s11, s5;
	s2 =	sadd.s32 $0x40800, s2;
	[dreg:$0xb] =	wrdreg s12  }
0x10: {  	s7 =	sshrl.u32 s7, $0x3;
	s30 =	smax.u32 s6, $0x1;
	[dreg:$0x18] =	wrdreg s2  }
0x11: {  	s11 =	sor.u32 $0x400, s5;
	s14 =	sadd.s32 s0, s7;
	[dreg:$0x19] =	wrdreg s30  }
0x12: {  	s5 =	sshrl.u32 s5, $0x3;
	s15 =	sadd.s32 s8, s7;
	[dreg:$0xc] =	wrdreg s14  }
0x13: {  	s16 =	sor.u32 $0x10, s7;
	s29 =	sadd.s32 s5, s8;
	[dreg:$0xd] =	wrdreg s15  }
0x14: {  	s6 =	simm.s32 $0x6;
	s13 =	sadd.s32 s0, s16;
	[dreg:$0x7] =	wrdreg s29  }
0x15: {  	s17 =	sor.u32 $0x20, s7;
	s9 =	sadd.s32 s8, s16;
	[dreg:$0xe] =	wrdreg s13  }
0x16: {  	s20 =	sor.u32 $0x30, s7;
	s18 =	sadd.s32 s0, s17;
	[dreg:$0xf] =	wrdreg s9  }
0x17: {  	s22 =	sor.u32 $0x40, s7;
	s19 =	sadd.s32 s8, s17;
	[dreg:$0x10] =	wrdreg s18  }
0x18: {  	s24 =	sshrl.u32 s11, $0x3;
	s21 =	sadd.s32 s0, s20;
	[dreg:$0x11] =	wrdreg s19  }
0x19: {  	s7 =	sor.u32 $0x50, s7;
	s23 =	sadd.s32 s0, s22;
	[dreg:$0x12] =	wrdreg s21  }
0x1a: {  	s2 =	simm.s32 $0x11;
	s10 =	sadd.s32 s8, s22;
	[dreg:$0x14] =	wrdreg s23  }
0x1b: {  	s25 =	sadd.s32 s24, s0;
	s26 =	sadd.s32 s0, s7;
	[dreg:$0x15] =	wrdreg s10  }
0x1c: {  	s0 =	sadd.s32 s5, s0;
	s7 =	sadd.s32 s8, s7;
	[dreg:$0x4] =	wrdreg s25  }
0x1d: {  	s15 =	simm.s32 $0x9;
	s22 =	simm.s32 $0x780;
	[dreg:$0x16] =	wrdreg s26  }
0x1e: {  	s5 =	simm.s32 $0x0;
	s9 =	sadd.s32 s8, s20;
	[dreg:$0x17] =	wrdreg s7  }
0x1f: {  	[dreg:$0x6] =	wrdreg s0;
	s13 =	simm.s32 $0x3;
	s18 =	simm.s32 $0x6800  }
0x20: {  	s19 =	simm.s32 $0xA;
	s20 =	simm.s32 $0xD;
	s21 =	simm.s32 $0x5  }
0x21: {  	s10 =	simm.s32 $0xC;
	s23 =	simm.s32 $0xF;
	s25 =	simm.s32 $0x7  }
0x22: {  	s26 =	simm.s32 $0x10;
	[dreg:$0x13] =	wrdreg s9;
	s9 =	sadd.s32 s24, s8  }
0x23: {  	s8 =	simm.s32 $0x40;
	s24 =	simm.s32 $0x4;
	[dreg:$0x5] =	wrdreg s9  }
.LBB2_1:
0x24: {  	[dreg:$0x1a] =	wrdreg s5  }
0x25: {  	s0 =	rddreg [dreg:$0xa]  }
0x26: {  	s17 =	rddreg [dreg:$0x9];
	s16 =	sshrl.u32 s0, $0x3  }
0x27: {  	[dreg:$0x1b] =	wrdreg s16  }
0x28: {  	[spmem:s16], [sflag:s12] =	dma.local [hbm:s17], $0x2800  }
0x29: {  	_ =	swait.ge [sflag:s2], $0x2800  }
0x2a: {  	[sflag:s2] =	ssyncset.done $0x0  }
0x2b: {  	s31 =	rddreg [dreg:$0xc];
	[sflag:s2] =	ssyncadd.s32 $0xFFFFD800  }
0x2c: {  	[tilespmem:s3], [sflag:$0x1] =	stream.linear.gather [hbm4b:s31+s3], $0x80, $0x38;
	[tilespmem:$0x1C800] =	vst v63  }
0x2d: {  	s9 =	simm.s32 $0x400;
	s2 =	rddreg [dreg:$0xd]  }
0x2e: {  	[tilespmem:s9], [sflag:$0x1] =	stream.linear.gather [hbm4b:s2+s3], $0x80, $0x38;
	[tilespmem:$0x1C800] =	vst v63  }
0x2f: {  	s5 =	rddreg [dreg:$0xe];
	s2 =	simm.s32 $0x80  }
0x30: {  	[tilespmem:s2], [sflag:$0x2] =	stream.linear.gather [hbm4b:s5+s3], $0x80, $0x38;
	[tilespmem:$0x1C800] =	vst v63  }
0x31: {  	s17 =	simm.s32 $0x480;
	s7 =	rddreg [dreg:$0xf]  }
0x32: {  	[tilespmem:s17], [sflag:$0x2] =	stream.linear.gather [hbm4b:s7+s3], $0x80, $0x38;
	[tilespmem:$0x1C800] =	vst v63  }
0x33: {  	s16 =	simm.s32 $0x100;
	s11 =	rddreg [dreg:$0x10]  }
0x34: {  	[tilespmem:s16], [sflag:$0x3] =	stream.linear.gather [hbm4b:s11+s3], $0x80, $0x38;
	[tilespmem:$0x1C800] =	vst v63  }
0x35: {  	s14 =	simm.s32 $0x500;
	s12 =	rddreg [dreg:$0x11]  }
0x36: {  	[tilespmem:s14], [sflag:$0x3] =	stream.linear.gather [hbm4b:s12+s3], $0x80, $0x38;
	[tilespmem:$0x1C800] =	vst v63  }
0x37: {  	s30 =	simm.s32 $0x180;
	s31 =	rddreg [dreg:$0x12]  }
0x38: {  	[tilespmem:s30], [sflag:$0x4] =	stream.linear.gather [hbm4b:s31+s3], $0x80, $0x38;
	[tilespmem:$0x1C800] =	vst v63  }
0x39: {  	s5 =	rddreg [dreg:$0x13];
	s7 =	simm.s32 $0x580  }
0x3a: {  	[tilespmem:s7], [sflag:$0x4] =	stream.linear.gather [hbm4b:s5+s3], $0x80, $0x38;
	[tilespmem:$0x1C800] =	vst v63  }
0x3b: {  	s11 =	rddreg [dreg:$0x14];
	s31 =	simm.s32 $0x200  }
0x3c: {  	[tilespmem:s31], [sflag:$0x5] =	stream.linear.gather [hbm4b:s11+s3], $0x80, $0x38;
	[tilespmem:$0x1C800] =	vst v63  }
0x3d: {  	s12 =	rddreg [dreg:$0x15];
	s14 =	simm.s32 $0x600  }
0x3e: {  	[tilespmem:s14], [sflag:$0x5] =	stream.linear.gather [hbm4b:s12+s3], $0x80, $0x38;
	[tilespmem:$0x1C800] =	vst v63  }
0x3f: {  	s5 =	rddreg [dreg:$0x16];
	s7 =	simm.s32 $0x280  }
0x40: {  	[tilespmem:s7], [sflag:$0x6] =	stream.linear.gather [hbm4b:s5+s3], $0x80, $0x38;
	[tilespmem:$0x1C800] =	vst v63  }
0x41: {  	s11 =	rddreg [dreg:$0x17];
	s12 =	simm.s32 $0x680;
	s14 =	simm.s32 $0x1  }
0x42: {  	[tilespmem:s12], [sflag:$0x6] =	stream.linear.gather [hbm4b:s11+s3], $0x80, $0x38;
	[tilespmem:$0x1C800] =	vst v63  }
0x43: {  	_ =	swait.ge [sflag:s14], $0x80  }
0x44: {  	[sflag:s14] =	ssyncset.done $0x0  }
0x45: {  	[sflag:s14] =	ssyncadd.s32 $0xFFFFFF80  }
0x46: {  	_ =	swait.ge [sflag:s14], $0x80  }
0x47: {  	[sflag:s14] =	ssyncset.done $0x0  }
0x48: {  	s5 =	simm.s32 $0x2;
	s12 =	simm.s32 $0x800;
	[sflag:s14] =	ssyncadd.s32 $0xFFFFFF80  }
0x49: {  	[tilespmem:s12], [sflag:$0x9] =	stream.indirect.gather [hbm4b:s4+s8], $0x80, s3, s8, $0xb8;
	[tilespmem:$0x1C800] =	vst v63  }
0x4a: {  	_ =	swait.ge [sflag:s5], $0x80  }
0x4b: {  	[sflag:s5] =	ssyncset.done $0x0  }
0x4c: {  	[sflag:s5] =	ssyncadd.s32 $0xFFFFFF80  }
0x4d: {  	_ =	swait.ge [sflag:s5], $0x80  }
0x4e: {  	[sflag:s5] =	ssyncset.done $0x0  }
0x4f: {  	p0 =	por $0x1, $0x1;
	s14 =	simm.s32 $0x2800;
	[sflag:s5] =	ssyncadd.s32 $0xFFFFFF80  }
0x50: {  	[tilespmem:s14], [sflag:$0xA] =	stream.indirect.gather [hbm4b:s4+s8], $0x80, s2, s8, $0xb8;
	[tilespmem:$0x1C800] =	vst v63  }
0x51: {  	s0 =	simm.s32 @!p0 $0xF;
	[bflag:$0x0] =	sbarrier.arrive $0xFFFF  }
0x52: {  	_ =	swait.ge @!p0 [sflag:s0], $0x2000  }
0x53: {  	s7 =	rddreg [dreg:$0x6];
	[sflag:s0] =	ssyncset.done @!p0 $0x0  }
0x54: {  	s11 =	rddreg [dreg:$0x7];
	[sflag:s0] =	ssyncadd.s32 @!p0 $0xFFFFE000;
	s0 =	sadd.s32 $0x0, s7  }
0x55: {  	s5 =	sadd.s32 $0x0, s11;
	s11 =	simm.s32 $0x300;
	s2 =	sadd.s32 $0x60, s0  }
0x56: {  	[tilespmem:s11], [sflag:$0x7] =	stream.linear.gather [hbm4b:s2+s3], $0x80, $0x38;
	[tilespmem:$0x1C800] =	vst v63  }
0x57: {  	s29 =	rddreg [dreg:$0x8];
	s7 =	sadd.s32 $0x60, s5  }
0x58: {  	[tilespmem:s29], [sflag:$0x7] =	stream.linear.gather [hbm4b:s7+s3], $0x80, $0x38;
	[tilespmem:$0x1C800] =	vst v63  }
0x59: {  	_ =	swait.ge [sflag:s13], $0x80  }
0x5a: {  	[sflag:s13] =	ssyncset.done $0x0  }
0x5b: {  	[sflag:s13] =	ssyncadd.s32 $0xFFFFFF80  }
0x5c: {  	_ =	swait.ge [sflag:s13], $0x80  }
0x5d: {  	[sflag:s13] =	ssyncset.done $0x0  }
0x5e: {  	s7 =	simm.s32 $0x4800;
	[sflag:s13] =	ssyncadd.s32 $0xFFFFFF80  }
0x5f: {  	[tilespmem:s7], [sflag:$0xB] =	stream.indirect.gather [hbm4b:s4+s8], $0x80, s16, s8, $0xb8;
	[tilespmem:$0x1C800] =	vst v63  }
0x60: {  	_ =	swait.ge [sflag:s15], $0x2000  }
0x61: {  	[sflag:s15] =	ssyncset.done $0x0  }
0x62: {  	s2 =	simm.s32 @!p0 $0x10;
	[sflag:s15] =	ssyncadd.s32 $0xFFFFE000  }
0x63: {  	[spmem:s1] =	stream.indirect.scatter.add.f32 [tilespmem:s12], [sflag:$0xD], $0x80, s9, s8, $0xb8;
	[tilespmem:$0x1C800] =	vst v63  }
0x64: {  	_ =	swait.ge @!p0 [sflag:s2], $0x2000  }
0x65: {  	[sflag:s2] =	ssyncset.done @!p0 $0x0  }
0x66: {  	s0 =	sadd.s32 $0x70, s0;
	s9 =	simm.s32 $0x380;
	[sflag:s2] =	ssyncadd.s32 @!p0 $0xFFFFE000  }
0x67: {  	[tilespmem:s9], [sflag:$0x8] =	stream.linear.gather [hbm4b:s0+s3], $0x80, $0x38;
	[tilespmem:$0x1C800] =	vst v63  }
0x68: {  	s16 =	sadd.s32 $0x70, s5  }
0x69: {  	[tilespmem:s22], [sflag:$0x8] =	stream.linear.gather [hbm4b:s16+s3], $0x80, $0x38;
	[tilespmem:$0x1C800] =	vst v63  }
0x6a: {  	_ =	swait.ge [sflag:s24], $0x80  }
0x6b: {  	[sflag:s24] =	ssyncset.done $0x0  }
0x6c: {  	[sflag:s24] =	ssyncadd.s32 $0xFFFFFF80  }
0x6d: {  	_ =	swait.ge [sflag:s24], $0x80  }
0x6e: {  	[sflag:s24] =	ssyncset.done $0x0  }
0x6f: {  	[sflag:s24] =	ssyncadd.s32 $0xFFFFFF80  }
0x70: {  	[tilespmem:s18], [sflag:$0xC] =	stream.indirect.gather [hbm4b:s4+s8], $0x80, s30, s8, $0xb8;
	[tilespmem:$0x1C800] =	vst v63  }
0x71: {  	_ =	swait.ge [sflag:s19], $0x2000  }
0x72: {  	[sflag:s19] =	ssyncset.done $0x0  }
0x73: {  	[sflag:s19] =	ssyncadd.s32 $0xFFFFE000  }
0x74: {  	[spmem:s1] =	stream.indirect.scatter.add.f32 [tilespmem:s14], [sflag:$0xE], $0x80, s17, s8, $0xb8;
	[tilespmem:$0x1C800] =	vst v63  }
0x75: {  	_ =	swait.ge [sflag:s20], $0x2000  }
0x76: {  	s0 =	rddreg [dreg:$0x4]  }
0x77: {  	p0 =	por $0x0, $0x0;
	[sflag:s20] =	ssyncset.done $0x0;
	s5 =	rddreg [dreg:$0x5]  }
0x78: {  	[sflag:s20] =	ssyncadd.s32 $0xFFFFE000;
	s2 =	sadd.s32 @!p0 $0x0, s0;
	s0 =	simm.s32 @!p0 $0x0  }
0x79: {  	[tilespmem:s0], [sflag:$0x1] =	stream.linear.gather @!p0 [hbm4b:s2+s0], $0x80, $0x38;
	[tilespmem:$0x1C800] =	vst v63  }
0x7a: {  	s29 =	simm.s32 @!p0 $0x400;
	s5 =	sadd.s32 @!p0 $0x0, s5  }
0x7b: {  	[tilespmem:s29], [sflag:$0x1] =	stream.linear.gather @!p0 [hbm4b:s5+s0], $0x80, $0x38;
	[tilespmem:$0x1C800] =	vst v63  }
0x7c: {  	_ =	swait.ge [sflag:s21], $0x80  }
0x7d: {  	[sflag:s21] =	ssyncset.done $0x0  }
0x7e: {  	[sflag:s21] =	ssyncadd.s32 $0xFFFFFF80  }
0x7f: {  	_ =	swait.ge [sflag:s21], $0x80  }
0x80: {  	[sflag:s21] =	ssyncset.done $0x0  }
0x81: {  	s22 =	simm.s32 $0xB;
	[sflag:s21] =	ssyncadd.s32 $0xFFFFFF80  }
0x82: {  	[tilespmem:s12], [sflag:$0x9] =	stream.indirect.gather [hbm4b:s4+s8], $0x80, s31, s8, $0xb8;
	[tilespmem:$0x1C800] =	vst v63  }
0x83: {  	_ =	swait.ge [sflag:s22], $0x2000  }
0x84: {  	[sflag:s22] =	ssyncset.done $0x0  }
0x85: {  	s17 =	simm.s32 $0xE;
	s31 =	simm.s32 $0x500;
	[sflag:s22] =	ssyncadd.s32 $0xFFFFE000  }
0x86: {  	[spmem:s1] =	stream.indirect.scatter.add.f32 [tilespmem:s7], [sflag:$0xF], $0x80, s31, s8, $0xb8;
	[tilespmem:$0x1C800] =	vst v63  }
0x87: {  	_ =	swait.ge [sflag:s17], $0x2000  }
0x88: {  	[sflag:s17] =	ssyncset.done $0x0  }
0x89: {  	s16 =	simm.s32 @!p0 $0x80;
	s30 =	sadd.s32 @!p0 $0x10, s2;
	[sflag:s17] =	ssyncadd.s32 $0xFFFFE000  }
0x8a: {  	[tilespmem:s16], [sflag:$0x2] =	stream.linear.gather @!p0 [hbm4b:s30+s0], $0x80, $0x38;
	[tilespmem:$0x1C800] =	vst v63  }
0x8b: {  	s31 =	simm.s32 @!p0 $0x480;
	s30 =	sadd.s32 @!p0 $0x10, s5  }
0x8c: {  	[tilespmem:s31], [sflag:$0x2] =	stream.linear.gather @!p0 [hbm4b:s30+s0], $0x80, $0x38;
	[tilespmem:$0x1C800] =	vst v63  }
0x8d: {  	_ =	swait.ge [sflag:s6], $0x80  }
0x8e: {  	[sflag:s6] =	ssyncset.done $0x0  }
0x8f: {  	[sflag:s6] =	ssyncadd.s32 $0xFFFFFF80  }
0x90: {  	_ =	swait.ge [sflag:s6], $0x80  }
0x91: {  	[sflag:s6] =	ssyncset.done $0x0  }
0x92: {  	s22 =	simm.s32 $0x280;
	[sflag:s6] =	ssyncadd.s32 $0xFFFFFF80  }
0x93: {  	[tilespmem:s14], [sflag:$0xA] =	stream.indirect.gather [hbm4b:s4+s8], $0x80, s22, s8, $0xb8;
	[tilespmem:$0x1C800] =	vst v63  }
0x94: {  	_ =	swait.ge [sflag:s10], $0x2000  }
0x95: {  	[sflag:s10] =	ssyncset.done $0x0  }
0x96: {  	s31 =	simm.s32 $0x580;
	[sflag:s10] =	ssyncadd.s32 $0xFFFFE000  }
0x97: {  	[spmem:s1] =	stream.indirect.scatter.add.f32 [tilespmem:s18], [sflag:$0x10], $0x80, s31, s8, $0xb8;
	[tilespmem:$0x1C800] =	vst v63  }
0x98: {  	_ =	swait.ge [sflag:s23], $0x2000  }
0x99: {  	[sflag:s23] =	ssyncset.done $0x0  }
0x9a: {  	s30 =	sadd.s32 @!p0 $0x20, s2;
	s31 =	simm.s32 @!p0 $0x100;
	[sflag:s23] =	ssyncadd.s32 $0xFFFFE000  }
0x9b: {  	[tilespmem:s31], [sflag:$0x3] =	stream.linear.gather @!p0 [hbm4b:s30+s0], $0x80, $0x38;
	[tilespmem:$0x1C800] =	vst v63  }
0x9c: {  	s30 =	sadd.s32 @!p0 $0x20, s5;
	s31 =	simm.s32 @!p0 $0x500  }
0x9d: {  	[tilespmem:s31], [sflag:$0x3] =	stream.linear.gather @!p0 [hbm4b:s30+s0], $0x80, $0x38;
	[tilespmem:$0x1C800] =	vst v63  }
0x9e: {  	_ =	swait.ge [sflag:s25], $0x80  }
0x9f: {  	[sflag:s25] =	ssyncset.done $0x0  }
0xa0: {  	[sflag:s25] =	ssyncadd.s32 $0xFFFFFF80  }
0xa1: {  	_ =	swait.ge [sflag:s25], $0x80  }
0xa2: {  	[sflag:s25] =	ssyncset.done $0x0  }
0xa3: {  	[sflag:s25] =	ssyncadd.s32 $0xFFFFFF80  }
0xa4: {  	[tilespmem:s7], [sflag:$0xB] =	stream.indirect.gather [hbm4b:s4+s8], $0x80, s11, s8, $0xb8;
	[tilespmem:$0x1C800] =	vst v63  }
0xa5: {  	_ =	swait.ge [sflag:s15], $0x2000  }
0xa6: {  	[sflag:s15] =	ssyncset.done $0x0  }
0xa7: {  	s22 =	simm.s32 $0x600;
	[sflag:s15] =	ssyncadd.s32 $0xFFFFE000  }
0xa8: {  	[spmem:s1] =	stream.indirect.scatter.add.f32 [tilespmem:s12], [sflag:$0xD], $0x80, s22, s8, $0xb8;
	[tilespmem:$0x1C800] =	vst v63  }
0xa9: {  	_ =	swait.ge [sflag:s26], $0x2000  }
0xaa: {  	[sflag:s26] =	ssyncset.done $0x0  }
0xab: {  	s30 =	sadd.s32 @!p0 $0x30, s2;
	s31 =	simm.s32 @!p0 $0x180;
	[sflag:s26] =	ssyncadd.s32 $0xFFFFE000  }
0xac: {  	[tilespmem:s31], [sflag:$0x4] =	stream.linear.gather @!p0 [hbm4b:s30+s0], $0x80, $0x38;
	[tilespmem:$0x1C800] =	vst v63  }
0xad: {  	s30 =	sadd.s32 @!p0 $0x30, s5;
	s31 =	simm.s32 @!p0 $0x580  }
0xae: {  	[tilespmem:s31], [sflag:$0x4] =	stream.linear.gather @!p0 [hbm4b:s30+s0], $0x80, $0x38;
	[tilespmem:$0x1C800] =	vst v63  }
0xaf: {  	_ =	swait.ge [sflag:s28], $0x80  }
0xb0: {  	[sflag:s28] =	ssyncset.done $0x0  }
0xb1: {  	[sflag:s28] =	ssyncadd.s32 $0xFFFFFF80  }
0xb2: {  	_ =	swait.ge [sflag:s28], $0x80  }
0xb3: {  	[sflag:s28] =	ssyncset.done $0x0  }
0xb4: {  	[sflag:s28] =	ssyncadd.s32 $0xFFFFFF80  }
0xb5: {  	[tilespmem:s18], [sflag:$0xC] =	stream.indirect.gather [hbm4b:s4+s8], $0x80, s9, s8, $0xb8;
	[tilespmem:$0x1C800] =	vst v63  }
0xb6: {  	_ =	swait.ge [sflag:s19], $0x2000  }
0xb7: {  	[sflag:s19] =	ssyncset.done $0x0  }
0xb8: {  	s31 =	simm.s32 $0x680;
	[sflag:s19] =	ssyncadd.s32 $0xFFFFE000  }
0xb9: {  	[spmem:s1] =	stream.indirect.scatter.add.f32 [tilespmem:s14], [sflag:$0xE], $0x80, s31, s8, $0xb8;
	[tilespmem:$0x1C800] =	vst v63  }
0xba: {  	_ =	swait.ge [sflag:s20], $0x2000  }
0xbb: {  	[sflag:s20] =	ssyncset.done $0x0  }
0xbc: {  	s30 =	simm.s32 @p0 $0xB;
	[sflag:s20] =	ssyncadd.s32 $0xFFFFE000  }
0xbd: {  	_ =	swait.ge @p0 [sflag:s30], $0x2000  }
0xbe: {  	s29 =	simm.s32 @p0 $0x700;
	[sflag:s30] =	ssyncset.done @p0 $0x0  }
0xbf: {  	s31 =	simm.s32 @p0 $0x4800;
	[sflag:s30] =	ssyncadd.s32 @p0 $0xFFFFE000;
	s30 =	simm.s32 @p0 $0x40  }
0xc0: {  	[spmem:s1] =	stream.indirect.scatter.add.f32 @p0 [tilespmem:s31], [sflag:$0xF], $0x80, s29, s30, $0xb8;
	[tilespmem:$0x1C800] =	vst v63  }
0xc1: {  	s29 =	simm.s32 @p0 $0xE  }
0xc2: {  	_ =	swait.ge @p0 [sflag:s29], $0x2000  }
0xc3: {  	[sflag:s29] =	ssyncset.done @p0 $0x0  }
0xc4: {  	s30 =	simm.s32 @!p0 $0x200;
	[sflag:s29] =	ssyncadd.s32 @p0 $0xFFFFE000;
	s29 =	sadd.s32 @!p0 $0x40, s2  }
0xc5: {  	[tilespmem:s30], [sflag:$0x5] =	stream.linear.gather @!p0 [hbm4b:s29+s0], $0x80, $0x38;
	[tilespmem:$0x1C800] =	vst v63  }
0xc6: {  	s31 =	simm.s32 @!p0 $0x1;
	s29 =	sadd.s32 @!p0 $0x40, s5;
	s30 =	simm.s32 @!p0 $0x600  }
0xc7: {  	[tilespmem:s30], [sflag:$0x5] =	stream.linear.gather @!p0 [hbm4b:s29+s0], $0x80, $0x38;
	[tilespmem:$0x1C800] =	vst v63  }
0xc8: {  	_ =	swait.ge @!p0 [sflag:s31], $0x80  }
0xc9: {  	[sflag:s31] =	ssyncset.done @!p0 $0x0  }
0xca: {  	[sflag:s31] =	ssyncadd.s32 @!p0 $0xFFFFFF80  }
0xcb: {  	_ =	swait.ge @!p0 [sflag:s31], $0x80  }
0xcc: {  	s29 =	simm.s32 @!p0 $0xB;
	[sflag:s31] =	ssyncset.done @!p0 $0x0  }
0xcd: {  	s30 =	simm.s32 @!p0 $0x40;
	[sflag:s31] =	ssyncadd.s32 @!p0 $0xFFFFFF80;
	s31 =	simm.s32 @!p0 $0x800  }
0xce: {  	[tilespmem:s31], [sflag:$0x9] =	stream.indirect.gather @!p0 [hbm4b:s4+s30], $0x80, s0, s30, $0xb8;
	[tilespmem:$0x1C800] =	vst v63  }
0xcf: {  	_ =	swait.ge @!p0 [sflag:s29], $0x2000  }
0xd0: {  	[sflag:s29] =	ssyncset.done @!p0 $0x0  }
0xd1: {  	s31 =	simm.s32 @!p0 $0x4800;
	[sflag:s29] =	ssyncadd.s32 @!p0 $0xFFFFE000;
	s29 =	simm.s32 @!p0 $0x700  }
0xd2: {  	[spmem:s1] =	stream.indirect.scatter.add.f32 @!p0 [tilespmem:s31], [sflag:$0xF], $0x80, s29, s30, $0xb8;
	[tilespmem:$0x1C800] =	vst v63  }
0xd3: {  	s29 =	simm.s32 @!p0 $0xE  }
0xd4: {  	_ =	swait.ge @!p0 [sflag:s29], $0x2000  }
0xd5: {  	[sflag:s29] =	ssyncset.done @!p0 $0x0  }
0xd6: {  	s2 =	sadd.s32 @!p0 $0x50, s2;
	[sflag:s29] =	ssyncadd.s32 @!p0 $0xFFFFE000;
	s29 =	simm.s32 @!p0 $0x280  }
0xd7: {  	[tilespmem:s29], [sflag:$0x6] =	stream.linear.gather @!p0 [hbm4b:s2+s0], $0x80, $0x38;
	[tilespmem:$0x1C800] =	vst v63  }
0xd8: {  	s2 =	sadd.s32 @!p0 $0x50, s5;
	s5 =	simm.s32 @!p0 $0x680  }
0xd9: {  	[tilespmem:s5], [sflag:$0x6] =	stream.linear.gather @!p0 [hbm4b:s2+s0], $0x80, $0x38;
	[tilespmem:$0x1C800] =	vst v63  }
0xda: {  	s0 =	simm.s32 @!p0 $0x2  }
0xdb: {  	_ =	swait.ge @!p0 [sflag:s0], $0x80  }
0xdc: {  	[sflag:s0] =	ssyncset.done @!p0 $0x0  }
0xdd: {  	[sflag:s0] =	ssyncadd.s32 @!p0 $0xFFFFFF80  }
0xde: {  	_ =	swait.ge @!p0 [sflag:s0], $0x80  }
0xdf: {  	[sflag:s0] =	ssyncset.done @!p0 $0x0  }
0xe0: {  	[sflag:s0] =	ssyncadd.s32 @!p0 $0xFFFFFF80;
	s0 =	simm.s32 @!p0 $0x2800  }
0xe1: {  	[tilespmem:s0], [sflag:$0xA] =	stream.indirect.gather @!p0 [hbm4b:s4+s30], $0x80, s16, s30, $0xb8;
	[tilespmem:$0x1C800] =	vst v63  }
0xe2: {  	p1 =	por $0x0, $0x0;
	_ =	swait.ge [sflag:s10], $0x2000  }
0xe3: {  	s29 =	simm.s32 $0x80;
	s30 =	simm.s32 $0x100;
	[sflag:s10] =	ssyncset.done $0x0  }
.LBB2_2:
0xe4: {  	s0 =	simm.s32 @!p1 $0xF;
	[sflag:s10] =	ssyncadd.s32 $0xFFFFE000;
	s14 =	simm.s32 $0x780  }
0xe5: {  	[spmem:s1] =	stream.indirect.scatter.add.f32 [tilespmem:s18], [sflag:$0x10], $0x80, s14, s8, $0xb8;
	[tilespmem:$0x1C800] =	vst v63  }
0xe6: {  	_ =	swait.ge @!p1 [sflag:s0], $0x2000  }
0xe7: {  	s11 =	simm.s32 $0x300;
	s2 =	rddreg [dreg:$0x6]  }
0xe8: {  	[sflag:s0] =	ssyncset.done @!p1 $0x0;
	s17 =	rddreg [dreg:$0x7];
	s2 =	sadd.s32 s29, s2  }
0xe9: {  	[sflag:s0] =	ssyncadd.s32 @!p1 $0xFFFFE000;
	s0 =	sadd.s32 s29, s17;
	s31 =	sadd.s32 $0x60, s2  }
0xea: {  	[tilespmem:s11], [sflag:$0x7] =	stream.linear.gather [hbm4b:s31+s3], $0x80, $0x38;
	[tilespmem:$0x1C800] =	vst v63  }
0xeb: {  	s12 =	rddreg [dreg:$0x8];
	s22 =	sadd.s32 $0x60, s0  }
0xec: {  	[tilespmem:s12], [sflag:$0x7] =	stream.linear.gather [hbm4b:s22+s3], $0x80, $0x38;
	[tilespmem:$0x1C800] =	vst v63  }
0xed: {  	_ =	swait.ge [sflag:s13], $0x80  }
0xee: {  	[sflag:s13] =	ssyncset.done $0x0  }
0xef: {  	[sflag:s13] =	ssyncadd.s32 $0xFFFFFF80  }
0xf0: {  	_ =	swait.ge [sflag:s13], $0x80  }
0xf1: {  	[sflag:s13] =	ssyncset.done $0x0  }
0xf2: {  	s9 =	simm.s32 $0x100;
	s7 =	simm.s32 $0x4800;
	[sflag:s13] =	ssyncadd.s32 $0xFFFFFF80  }
0xf3: {  	[tilespmem:s7], [sflag:$0xB] =	stream.indirect.gather [hbm4b:s4+s8], $0x80, s9, s8, $0xb8;
	[tilespmem:$0x1C800] =	vst v63  }
0xf4: {  	_ =	swait.ge [sflag:s15], $0x2000  }
0xf5: {  	s17 =	simm.s32 $0x800;
	[sflag:s15] =	ssyncset.done $0x0  }
0xf6: {  	s31 =	simm.s32 $0x400;
	s12 =	simm.s32 @!p1 $0x10;
	[sflag:s15] =	ssyncadd.s32 $0xFFFFE000  }
0xf7: {  	[spmem:s1] =	stream.indirect.scatter.add.f32 [tilespmem:s17], [sflag:$0xD], $0x80, s31, s8, $0xb8;
	[tilespmem:$0x1C800] =	vst v63  }
0xf8: {  	_ =	swait.ge @!p1 [sflag:s12], $0x2000  }
0xf9: {  	[sflag:s12] =	ssyncset.done @!p1 $0x0  }
0xfa: {  	s2 =	sadd.s32 $0x70, s2;
	s22 =	simm.s32 $0x380;
	[sflag:s12] =	ssyncadd.s32 @!p1 $0xFFFFE000  }
0xfb: {  	[tilespmem:s22], [sflag:$0x8] =	stream.linear.gather [hbm4b:s2+s3], $0x80, $0x38;
	[tilespmem:$0x1C800] =	vst v63  }
0xfc: {  	s0 =	sadd.s32 $0x70, s0  }
0xfd: {  	[tilespmem:s14], [sflag:$0x8] =	stream.linear.gather [hbm4b:s0+s3], $0x80, $0x38;
	[tilespmem:$0x1C800] =	vst v63  }
0xfe: {  	_ =	swait.ge [sflag:s24], $0x80  }
0xff: {  	[sflag:s24] =	ssyncset.done $0x0  }
0x100: {  	[sflag:s24] =	ssyncadd.s32 $0xFFFFFF80  }
0x101: {  	_ =	swait.ge [sflag:s24], $0x80  }
0x102: {  	[sflag:s24] =	ssyncset.done $0x0  }
0x103: {  	s2 =	simm.s32 $0x180;
	[sflag:s24] =	ssyncadd.s32 $0xFFFFFF80  }
0x104: {  	[tilespmem:s18], [sflag:$0xC] =	stream.indirect.gather [hbm4b:s4+s8], $0x80, s2, s8, $0xb8;
	[tilespmem:$0x1C800] =	vst v63  }
0x105: {  	_ =	swait.ge [sflag:s19], $0x2000  }
0x106: {  	[sflag:s19] =	ssyncset.done $0x0  }
0x107: {  	s9 =	simm.s32 $0x480;
	s14 =	simm.s32 $0x2800;
	[sflag:s19] =	ssyncadd.s32 $0xFFFFE000  }
0x108: {  	[spmem:s1] =	stream.indirect.scatter.add.f32 [tilespmem:s14], [sflag:$0xE], $0x80, s9, s8, $0xb8;
	[tilespmem:$0x1C800] =	vst v63  }
0x109: {  	p1 =	seq.s32 s29, $0x980;
	_ =	swait.ge [sflag:s20], $0x2000  }
0x10a: {  	s31 =	simm.s32 @!p1 $0x0;
	s0 =	rddreg [dreg:$0x4];
	[sflag:s20] =	ssyncset.done $0x0  }
0x10b: {  	s2 =	rddreg [dreg:$0x5];
	[sflag:s20] =	ssyncadd.s32 $0xFFFFE000;
	s0 =	sadd.s32 @!p1 s29, s0  }
0x10c: {  	[tilespmem:s31], [sflag:$0x1] =	stream.linear.gather @!p1 [hbm4b:s0+s31], $0x80, $0x38;
	[tilespmem:$0x1C800] =	vst v63  }
0x10d: {  	s12 =	simm.s32 @!p1 $0x400;
	s2 =	sadd.s32 @!p1 s29, s2  }
0x10e: {  	[tilespmem:s12], [sflag:$0x1] =	stream.linear.gather @!p1 [hbm4b:s2+s31], $0x80, $0x38;
	[tilespmem:$0x1C800] =	vst v63  }
0x10f: {  	_ =	swait.ge [sflag:s21], $0x80  }
0x110: {  	[sflag:s21] =	ssyncset.done $0x0  }
0x111: {  	[sflag:s21] =	ssyncadd.s32 $0xFFFFFF80  }
0x112: {  	_ =	swait.ge [sflag:s21], $0x80  }
0x113: {  	[sflag:s21] =	ssyncset.done $0x0  }
0x114: {  	s16 =	simm.s32 $0xB;
	s12 =	simm.s32 $0x200;
	[sflag:s21] =	ssyncadd.s32 $0xFFFFFF80  }
0x115: {  	[tilespmem:s17], [sflag:$0x9] =	stream.indirect.gather [hbm4b:s4+s8], $0x80, s12, s8, $0xb8;
	[tilespmem:$0x1C800] =	vst v63  }
0x116: {  	_ =	swait.ge [sflag:s16], $0x2000  }
0x117: {  	[sflag:s16] =	ssyncset.done $0x0  }
0x118: {  	s9 =	simm.s32 $0x500;
	s12 =	simm.s32 $0xE;
	[sflag:s16] =	ssyncadd.s32 $0xFFFFE000  }
0x119: {  	[spmem:s1] =	stream.indirect.scatter.add.f32 [tilespmem:s7], [sflag:$0xF], $0x80, s9, s8, $0xb8;
	[tilespmem:$0x1C800] =	vst v63  }
0x11a: {  	s5 =	smov.u32 s30;
	_ =	swait.ge [sflag:s12], $0x2000  }
0x11b: {  	s29 =	smov.u32 s5;
	[sflag:s12] =	ssyncset.done $0x0  }
0x11c: {  	s5 =	simm.s32 @!p1 $0x80;
	[sflag:s12] =	ssyncadd.s32 $0xFFFFE000;
	s12 =	sadd.s32 @!p1 $0x10, s0  }
0x11d: {  	[tilespmem:s5], [sflag:$0x2] =	stream.linear.gather @!p1 [hbm4b:s12+s31], $0x80, $0x38;
	[tilespmem:$0x1C800] =	vst v63  }
0x11e: {  	s16 =	simm.s32 @!p1 $0x480;
	s12 =	sadd.s32 @!p1 $0x10, s2  }
0x11f: {  	[tilespmem:s16], [sflag:$0x2] =	stream.linear.gather @!p1 [hbm4b:s12+s31], $0x80, $0x38;
	[tilespmem:$0x1C800] =	vst v63  }
0x120: {  	_ =	swait.ge [sflag:s6], $0x80  }
0x121: {  	[sflag:s6] =	ssyncset.done $0x0  }
0x122: {  	[sflag:s6] =	ssyncadd.s32 $0xFFFFFF80  }
0x123: {  	_ =	swait.ge [sflag:s6], $0x80  }
0x124: {  	[sflag:s6] =	ssyncset.done $0x0  }
0x125: {  	s16 =	simm.s32 $0x280;
	[sflag:s6] =	ssyncadd.s32 $0xFFFFFF80  }
0x126: {  	[tilespmem:s14], [sflag:$0xA] =	stream.indirect.gather [hbm4b:s4+s8], $0x80, s16, s8, $0xb8;
	[tilespmem:$0x1C800] =	vst v63  }
0x127: {  	_ =	swait.ge [sflag:s10], $0x2000  }
0x128: {  	[sflag:s10] =	ssyncset.done $0x0  }
0x129: {  	s12 =	simm.s32 $0x580;
	[sflag:s10] =	ssyncadd.s32 $0xFFFFE000  }
0x12a: {  	[spmem:s1] =	stream.indirect.scatter.add.f32 [tilespmem:s18], [sflag:$0x10], $0x80, s12, s8, $0xb8;
	[tilespmem:$0x1C800] =	vst v63  }
0x12b: {  	_ =	swait.ge [sflag:s23], $0x2000  }
0x12c: {  	[sflag:s23] =	ssyncset.done $0x0  }
0x12d: {  	s16 =	simm.s32 @!p1 $0x100;
	s12 =	sadd.s32 @!p1 $0x20, s0;
	[sflag:s23] =	ssyncadd.s32 $0xFFFFE000  }
0x12e: {  	[tilespmem:s16], [sflag:$0x3] =	stream.linear.gather @!p1 [hbm4b:s12+s31], $0x80, $0x38;
	[tilespmem:$0x1C800] =	vst v63  }
0x12f: {  	s12 =	sadd.s32 @!p1 $0x20, s2;
	s16 =	simm.s32 @!p1 $0x500  }
0x130: {  	[tilespmem:s16], [sflag:$0x3] =	stream.linear.gather @!p1 [hbm4b:s12+s31], $0x80, $0x38;
	[tilespmem:$0x1C800] =	vst v63  }
0x131: {  	_ =	swait.ge [sflag:s25], $0x80  }
0x132: {  	[sflag:s25] =	ssyncset.done $0x0  }
0x133: {  	[sflag:s25] =	ssyncadd.s32 $0xFFFFFF80  }
0x134: {  	_ =	swait.ge [sflag:s25], $0x80  }
0x135: {  	[sflag:s25] =	ssyncset.done $0x0  }
0x136: {  	[sflag:s25] =	ssyncadd.s32 $0xFFFFFF80  }
0x137: {  	[tilespmem:s7], [sflag:$0xB] =	stream.indirect.gather [hbm4b:s4+s8], $0x80, s11, s8, $0xb8;
	[tilespmem:$0x1C800] =	vst v63  }
0x138: {  	_ =	swait.ge [sflag:s15], $0x2000  }
0x139: {  	[sflag:s15] =	ssyncset.done $0x0  }
0x13a: {  	s16 =	simm.s32 $0x600;
	[sflag:s15] =	ssyncadd.s32 $0xFFFFE000  }
0x13b: {  	[spmem:s1] =	stream.indirect.scatter.add.f32 [tilespmem:s17], [sflag:$0xD], $0x80, s16, s8, $0xb8;
	[tilespmem:$0x1C800] =	vst v63  }
0x13c: {  	_ =	swait.ge [sflag:s26], $0x2000  }
0x13d: {  	[sflag:s26] =	ssyncset.done $0x0  }
0x13e: {  	s12 =	sadd.s32 @!p1 $0x30, s0;
	s16 =	simm.s32 @!p1 $0x180;
	[sflag:s26] =	ssyncadd.s32 $0xFFFFE000  }
0x13f: {  	[tilespmem:s16], [sflag:$0x4] =	stream.linear.gather @!p1 [hbm4b:s12+s31], $0x80, $0x38;
	[tilespmem:$0x1C800] =	vst v63  }
0x140: {  	s12 =	sadd.s32 @!p1 $0x30, s2;
	s16 =	simm.s32 @!p1 $0x580  }
0x141: {  	[tilespmem:s16], [sflag:$0x4] =	stream.linear.gather @!p1 [hbm4b:s12+s31], $0x80, $0x38;
	[tilespmem:$0x1C800] =	vst v63  }
0x142: {  	_ =	swait.ge [sflag:s28], $0x80  }
0x143: {  	[sflag:s28] =	ssyncset.done $0x0  }
0x144: {  	[sflag:s28] =	ssyncadd.s32 $0xFFFFFF80  }
0x145: {  	_ =	swait.ge [sflag:s28], $0x80  }
0x146: {  	[sflag:s28] =	ssyncset.done $0x0  }
0x147: {  	[sflag:s28] =	ssyncadd.s32 $0xFFFFFF80  }
0x148: {  	[tilespmem:s18], [sflag:$0xC] =	stream.indirect.gather [hbm4b:s4+s8], $0x80, s22, s8, $0xb8;
	[tilespmem:$0x1C800] =	vst v63  }
0x149: {  	_ =	swait.ge [sflag:s19], $0x2000  }
0x14a: {  	[sflag:s19] =	ssyncset.done $0x0  }
0x14b: {  	s22 =	simm.s32 $0x680;
	[sflag:s19] =	ssyncadd.s32 $0xFFFFE000  }
0x14c: {  	[spmem:s1] =	stream.indirect.scatter.add.f32 [tilespmem:s14], [sflag:$0xE], $0x80, s22, s8, $0xb8;
	[tilespmem:$0x1C800] =	vst v63  }
0x14d: {  	_ =	swait.ge [sflag:s20], $0x2000  }
0x14e: {  	[sflag:s20] =	ssyncset.done $0x0  }
0x14f: {  	s12 =	simm.s32 @p1 $0xB;
	[sflag:s20] =	ssyncadd.s32 $0xFFFFE000  }
0x150: {  	_ =	swait.ge @p1 [sflag:s12], $0x2000  }
0x151: {  	s9 =	simm.s32 @p1 $0x700;
	s17 =	simm.s32 @p1 $0xE;
	[sflag:s12] =	ssyncset.done @p1 $0x0  }
0x152: {  	s16 =	simm.s32 @p1 $0x4800;
	[sflag:s12] =	ssyncadd.s32 @p1 $0xFFFFE000;
	s12 =	simm.s32 @p1 $0x40  }
0x153: {  	[spmem:s1] =	stream.indirect.scatter.add.f32 @p1 [tilespmem:s16], [sflag:$0xF], $0x80, s9, s12, $0xb8;
	[tilespmem:$0x1C800] =	vst v63  }
0x154: {  	_ =	swait.ge @p1 [sflag:s17], $0x2000  }
0x155: {  	[sflag:s17] =	ssyncset.done @p1 $0x0  }
0x156: {  	s9 =	sadd.s32 @!p1 $0x40, s0;
	s12 =	simm.s32 @!p1 $0x200;
	[sflag:s17] =	ssyncadd.s32 @p1 $0xFFFFE000  }
0x157: {  	[tilespmem:s12], [sflag:$0x5] =	stream.linear.gather @!p1 [hbm4b:s9+s31], $0x80, $0x38;
	[tilespmem:$0x1C800] =	vst v63  }
0x158: {  	s16 =	simm.s32 @!p1 $0x1;
	s9 =	sadd.s32 @!p1 $0x40, s2;
	s12 =	simm.s32 @!p1 $0x600  }
0x159: {  	[tilespmem:s12], [sflag:$0x5] =	stream.linear.gather @!p1 [hbm4b:s9+s31], $0x80, $0x38;
	[tilespmem:$0x1C800] =	vst v63  }
0x15a: {  	_ =	swait.ge @!p1 [sflag:s16], $0x80  }
0x15b: {  	[sflag:s16] =	ssyncset.done @!p1 $0x0  }
0x15c: {  	[sflag:s16] =	ssyncadd.s32 @!p1 $0xFFFFFF80  }
0x15d: {  	_ =	swait.ge @!p1 [sflag:s16], $0x80  }
0x15e: {  	s9 =	simm.s32 @!p1 $0xB;
	[sflag:s16] =	ssyncset.done @!p1 $0x0  }
0x15f: {  	s12 =	simm.s32 @!p1 $0x40;
	[sflag:s16] =	ssyncadd.s32 @!p1 $0xFFFFFF80;
	s16 =	simm.s32 @!p1 $0x800  }
0x160: {  	[tilespmem:s16], [sflag:$0x9] =	stream.indirect.gather @!p1 [hbm4b:s4+s12], $0x80, s31, s12, $0xb8;
	[tilespmem:$0x1C800] =	vst v63  }
0x161: {  	_ =	swait.ge @!p1 [sflag:s9], $0x2000  }
0x162: {  	s17 =	simm.s32 @!p1 $0x4800;
	[sflag:s9] =	ssyncset.done @!p1 $0x0  }
0x163: {  	s16 =	simm.s32 @!p1 $0xE;
	[sflag:s9] =	ssyncadd.s32 @!p1 $0xFFFFE000;
	s9 =	simm.s32 @!p1 $0x700  }
0x164: {  	[spmem:s1] =	stream.indirect.scatter.add.f32 @!p1 [tilespmem:s17], [sflag:$0xF], $0x80, s9, s12, $0xb8;
	[tilespmem:$0x1C800] =	vst v63  }
0x165: {  	_ =	swait.ge @!p1 [sflag:s16], $0x2000  }
0x166: {  	[sflag:s16] =	ssyncset.done @!p1 $0x0  }
0x167: {  	s0 =	sadd.s32 @!p1 $0x50, s0;
	s9 =	simm.s32 @!p1 $0x280;
	[sflag:s16] =	ssyncadd.s32 @!p1 $0xFFFFE000  }
0x168: {  	[tilespmem:s9], [sflag:$0x6] =	stream.linear.gather @!p1 [hbm4b:s0+s31], $0x80, $0x38;
	[tilespmem:$0x1C800] =	vst v63  }
0x169: {  	s0 =	sadd.s32 @!p1 $0x50, s2;
	s2 =	simm.s32 @!p1 $0x680;
	s9 =	simm.s32 @!p1 $0x2  }
0x16a: {  	[tilespmem:s2], [sflag:$0x6] =	stream.linear.gather @!p1 [hbm4b:s0+s31], $0x80, $0x38;
	[tilespmem:$0x1C800] =	vst v63  }
0x16b: {  	_ =	swait.ge @!p1 [sflag:s9], $0x80  }
0x16c: {  	[sflag:s9] =	ssyncset.done @!p1 $0x0  }
0x16d: {  	s30 =	sadd.s32 $0x80, s30;
	[sflag:s9] =	ssyncadd.s32 @!p1 $0xFFFFFF80  }
0x16e: {  	p0 =	sne.s32 s30, $0xA00;
	_ =	swait.ge @!p1 [sflag:s9], $0x80  }
.Ltmp0:
0x16f: {  	[sflag:s9] =	ssyncset.done @!p1 $0x0;
	(pc) =	sbr.rel @p0 .LBB2_2-.Ltmp0, $4  }
0x170: {  	s0 =	simm.s32 @!p1 $0x2800;
	[sflag:s9] =	ssyncadd.s32 @!p1 $0xFFFFFF80  }
0x171: {  	[tilespmem:s0], [sflag:$0xA] =	stream.indirect.gather @!p1 [hbm4b:s4+s12], $0x80, s5, s12, $0xb8;
	[tilespmem:$0x1C800] =	vst v63  }
0x172: {  	_ =	swait.ge [sflag:s10], $0x2000  }
0x173: {  	p1 =	seq.s32 s29, $0x0;
	[sflag:s10] =	ssyncset.done $0x0  }
0x174: {  	s0 =	simm.s32 @!p1 $0xF;
	[sflag:s10] =	ssyncadd.s32 $0xFFFFE000;
	s30 =	simm.s32 $0x780  }
0x175: {  	[spmem:s1] =	stream.indirect.scatter.add.f32 [tilespmem:s18], [sflag:$0x10], $0x80, s30, s8, $0xb8;
	[tilespmem:$0x1C800] =	vst v63  }
0x176: {  	_ =	swait.ge @!p1 [sflag:s0], $0x2000  }
0x177: {  	s11 =	simm.s32 $0x300;
	s2 =	rddreg [dreg:$0x6]  }
0x178: {  	s5 =	rddreg [dreg:$0x7];
	[sflag:s0] =	ssyncset.done @!p1 $0x0;
	s14 =	sadd.s32 s29, s2  }
0x179: {  	[sflag:s0] =	ssyncadd.s32 @!p1 $0xFFFFE000;
	s5 =	sadd.s32 s29, s5;
	s2 =	sadd.s32 $0x60, s14  }
0x17a: {  	[tilespmem:s11], [sflag:$0x7] =	stream.linear.gather [hbm4b:s2+s3], $0x80, $0x38;
	[tilespmem:$0x1C800] =	vst v63  }
0x17b: {  	s9 =	rddreg [dreg:$0x8];
	s17 =	sadd.s32 $0x60, s5  }
0x17c: {  	[tilespmem:s9], [sflag:$0x7] =	stream.linear.gather [hbm4b:s17+s3], $0x80, $0x38;
	[tilespmem:$0x1C800] =	vst v63  }
0x17d: {  	_ =	swait.ge [sflag:s13], $0x80  }
0x17e: {  	[sflag:s13] =	ssyncset.done $0x0  }
0x17f: {  	[sflag:s13] =	ssyncadd.s32 $0xFFFFFF80  }
0x180: {  	_ =	swait.ge [sflag:s13], $0x80  }
0x181: {  	[sflag:s13] =	ssyncset.done $0x0  }
0x182: {  	s22 =	simm.s32 $0x100;
	s7 =	simm.s32 $0x4800;
	[sflag:s13] =	ssyncadd.s32 $0xFFFFFF80  }
0x183: {  	[tilespmem:s7], [sflag:$0xB] =	stream.indirect.gather [hbm4b:s4+s8], $0x80, s22, s8, $0xb8;
	[tilespmem:$0x1C800] =	vst v63  }
0x184: {  	_ =	swait.ge [sflag:s15], $0x2000  }
0x185: {  	s31 =	simm.s32 $0x400;
	[sflag:s15] =	ssyncset.done $0x0  }
0x186: {  	s16 =	simm.s32 $0x800;
	s2 =	simm.s32 @!p1 $0x10;
	[sflag:s15] =	ssyncadd.s32 $0xFFFFE000  }
0x187: {  	[spmem:s1] =	stream.indirect.scatter.add.f32 [tilespmem:s16], [sflag:$0xD], $0x80, s31, s8, $0xb8;
	[tilespmem:$0x1C800] =	vst v63  }
0x188: {  	_ =	swait.ge @!p1 [sflag:s2], $0x2000  }
0x189: {  	[sflag:s2] =	ssyncset.done @!p1 $0x0  }
0x18a: {  	s0 =	sadd.s32 $0x70, s14;
	s17 =	simm.s32 $0x380;
	[sflag:s2] =	ssyncadd.s32 @!p1 $0xFFFFE000  }
0x18b: {  	[tilespmem:s17], [sflag:$0x8] =	stream.linear.gather [hbm4b:s0+s3], $0x80, $0x38;
	[tilespmem:$0x1C800] =	vst v63  }
0x18c: {  	s5 =	sadd.s32 $0x70, s5  }
0x18d: {  	[tilespmem:s30], [sflag:$0x8] =	stream.linear.gather [hbm4b:s5+s3], $0x80, $0x38;
	[tilespmem:$0x1C800] =	vst v63  }
0x18e: {  	_ =	swait.ge [sflag:s24], $0x80  }
0x18f: {  	[sflag:s24] =	ssyncset.done $0x0  }
0x190: {  	[sflag:s24] =	ssyncadd.s32 $0xFFFFFF80  }
0x191: {  	_ =	swait.ge [sflag:s24], $0x80  }
0x192: {  	[sflag:s24] =	ssyncset.done $0x0  }
0x193: {  	s9 =	simm.s32 $0x180;
	[sflag:s24] =	ssyncadd.s32 $0xFFFFFF80  }
0x194: {  	[tilespmem:s18], [sflag:$0xC] =	stream.indirect.gather [hbm4b:s4+s8], $0x80, s9, s8, $0xb8;
	[tilespmem:$0x1C800] =	vst v63  }
0x195: {  	_ =	swait.ge [sflag:s19], $0x2000  }
0x196: {  	[sflag:s19] =	ssyncset.done $0x0  }
0x197: {  	s12 =	simm.s32 $0x480;
	s14 =	simm.s32 $0x2800;
	[sflag:s19] =	ssyncadd.s32 $0xFFFFE000  }
0x198: {  	[spmem:s1] =	stream.indirect.scatter.add.f32 [tilespmem:s14], [sflag:$0xE], $0x80, s12, s8, $0xb8;
	[tilespmem:$0x1C800] =	vst v63  }
0x199: {  	_ =	swait.ge [sflag:s20], $0x2000  }
0x19a: {  	s0 =	rddreg [dreg:$0x4]  }
0x19b: {  	p0 =	seq.s32 s29, $0x980;
	[sflag:s20] =	ssyncset.done $0x0;
	s5 =	rddreg [dreg:$0x5]  }
0x19c: {  	[sflag:s20] =	ssyncadd.s32 $0xFFFFE000;
	s2 =	sadd.s32 @!p0 s29, s0;
	s0 =	simm.s32 @!p0 $0x0  }
0x19d: {  	[tilespmem:s0], [sflag:$0x1] =	stream.linear.gather @!p0 [hbm4b:s2+s0], $0x80, $0x38;
	[tilespmem:$0x1C800] =	vst v63  }
0x19e: {  	s9 =	simm.s32 @!p0 $0x400;
	s5 =	sadd.s32 @!p0 s29, s5  }
0x19f: {  	[tilespmem:s9], [sflag:$0x1] =	stream.linear.gather @!p0 [hbm4b:s5+s0], $0x80, $0x38;
	[tilespmem:$0x1C800] =	vst v63  }
0x1a0: {  	_ =	swait.ge [sflag:s21], $0x80  }
0x1a1: {  	[sflag:s21] =	ssyncset.done $0x0  }
0x1a2: {  	[sflag:s21] =	ssyncadd.s32 $0xFFFFFF80  }
0x1a3: {  	_ =	swait.ge [sflag:s21], $0x80  }
0x1a4: {  	[sflag:s21] =	ssyncset.done $0x0  }
0x1a5: {  	s22 =	simm.s32 $0x200;
	s29 =	simm.s32 $0xB;
	[sflag:s21] =	ssyncadd.s32 $0xFFFFFF80  }
0x1a6: {  	[tilespmem:s16], [sflag:$0x9] =	stream.indirect.gather [hbm4b:s4+s8], $0x80, s22, s8, $0xb8;
	[tilespmem:$0x1C800] =	vst v63  }
0x1a7: {  	_ =	swait.ge [sflag:s29], $0x2000  }
0x1a8: {  	[sflag:s29] =	ssyncset.done $0x0  }
0x1a9: {  	s31 =	simm.s32 $0x500;
	s12 =	simm.s32 $0xE;
	[sflag:s29] =	ssyncadd.s32 $0xFFFFE000  }
0x1aa: {  	[spmem:s1] =	stream.indirect.scatter.add.f32 [tilespmem:s7], [sflag:$0xF], $0x80, s31, s8, $0xb8;
	[tilespmem:$0x1C800] =	vst v63  }
0x1ab: {  	_ =	swait.ge [sflag:s12], $0x2000  }
0x1ac: {  	[sflag:s12] =	ssyncset.done $0x0  }
0x1ad: {  	s9 =	sadd.s32 @!p0 $0x10, s2;
	s29 =	simm.s32 @!p0 $0x80;
	[sflag:s12] =	ssyncadd.s32 $0xFFFFE000  }
0x1ae: {  	[tilespmem:s29], [sflag:$0x2] =	stream.linear.gather @!p0 [hbm4b:s9+s0], $0x80, $0x38;
	[tilespmem:$0x1C800] =	vst v63  }
0x1af: {  	s12 =	simm.s32 @!p0 $0x480;
	s9 =	sadd.s32 @!p0 $0x10, s5  }
0x1b0: {  	[tilespmem:s12], [sflag:$0x2] =	stream.linear.gather @!p0 [hbm4b:s9+s0], $0x80, $0x38;
	[tilespmem:$0x1C800] =	vst v63  }
0x1b1: {  	_ =	swait.ge [sflag:s6], $0x80  }
0x1b2: {  	[sflag:s6] =	ssyncset.done $0x0  }
0x1b3: {  	[sflag:s6] =	ssyncadd.s32 $0xFFFFFF80  }
0x1b4: {  	_ =	swait.ge [sflag:s6], $0x80  }
0x1b5: {  	[sflag:s6] =	ssyncset.done $0x0  }
0x1b6: {  	s22 =	simm.s32 $0x280;
	[sflag:s6] =	ssyncadd.s32 $0xFFFFFF80  }
0x1b7: {  	[tilespmem:s14], [sflag:$0xA] =	stream.indirect.gather [hbm4b:s4+s8], $0x80, s22, s8, $0xb8;
	[tilespmem:$0x1C800] =	vst v63  }
0x1b8: {  	_ =	swait.ge [sflag:s10], $0x2000  }
0x1b9: {  	[sflag:s10] =	ssyncset.done $0x0  }
0x1ba: {  	s31 =	simm.s32 $0x580;
	[sflag:s10] =	ssyncadd.s32 $0xFFFFE000  }
0x1bb: {  	[spmem:s1] =	stream.indirect.scatter.add.f32 [tilespmem:s18], [sflag:$0x10], $0x80, s31, s8, $0xb8;
	[tilespmem:$0x1C800] =	vst v63  }
0x1bc: {  	_ =	swait.ge [sflag:s23], $0x2000  }
0x1bd: {  	[sflag:s23] =	ssyncset.done $0x0  }
0x1be: {  	s9 =	sadd.s32 @!p0 $0x20, s2;
	s12 =	simm.s32 @!p0 $0x100;
	[sflag:s23] =	ssyncadd.s32 $0xFFFFE000  }
0x1bf: {  	[tilespmem:s12], [sflag:$0x3] =	stream.linear.gather @!p0 [hbm4b:s9+s0], $0x80, $0x38;
	[tilespmem:$0x1C800] =	vst v63  }
0x1c0: {  	s9 =	sadd.s32 @!p0 $0x20, s5;
	s12 =	simm.s32 @!p0 $0x500  }
0x1c1: {  	[tilespmem:s12], [sflag:$0x3] =	stream.linear.gather @!p0 [hbm4b:s9+s0], $0x80, $0x38;
	[tilespmem:$0x1C800] =	vst v63  }
0x1c2: {  	_ =	swait.ge [sflag:s25], $0x80  }
0x1c3: {  	[sflag:s25] =	ssyncset.done $0x0  }
0x1c4: {  	[sflag:s25] =	ssyncadd.s32 $0xFFFFFF80  }
0x1c5: {  	_ =	swait.ge [sflag:s25], $0x80  }
0x1c6: {  	[sflag:s25] =	ssyncset.done $0x0  }
0x1c7: {  	[sflag:s25] =	ssyncadd.s32 $0xFFFFFF80  }
0x1c8: {  	[tilespmem:s7], [sflag:$0xB] =	stream.indirect.gather [hbm4b:s4+s8], $0x80, s11, s8, $0xb8;
	[tilespmem:$0x1C800] =	vst v63  }
0x1c9: {  	_ =	swait.ge [sflag:s15], $0x2000  }
0x1ca: {  	[sflag:s15] =	ssyncset.done $0x0  }
0x1cb: {  	s12 =	simm.s32 $0x600;
	[sflag:s15] =	ssyncadd.s32 $0xFFFFE000  }
0x1cc: {  	[spmem:s1] =	stream.indirect.scatter.add.f32 [tilespmem:s16], [sflag:$0xD], $0x80, s12, s8, $0xb8;
	[tilespmem:$0x1C800] =	vst v63  }
0x1cd: {  	_ =	swait.ge [sflag:s26], $0x2000  }
0x1ce: {  	[sflag:s26] =	ssyncset.done $0x0  }
0x1cf: {  	s9 =	sadd.s32 @!p0 $0x30, s2;
	s12 =	simm.s32 @!p0 $0x180;
	[sflag:s26] =	ssyncadd.s32 $0xFFFFE000  }
0x1d0: {  	[tilespmem:s12], [sflag:$0x4] =	stream.linear.gather @!p0 [hbm4b:s9+s0], $0x80, $0x38;
	[tilespmem:$0x1C800] =	vst v63  }
0x1d1: {  	s9 =	sadd.s32 @!p0 $0x30, s5;
	s12 =	simm.s32 @!p0 $0x580  }
0x1d2: {  	[tilespmem:s12], [sflag:$0x4] =	stream.linear.gather @!p0 [hbm4b:s9+s0], $0x80, $0x38;
	[tilespmem:$0x1C800] =	vst v63  }
0x1d3: {  	_ =	swait.ge [sflag:s28], $0x80  }
0x1d4: {  	[sflag:s28] =	ssyncset.done $0x0  }
0x1d5: {  	[sflag:s28] =	ssyncadd.s32 $0xFFFFFF80  }
0x1d6: {  	_ =	swait.ge [sflag:s28], $0x80  }
0x1d7: {  	[sflag:s28] =	ssyncset.done $0x0  }
0x1d8: {  	[sflag:s28] =	ssyncadd.s32 $0xFFFFFF80  }
0x1d9: {  	[tilespmem:s18], [sflag:$0xC] =	stream.indirect.gather [hbm4b:s4+s8], $0x80, s17, s8, $0xb8;
	[tilespmem:$0x1C800] =	vst v63  }
0x1da: {  	_ =	swait.ge [sflag:s19], $0x2000  }
0x1db: {  	[sflag:s19] =	ssyncset.done $0x0  }
0x1dc: {  	s16 =	simm.s32 $0x680;
	[sflag:s19] =	ssyncadd.s32 $0xFFFFE000  }
0x1dd: {  	[spmem:s1] =	stream.indirect.scatter.add.f32 [tilespmem:s14], [sflag:$0xE], $0x80, s16, s8, $0xb8;
	[tilespmem:$0x1C800] =	vst v63  }
0x1de: {  	_ =	swait.ge [sflag:s20], $0x2000  }
0x1df: {  	[sflag:s20] =	ssyncset.done $0x0  }
0x1e0: {  	s9 =	simm.s32 @p0 $0xB;
	[sflag:s20] =	ssyncadd.s32 $0xFFFFE000  }
0x1e1: {  	_ =	swait.ge @p0 [sflag:s9], $0x2000  }
0x1e2: {  	s12 =	simm.s32 @p0 $0x4800;
	[sflag:s9] =	ssyncset.done @p0 $0x0  }
0x1e3: {  	s16 =	simm.s32 @p0 $0x700;
	[sflag:s9] =	ssyncadd.s32 @p0 $0xFFFFE000;
	s9 =	simm.s32 @p0 $0x40  }
0x1e4: {  	[spmem:s1] =	stream.indirect.scatter.add.f32 @p0 [tilespmem:s12], [sflag:$0xF], $0x80, s16, s9, $0xb8;
	[tilespmem:$0x1C800] =	vst v63  }
0x1e5: {  	s9 =	simm.s32 @p0 $0xE  }
0x1e6: {  	_ =	swait.ge @p0 [sflag:s9], $0x2000  }
0x1e7: {  	[sflag:s9] =	ssyncset.done @p0 $0x0  }
0x1e8: {  	s12 =	simm.s32 @!p0 $0x200;
	[sflag:s9] =	ssyncadd.s32 @p0 $0xFFFFE000;
	s9 =	sadd.s32 @!p0 $0x40, s2  }
0x1e9: {  	[tilespmem:s12], [sflag:$0x5] =	stream.linear.gather @!p0 [hbm4b:s9+s0], $0x80, $0x38;
	[tilespmem:$0x1C800] =	vst v63  }
0x1ea: {  	s16 =	simm.s32 @!p0 $0x1;
	s9 =	sadd.s32 @!p0 $0x40, s5;
	s12 =	simm.s32 @!p0 $0x600  }
0x1eb: {  	[tilespmem:s12], [sflag:$0x5] =	stream.linear.gather @!p0 [hbm4b:s9+s0], $0x80, $0x38;
	[tilespmem:$0x1C800] =	vst v63  }
0x1ec: {  	_ =	swait.ge @!p0 [sflag:s16], $0x80  }
0x1ed: {  	[sflag:s16] =	ssyncset.done @!p0 $0x0  }
0x1ee: {  	[sflag:s16] =	ssyncadd.s32 @!p0 $0xFFFFFF80  }
0x1ef: {  	_ =	swait.ge @!p0 [sflag:s16], $0x80  }
0x1f0: {  	s9 =	simm.s32 @!p0 $0xB;
	[sflag:s16] =	ssyncset.done @!p0 $0x0  }
0x1f1: {  	s12 =	simm.s32 @!p0 $0x40;
	[sflag:s16] =	ssyncadd.s32 @!p0 $0xFFFFFF80;
	s16 =	simm.s32 @!p0 $0x800  }
0x1f2: {  	[tilespmem:s16], [sflag:$0x9] =	stream.indirect.gather @!p0 [hbm4b:s4+s12], $0x80, s0, s12, $0xb8;
	[tilespmem:$0x1C800] =	vst v63  }
0x1f3: {  	_ =	swait.ge @!p0 [sflag:s9], $0x2000  }
0x1f4: {  	[sflag:s9] =	ssyncset.done @!p0 $0x0  }
0x1f5: {  	s16 =	simm.s32 @!p0 $0x4800;
	[sflag:s9] =	ssyncadd.s32 @!p0 $0xFFFFE000;
	s9 =	simm.s32 @!p0 $0x700  }
0x1f6: {  	[spmem:s1] =	stream.indirect.scatter.add.f32 @!p0 [tilespmem:s16], [sflag:$0xF], $0x80, s9, s12, $0xb8;
	[tilespmem:$0x1C800] =	vst v63  }
0x1f7: {  	s9 =	simm.s32 @!p0 $0xE  }
0x1f8: {  	_ =	swait.ge @!p0 [sflag:s9], $0x2000  }
0x1f9: {  	[sflag:s9] =	ssyncset.done @!p0 $0x0  }
0x1fa: {  	s2 =	sadd.s32 @!p0 $0x50, s2;
	[sflag:s9] =	ssyncadd.s32 @!p0 $0xFFFFE000;
	s9 =	simm.s32 @!p0 $0x280  }
0x1fb: {  	[tilespmem:s9], [sflag:$0x6] =	stream.linear.gather @!p0 [hbm4b:s2+s0], $0x80, $0x38;
	[tilespmem:$0x1C800] =	vst v63  }
0x1fc: {  	s2 =	sadd.s32 @!p0 $0x50, s5;
	s5 =	simm.s32 @!p0 $0x680  }
0x1fd: {  	[tilespmem:s5], [sflag:$0x6] =	stream.linear.gather @!p0 [hbm4b:s2+s0], $0x80, $0x38;
	[tilespmem:$0x1C800] =	vst v63  }
0x1fe: {  	s0 =	simm.s32 @!p0 $0x2  }
0x1ff: {  	_ =	swait.ge @!p0 [sflag:s0], $0x80  }
0x200: {  	[sflag:s0] =	ssyncset.done @!p0 $0x0  }
0x201: {  	[sflag:s0] =	ssyncadd.s32 @!p0 $0xFFFFFF80  }
0x202: {  	_ =	swait.ge @!p0 [sflag:s0], $0x80  }
0x203: {  	[sflag:s0] =	ssyncset.done @!p0 $0x0  }
0x204: {  	[sflag:s0] =	ssyncadd.s32 @!p0 $0xFFFFFF80;
	s0 =	simm.s32 @!p0 $0x2800  }
0x205: {  	[tilespmem:s0], [sflag:$0xA] =	stream.indirect.gather @!p0 [hbm4b:s4+s12], $0x80, s29, s12, $0xb8;
	[tilespmem:$0x1C800] =	vst v63  }
0x206: {  	_ =	swait.ge [sflag:s10], $0x2000  }
0x207: {  	[sflag:s10] =	ssyncset.done $0x0  }
0x208: {  	[sflag:s10] =	ssyncadd.s32 $0xFFFFE000  }
0x209: {  	[spmem:s1] =	stream.indirect.scatter.add.f32 [tilespmem:s18], [sflag:$0x10], $0x80, s30, s8, $0xb8;
	[tilespmem:$0x1C800] =	vst v63  }
0x20a: {  	_ =	swait.ge [sflag:s23], $0x2000  }
0x20b: {  	[sflag:s23] =	ssyncset.done $0x0  }
0x20c: {  	[sflag:s23] =	ssyncadd.s32 $0xFFFFE000  }
0x20d: {  	_ =	swait.ge [sflag:s26], $0x2000  }
0x20e: {  	[sflag:s26] =	ssyncset.done $0x0  }
0x20f: {  	[sflag:s26] =	ssyncadd.s32 $0xFFFFE000  }
0x210: {  	[bflag:$0x0] =	sbarrier.arrive $0xFFFF  }
0x211: {  	s12 =	rddreg [dreg:$0xb]  }
0x212: {  	s17 =	rddreg [dreg:$0x18]  }
0x213: {  	s2 =	simm.s32 $0x11;
	s29 =	rddreg [dreg:$0x1b]  }
0x214: {  	[hbm:s17], [sflag:s12] =	dma.local [spmem:s29], $0x2800  }
0x215: {  	_ =	swait.ge [sflag:s2], $0x2800  }
0x216: {  	s30 =	rddreg [dreg:$0x1a]  }
0x217: {  	s31 =	rddreg [dreg:$0x19];
	s5 =	sadd.s32 $0x1, s30  }
0x218: {  	p0 =	sne.s32 s5, s31  }
.Ltmp1:
0x219: {  	_ = 	snop;
	(pc) =	sbr.rel @p0 .LBB2_1-.Ltmp1, $3  }
0x21a: {  	_ =	sdelay $0x1  }
0x21b: {  	[sflag:s2] =	ssyncset.done $0x0  }
0x21c: {  	s22 =	simm.s32 $0x780;
	[sflag:s2] =	ssyncadd.s32 $0xFFFFD800  }
0x21d: {  	_ =	sfence.sel $0x180000  }
0x21e: {  	[bflag:$0x0] =	sbarrier.arrive $0xFFFF  }
0x21f: {  	_ =	strace $0x90000047  }
0x220: {  	s0 =	stileid.u32;
	[bflag:$0x2] =	sbarrier.arrive $0xFFFF  }
0x221: {  	p0 =	sne.s32 s0, $0x0;
	s0 =	rddreg [dreg:$0x3]  }
0x222: {  	s0 =	sadd.s32 @!p0 $0x100000, s0  }
0x223: {  	[sflag:s0] =	ssyncadd.tile.s32 @!p0 $0x1;
	_ =	shalt  }
.Lfunc_end2:
_tile_overlayer_lowered:
.L_overlay_start_2:
0x224: {  	(tag) =	ssettag $0x2  }
0x225: {  	s0 =	rddreg [dreg:$0x0];
	s2 =	stileid.u32  }
0x226: {  	s1 =	rddreg [dreg:$0x1];
	p0 =	sne.s32 s2, $0x0  }
0x227: {  	s3 =	rddreg [dreg:$0x2];
	[bflag:$0x3] =	sbarrier.arrive $0xFFFF;
	s2 =	simm.s32 @!p0 $0x1C11  }
0x228: {  	[timem:s3], [sflag:s2] =	dma.local @!p0 [hbm:s0], s1  }
0x229: {  	s0 =	simm.s32 @!p0 $0x11  }
0x22a: {  	_ =	swait.ge @!p0 [sflag:s0], s1  }
0x22b: {  	s1 =	ssub.s32 @!p0 $0x0, s1;
	[sflag:s0] =	ssyncset.done @!p0 $0x0  }
0x22c: {  	[sflag:s0] =	ssyncadd.s32 @!p0 s1  }
0x22d: {  	[bflag:$0x3] =	sbarrier.arrive $0xFFFF  }
0x22e: {  	_ =	shalt  }

</sc_bundles>
